<compile_context>
chip_gen: v7x
topology: tpu7x:2x2x1
jax: 0.10.2.dev20260603
libtpu: 0.0.44.dev20260713+nightly
codegen_flags: <defaults>
</compile_context>

<pallas_src>
import functools

import jax
import jax.numpy as jnp
from jax import lax
from jax.experimental import pallas as pl
from jax.experimental.pallas import tpu as pltpu
from jax.experimental.pallas import tpu_sc as plsc

N, E, D = 10000, 320000, 128

_INFO = plsc.get_sparse_core_info()
NC, NS, L = _INFO.num_cores, _INFO.num_subcores, _INFO.num_lanes
NW = NC * NS

CHUNK = 64
GROUP = 8
CHUNKS_C0 = 256
CHUNKS_C1 = 64
CORE1_BASE = NS * CHUNKS_C0
TOTAL_CHUNKS = NS * (CHUNKS_C0 + CHUNKS_C1)
E_PAD = TOTAL_CHUNKS * CHUNK
NBUF = 2

N_PAD = 10008
ROW_SPLIT = 632
ROW_LAST = N_PAD - (NS - 1) * ROW_SPLIT

def _mm_body(h_ref, wgt_ref, wgb_ref, ws_ref, bg_ref, bs_ref, p_ref, qs_ref):
    hb = h_ref[...]
    p_ref[...] = jnp.dot(hb, wgt_ref[...], preferred_element_type=jnp.float32)
    q = jnp.dot(hb, wgb_ref[...], preferred_element_type=jnp.float32) + bg_ref[...]
    s = jnp.dot(hb, ws_ref[...], preferred_element_type=jnp.float32) + bs_ref[...]
    qb = lax.bitcast_convert_type(q, jnp.int32) + 0x8000
    sb = lax.bitcast_convert_type(s, jnp.int32) + 0x8000
    qs_ref[...] = jnp.bitwise_or(
        lax.shift_right_logical(qb, 16),
        jnp.bitwise_and(sb, jnp.int32(-65536)))


def _node_tables(h_pad, wgt, wgb, ws, bg, bs):
    blk = N_PAD // 3
    full = lambda shape: pl.BlockSpec(shape, lambda i: (0, 0))
    return pl.pallas_call(
        _mm_body,
        grid=(3,),
        in_specs=[
            pl.BlockSpec((blk, D), lambda i: (i, 0)),
            full((D, D)), full((D, D)), full((D, D)),
            full((1, D)), full((1, D)),
        ],
        out_specs=[
            pl.BlockSpec((blk, D), lambda i: (i, 0)),
            pl.BlockSpec((blk, D), lambda i: (i, 0)),
        ],
        out_shape=[
            jax.ShapeDtypeStruct((N_PAD, D), jnp.float32),
            jax.ShapeDtypeStruct((N_PAD, D), jnp.int32),
        ],
    )(h_pad, wgt, wgb, ws, bg, bs)


def _sc_edge_body(p_hbm, qs_hbm, rec_hbm, send_hbm, out_hbm,
                  rec_v, send_v, buf_p0, buf_p1, buf_qs0, buf_qs1, buf_m,
                  acc, sem_p0, sem_p1, sem_qs0, sem_qs1):
    c = lax.axis_index("c")
    s = lax.axis_index("s")
    chunk_base = jnp.where(c == 0, s * CHUNKS_C0, CORE1_BASE + s * CHUNKS_C1)
    n_groups = jnp.where(c == 0, CHUNKS_C0 // GROUP, CHUNKS_C1 // GROUP)
    buf_p = (buf_p0, buf_p1)
    buf_qs = (buf_qs0, buf_qs1)
    sem_p = (sem_p0, sem_p1)
    sem_qs = (sem_qs0, sem_qs1)

    zero16 = jnp.zeros((L,), jnp.float32)

    def _zrow(i, _):
        for k in range(D // L):
            buf_m[i, pl.ds(k * L, L)] = zero16
        return 0

    lax.fori_loop(0, CHUNK, _zrow, 0)
    base_row = s * ROW_SPLIT

    def _zero_slice(row0, nrows):
        for off in range(0, nrows, CHUNK):
            n = min(CHUNK, nrows - off)
            pltpu.sync_copy(buf_m.at[pl.ds(0, n)],
                            acc.at[pl.ds(row0 + off, n)])

    @pl.when(s < NS - 1)
    def _():
        _zero_slice(base_row, ROW_SPLIT)

    @pl.when(s == NS - 1)
    def _():
        _zero_slice(base_row, ROW_LAST)

    plsc.subcore_barrier()

    def _gate(b):
        p_ref, qs_ref = buf_p[b], buf_qs[b]

        hi_mask = jnp.full((L,), -65536, jnp.int32)

        @plsc.parallel_loop(0, CHUNK * (D // L), unroll=8)
        def _chunk_body(it):
            e = it // (D // L)
            col = (it % (D // L)) * L
            sl = pl.ds(col, L)
            xqs = qs_ref[e, sl]
            q = lax.bitcast_convert_type(lax.shift_left(xqs, 16),
                                         jnp.float32)
            sv = lax.bitcast_convert_type(lax.bitwise_and(xqs, hi_mask),
                                          jnp.float32)
            eta = 1.0 / (1.0 + jnp.exp(-(p_ref[e, sl] + q)))
            buf_m[e, sl] = eta * sv

    def _start_gather(jj, b):
        cp_p = pltpu.async_copy(p_hbm.at[rec_v.at[jj]], buf_p[b], sem_p[b])
        cp_qs = pltpu.async_copy(qs_hbm.at[send_v.at[jj]], buf_qs[b],
                                 sem_qs[b])
        return cp_p, cp_qs

    def _group(g, _):
        slab = chunk_base + g * GROUP
        pltpu.sync_copy(rec_hbm.at[pl.ds(slab, GROUP)], rec_v)
        pltpu.sync_copy(send_hbm.at[pl.ds(slab, GROUP)], send_v)

        cps = _start_gather(0, 0)
        for jj in range(GROUP):
            b = jj % NBUF
            cp_p, cp_qs = cps
            cp_p.wait()
            cp_qs.wait()
            if jj + 1 < GROUP:
                cps = _start_gather(jj + 1, (jj + 1) % NBUF)
            _gate(b)
            pltpu.sync_copy(buf_m, acc.at[rec_v.at[jj]], add=True)
        return 0

    lax.fori_loop(0, n_groups, _group, 0)
    plsc.subcore_barrier()

    @pl.when(s < NS - 1)
    def _():
        pltpu.sync_copy(acc.at[pl.ds(base_row, ROW_SPLIT)],
                        out_hbm.at[c, pl.ds(base_row, ROW_SPLIT)])

    @pl.when(s == NS - 1)
    def _():
        pltpu.sync_copy(acc.at[pl.ds(base_row, ROW_LAST)],
                        out_hbm.at[c, pl.ds(base_row, ROW_LAST)])


_sc_edges = functools.partial(
    pl.kernel,
    mesh=plsc.VectorSubcoreMesh(core_axis_name="c", subcore_axis_name="s"),
    out_type=jax.ShapeDtypeStruct((NC, N_PAD, D), jnp.float32),
    scratch_types=[
        pltpu.VMEM((GROUP, CHUNK), jnp.int32),
        pltpu.VMEM((GROUP, CHUNK), jnp.int32),
        pltpu.VMEM((CHUNK, D), jnp.float32),
        pltpu.VMEM((CHUNK, D), jnp.float32),
        pltpu.VMEM((CHUNK, D), jnp.int32),
        pltpu.VMEM((CHUNK, D), jnp.int32),
        pltpu.VMEM((CHUNK, D), jnp.float32),
        pltpu.VMEM_SHARED((N_PAD, D), jnp.float32),
        pltpu.SemaphoreType.DMA,
        pltpu.SemaphoreType.DMA,
        pltpu.SemaphoreType.DMA,
        pltpu.SemaphoreType.DMA,
    ],
)(_sc_edge_body)


def _fin_body(h_ref, wr_ref, br_ref, agg_ref, out_ref):
    out_ref[...] = (
        jnp.dot(h_ref[...], wr_ref[...], preferred_element_type=jnp.float32)
        + br_ref[...] + agg_ref[0] + agg_ref[1]
    )


def _finalize(h, wr, br, agg):
    blk = N // 5
    return pl.pallas_call(
        _fin_body,
        grid=(5,),
        in_specs=[
            pl.BlockSpec((blk, D), lambda i: (i, 0)),
            pl.BlockSpec((D, D), lambda i: (0, 0)),
            pl.BlockSpec((1, D), lambda i: (0, 0)),
            pl.BlockSpec((NC, blk, D), lambda i: (0, i, 0)),
        ],
        out_specs=pl.BlockSpec((blk, D), lambda i: (i, 0)),
        out_shape=jax.ShapeDtypeStruct((N, D), jnp.float32),
    )(h, wr, br, agg)


@jax.jit
def kernel(h, edge_index, Wg, bg, Ws, bs, Wr, br):
    h_pad = jnp.concatenate(
        [h, jnp.zeros((N_PAD - N, D), jnp.float32)], axis=0)

    p_tab, qs_tab = _node_tables(
        h_pad, Wg[:D], Wg[D:], Ws,
        bg.reshape(1, D), bs.reshape(1, D))

    ei = edge_index.astype(jnp.int32)
    pad = jnp.full((E_PAD - E,), N, jnp.int32)
    rec = jnp.concatenate([ei[1], pad]).reshape(TOTAL_CHUNKS, CHUNK)
    send = jnp.concatenate([ei[0], pad]).reshape(TOTAL_CHUNKS, CHUNK)

    agg = _sc_edges(p_tab, qs_tab, rec, send)

    return _finalize(h, Wr, br.reshape(1, D), agg)

# --- scband reference (transcript-rebuilt; emitter-appended) ---
"""Pipeline reference for scband-gated-gcnlayer-27900107555156 (READ-ONLY COPY).

The authoritative reference and input builder live on the scoring server;
editing this copy changes nothing except your own understanding.
"""

import jax, jax.numpy as jnp
import numpy as np

N, E, D = 10000, 320000, 128

def setup_inputs(seed: int = 0) -> dict:
    key = jax.random.key(seed)
    k1, k2, k3, k4, k5, k6, k7, k8 = jax.random.split(key, 8)
    h = jax.random.normal(k1, (N, D), dtype=jnp.float32)
    edge_index = jax.random.randint(k2, (2, E), 0, N).astype(jnp.int64)
    # Parameters for edge_gate_linear: nn.Linear(2*D, D) -> stored as [in, out]
    Wg = jax.random.normal(k3, (2 * D, D), dtype=jnp.float32) * (1.0 / np.sqrt(2 * D))
    bg = jax.random.normal(k4, (D,), dtype=jnp.float32) * 0.01
    # hp_send_layer: nn.Linear(D, D)
    Ws = jax.random.normal(k5, (D, D), dtype=jnp.float32) * (1.0 / np.sqrt(D))
    bs = jax.random.normal(k6, (D,), dtype=jnp.float32) * 0.01
    # hp_rec_layer: nn.Linear(D, D)
    Wr = jax.random.normal(k7, (D, D), dtype=jnp.float32) * (1.0 / np.sqrt(D))
    br = jax.random.normal(k8, (D,), dtype=jnp.float32) * 0.01
    return {"h": h, "edge_index": edge_index, "Wg": Wg, "bg": bg, "Ws": Ws, "bs": bs, "Wr": Wr, "br": br}

def reference(h, edge_index, Wg, bg, Ws, bs, Wr, br):
    send = edge_index[0]
    rec = edge_index[1]
    # eta = sigmoid(edge_gate_linear(cat([h[rec], h[send]], dim=1)))
    h_rec = jnp.take(h, rec, axis=0)
    h_send = jnp.take(h, send, axis=0)
    eta = jax.nn.sigmoid(jnp.concatenate([h_rec, h_send], axis=1) @ Wg + bg)
    # h_messages = eta * hp_send_layer(h[send])
    h_messages = eta * (h_send @ Ws + bs)
    # scatter_add over destination nodes
    h_messages_agg = jax.ops.segment_sum(h_messages, rec, num_segments=h.shape[0])
    # h = hp_rec_layer(h) + h_messages_agg
    out = (h @ Wr + br) + h_messages_agg
    return out

if __name__ == "__main__":
    import jax
    _d = setup_inputs()
    print(jax.jit(kernel)(*tuple(_d.values())))

</pallas_src>

<mosaic_0001>
#map = affine_map<(d0, d1) -> (0, 0)>
#map1 = affine_map<(d0, d1) -> (0, 0, 0)>
module attributes {stable_mosaic.version = 14 : i64} {
  func.func @_sc_edge_body(%arg0: i32, %arg1: i32, %arg2: memref<10008x128xf32, #tpu.memory_space<hbm>>, %arg3: memref<10008x128xi32, #tpu.memory_space<hbm>>, %arg4: memref<5120x64xi32, #tpu.memory_space<hbm>>, %arg5: memref<5120x64xi32, #tpu.memory_space<hbm>>, %arg6: memref<2x10008x128xf32, #tpu.memory_space<hbm>>, %arg7: memref<8x64xi32, #tpu.memory_space<vmem>>, %arg8: memref<8x64xi32, #tpu.memory_space<vmem>>, %arg9: memref<64x128xf32, #tpu.memory_space<vmem>>, %arg10: memref<64x128xf32, #tpu.memory_space<vmem>>, %arg11: memref<64x128xi32, #tpu.memory_space<vmem>>, %arg12: memref<64x128xi32, #tpu.memory_space<vmem>>, %arg13: memref<64x128xf32, #tpu.memory_space<vmem>>, %arg14: memref<10008x128xf32, #tpu.memory_space<vmem_shared>>, %arg15: memref<!tpu.dma_semaphore, #tpu.memory_space<semaphore_mem>>, %arg16: memref<!tpu.dma_semaphore, #tpu.memory_space<semaphore_mem>>, %arg17: memref<!tpu.dma_semaphore, #tpu.memory_space<semaphore_mem>>, %arg18: memref<!tpu.dma_semaphore, #tpu.memory_space<semaphore_mem>>) attributes {dimension_semantics = [#tpu.dimension_semantics<core_parallel>, #tpu.dimension_semantics<subcore_parallel>], iteration_bounds = array<i64: 2, 16>, scalar_prefetch = 0 : i64, scratch_operands = 12 : i64, tpu.core_type = #tpu.core_type<sc_vector_subcore>, window_params = [{transform_indices = #map}, {transform_indices = #map}, {transform_indices = #map}, {transform_indices = #map}, {transform_indices = #map1}]} {
    %eq3A = arith.constant 0 : i32
    %eq3A_0 = arith.cmpi eq, %arg0, %eq3A : i32
    %mul3A = arith.constant 256 : i32
    %mul3A_1 = arith.muli %arg1, %mul3A : i32
    %mul3A_2 = arith.constant 64 : i32
    %mul3A_3 = arith.muli %arg1, %mul3A_2 : i32
    %add3A = arith.constant 4096 : i32
    %add3A_4 = arith.addi %add3A, %mul3A_3 : i32
    %select_n3A = arith.select %eq3A_0, %mul3A_1, %add3A_4 : i32
    %eq3A_5 = arith.constant 0 : i32
    %eq3A_6 = arith.cmpi eq, %arg0, %eq3A_5 : i32
    %jit3A = arith.constant 32 : i32
    %jit3A_7 = arith.constant 8 : i32
    %select_n3A_8 = arith.select %eq3A_6, %jit3A, %jit3A_7 : i32
    %broadcast_in_dim3A = arith.constant 0.000000e+00 : f32
    %broadcast_in_dim3A_9 = vector.broadcast %broadcast_in_dim3A : f32 to vector<16xf32>
    %scan3A = arith.constant 0 : i32
    %scan3A_10 = arith.constant 0 : i32
    %scan3A_11 = arith.constant 64 : i32
    %scan3A_12 = arith.addi %scan3A_10, %scan3A_11 : i32
    %scan3A_13 = arith.constant 1 : i32
    %scan3A_14 = scf.for %scan3A_47 = %scan3A_10 to %scan3A_12 step %scan3A_13 iter_args(%scan3A_48 = %scan3A) -> (i32)  : i32 {
      %swap3A = arith.index_cast %scan3A_47 : i32 to index
      %swap3A_49 = arith.constant 0 : index
      %swap3A_50 = tpu.vector_load %arg13[%swap3A, %swap3A_49] {strides = array<i32>} : memref<64x128xf32, #tpu.memory_space<vmem>>, vector<1x16xf32>,
      %swap3A_51 = vector.shape_cast %swap3A_50 : vector<1x16xf32> to vector<16xf32>
      %swap3A_52 = vector.shape_cast %broadcast_in_dim3A_9 : vector<16xf32> to vector<1x16xf32>
      tpu.vector_store %arg13[%swap3A, %swap3A_49], %swap3A_52 {strides = array<i32>} : memref<64x128xf32, #tpu.memory_space<vmem>>, vector<1x16xf32>,
      %swap3A_53 = arith.index_cast %scan3A_47 : i32 to index
      %swap3A_54 = arith.constant 16 : index
      %swap3A_55 = tpu.vector_load %arg13[%swap3A_53, %swap3A_54] {strides = array<i32>} : memref<64x128xf32, #tpu.memory_space<vmem>>, vector<1x16xf32>,
      %swap3A_56 = vector.shape_cast %swap3A_55 : vector<1x16xf32> to vector<16xf32>
      %swap3A_57 = vector.shape_cast %broadcast_in_dim3A_9 : vector<16xf32> to vector<1x16xf32>
      tpu.vector_store %arg13[%swap3A_53, %swap3A_54], %swap3A_57 {strides = array<i32>} : memref<64x128xf32, #tpu.memory_space<vmem>>, vector<1x16xf32>,
      %swap3A_58 = arith.index_cast %scan3A_47 : i32 to index
      %swap3A_59 = arith.constant 32 : index
      %swap3A_60 = tpu.vector_load %arg13[%swap3A_58, %swap3A_59] {strides = array<i32>} : memref<64x128xf32, #tpu.memory_space<vmem>>, vector<1x16xf32>,
      %swap3A_61 = vector.shape_cast %swap3A_60 : vector<1x16xf32> to vector<16xf32>
      %swap3A_62 = vector.shape_cast %broadcast_in_dim3A_9 : vector<16xf32> to vector<1x16xf32>
      tpu.vector_store %arg13[%swap3A_58, %swap3A_59], %swap3A_62 {strides = array<i32>} : memref<64x128xf32, #tpu.memory_space<vmem>>, vector<1x16xf32>,
      %swap3A_63 = arith.index_cast %scan3A_47 : i32 to index
      %swap3A_64 = arith.constant 48 : index
      %swap3A_65 = tpu.vector_load %arg13[%swap3A_63, %swap3A_64] {strides = array<i32>} : memref<64x128xf32, #tpu.memory_space<vmem>>, vector<1x16xf32>,
      %swap3A_66 = vector.shape_cast %swap3A_65 : vector<1x16xf32> to vector<16xf32>
      %swap3A_67 = vector.shape_cast %broadcast_in_dim3A_9 : vector<16xf32> to vector<1x16xf32>
      tpu.vector_store %arg13[%swap3A_63, %swap3A_64], %swap3A_67 {strides = array<i32>} : memref<64x128xf32, #tpu.memory_space<vmem>>, vector<1x16xf32>,
      %swap3A_68 = arith.index_cast %scan3A_47 : i32 to index
      %swap3A_69 = arith.constant 64 : index
      %swap3A_70 = tpu.vector_load %arg13[%swap3A_68, %swap3A_69] {strides = array<i32>} : memref<64x128xf32, #tpu.memory_space<vmem>>, vector<1x16xf32>,
      %swap3A_71 = vector.shape_cast %swap3A_70 : vector<1x16xf32> to vector<16xf32>
      %swap3A_72 = vector.shape_cast %broadcast_in_dim3A_9 : vector<16xf32> to vector<1x16xf32>
      tpu.vector_store %arg13[%swap3A_68, %swap3A_69], %swap3A_72 {strides = array<i32>} : memref<64x128xf32, #tpu.memory_space<vmem>>, vector<1x16xf32>,
      %swap3A_73 = arith.index_cast %scan3A_47 : i32 to index
      %swap3A_74 = arith.constant 80 : index
      %swap3A_75 = tpu.vector_load %arg13[%swap3A_73, %swap3A_74] {strides = array<i32>} : memref<64x128xf32, #tpu.memory_space<vmem>>, vector<1x16xf32>,
      %swap3A_76 = vector.shape_cast %swap3A_75 : vector<1x16xf32> to vector<16xf32>
      %swap3A_77 = vector.shape_cast %broadcast_in_dim3A_9 : vector<16xf32> to vector<1x16xf32>
      tpu.vector_store %arg13[%swap3A_73, %swap3A_74], %swap3A_77 {strides = array<i32>} : memref<64x128xf32, #tpu.memory_space<vmem>>, vector<1x16xf32>,
      %swap3A_78 = arith.index_cast %scan3A_47 : i32 to index
      %swap3A_79 = arith.constant 96 : index
      %swap3A_80 = tpu.vector_load %arg13[%swap3A_78, %swap3A_79] {strides = array<i32>} : memref<64x128xf32, #tpu.memory_space<vmem>>, vector<1x16xf32>,
      %swap3A_81 = vector.shape_cast %swap3A_80 : vector<1x16xf32> to vector<16xf32>
      %swap3A_82 = vector.shape_cast %broadcast_in_dim3A_9 : vector<16xf32> to vector<1x16xf32>
      tpu.vector_store %arg13[%swap3A_78, %swap3A_79], %swap3A_82 {strides = array<i32>} : memref<64x128xf32, #tpu.memory_space<vmem>>, vector<1x16xf32>,
      %swap3A_83 = arith.index_cast %scan3A_47 : i32 to index
      %swap3A_84 = arith.constant 112 : index
      %swap3A_85 = tpu.vector_load %arg13[%swap3A_83, %swap3A_84] {strides = array<i32>} : memref<64x128xf32, #tpu.memory_space<vmem>>, vector<1x16xf32>,
      %swap3A_86 = vector.shape_cast %swap3A_85 : vector<1x16xf32> to vector<16xf32>
      %swap3A_87 = vector.shape_cast %broadcast_in_dim3A_9 : vector<16xf32> to vector<1x16xf32>
      tpu.vector_store %arg13[%swap3A_83, %swap3A_84], %swap3A_87 {strides = array<i32>} : memref<64x128xf32, #tpu.memory_space<vmem>>, vector<1x16xf32>,
      %scan3A_88 = arith.constant 0 : i32
      scf.yield %scan3A_88 : i32
    }
    %scan3A_15 = arith.constant 64 : i32
    %mul3A_16 = arith.constant 632 : i32
    %mul3A_17 = arith.muli %arg1, %mul3A_16 : i32
    %lt3A = arith.constant 15 : i32
    %lt3A_18 = arith.cmpi slt, %arg1, %lt3A : i32
    %convert_element_type3A = arith.extui %lt3A_18 : i1 to i32
    %cond3A = arith.constant 0 : i32
    %cond3A_19 = arith.cmpi ne, %convert_element_type3A, %cond3A : i32
    scf.if %cond3A_19 {
      %add3A_47 = arith.constant 0 : i32
      %add3A_48 = arith.addi %mul3A_17, %add3A_47 : i32
      "tpu.region"() ({
        %run_scoped3A = tpu.sem_alloc : memref<!tpu.dma_semaphore, #tpu.memory_space<semaphore_mem>>
        %dma_start3A = arith.constant 0 : i32
        %dma_start3A_67 = arith.constant 0 : i32
        %dma_start3A_68 = tpu.memref_slice %arg13[%dma_start3A, %dma_start3A_67] : memref<64x128xf32, #tpu.memory_space<vmem>> -> memref<64x128xf32, #tpu.memory_space<vmem>>
        %dma_start3A_69 = arith.constant 0 : i32
        %dma_start3A_70 = tpu.memref_slice %arg14[%add3A_48, %dma_start3A_69] : memref<10008x128xf32, #tpu.memory_space<vmem_shared>> -> memref<64x128xf32, #tpu.memory_space<vmem_shared>>
        %dma_start3A_71 = arith.constant 0 : i32
        %dma_start3A_72 = tpu.memref_slice %arg14[%add3A_48, %dma_start3A_71] : memref<10008x128xf32, #tpu.memory_space<vmem_shared>> -> memref<64x128xf32, #tpu.memory_space<vmem_shared>>
        %dma_start3A_73 = arith.constant 0 : i32
        %dma_start3A_74 = arith.constant 0 : i32
        %dma_start3A_75 = tpu.memref_slice %arg13[%dma_start3A_73, %dma_start3A_74] : memref<64x128xf32, #tpu.memory_space<vmem>> -> memref<64x128xf32, #tpu.memory_space<vmem>>
        tpu.enqueue_dma source(%dma_start3A_75 : memref<64x128xf32, #tpu.memory_space<vmem>>) target(%dma_start3A_72 : memref<64x128xf32, #tpu.memory_space<vmem_shared>>) target_semaphore(%run_scoped3A : memref<!tpu.dma_semaphore, #tpu.memory_space<semaphore_mem>>)
        %dma_wait3A = arith.constant 0 : i32
        %dma_wait3A_76 = arith.constant 0 : i32
        %dma_wait3A_77 = tpu.memref_slice %arg13[%dma_wait3A, %dma_wait3A_76] : memref<64x128xf32, #tpu.memory_space<vmem>> -> memref<64x128xf32, #tpu.memory_space<vmem>>
        %dma_wait3A_78 = arith.constant 0 : i32
        %dma_wait3A_79 = tpu.memref_slice %arg14[%add3A_48, %dma_wait3A_78] : memref<10008x128xf32, #tpu.memory_space<vmem_shared>> -> memref<64x128xf32, #tpu.memory_space<vmem_shared>>
        %dma_wait3A_80 = arith.constant 0 : i32
        %dma_wait3A_81 = tpu.memref_slice %arg14[%add3A_48, %dma_wait3A_80] : memref<10008x128xf32, #tpu.memory_space<vmem_shared>> -> memref<64x128xf32, #tpu.memory_space<vmem_shared>>
        %dma_wait3A_82 = arith.constant 0 : i32
        %dma_wait3A_83 = arith.constant 0 : i32
        %dma_wait3A_84 = tpu.memref_slice %arg13[%dma_wait3A_82, %dma_wait3A_83] : memref<64x128xf32, #tpu.memory_space<vmem>> -> memref<64x128xf32, #tpu.memory_space<vmem>>
        tpu.wait_dma2 semaphore(%run_scoped3A : memref<!tpu.dma_semaphore, #tpu.memory_space<semaphore_mem>>) src(%dma_wait3A_84 : memref<64x128xf32, #tpu.memory_space<vmem>>) dst(%dma_wait3A_81 : memref<64x128xf32, #tpu.memory_space<vmem_shared>>)
        tpu.yield
      }) : () -> ()
      %add3A_49 = arith.constant 64 : i32
      %add3A_50 = arith.addi %mul3A_17, %add3A_49 : i32
      "tpu.region"() ({
        %run_scoped3A = tpu.sem_alloc : memref<!tpu.dma_semaphore, #tpu.memory_space<semaphore_mem>>
        %dma_start3A = arith.constant 0 : i32
        %dma_start3A_67 = arith.constant 0 : i32
        %dma_start3A_68 = tpu.memref_slice %arg13[%dma_start3A, %dma_start3A_67] : memref<64x128xf32, #tpu.memory_space<vmem>> -> memref<64x128xf32, #tpu.memory_space<vmem>>
        %dma_start3A_69 = arith.constant 0 : i32
        %dma_start3A_70 = tpu.memref_slice %arg14[%add3A_50, %dma_start3A_69] : memref<10008x128xf32, #tpu.memory_space<vmem_shared>> -> memref<64x128xf32, #tpu.memory_space<vmem_shared>>
        %dma_start3A_71 = arith.constant 0 : i32
        %dma_start3A_72 = tpu.memref_slice %arg14[%add3A_50, %dma_start3A_71] : memref<10008x128xf32, #tpu.memory_space<vmem_shared>> -> memref<64x128xf32, #tpu.memory_space<vmem_shared>>
        %dma_start3A_73 = arith.constant 0 : i32
        %dma_start3A_74 = arith.constant 0 : i32
        %dma_start3A_75 = tpu.memref_slice %arg13[%dma_start3A_73, %dma_start3A_74] : memref<64x128xf32, #tpu.memory_space<vmem>> -> memref<64x128xf32, #tpu.memory_space<vmem>>
        tpu.enqueue_dma source(%dma_start3A_75 : memref<64x128xf32, #tpu.memory_space<vmem>>) target(%dma_start3A_72 : memref<64x128xf32, #tpu.memory_space<vmem_shared>>) target_semaphore(%run_scoped3A : memref<!tpu.dma_semaphore, #tpu.memory_space<semaphore_mem>>)
        %dma_wait3A = arith.constant 0 : i32
        %dma_wait3A_76 = arith.constant 0 : i32
        %dma_wait3A_77 = tpu.memref_slice %arg13[%dma_wait3A, %dma_wait3A_76] : memref<64x128xf32, #tpu.memory_space<vmem>> -> memref<64x128xf32, #tpu.memory_space<vmem>>
        %dma_wait3A_78 = arith.constant 0 : i32
        %dma_wait3A_79 = tpu.memref_slice %arg14[%add3A_50, %dma_wait3A_78] : memref<10008x128xf32, #tpu.memory_space<vmem_shared>> -> memref<64x128xf32, #tpu.memory_space<vmem_shared>>
        %dma_wait3A_80 = arith.constant 0 : i32
        %dma_wait3A_81 = tpu.memref_slice %arg14[%add3A_50, %dma_wait3A_80] : memref<10008x128xf32, #tpu.memory_space<vmem_shared>> -> memref<64x128xf32, #tpu.memory_space<vmem_shared>>
        %dma_wait3A_82 = arith.constant 0 : i32
        %dma_wait3A_83 = arith.constant 0 : i32
        %dma_wait3A_84 = tpu.memref_slice %arg13[%dma_wait3A_82, %dma_wait3A_83] : memref<64x128xf32, #tpu.memory_space<vmem>> -> memref<64x128xf32, #tpu.memory_space<vmem>>
        tpu.wait_dma2 semaphore(%run_scoped3A : memref<!tpu.dma_semaphore, #tpu.memory_space<semaphore_mem>>) src(%dma_wait3A_84 : memref<64x128xf32, #tpu.memory_space<vmem>>) dst(%dma_wait3A_81 : memref<64x128xf32, #tpu.memory_space<vmem_shared>>)
        tpu.yield
      }) : () -> ()
      %add3A_51 = arith.constant 128 : i32
      %add3A_52 = arith.addi %mul3A_17, %add3A_51 : i32
      "tpu.region"() ({
        %run_scoped3A = tpu.sem_alloc : memref<!tpu.dma_semaphore, #tpu.memory_space<semaphore_mem>>
        %dma_start3A = arith.constant 0 : i32
        %dma_start3A_67 = arith.constant 0 : i32
        %dma_start3A_68 = tpu.memref_slice %arg13[%dma_start3A, %dma_start3A_67] : memref<64x128xf32, #tpu.memory_space<vmem>> -> memref<64x128xf32, #tpu.memory_space<vmem>>
        %dma_start3A_69 = arith.constant 0 : i32
        %dma_start3A_70 = tpu.memref_slice %arg14[%add3A_52, %dma_start3A_69] : memref<10008x128xf32, #tpu.memory_space<vmem_shared>> -> memref<64x128xf32, #tpu.memory_space<vmem_shared>>
        %dma_start3A_71 = arith.constant 0 : i32
        %dma_start3A_72 = tpu.memref_slice %arg14[%add3A_52, %dma_start3A_71] : memref<10008x128xf32, #tpu.memory_space<vmem_shared>> -> memref<64x128xf32, #tpu.memory_space<vmem_shared>>
        %dma_start3A_73 = arith.constant 0 : i32
        %dma_start3A_74 = arith.constant 0 : i32
        %dma_start3A_75 = tpu.memref_slice %arg13[%dma_start3A_73, %dma_start3A_74] : memref<64x128xf32, #tpu.memory_space<vmem>> -> memref<64x128xf32, #tpu.memory_space<vmem>>
        tpu.enqueue_dma source(%dma_start3A_75 : memref<64x128xf32, #tpu.memory_space<vmem>>) target(%dma_start3A_72 : memref<64x128xf32, #tpu.memory_space<vmem_shared>>) target_semaphore(%run_scoped3A : memref<!tpu.dma_semaphore, #tpu.memory_space<semaphore_mem>>)
        %dma_wait3A = arith.constant 0 : i32
        %dma_wait3A_76 = arith.constant 0 : i32
        %dma_wait3A_77 = tpu.memref_slice %arg13[%dma_wait3A, %dma_wait3A_76] : memref<64x128xf32, #tpu.memory_space<vmem>> -> memref<64x128xf32, #tpu.memory_space<vmem>>
        %dma_wait3A_78 = arith.constant 0 : i32
        %dma_wait3A_79 = tpu.memref_slice %arg14[%add3A_52, %dma_wait3A_78] : memref<10008x128xf32, #tpu.memory_space<vmem_shared>> -> memref<64x128xf32, #tpu.memory_space<vmem_shared>>
        %dma_wait3A_80 = arith.constant 0 : i32
        %dma_wait3A_81 = tpu.memref_slice %arg14[%add3A_52, %dma_wait3A_80] : memref<10008x128xf32, #tpu.memory_space<vmem_shared>> -> memref<64x128xf32, #tpu.memory_space<vmem_shared>>
        %dma_wait3A_82 = arith.constant 0 : i32
        %dma_wait3A_83 = arith.constant 0 : i32
        %dma_wait3A_84 = tpu.memref_slice %arg13[%dma_wait3A_82, %dma_wait3A_83] : memref<64x128xf32, #tpu.memory_space<vmem>> -> memref<64x128xf32, #tpu.memory_space<vmem>>
        tpu.wait_dma2 semaphore(%run_scoped3A : memref<!tpu.dma_semaphore, #tpu.memory_space<semaphore_mem>>) src(%dma_wait3A_84 : memref<64x128xf32, #tpu.memory_space<vmem>>) dst(%dma_wait3A_81 : memref<64x128xf32, #tpu.memory_space<vmem_shared>>)
        tpu.yield
      }) : () -> ()
      %add3A_53 = arith.constant 192 : i32
      %add3A_54 = arith.addi %mul3A_17, %add3A_53 : i32
      "tpu.region"() ({
        %run_scoped3A = tpu.sem_alloc : memref<!tpu.dma_semaphore, #tpu.memory_space<semaphore_mem>>
        %dma_start3A = arith.constant 0 : i32
        %dma_start3A_67 = arith.constant 0 : i32
        %dma_start3A_68 = tpu.memref_slice %arg13[%dma_start3A, %dma_start3A_67] : memref<64x128xf32, #tpu.memory_space<vmem>> -> memref<64x128xf32, #tpu.memory_space<vmem>>
        %dma_start3A_69 = arith.constant 0 : i32
        %dma_start3A_70 = tpu.memref_slice %arg14[%add3A_54, %dma_start3A_69] : memref<10008x128xf32, #tpu.memory_space<vmem_shared>> -> memref<64x128xf32, #tpu.memory_space<vmem_shared>>
        %dma_start3A_71 = arith.constant 0 : i32
        %dma_start3A_72 = tpu.memref_slice %arg14[%add3A_54, %dma_start3A_71] : memref<10008x128xf32, #tpu.memory_space<vmem_shared>> -> memref<64x128xf32, #tpu.memory_space<vmem_shared>>
        %dma_start3A_73 = arith.constant 0 : i32
        %dma_start3A_74 = arith.constant 0 : i32
        %dma_start3A_75 = tpu.memref_slice %arg13[%dma_start3A_73, %dma_start3A_74] : memref<64x128xf32, #tpu.memory_space<vmem>> -> memref<64x128xf32, #tpu.memory_space<vmem>>
        tpu.enqueue_dma source(%dma_start3A_75 : memref<64x128xf32, #tpu.memory_space<vmem>>) target(%dma_start3A_72 : memref<64x128xf32, #tpu.memory_space<vmem_shared>>) target_semaphore(%run_scoped3A : memref<!tpu.dma_semaphore, #tpu.memory_space<semaphore_mem>>)
        %dma_wait3A = arith.constant 0 : i32
        %dma_wait3A_76 = arith.constant 0 : i32
        %dma_wait3A_77 = tpu.memref_slice %arg13[%dma_wait3A, %dma_wait3A_76] : memref<64x128xf32, #tpu.memory_space<vmem>> -> memref<64x128xf32, #tpu.memory_space<vmem>>
        %dma_wait3A_78 = arith.constant 0 : i32
        %dma_wait3A_79 = tpu.memref_slice %arg14[%add3A_54, %dma_wait3A_78] : memref<10008x128xf32, #tpu.memory_space<vmem_shared>> -> memref<64x128xf32, #tpu.memory_space<vmem_shared>>
        %dma_wait3A_80 = arith.constant 0 : i32
        %dma_wait3A_81 = tpu.memref_slice %arg14[%add3A_54, %dma_wait3A_80] : memref<10008x128xf32, #tpu.memory_space<vmem_shared>> -> memref<64x128xf32, #tpu.memory_space<vmem_shared>>
        %dma_wait3A_82 = arith.constant 0 : i32
        %dma_wait3A_83 = arith.constant 0 : i32
        %dma_wait3A_84 = tpu.memref_slice %arg13[%dma_wait3A_82, %dma_wait3A_83] : memref<64x128xf32, #tpu.memory_space<vmem>> -> memref<64x128xf32, #tpu.memory_space<vmem>>
        tpu.wait_dma2 semaphore(%run_scoped3A : memref<!tpu.dma_semaphore, #tpu.memory_space<semaphore_mem>>) src(%dma_wait3A_84 : memref<64x128xf32, #tpu.memory_space<vmem>>) dst(%dma_wait3A_81 : memref<64x128xf32, #tpu.memory_space<vmem_shared>>)
        tpu.yield
      }) : () -> ()
      %add3A_55 = arith.constant 256 : i32
      %add3A_56 = arith.addi %mul3A_17, %add3A_55 : i32
      "tpu.region"() ({
        %run_scoped3A = tpu.sem_alloc : memref<!tpu.dma_semaphore, #tpu.memory_space<semaphore_mem>>
        %dma_start3A = arith.constant 0 : i32
        %dma_start3A_67 = arith.constant 0 : i32
        %dma_start3A_68 = tpu.memref_slice %arg13[%dma_start3A, %dma_start3A_67] : memref<64x128xf32, #tpu.memory_space<vmem>> -> memref<64x128xf32, #tpu.memory_space<vmem>>
        %dma_start3A_69 = arith.constant 0 : i32
        %dma_start3A_70 = tpu.memref_slice %arg14[%add3A_56, %dma_start3A_69] : memref<10008x128xf32, #tpu.memory_space<vmem_shared>> -> memref<64x128xf32, #tpu.memory_space<vmem_shared>>
        %dma_start3A_71 = arith.constant 0 : i32
        %dma_start3A_72 = tpu.memref_slice %arg14[%add3A_56, %dma_start3A_71] : memref<10008x128xf32, #tpu.memory_space<vmem_shared>> -> memref<64x128xf32, #tpu.memory_space<vmem_shared>>
        %dma_start3A_73 = arith.constant 0 : i32
        %dma_start3A_74 = arith.constant 0 : i32
        %dma_start3A_75 = tpu.memref_slice %arg13[%dma_start3A_73, %dma_start3A_74] : memref<64x128xf32, #tpu.memory_space<vmem>> -> memref<64x128xf32, #tpu.memory_space<vmem>>
        tpu.enqueue_dma source(%dma_start3A_75 : memref<64x128xf32, #tpu.memory_space<vmem>>) target(%dma_start3A_72 : memref<64x128xf32, #tpu.memory_space<vmem_shared>>) target_semaphore(%run_scoped3A : memref<!tpu.dma_semaphore, #tpu.memory_space<semaphore_mem>>)
        %dma_wait3A = arith.constant 0 : i32
        %dma_wait3A_76 = arith.constant 0 : i32
        %dma_wait3A_77 = tpu.memref_slice %arg13[%dma_wait3A, %dma_wait3A_76] : memref<64x128xf32, #tpu.memory_space<vmem>> -> memref<64x128xf32, #tpu.memory_space<vmem>>
        %dma_wait3A_78 = arith.constant 0 : i32
        %dma_wait3A_79 = tpu.memref_slice %arg14[%add3A_56, %dma_wait3A_78] : memref<10008x128xf32, #tpu.memory_space<vmem_shared>> -> memref<64x128xf32, #tpu.memory_space<vmem_shared>>
        %dma_wait3A_80 = arith.constant 0 : i32
        %dma_wait3A_81 = tpu.memref_slice %arg14[%add3A_56, %dma_wait3A_80] : memref<10008x128xf32, #tpu.memory_space<vmem_shared>> -> memref<64x128xf32, #tpu.memory_space<vmem_shared>>
        %dma_wait3A_82 = arith.constant 0 : i32
        %dma_wait3A_83 = arith.constant 0 : i32
        %dma_wait3A_84 = tpu.memref_slice %arg13[%dma_wait3A_82, %dma_wait3A_83] : memref<64x128xf32, #tpu.memory_space<vmem>> -> memref<64x128xf32, #tpu.memory_space<vmem>>
        tpu.wait_dma2 semaphore(%run_scoped3A : memref<!tpu.dma_semaphore, #tpu.memory_space<semaphore_mem>>) src(%dma_wait3A_84 : memref<64x128xf32, #tpu.memory_space<vmem>>) dst(%dma_wait3A_81 : memref<64x128xf32, #tpu.memory_space<vmem_shared>>)
        tpu.yield
      }) : () -> ()
      %add3A_57 = arith.constant 320 : i32
      %add3A_58 = arith.addi %mul3A_17, %add3A_57 : i32
      "tpu.region"() ({
        %run_scoped3A = tpu.sem_alloc : memref<!tpu.dma_semaphore, #tpu.memory_space<semaphore_mem>>
        %dma_start3A = arith.constant 0 : i32
        %dma_start3A_67 = arith.constant 0 : i32
        %dma_start3A_68 = tpu.memref_slice %arg13[%dma_start3A, %dma_start3A_67] : memref<64x128xf32, #tpu.memory_space<vmem>> -> memref<64x128xf32, #tpu.memory_space<vmem>>
        %dma_start3A_69 = arith.constant 0 : i32
        %dma_start3A_70 = tpu.memref_slice %arg14[%add3A_58, %dma_start3A_69] : memref<10008x128xf32, #tpu.memory_space<vmem_shared>> -> memref<64x128xf32, #tpu.memory_space<vmem_shared>>
        %dma_start3A_71 = arith.constant 0 : i32
        %dma_start3A_72 = tpu.memref_slice %arg14[%add3A_58, %dma_start3A_71] : memref<10008x128xf32, #tpu.memory_space<vmem_shared>> -> memref<64x128xf32, #tpu.memory_space<vmem_shared>>
        %dma_start3A_73 = arith.constant 0 : i32
        %dma_start3A_74 = arith.constant 0 : i32
        %dma_start3A_75 = tpu.memref_slice %arg13[%dma_start3A_73, %dma_start3A_74] : memref<64x128xf32, #tpu.memory_space<vmem>> -> memref<64x128xf32, #tpu.memory_space<vmem>>
        tpu.enqueue_dma source(%dma_start3A_75 : memref<64x128xf32, #tpu.memory_space<vmem>>) target(%dma_start3A_72 : memref<64x128xf32, #tpu.memory_space<vmem_shared>>) target_semaphore(%run_scoped3A : memref<!tpu.dma_semaphore, #tpu.memory_space<semaphore_mem>>)
        %dma_wait3A = arith.constant 0 : i32
        %dma_wait3A_76 = arith.constant 0 : i32
        %dma_wait3A_77 = tpu.memref_slice %arg13[%dma_wait3A, %dma_wait3A_76] : memref<64x128xf32, #tpu.memory_space<vmem>> -> memref<64x128xf32, #tpu.memory_space<vmem>>
        %dma_wait3A_78 = arith.constant 0 : i32
        %dma_wait3A_79 = tpu.memref_slice %arg14[%add3A_58, %dma_wait3A_78] : memref<10008x128xf32, #tpu.memory_space<vmem_shared>> -> memref<64x128xf32, #tpu.memory_space<vmem_shared>>
        %dma_wait3A_80 = arith.constant 0 : i32
        %dma_wait3A_81 = tpu.memref_slice %arg14[%add3A_58, %dma_wait3A_80] : memref<10008x128xf32, #tpu.memory_space<vmem_shared>> -> memref<64x128xf32, #tpu.memory_space<vmem_shared>>
        %dma_wait3A_82 = arith.constant 0 : i32
        %dma_wait3A_83 = arith.constant 0 : i32
        %dma_wait3A_84 = tpu.memref_slice %arg13[%dma_wait3A_82, %dma_wait3A_83] : memref<64x128xf32, #tpu.memory_space<vmem>> -> memref<64x128xf32, #tpu.memory_space<vmem>>
        tpu.wait_dma2 semaphore(%run_scoped3A : memref<!tpu.dma_semaphore, #tpu.memory_space<semaphore_mem>>) src(%dma_wait3A_84 : memref<64x128xf32, #tpu.memory_space<vmem>>) dst(%dma_wait3A_81 : memref<64x128xf32, #tpu.memory_space<vmem_shared>>)
        tpu.yield
      }) : () -> ()
      %add3A_59 = arith.constant 384 : i32
      %add3A_60 = arith.addi %mul3A_17, %add3A_59 : i32
      "tpu.region"() ({
        %run_scoped3A = tpu.sem_alloc : memref<!tpu.dma_semaphore, #tpu.memory_space<semaphore_mem>>
        %dma_start3A = arith.constant 0 : i32
        %dma_start3A_67 = arith.constant 0 : i32
        %dma_start3A_68 = tpu.memref_slice %arg13[%dma_start3A, %dma_start3A_67] : memref<64x128xf32, #tpu.memory_space<vmem>> -> memref<64x128xf32, #tpu.memory_space<vmem>>
        %dma_start3A_69 = arith.constant 0 : i32
        %dma_start3A_70 = tpu.memref_slice %arg14[%add3A_60, %dma_start3A_69] : memref<10008x128xf32, #tpu.memory_space<vmem_shared>> -> memref<64x128xf32, #tpu.memory_space<vmem_shared>>
        %dma_start3A_71 = arith.constant 0 : i32
        %dma_start3A_72 = tpu.memref_slice %arg14[%add3A_60, %dma_start3A_71] : memref<10008x128xf32, #tpu.memory_space<vmem_shared>> -> memref<64x128xf32, #tpu.memory_space<vmem_shared>>
        %dma_start3A_73 = arith.constant 0 : i32
        %dma_start3A_74 = arith.constant 0 : i32
        %dma_start3A_75 = tpu.memref_slice %arg13[%dma_start3A_73, %dma_start3A_74] : memref<64x128xf32, #tpu.memory_space<vmem>> -> memref<64x128xf32, #tpu.memory_space<vmem>>
        tpu.enqueue_dma source(%dma_start3A_75 : memref<64x128xf32, #tpu.memory_space<vmem>>) target(%dma_start3A_72 : memref<64x128xf32, #tpu.memory_space<vmem_shared>>) target_semaphore(%run_scoped3A : memref<!tpu.dma_semaphore, #tpu.memory_space<semaphore_mem>>)
        %dma_wait3A = arith.constant 0 : i32
        %dma_wait3A_76 = arith.constant 0 : i32
        %dma_wait3A_77 = tpu.memref_slice %arg13[%dma_wait3A, %dma_wait3A_76] : memref<64x128xf32, #tpu.memory_space<vmem>> -> memref<64x128xf32, #tpu.memory_space<vmem>>
        %dma_wait3A_78 = arith.constant 0 : i32
        %dma_wait3A_79 = tpu.memref_slice %arg14[%add3A_60, %dma_wait3A_78] : memref<10008x128xf32, #tpu.memory_space<vmem_shared>> -> memref<64x128xf32, #tpu.memory_space<vmem_shared>>
        %dma_wait3A_80 = arith.constant 0 : i32
        %dma_wait3A_81 = tpu.memref_slice %arg14[%add3A_60, %dma_wait3A_80] : memref<10008x128xf32, #tpu.memory_space<vmem_shared>> -> memref<64x128xf32, #tpu.memory_space<vmem_shared>>
        %dma_wait3A_82 = arith.constant 0 : i32
        %dma_wait3A_83 = arith.constant 0 : i32
        %dma_wait3A_84 = tpu.memref_slice %arg13[%dma_wait3A_82, %dma_wait3A_83] : memref<64x128xf32, #tpu.memory_space<vmem>> -> memref<64x128xf32, #tpu.memory_space<vmem>>
        tpu.wait_dma2 semaphore(%run_scoped3A : memref<!tpu.dma_semaphore, #tpu.memory_space<semaphore_mem>>) src(%dma_wait3A_84 : memref<64x128xf32, #tpu.memory_space<vmem>>) dst(%dma_wait3A_81 : memref<64x128xf32, #tpu.memory_space<vmem_shared>>)
        tpu.yield
      }) : () -> ()
      %add3A_61 = arith.constant 448 : i32
      %add3A_62 = arith.addi %mul3A_17, %add3A_61 : i32
      "tpu.region"() ({
        %run_scoped3A = tpu.sem_alloc : memref<!tpu.dma_semaphore, #tpu.memory_space<semaphore_mem>>
        %dma_start3A = arith.constant 0 : i32
        %dma_start3A_67 = arith.constant 0 : i32
        %dma_start3A_68 = tpu.memref_slice %arg13[%dma_start3A, %dma_start3A_67] : memref<64x128xf32, #tpu.memory_space<vmem>> -> memref<64x128xf32, #tpu.memory_space<vmem>>
        %dma_start3A_69 = arith.constant 0 : i32
        %dma_start3A_70 = tpu.memref_slice %arg14[%add3A_62, %dma_start3A_69] : memref<10008x128xf32, #tpu.memory_space<vmem_shared>> -> memref<64x128xf32, #tpu.memory_space<vmem_shared>>
        %dma_start3A_71 = arith.constant 0 : i32
        %dma_start3A_72 = tpu.memref_slice %arg14[%add3A_62, %dma_start3A_71] : memref<10008x128xf32, #tpu.memory_space<vmem_shared>> -> memref<64x128xf32, #tpu.memory_space<vmem_shared>>
        %dma_start3A_73 = arith.constant 0 : i32
        %dma_start3A_74 = arith.constant 0 : i32
        %dma_start3A_75 = tpu.memref_slice %arg13[%dma_start3A_73, %dma_start3A_74] : memref<64x128xf32, #tpu.memory_space<vmem>> -> memref<64x128xf32, #tpu.memory_space<vmem>>
        tpu.enqueue_dma source(%dma_start3A_75 : memref<64x128xf32, #tpu.memory_space<vmem>>) target(%dma_start3A_72 : memref<64x128xf32, #tpu.memory_space<vmem_shared>>) target_semaphore(%run_scoped3A : memref<!tpu.dma_semaphore, #tpu.memory_space<semaphore_mem>>)
        %dma_wait3A = arith.constant 0 : i32
        %dma_wait3A_76 = arith.constant 0 : i32
        %dma_wait3A_77 = tpu.memref_slice %arg13[%dma_wait3A, %dma_wait3A_76] : memref<64x128xf32, #tpu.memory_space<vmem>> -> memref<64x128xf32, #tpu.memory_space<vmem>>
        %dma_wait3A_78 = arith.constant 0 : i32
        %dma_wait3A_79 = tpu.memref_slice %arg14[%add3A_62, %dma_wait3A_78] : memref<10008x128xf32, #tpu.memory_space<vmem_shared>> -> memref<64x128xf32, #tpu.memory_space<vmem_shared>>
        %dma_wait3A_80 = arith.constant 0 : i32
        %dma_wait3A_81 = tpu.memref_slice %arg14[%add3A_62, %dma_wait3A_80] : memref<10008x128xf32, #tpu.memory_space<vmem_shared>> -> memref<64x128xf32, #tpu.memory_space<vmem_shared>>
        %dma_wait3A_82 = arith.constant 0 : i32
        %dma_wait3A_83 = arith.constant 0 : i32
        %dma_wait3A_84 = tpu.memref_slice %arg13[%dma_wait3A_82, %dma_wait3A_83] : memref<64x128xf32, #tpu.memory_space<vmem>> -> memref<64x128xf32, #tpu.memory_space<vmem>>
        tpu.wait_dma2 semaphore(%run_scoped3A : memref<!tpu.dma_semaphore, #tpu.memory_space<semaphore_mem>>) src(%dma_wait3A_84 : memref<64x128xf32, #tpu.memory_space<vmem>>) dst(%dma_wait3A_81 : memref<64x128xf32, #tpu.memory_space<vmem_shared>>)
        tpu.yield
      }) : () -> ()
      %add3A_63 = arith.constant 512 : i32
      %add3A_64 = arith.addi %mul3A_17, %add3A_63 : i32
      "tpu.region"() ({
        %run_scoped3A = tpu.sem_alloc : memref<!tpu.dma_semaphore, #tpu.memory_space<semaphore_mem>>
        %dma_start3A = arith.constant 0 : i32
        %dma_start3A_67 = arith.constant 0 : i32
        %dma_start3A_68 = tpu.memref_slice %arg13[%dma_start3A, %dma_start3A_67] : memref<64x128xf32, #tpu.memory_space<vmem>> -> memref<64x128xf32, #tpu.memory_space<vmem>>
        %dma_start3A_69 = arith.constant 0 : i32
        %dma_start3A_70 = tpu.memref_slice %arg14[%add3A_64, %dma_start3A_69] : memref<10008x128xf32, #tpu.memory_space<vmem_shared>> -> memref<64x128xf32, #tpu.memory_space<vmem_shared>>
        %dma_start3A_71 = arith.constant 0 : i32
        %dma_start3A_72 = tpu.memref_slice %arg14[%add3A_64, %dma_start3A_71] : memref<10008x128xf32, #tpu.memory_space<vmem_shared>> -> memref<64x128xf32, #tpu.memory_space<vmem_shared>>
        %dma_start3A_73 = arith.constant 0 : i32
        %dma_start3A_74 = arith.constant 0 : i32
        %dma_start3A_75 = tpu.memref_slice %arg13[%dma_start3A_73, %dma_start3A_74] : memref<64x128xf32, #tpu.memory_space<vmem>> -> memref<64x128xf32, #tpu.memory_space<vmem>>
        tpu.enqueue_dma source(%dma_start3A_75 : memref<64x128xf32, #tpu.memory_space<vmem>>) target(%dma_start3A_72 : memref<64x128xf32, #tpu.memory_space<vmem_shared>>) target_semaphore(%run_scoped3A : memref<!tpu.dma_semaphore, #tpu.memory_space<semaphore_mem>>)
        %dma_wait3A = arith.constant 0 : i32
        %dma_wait3A_76 = arith.constant 0 : i32
        %dma_wait3A_77 = tpu.memref_slice %arg13[%dma_wait3A, %dma_wait3A_76] : memref<64x128xf32, #tpu.memory_space<vmem>> -> memref<64x128xf32, #tpu.memory_space<vmem>>
        %dma_wait3A_78 = arith.constant 0 : i32
        %dma_wait3A_79 = tpu.memref_slice %arg14[%add3A_64, %dma_wait3A_78] : memref<10008x128xf32, #tpu.memory_space<vmem_shared>> -> memref<64x128xf32, #tpu.memory_space<vmem_shared>>
        %dma_wait3A_80 = arith.constant 0 : i32
        %dma_wait3A_81 = tpu.memref_slice %arg14[%add3A_64, %dma_wait3A_80] : memref<10008x128xf32, #tpu.memory_space<vmem_shared>> -> memref<64x128xf32, #tpu.memory_space<vmem_shared>>
        %dma_wait3A_82 = arith.constant 0 : i32
        %dma_wait3A_83 = arith.constant 0 : i32
        %dma_wait3A_84 = tpu.memref_slice %arg13[%dma_wait3A_82, %dma_wait3A_83] : memref<64x128xf32, #tpu.memory_space<vmem>> -> memref<64x128xf32, #tpu.memory_space<vmem>>
        tpu.wait_dma2 semaphore(%run_scoped3A : memref<!tpu.dma_semaphore, #tpu.memory_space<semaphore_mem>>) src(%dma_wait3A_84 : memref<64x128xf32, #tpu.memory_space<vmem>>) dst(%dma_wait3A_81 : memref<64x128xf32, #tpu.memory_space<vmem_shared>>)
        tpu.yield
      }) : () -> ()
      %add3A_65 = arith.constant 576 : i32
      %add3A_66 = arith.addi %mul3A_17, %add3A_65 : i32
      "tpu.region"() ({
        %run_scoped3A = tpu.sem_alloc : memref<!tpu.dma_semaphore, #tpu.memory_space<semaphore_mem>>
        %dma_start3A = arith.constant 0 : i32
        %dma_start3A_67 = arith.constant 0 : i32
        %dma_start3A_68 = tpu.memref_slice %arg13[%dma_start3A, %dma_start3A_67] : memref<64x128xf32, #tpu.memory_space<vmem>> -> memref<56x128xf32, #tpu.memory_space<vmem>>
        %dma_start3A_69 = arith.constant 0 : i32
        %dma_start3A_70 = tpu.memref_slice %arg14[%add3A_66, %dma_start3A_69] : memref<10008x128xf32, #tpu.memory_space<vmem_shared>> -> memref<56x128xf32, #tpu.memory_space<vmem_shared>>
        %dma_start3A_71 = arith.constant 0 : i32
        %dma_start3A_72 = tpu.memref_slice %arg14[%add3A_66, %dma_start3A_71] : memref<10008x128xf32, #tpu.memory_space<vmem_shared>> -> memref<56x128xf32, #tpu.memory_space<vmem_shared>>
        %dma_start3A_73 = arith.constant 0 : i32
        %dma_start3A_74 = arith.constant 0 : i32
        %dma_start3A_75 = tpu.memref_slice %arg13[%dma_start3A_73, %dma_start3A_74] : memref<64x128xf32, #tpu.memory_space<vmem>> -> memref<56x128xf32, #tpu.memory_space<vmem>>
        tpu.enqueue_dma source(%dma_start3A_75 : memref<56x128xf32, #tpu.memory_space<vmem>>) target(%dma_start3A_72 : memref<56x128xf32, #tpu.memory_space<vmem_shared>>) target_semaphore(%run_scoped3A : memref<!tpu.dma_semaphore, #tpu.memory_space<semaphore_mem>>)
        %dma_wait3A = arith.constant 0 : i32
        %dma_wait3A_76 = arith.constant 0 : i32
        %dma_wait3A_77 = tpu.memref_slice %arg13[%dma_wait3A, %dma_wait3A_76] : memref<64x128xf32, #tpu.memory_space<vmem>> -> memref<56x128xf32, #tpu.memory_space<vmem>>
        %dma_wait3A_78 = arith.constant 0 : i32
        %dma_wait3A_79 = tpu.memref_slice %arg14[%add3A_66, %dma_wait3A_78] : memref<10008x128xf32, #tpu.memory_space<vmem_shared>> -> memref<56x128xf32, #tpu.memory_space<vmem_shared>>
        %dma_wait3A_80 = arith.constant 0 : i32
        %dma_wait3A_81 = tpu.memref_slice %arg14[%add3A_66, %dma_wait3A_80] : memref<10008x128xf32, #tpu.memory_space<vmem_shared>> -> memref<56x128xf32, #tpu.memory_space<vmem_shared>>
        %dma_wait3A_82 = arith.constant 0 : i32
        %dma_wait3A_83 = arith.constant 0 : i32
        %dma_wait3A_84 = tpu.memref_slice %arg13[%dma_wait3A_82, %dma_wait3A_83] : memref<64x128xf32, #tpu.memory_space<vmem>> -> memref<56x128xf32, #tpu.memory_space<vmem>>
        tpu.wait_dma2 semaphore(%run_scoped3A : memref<!tpu.dma_semaphore, #tpu.memory_space<semaphore_mem>>) src(%dma_wait3A_84 : memref<56x128xf32, #tpu.memory_space<vmem>>) dst(%dma_wait3A_81 : memref<56x128xf32, #tpu.memory_space<vmem_shared>>)
        tpu.yield
      }) : () -> ()
    } else {
    }
    %eq3A_20 = arith.constant 15 : i32
    %eq3A_21 = arith.cmpi eq, %arg1, %eq3A_20 : i32
    %convert_element_type3A_22 = arith.extui %eq3A_21 : i1 to i32
    %cond3A_23 = arith.constant 0 : i32
    %cond3A_24 = arith.cmpi ne, %convert_element_type3A_22, %cond3A_23 : i32
    scf.if %cond3A_24 {
      %add3A_47 = arith.constant 0 : i32
      %add3A_48 = arith.addi %mul3A_17, %add3A_47 : i32
      "tpu.region"() ({
        %run_scoped3A = tpu.sem_alloc : memref<!tpu.dma_semaphore, #tpu.memory_space<semaphore_mem>>
        %dma_start3A = arith.constant 0 : i32
        %dma_start3A_65 = arith.constant 0 : i32
        %dma_start3A_66 = tpu.memref_slice %arg13[%dma_start3A, %dma_start3A_65] : memref<64x128xf32, #tpu.memory_space<vmem>> -> memref<64x128xf32, #tpu.memory_space<vmem>>
        %dma_start3A_67 = arith.constant 0 : i32
        %dma_start3A_68 = tpu.memref_slice %arg14[%add3A_48, %dma_start3A_67] : memref<10008x128xf32, #tpu.memory_space<vmem_shared>> -> memref<64x128xf32, #tpu.memory_space<vmem_shared>>
        %dma_start3A_69 = arith.constant 0 : i32
        %dma_start3A_70 = tpu.memref_slice %arg14[%add3A_48, %dma_start3A_69] : memref<10008x128xf32, #tpu.memory_space<vmem_shared>> -> memref<64x128xf32, #tpu.memory_space<vmem_shared>>
        %dma_start3A_71 = arith.constant 0 : i32
        %dma_start3A_72 = arith.constant 0 : i32
        %dma_start3A_73 = tpu.memref_slice %arg13[%dma_start3A_71, %dma_start3A_72] : memref<64x128xf32, #tpu.memory_space<vmem>> -> memref<64x128xf32, #tpu.memory_space<vmem>>
        tpu.enqueue_dma source(%dma_start3A_73 : memref<64x128xf32, #tpu.memory_space<vmem>>) target(%dma_start3A_70 : memref<64x128xf32, #tpu.memory_space<vmem_shared>>) target_semaphore(%run_scoped3A : memref<!tpu.dma_semaphore, #tpu.memory_space<semaphore_mem>>)
        %dma_wait3A = arith.constant 0 : i32
        %dma_wait3A_74 = arith.constant 0 : i32
        %dma_wait3A_75 = tpu.memref_slice %arg13[%dma_wait3A, %dma_wait3A_74] : memref<64x128xf32, #tpu.memory_space<vmem>> -> memref<64x128xf32, #tpu.memory_space<vmem>>
        %dma_wait3A_76 = arith.constant 0 : i32
        %dma_wait3A_77 = tpu.memref_slice %arg14[%add3A_48, %dma_wait3A_76] : memref<10008x128xf32, #tpu.memory_space<vmem_shared>> -> memref<64x128xf32, #tpu.memory_space<vmem_shared>>
        %dma_wait3A_78 = arith.constant 0 : i32
        %dma_wait3A_79 = tpu.memref_slice %arg14[%add3A_48, %dma_wait3A_78] : memref<10008x128xf32, #tpu.memory_space<vmem_shared>> -> memref<64x128xf32, #tpu.memory_space<vmem_shared>>
        %dma_wait3A_80 = arith.constant 0 : i32
        %dma_wait3A_81 = arith.constant 0 : i32
        %dma_wait3A_82 = tpu.memref_slice %arg13[%dma_wait3A_80, %dma_wait3A_81] : memref<64x128xf32, #tpu.memory_space<vmem>> -> memref<64x128xf32, #tpu.memory_space<vmem>>
        tpu.wait_dma2 semaphore(%run_scoped3A : memref<!tpu.dma_semaphore, #tpu.memory_space<semaphore_mem>>) src(%dma_wait3A_82 : memref<64x128xf32, #tpu.memory_space<vmem>>) dst(%dma_wait3A_79 : memref<64x128xf32, #tpu.memory_space<vmem_shared>>)
        tpu.yield
      }) : () -> ()
      %add3A_49 = arith.constant 64 : i32
      %add3A_50 = arith.addi %mul3A_17, %add3A_49 : i32
      "tpu.region"() ({
        %run_scoped3A = tpu.sem_alloc : memref<!tpu.dma_semaphore, #tpu.memory_space<semaphore_mem>>
        %dma_start3A = arith.constant 0 : i32
        %dma_start3A_65 = arith.constant 0 : i32
        %dma_start3A_66 = tpu.memref_slice %arg13[%dma_start3A, %dma_start3A_65] : memref<64x128xf32, #tpu.memory_space<vmem>> -> memref<64x128xf32, #tpu.memory_space<vmem>>
        %dma_start3A_67 = arith.constant 0 : i32
        %dma_start3A_68 = tpu.memref_slice %arg14[%add3A_50, %dma_start3A_67] : memref<10008x128xf32, #tpu.memory_space<vmem_shared>> -> memref<64x128xf32, #tpu.memory_space<vmem_shared>>
        %dma_start3A_69 = arith.constant 0 : i32
        %dma_start3A_70 = tpu.memref_slice %arg14[%add3A_50, %dma_start3A_69] : memref<10008x128xf32, #tpu.memory_space<vmem_shared>> -> memref<64x128xf32, #tpu.memory_space<vmem_shared>>
        %dma_start3A_71 = arith.constant 0 : i32
        %dma_start3A_72 = arith.constant 0 : i32
        %dma_start3A_73 = tpu.memref_slice %arg13[%dma_start3A_71, %dma_start3A_72] : memref<64x128xf32, #tpu.memory_space<vmem>> -> memref<64x128xf32, #tpu.memory_space<vmem>>
        tpu.enqueue_dma source(%dma_start3A_73 : memref<64x128xf32, #tpu.memory_space<vmem>>) target(%dma_start3A_70 : memref<64x128xf32, #tpu.memory_space<vmem_shared>>) target_semaphore(%run_scoped3A : memref<!tpu.dma_semaphore, #tpu.memory_space<semaphore_mem>>)
        %dma_wait3A = arith.constant 0 : i32
        %dma_wait3A_74 = arith.constant 0 : i32
        %dma_wait3A_75 = tpu.memref_slice %arg13[%dma_wait3A, %dma_wait3A_74] : memref<64x128xf32, #tpu.memory_space<vmem>> -> memref<64x128xf32, #tpu.memory_space<vmem>>
        %dma_wait3A_76 = arith.constant 0 : i32
        %dma_wait3A_77 = tpu.memref_slice %arg14[%add3A_50, %dma_wait3A_76] : memref<10008x128xf32, #tpu.memory_space<vmem_shared>> -> memref<64x128xf32, #tpu.memory_space<vmem_shared>>
        %dma_wait3A_78 = arith.constant 0 : i32
        %dma_wait3A_79 = tpu.memref_slice %arg14[%add3A_50, %dma_wait3A_78] : memref<10008x128xf32, #tpu.memory_space<vmem_shared>> -> memref<64x128xf32, #tpu.memory_space<vmem_shared>>
        %dma_wait3A_80 = arith.constant 0 : i32
        %dma_wait3A_81 = arith.constant 0 : i32
        %dma_wait3A_82 = tpu.memref_slice %arg13[%dma_wait3A_80, %dma_wait3A_81] : memref<64x128xf32, #tpu.memory_space<vmem>> -> memref<64x128xf32, #tpu.memory_space<vmem>>
        tpu.wait_dma2 semaphore(%run_scoped3A : memref<!tpu.dma_semaphore, #tpu.memory_space<semaphore_mem>>) src(%dma_wait3A_82 : memref<64x128xf32, #tpu.memory_space<vmem>>) dst(%dma_wait3A_79 : memref<64x128xf32, #tpu.memory_space<vmem_shared>>)
        tpu.yield
      }) : () -> ()
      %add3A_51 = arith.constant 128 : i32
      %add3A_52 = arith.addi %mul3A_17, %add3A_51 : i32
      "tpu.region"() ({
        %run_scoped3A = tpu.sem_alloc : memref<!tpu.dma_semaphore, #tpu.memory_space<semaphore_mem>>
        %dma_start3A = arith.constant 0 : i32
        %dma_start3A_65 = arith.constant 0 : i32
        %dma_start3A_66 = tpu.memref_slice %arg13[%dma_start3A, %dma_start3A_65] : memref<64x128xf32, #tpu.memory_space<vmem>> -> memref<64x128xf32, #tpu.memory_space<vmem>>
        %dma_start3A_67 = arith.constant 0 : i32
        %dma_start3A_68 = tpu.memref_slice %arg14[%add3A_52, %dma_start3A_67] : memref<10008x128xf32, #tpu.memory_space<vmem_shared>> -> memref<64x128xf32, #tpu.memory_space<vmem_shared>>
        %dma_start3A_69 = arith.constant 0 : i32
        %dma_start3A_70 = tpu.memref_slice %arg14[%add3A_52, %dma_start3A_69] : memref<10008x128xf32, #tpu.memory_space<vmem_shared>> -> memref<64x128xf32, #tpu.memory_space<vmem_shared>>
        %dma_start3A_71 = arith.constant 0 : i32
        %dma_start3A_72 = arith.constant 0 : i32
        %dma_start3A_73 = tpu.memref_slice %arg13[%dma_start3A_71, %dma_start3A_72] : memref<64x128xf32, #tpu.memory_space<vmem>> -> memref<64x128xf32, #tpu.memory_space<vmem>>
        tpu.enqueue_dma source(%dma_start3A_73 : memref<64x128xf32, #tpu.memory_space<vmem>>) target(%dma_start3A_70 : memref<64x128xf32, #tpu.memory_space<vmem_shared>>) target_semaphore(%run_scoped3A : memref<!tpu.dma_semaphore, #tpu.memory_space<semaphore_mem>>)
        %dma_wait3A = arith.constant 0 : i32
        %dma_wait3A_74 = arith.constant 0 : i32
        %dma_wait3A_75 = tpu.memref_slice %arg13[%dma_wait3A, %dma_wait3A_74] : memref<64x128xf32, #tpu.memory_space<vmem>> -> memref<64x128xf32, #tpu.memory_space<vmem>>
        %dma_wait3A_76 = arith.constant 0 : i32
        %dma_wait3A_77 = tpu.memref_slice %arg14[%add3A_52, %dma_wait3A_76] : memref<10008x128xf32, #tpu.memory_space<vmem_shared>> -> memref<64x128xf32, #tpu.memory_space<vmem_shared>>
        %dma_wait3A_78 = arith.constant 0 : i32
        %dma_wait3A_79 = tpu.memref_slice %arg14[%add3A_52, %dma_wait3A_78] : memref<10008x128xf32, #tpu.memory_space<vmem_shared>> -> memref<64x128xf32, #tpu.memory_space<vmem_shared>>
        %dma_wait3A_80 = arith.constant 0 : i32
        %dma_wait3A_81 = arith.constant 0 : i32
        %dma_wait3A_82 = tpu.memref_slice %arg13[%dma_wait3A_80, %dma_wait3A_81] : memref<64x128xf32, #tpu.memory_space<vmem>> -> memref<64x128xf32, #tpu.memory_space<vmem>>
        tpu.wait_dma2 semaphore(%run_scoped3A : memref<!tpu.dma_semaphore, #tpu.memory_space<semaphore_mem>>) src(%dma_wait3A_82 : memref<64x128xf32, #tpu.memory_space<vmem>>) dst(%dma_wait3A_79 : memref<64x128xf32, #tpu.memory_space<vmem_shared>>)
        tpu.yield
      }) : () -> ()
      %add3A_53 = arith.constant 192 : i32
      %add3A_54 = arith.addi %mul3A_17, %add3A_53 : i32
      "tpu.region"() ({
        %run_scoped3A = tpu.sem_alloc : memref<!tpu.dma_semaphore, #tpu.memory_space<semaphore_mem>>
        %dma_start3A = arith.constant 0 : i32
        %dma_start3A_65 = arith.constant 0 : i32
        %dma_start3A_66 = tpu.memref_slice %arg13[%dma_start3A, %dma_start3A_65] : memref<64x128xf32, #tpu.memory_space<vmem>> -> memref<64x128xf32, #tpu.memory_space<vmem>>
        %dma_start3A_67 = arith.constant 0 : i32
        %dma_start3A_68 = tpu.memref_slice %arg14[%add3A_54, %dma_start3A_67] : memref<10008x128xf32, #tpu.memory_space<vmem_shared>> -> memref<64x128xf32, #tpu.memory_space<vmem_shared>>
        %dma_start3A_69 = arith.constant 0 : i32
        %dma_start3A_70 = tpu.memref_slice %arg14[%add3A_54, %dma_start3A_69] : memref<10008x128xf32, #tpu.memory_space<vmem_shared>> -> memref<64x128xf32, #tpu.memory_space<vmem_shared>>
        %dma_start3A_71 = arith.constant 0 : i32
        %dma_start3A_72 = arith.constant 0 : i32
        %dma_start3A_73 = tpu.memref_slice %arg13[%dma_start3A_71, %dma_start3A_72] : memref<64x128xf32, #tpu.memory_space<vmem>> -> memref<64x128xf32, #tpu.memory_space<vmem>>
        tpu.enqueue_dma source(%dma_start3A_73 : memref<64x128xf32, #tpu.memory_space<vmem>>) target(%dma_start3A_70 : memref<64x128xf32, #tpu.memory_space<vmem_shared>>) target_semaphore(%run_scoped3A : memref<!tpu.dma_semaphore, #tpu.memory_space<semaphore_mem>>)
        %dma_wait3A = arith.constant 0 : i32
        %dma_wait3A_74 = arith.constant 0 : i32
        %dma_wait3A_75 = tpu.memref_slice %arg13[%dma_wait3A, %dma_wait3A_74] : memref<64x128xf32, #tpu.memory_space<vmem>> -> memref<64x128xf32, #tpu.memory_space<vmem>>
        %dma_wait3A_76 = arith.constant 0 : i32
        %dma_wait3A_77 = tpu.memref_slice %arg14[%add3A_54, %dma_wait3A_76] : memref<10008x128xf32, #tpu.memory_space<vmem_shared>> -> memref<64x128xf32, #tpu.memory_space<vmem_shared>>
        %dma_wait3A_78 = arith.constant 0 : i32
        %dma_wait3A_79 = tpu.memref_slice %arg14[%add3A_54, %dma_wait3A_78] : memref<10008x128xf32, #tpu.memory_space<vmem_shared>> -> memref<64x128xf32, #tpu.memory_space<vmem_shared>>
        %dma_wait3A_80 = arith.constant 0 : i32
        %dma_wait3A_81 = arith.constant 0 : i32
        %dma_wait3A_82 = tpu.memref_slice %arg13[%dma_wait3A_80, %dma_wait3A_81] : memref<64x128xf32, #tpu.memory_space<vmem>> -> memref<64x128xf32, #tpu.memory_space<vmem>>
        tpu.wait_dma2 semaphore(%run_scoped3A : memref<!tpu.dma_semaphore, #tpu.memory_space<semaphore_mem>>) src(%dma_wait3A_82 : memref<64x128xf32, #tpu.memory_space<vmem>>) dst(%dma_wait3A_79 : memref<64x128xf32, #tpu.memory_space<vmem_shared>>)
        tpu.yield
      }) : () -> ()
      %add3A_55 = arith.constant 256 : i32
      %add3A_56 = arith.addi %mul3A_17, %add3A_55 : i32
      "tpu.region"() ({
        %run_scoped3A = tpu.sem_alloc : memref<!tpu.dma_semaphore, #tpu.memory_space<semaphore_mem>>
        %dma_start3A = arith.constant 0 : i32
        %dma_start3A_65 = arith.constant 0 : i32
        %dma_start3A_66 = tpu.memref_slice %arg13[%dma_start3A, %dma_start3A_65] : memref<64x128xf32, #tpu.memory_space<vmem>> -> memref<64x128xf32, #tpu.memory_space<vmem>>
        %dma_start3A_67 = arith.constant 0 : i32
        %dma_start3A_68 = tpu.memref_slice %arg14[%add3A_56, %dma_start3A_67] : memref<10008x128xf32, #tpu.memory_space<vmem_shared>> -> memref<64x128xf32, #tpu.memory_space<vmem_shared>>
        %dma_start3A_69 = arith.constant 0 : i32
        %dma_start3A_70 = tpu.memref_slice %arg14[%add3A_56, %dma_start3A_69] : memref<10008x128xf32, #tpu.memory_space<vmem_shared>> -> memref<64x128xf32, #tpu.memory_space<vmem_shared>>
        %dma_start3A_71 = arith.constant 0 : i32
        %dma_start3A_72 = arith.constant 0 : i32
        %dma_start3A_73 = tpu.memref_slice %arg13[%dma_start3A_71, %dma_start3A_72] : memref<64x128xf32, #tpu.memory_space<vmem>> -> memref<64x128xf32, #tpu.memory_space<vmem>>
        tpu.enqueue_dma source(%dma_start3A_73 : memref<64x128xf32, #tpu.memory_space<vmem>>) target(%dma_start3A_70 : memref<64x128xf32, #tpu.memory_space<vmem_shared>>) target_semaphore(%run_scoped3A : memref<!tpu.dma_semaphore, #tpu.memory_space<semaphore_mem>>)
        %dma_wait3A = arith.constant 0 : i32
        %dma_wait3A_74 = arith.constant 0 : i32
        %dma_wait3A_75 = tpu.memref_slice %arg13[%dma_wait3A, %dma_wait3A_74] : memref<64x128xf32, #tpu.memory_space<vmem>> -> memref<64x128xf32, #tpu.memory_space<vmem>>
        %dma_wait3A_76 = arith.constant 0 : i32
        %dma_wait3A_77 = tpu.memref_slice %arg14[%add3A_56, %dma_wait3A_76] : memref<10008x128xf32, #tpu.memory_space<vmem_shared>> -> memref<64x128xf32, #tpu.memory_space<vmem_shared>>
        %dma_wait3A_78 = arith.constant 0 : i32
        %dma_wait3A_79 = tpu.memref_slice %arg14[%add3A_56, %dma_wait3A_78] : memref<10008x128xf32, #tpu.memory_space<vmem_shared>> -> memref<64x128xf32, #tpu.memory_space<vmem_shared>>
        %dma_wait3A_80 = arith.constant 0 : i32
        %dma_wait3A_81 = arith.constant 0 : i32
        %dma_wait3A_82 = tpu.memref_slice %arg13[%dma_wait3A_80, %dma_wait3A_81] : memref<64x128xf32, #tpu.memory_space<vmem>> -> memref<64x128xf32, #tpu.memory_space<vmem>>
        tpu.wait_dma2 semaphore(%run_scoped3A : memref<!tpu.dma_semaphore, #tpu.memory_space<semaphore_mem>>) src(%dma_wait3A_82 : memref<64x128xf32, #tpu.memory_space<vmem>>) dst(%dma_wait3A_79 : memref<64x128xf32, #tpu.memory_space<vmem_shared>>)
        tpu.yield
      }) : () -> ()
      %add3A_57 = arith.constant 320 : i32
      %add3A_58 = arith.addi %mul3A_17, %add3A_57 : i32
      "tpu.region"() ({
        %run_scoped3A = tpu.sem_alloc : memref<!tpu.dma_semaphore, #tpu.memory_space<semaphore_mem>>
        %dma_start3A = arith.constant 0 : i32
        %dma_start3A_65 = arith.constant 0 : i32
        %dma_start3A_66 = tpu.memref_slice %arg13[%dma_start3A, %dma_start3A_65] : memref<64x128xf32, #tpu.memory_space<vmem>> -> memref<64x128xf32, #tpu.memory_space<vmem>>
        %dma_start3A_67 = arith.constant 0 : i32
        %dma_start3A_68 = tpu.memref_slice %arg14[%add3A_58, %dma_start3A_67] : memref<10008x128xf32, #tpu.memory_space<vmem_shared>> -> memref<64x128xf32, #tpu.memory_space<vmem_shared>>
        %dma_start3A_69 = arith.constant 0 : i32
        %dma_start3A_70 = tpu.memref_slice %arg14[%add3A_58, %dma_start3A_69] : memref<10008x128xf32, #tpu.memory_space<vmem_shared>> -> memref<64x128xf32, #tpu.memory_space<vmem_shared>>
        %dma_start3A_71 = arith.constant 0 : i32
        %dma_start3A_72 = arith.constant 0 : i32
        %dma_start3A_73 = tpu.memref_slice %arg13[%dma_start3A_71, %dma_start3A_72] : memref<64x128xf32, #tpu.memory_space<vmem>> -> memref<64x128xf32, #tpu.memory_space<vmem>>
        tpu.enqueue_dma source(%dma_start3A_73 : memref<64x128xf32, #tpu.memory_space<vmem>>) target(%dma_start3A_70 : memref<64x128xf32, #tpu.memory_space<vmem_shared>>) target_semaphore(%run_scoped3A : memref<!tpu.dma_semaphore, #tpu.memory_space<semaphore_mem>>)
        %dma_wait3A = arith.constant 0 : i32
        %dma_wait3A_74 = arith.constant 0 : i32
        %dma_wait3A_75 = tpu.memref_slice %arg13[%dma_wait3A, %dma_wait3A_74] : memref<64x128xf32, #tpu.memory_space<vmem>> -> memref<64x128xf32, #tpu.memory_space<vmem>>
        %dma_wait3A_76 = arith.constant 0 : i32
        %dma_wait3A_77 = tpu.memref_slice %arg14[%add3A_58, %dma_wait3A_76] : memref<10008x128xf32, #tpu.memory_space<vmem_shared>> -> memref<64x128xf32, #tpu.memory_space<vmem_shared>>
        %dma_wait3A_78 = arith.constant 0 : i32
        %dma_wait3A_79 = tpu.memref_slice %arg14[%add3A_58, %dma_wait3A_78] : memref<10008x128xf32, #tpu.memory_space<vmem_shared>> -> memref<64x128xf32, #tpu.memory_space<vmem_shared>>
        %dma_wait3A_80 = arith.constant 0 : i32
        %dma_wait3A_81 = arith.constant 0 : i32
        %dma_wait3A_82 = tpu.memref_slice %arg13[%dma_wait3A_80, %dma_wait3A_81] : memref<64x128xf32, #tpu.memory_space<vmem>> -> memref<64x128xf32, #tpu.memory_space<vmem>>
        tpu.wait_dma2 semaphore(%run_scoped3A : memref<!tpu.dma_semaphore, #tpu.memory_space<semaphore_mem>>) src(%dma_wait3A_82 : memref<64x128xf32, #tpu.memory_space<vmem>>) dst(%dma_wait3A_79 : memref<64x128xf32, #tpu.memory_space<vmem_shared>>)
        tpu.yield
      }) : () -> ()
      %add3A_59 = arith.constant 384 : i32
      %add3A_60 = arith.addi %mul3A_17, %add3A_59 : i32
      "tpu.region"() ({
        %run_scoped3A = tpu.sem_alloc : memref<!tpu.dma_semaphore, #tpu.memory_space<semaphore_mem>>
        %dma_start3A = arith.constant 0 : i32
        %dma_start3A_65 = arith.constant 0 : i32
        %dma_start3A_66 = tpu.memref_slice %arg13[%dma_start3A, %dma_start3A_65] : memref<64x128xf32, #tpu.memory_space<vmem>> -> memref<64x128xf32, #tpu.memory_space<vmem>>
        %dma_start3A_67 = arith.constant 0 : i32
        %dma_start3A_68 = tpu.memref_slice %arg14[%add3A_60, %dma_start3A_67] : memref<10008x128xf32, #tpu.memory_space<vmem_shared>> -> memref<64x128xf32, #tpu.memory_space<vmem_shared>>
        %dma_start3A_69 = arith.constant 0 : i32
        %dma_start3A_70 = tpu.memref_slice %arg14[%add3A_60, %dma_start3A_69] : memref<10008x128xf32, #tpu.memory_space<vmem_shared>> -> memref<64x128xf32, #tpu.memory_space<vmem_shared>>
        %dma_start3A_71 = arith.constant 0 : i32
        %dma_start3A_72 = arith.constant 0 : i32
        %dma_start3A_73 = tpu.memref_slice %arg13[%dma_start3A_71, %dma_start3A_72] : memref<64x128xf32, #tpu.memory_space<vmem>> -> memref<64x128xf32, #tpu.memory_space<vmem>>
        tpu.enqueue_dma source(%dma_start3A_73 : memref<64x128xf32, #tpu.memory_space<vmem>>) target(%dma_start3A_70 : memref<64x128xf32, #tpu.memory_space<vmem_shared>>) target_semaphore(%run_scoped3A : memref<!tpu.dma_semaphore, #tpu.memory_space<semaphore_mem>>)
        %dma_wait3A = arith.constant 0 : i32
        %dma_wait3A_74 = arith.constant 0 : i32
        %dma_wait3A_75 = tpu.memref_slice %arg13[%dma_wait3A, %dma_wait3A_74] : memref<64x128xf32, #tpu.memory_space<vmem>> -> memref<64x128xf32, #tpu.memory_space<vmem>>
        %dma_wait3A_76 = arith.constant 0 : i32
        %dma_wait3A_77 = tpu.memref_slice %arg14[%add3A_60, %dma_wait3A_76] : memref<10008x128xf32, #tpu.memory_space<vmem_shared>> -> memref<64x128xf32, #tpu.memory_space<vmem_shared>>
        %dma_wait3A_78 = arith.constant 0 : i32
        %dma_wait3A_79 = tpu.memref_slice %arg14[%add3A_60, %dma_wait3A_78] : memref<10008x128xf32, #tpu.memory_space<vmem_shared>> -> memref<64x128xf32, #tpu.memory_space<vmem_shared>>
        %dma_wait3A_80 = arith.constant 0 : i32
        %dma_wait3A_81 = arith.constant 0 : i32
        %dma_wait3A_82 = tpu.memref_slice %arg13[%dma_wait3A_80, %dma_wait3A_81] : memref<64x128xf32, #tpu.memory_space<vmem>> -> memref<64x128xf32, #tpu.memory_space<vmem>>
        tpu.wait_dma2 semaphore(%run_scoped3A : memref<!tpu.dma_semaphore, #tpu.memory_space<semaphore_mem>>) src(%dma_wait3A_82 : memref<64x128xf32, #tpu.memory_space<vmem>>) dst(%dma_wait3A_79 : memref<64x128xf32, #tpu.memory_space<vmem_shared>>)
        tpu.yield
      }) : () -> ()
      %add3A_61 = arith.constant 448 : i32
      %add3A_62 = arith.addi %mul3A_17, %add3A_61 : i32
      "tpu.region"() ({
        %run_scoped3A = tpu.sem_alloc : memref<!tpu.dma_semaphore, #tpu.memory_space<semaphore_mem>>
        %dma_start3A = arith.constant 0 : i32
        %dma_start3A_65 = arith.constant 0 : i32
        %dma_start3A_66 = tpu.memref_slice %arg13[%dma_start3A, %dma_start3A_65] : memref<64x128xf32, #tpu.memory_space<vmem>> -> memref<64x128xf32, #tpu.memory_space<vmem>>
        %dma_start3A_67 = arith.constant 0 : i32
        %dma_start3A_68 = tpu.memref_slice %arg14[%add3A_62, %dma_start3A_67] : memref<10008x128xf32, #tpu.memory_space<vmem_shared>> -> memref<64x128xf32, #tpu.memory_space<vmem_shared>>
        %dma_start3A_69 = arith.constant 0 : i32
        %dma_start3A_70 = tpu.memref_slice %arg14[%add3A_62, %dma_start3A_69] : memref<10008x128xf32, #tpu.memory_space<vmem_shared>> -> memref<64x128xf32, #tpu.memory_space<vmem_shared>>
        %dma_start3A_71 = arith.constant 0 : i32
        %dma_start3A_72 = arith.constant 0 : i32
        %dma_start3A_73 = tpu.memref_slice %arg13[%dma_start3A_71, %dma_start3A_72] : memref<64x128xf32, #tpu.memory_space<vmem>> -> memref<64x128xf32, #tpu.memory_space<vmem>>
        tpu.enqueue_dma source(%dma_start3A_73 : memref<64x128xf32, #tpu.memory_space<vmem>>) target(%dma_start3A_70 : memref<64x128xf32, #tpu.memory_space<vmem_shared>>) target_semaphore(%run_scoped3A : memref<!tpu.dma_semaphore, #tpu.memory_space<semaphore_mem>>)
        %dma_wait3A = arith.constant 0 : i32
        %dma_wait3A_74 = arith.constant 0 : i32
        %dma_wait3A_75 = tpu.memref_slice %arg13[%dma_wait3A, %dma_wait3A_74] : memref<64x128xf32, #tpu.memory_space<vmem>> -> memref<64x128xf32, #tpu.memory_space<vmem>>
        %dma_wait3A_76 = arith.constant 0 : i32
        %dma_wait3A_77 = tpu.memref_slice %arg14[%add3A_62, %dma_wait3A_76] : memref<10008x128xf32, #tpu.memory_space<vmem_shared>> -> memref<64x128xf32, #tpu.memory_space<vmem_shared>>
        %dma_wait3A_78 = arith.constant 0 : i32
        %dma_wait3A_79 = tpu.memref_slice %arg14[%add3A_62, %dma_wait3A_78] : memref<10008x128xf32, #tpu.memory_space<vmem_shared>> -> memref<64x128xf32, #tpu.memory_space<vmem_shared>>
        %dma_wait3A_80 = arith.constant 0 : i32
        %dma_wait3A_81 = arith.constant 0 : i32
        %dma_wait3A_82 = tpu.memref_slice %arg13[%dma_wait3A_80, %dma_wait3A_81] : memref<64x128xf32, #tpu.memory_space<vmem>> -> memref<64x128xf32, #tpu.memory_space<vmem>>
        tpu.wait_dma2 semaphore(%run_scoped3A : memref<!tpu.dma_semaphore, #tpu.memory_space<semaphore_mem>>) src(%dma_wait3A_82 : memref<64x128xf32, #tpu.memory_space<vmem>>) dst(%dma_wait3A_79 : memref<64x128xf32, #tpu.memory_space<vmem_shared>>)
        tpu.yield
      }) : () -> ()
      %add3A_63 = arith.constant 512 : i32
      %add3A_64 = arith.addi %mul3A_17, %add3A_63 : i32
      "tpu.region"() ({
        %run_scoped3A = tpu.sem_alloc : memref<!tpu.dma_semaphore, #tpu.memory_space<semaphore_mem>>
        %dma_start3A = arith.constant 0 : i32
        %dma_start3A_65 = arith.constant 0 : i32
        %dma_start3A_66 = tpu.memref_slice %arg13[%dma_start3A, %dma_start3A_65] : memref<64x128xf32, #tpu.memory_space<vmem>> -> memref<16x128xf32, #tpu.memory_space<vmem>>
        %dma_start3A_67 = arith.constant 0 : i32
        %dma_start3A_68 = tpu.memref_slice %arg14[%add3A_64, %dma_start3A_67] : memref<10008x128xf32, #tpu.memory_space<vmem_shared>> -> memref<16x128xf32, #tpu.memory_space<vmem_shared>>
        %dma_start3A_69 = arith.constant 0 : i32
        %dma_start3A_70 = tpu.memref_slice %arg14[%add3A_64, %dma_start3A_69] : memref<10008x128xf32, #tpu.memory_space<vmem_shared>> -> memref<16x128xf32, #tpu.memory_space<vmem_shared>>
        %dma_start3A_71 = arith.constant 0 : i32
        %dma_start3A_72 = arith.constant 0 : i32
        %dma_start3A_73 = tpu.memref_slice %arg13[%dma_start3A_71, %dma_start3A_72] : memref<64x128xf32, #tpu.memory_space<vmem>> -> memref<16x128xf32, #tpu.memory_space<vmem>>
        tpu.enqueue_dma source(%dma_start3A_73 : memref<16x128xf32, #tpu.memory_space<vmem>>) target(%dma_start3A_70 : memref<16x128xf32, #tpu.memory_space<vmem_shared>>) target_semaphore(%run_scoped3A : memref<!tpu.dma_semaphore, #tpu.memory_space<semaphore_mem>>)
        %dma_wait3A = arith.constant 0 : i32
        %dma_wait3A_74 = arith.constant 0 : i32
        %dma_wait3A_75 = tpu.memref_slice %arg13[%dma_wait3A, %dma_wait3A_74] : memref<64x128xf32, #tpu.memory_space<vmem>> -> memref<16x128xf32, #tpu.memory_space<vmem>>
        %dma_wait3A_76 = arith.constant 0 : i32
        %dma_wait3A_77 = tpu.memref_slice %arg14[%add3A_64, %dma_wait3A_76] : memref<10008x128xf32, #tpu.memory_space<vmem_shared>> -> memref<16x128xf32, #tpu.memory_space<vmem_shared>>
        %dma_wait3A_78 = arith.constant 0 : i32
        %dma_wait3A_79 = tpu.memref_slice %arg14[%add3A_64, %dma_wait3A_78] : memref<10008x128xf32, #tpu.memory_space<vmem_shared>> -> memref<16x128xf32, #tpu.memory_space<vmem_shared>>
        %dma_wait3A_80 = arith.constant 0 : i32
        %dma_wait3A_81 = arith.constant 0 : i32
        %dma_wait3A_82 = tpu.memref_slice %arg13[%dma_wait3A_80, %dma_wait3A_81] : memref<64x128xf32, #tpu.memory_space<vmem>> -> memref<16x128xf32, #tpu.memory_space<vmem>>
        tpu.wait_dma2 semaphore(%run_scoped3A : memref<!tpu.dma_semaphore, #tpu.memory_space<semaphore_mem>>) src(%dma_wait3A_82 : memref<16x128xf32, #tpu.memory_space<vmem>>) dst(%dma_wait3A_79 : memref<16x128xf32, #tpu.memory_space<vmem_shared>>)
        tpu.yield
      }) : () -> ()
    } else {
    }
    %barrier3A = arith.constant 0 : index
    tpu.barrier barrier_id(%barrier3A)
    %while3A = arith.constant 0 : i32
    %while3A_25 = arith.constant 0 : i32
    %while3A_26 = arith.subi %select_n3A_8, %while3A : i32
    %while3A_27 = arith.addi %while3A, %while3A_26 : i32
    %while3A_28 = arith.constant 1 : i32
    %while3A_29 = arith.divsi %while3A_26, %while3A_28 : i32
    %while3A_30 = arith.muli %while3A_29, %while3A_28 : i32
    %while3A_31 = arith.addi %while3A, %while3A_30 : i32
    %while3A_32 = arith.constant 1 : i32
    %while3A_33 = scf.for %while3A_47 = %while3A to %while3A_31 step %while3A_32 iter_args(%while3A_48 = %while3A_25) -> (i32)  : i32 {
      %mul3A_49 = arith.constant 8 : i32
      %mul3A_50 = arith.muli %while3A_47, %mul3A_49 : i32
      %add3A_51 = arith.addi %select_n3A, %mul3A_50 : i32
      "tpu.region"() ({
        %run_scoped3A_321 = tpu.sem_alloc : memref<!tpu.dma_semaphore, #tpu.memory_space<semaphore_mem>>
        %dma_start3A_322 = arith.constant 0 : i32
        %dma_start3A_323 = tpu.memref_slice %arg4[%add3A_51, %dma_start3A_322] : memref<5120x64xi32, #tpu.memory_space<hbm>> -> memref<8x64xi32, #tpu.memory_space<hbm>>
        %dma_start3A_324 = arith.constant 0 : i32
        %dma_start3A_325 = tpu.memref_slice %arg4[%add3A_51, %dma_start3A_324] : memref<5120x64xi32, #tpu.memory_space<hbm>> -> memref<8x64xi32, #tpu.memory_space<hbm>>
        tpu.enqueue_dma source(%dma_start3A_325 : memref<8x64xi32, #tpu.memory_space<hbm>>) target(%arg7 : memref<8x64xi32, #tpu.memory_space<vmem>>) target_semaphore(%run_scoped3A_321 : memref<!tpu.dma_semaphore, #tpu.memory_space<semaphore_mem>>)
        %dma_wait3A_326 = arith.constant 0 : i32
        %dma_wait3A_327 = tpu.memref_slice %arg4[%add3A_51, %dma_wait3A_326] : memref<5120x64xi32, #tpu.memory_space<hbm>> -> memref<8x64xi32, #tpu.memory_space<hbm>>
        %dma_wait3A_328 = arith.constant 0 : i32
        %dma_wait3A_329 = tpu.memref_slice %arg4[%add3A_51, %dma_wait3A_328] : memref<5120x64xi32, #tpu.memory_space<hbm>> -> memref<8x64xi32, #tpu.memory_space<hbm>>
        tpu.wait_dma2 semaphore(%run_scoped3A_321 : memref<!tpu.dma_semaphore, #tpu.memory_space<semaphore_mem>>) src(%dma_wait3A_329 : memref<8x64xi32, #tpu.memory_space<hbm>>) dst(%arg7 : memref<8x64xi32, #tpu.memory_space<vmem>>)
        tpu.yield
      }) : () -> ()
      "tpu.region"() ({
        %run_scoped3A_321 = tpu.sem_alloc : memref<!tpu.dma_semaphore, #tpu.memory_space<semaphore_mem>>
        %dma_start3A_322 = arith.constant 0 : i32
        %dma_start3A_323 = tpu.memref_slice %arg5[%add3A_51, %dma_start3A_322] : memref<5120x64xi32, #tpu.memory_space<hbm>> -> memref<8x64xi32, #tpu.memory_space<hbm>>
        %dma_start3A_324 = arith.constant 0 : i32
        %dma_start3A_325 = tpu.memref_slice %arg5[%add3A_51, %dma_start3A_324] : memref<5120x64xi32, #tpu.memory_space<hbm>> -> memref<8x64xi32, #tpu.memory_space<hbm>>
        tpu.enqueue_dma source(%dma_start3A_325 : memref<8x64xi32, #tpu.memory_space<hbm>>) target(%arg8 : memref<8x64xi32, #tpu.memory_space<vmem>>) target_semaphore(%run_scoped3A_321 : memref<!tpu.dma_semaphore, #tpu.memory_space<semaphore_mem>>)
        %dma_wait3A_326 = arith.constant 0 : i32
        %dma_wait3A_327 = tpu.memref_slice %arg5[%add3A_51, %dma_wait3A_326] : memref<5120x64xi32, #tpu.memory_space<hbm>> -> memref<8x64xi32, #tpu.memory_space<hbm>>
        %dma_wait3A_328 = arith.constant 0 : i32
        %dma_wait3A_329 = tpu.memref_slice %arg5[%add3A_51, %dma_wait3A_328] : memref<5120x64xi32, #tpu.memory_space<hbm>> -> memref<8x64xi32, #tpu.memory_space<hbm>>
        tpu.wait_dma2 semaphore(%run_scoped3A_321 : memref<!tpu.dma_semaphore, #tpu.memory_space<semaphore_mem>>) src(%dma_wait3A_329 : memref<8x64xi32, #tpu.memory_space<hbm>>) dst(%arg8 : memref<8x64xi32, #tpu.memory_space<vmem>>)
        tpu.yield
      }) : () -> ()
      %dma_start3A = arith.constant 0 : i32
      %dma_start3A_52 = arith.constant 0 : i32
      %dma_start3A_53 = tpu.memref_slice %arg7[%dma_start3A, %dma_start3A_52] : memref<8x64xi32, #tpu.memory_space<vmem>> -> memref<1x64xi32, #tpu.memory_space<vmem>>
      %dma_start3A_54 = tpu.memref_squeeze %dma_start3A_53 : memref<1x64xi32, #tpu.memory_space<vmem>> -> memref<64xi32, #tpu.memory_space<vmem>>
      %dma_start3A_55 = arith.constant 0 : i32
      %dma_start3A_56 = arith.constant 0 : i32
      %dma_start3A_57 = tpu.memref_slice %arg2[%dma_start3A_55, %dma_start3A_56] : memref<10008x128xf32, #tpu.memory_space<hbm>> -> memref<10008x128xf32, #tpu.memory_space<hbm>>
      tpu.enqueue_indirect_dma source(%dma_start3A_57 : memref<10008x128xf32, #tpu.memory_space<hbm>>) target(%arg9 : memref<64x128xf32, #tpu.memory_space<vmem>>) offsets(%dma_start3A_54 : memref<64xi32, #tpu.memory_space<vmem>>) semaphore(%arg15 : memref<!tpu.dma_semaphore, #tpu.memory_space<semaphore_mem>>)
      %dma_start3A_58 = arith.constant 0 : i32
      %dma_start3A_59 = arith.constant 0 : i32
      %dma_start3A_60 = tpu.memref_slice %arg8[%dma_start3A_58, %dma_start3A_59] : memref<8x64xi32, #tpu.memory_space<vmem>> -> memref<1x64xi32, #tpu.memory_space<vmem>>
      %dma_start3A_61 = tpu.memref_squeeze %dma_start3A_60 : memref<1x64xi32, #tpu.memory_space<vmem>> -> memref<64xi32, #tpu.memory_space<vmem>>
      %dma_start3A_62 = arith.constant 0 : i32
      %dma_start3A_63 = arith.constant 0 : i32
      %dma_start3A_64 = tpu.memref_slice %arg3[%dma_start3A_62, %dma_start3A_63] : memref<10008x128xi32, #tpu.memory_space<hbm>> -> memref<10008x128xi32, #tpu.memory_space<hbm>>
      tpu.enqueue_indirect_dma source(%dma_start3A_64 : memref<10008x128xi32, #tpu.memory_space<hbm>>) target(%arg11 : memref<64x128xi32, #tpu.memory_space<vmem>>) offsets(%dma_start3A_61 : memref<64xi32, #tpu.memory_space<vmem>>) semaphore(%arg17 : memref<!tpu.dma_semaphore, #tpu.memory_space<semaphore_mem>>)
      %dma_wait3A = arith.constant 0 : i32
      %dma_wait3A_65 = arith.constant 0 : i32
      %dma_wait3A_66 = tpu.memref_slice %arg7[%dma_wait3A, %dma_wait3A_65] : memref<8x64xi32, #tpu.memory_space<vmem>> -> memref<1x64xi32, #tpu.memory_space<vmem>>
      %dma_wait3A_67 = tpu.memref_squeeze %dma_wait3A_66 : memref<1x64xi32, #tpu.memory_space<vmem>> -> memref<64xi32, #tpu.memory_space<vmem>>
      %dma_wait3A_68 = arith.constant 0 : i32
      %dma_wait3A_69 = arith.constant 0 : i32
      %dma_wait3A_70 = tpu.memref_slice %arg2[%dma_wait3A_68, %dma_wait3A_69] : memref<10008x128xf32, #tpu.memory_space<hbm>> -> memref<10008x128xf32, #tpu.memory_space<hbm>>
      tpu.wait_indirect_dma semaphore(%arg15 : memref<!tpu.dma_semaphore, #tpu.memory_space<semaphore_mem>>) src(%dma_wait3A_70 : memref<10008x128xf32, #tpu.memory_space<hbm>>) dst(%arg9 : memref<64x128xf32, #tpu.memory_space<vmem>>)
      %dma_wait3A_71 = arith.constant 0 : i32
      %dma_wait3A_72 = arith.constant 0 : i32
      %dma_wait3A_73 = tpu.memref_slice %arg8[%dma_wait3A_71, %dma_wait3A_72] : memref<8x64xi32, #tpu.memory_space<vmem>> -> memref<1x64xi32, #tpu.memory_space<vmem>>
      %dma_wait3A_74 = tpu.memref_squeeze %dma_wait3A_73 : memref<1x64xi32, #tpu.memory_space<vmem>> -> memref<64xi32, #tpu.memory_space<vmem>>
      %dma_wait3A_75 = arith.constant 0 : i32
      %dma_wait3A_76 = arith.constant 0 : i32
      %dma_wait3A_77 = tpu.memref_slice %arg3[%dma_wait3A_75, %dma_wait3A_76] : memref<10008x128xi32, #tpu.memory_space<hbm>> -> memref<10008x128xi32, #tpu.memory_space<hbm>>
      tpu.wait_indirect_dma semaphore(%arg17 : memref<!tpu.dma_semaphore, #tpu.memory_space<semaphore_mem>>) src(%dma_wait3A_77 : memref<10008x128xi32, #tpu.memory_space<hbm>>) dst(%arg11 : memref<64x128xi32, #tpu.memory_space<vmem>>)
      %dma_start3A_78 = arith.constant 1 : i32
      %dma_start3A_79 = arith.constant 0 : i32
      %dma_start3A_80 = tpu.memref_slice %arg7[%dma_start3A_78, %dma_start3A_79] : memref<8x64xi32, #tpu.memory_space<vmem>> -> memref<1x64xi32, #tpu.memory_space<vmem>>
      %dma_start3A_81 = tpu.memref_squeeze %dma_start3A_80 : memref<1x64xi32, #tpu.memory_space<vmem>> -> memref<64xi32, #tpu.memory_space<vmem>>
      %dma_start3A_82 = arith.constant 0 : i32
      %dma_start3A_83 = arith.constant 0 : i32
      %dma_start3A_84 = tpu.memref_slice %arg2[%dma_start3A_82, %dma_start3A_83] : memref<10008x128xf32, #tpu.memory_space<hbm>> -> memref<10008x128xf32, #tpu.memory_space<hbm>>
      tpu.enqueue_indirect_dma source(%dma_start3A_84 : memref<10008x128xf32, #tpu.memory_space<hbm>>) target(%arg10 : memref<64x128xf32, #tpu.memory_space<vmem>>) offsets(%dma_start3A_81 : memref<64xi32, #tpu.memory_space<vmem>>) semaphore(%arg16 : memref<!tpu.dma_semaphore, #tpu.memory_space<semaphore_mem>>)
      %dma_start3A_85 = arith.constant 1 : i32
      %dma_start3A_86 = arith.constant 0 : i32
      %dma_start3A_87 = tpu.memref_slice %arg8[%dma_start3A_85, %dma_start3A_86] : memref<8x64xi32, #tpu.memory_space<vmem>> -> memref<1x64xi32, #tpu.memory_space<vmem>>
      %dma_start3A_88 = tpu.memref_squeeze %dma_start3A_87 : memref<1x64xi32, #tpu.memory_space<vmem>> -> memref<64xi32, #tpu.memory_space<vmem>>
      %dma_start3A_89 = arith.constant 0 : i32
      %dma_start3A_90 = arith.constant 0 : i32
      %dma_start3A_91 = tpu.memref_slice %arg3[%dma_start3A_89, %dma_start3A_90] : memref<10008x128xi32, #tpu.memory_space<hbm>> -> memref<10008x128xi32, #tpu.memory_space<hbm>>
      tpu.enqueue_indirect_dma source(%dma_start3A_91 : memref<10008x128xi32, #tpu.memory_space<hbm>>) target(%arg12 : memref<64x128xi32, #tpu.memory_space<vmem>>) offsets(%dma_start3A_88 : memref<64xi32, #tpu.memory_space<vmem>>) semaphore(%arg18 : memref<!tpu.dma_semaphore, #tpu.memory_space<semaphore_mem>>)
      %broadcast_in_dim3A_92 = arith.constant -65536 : i32
      %broadcast_in_dim3A_93 = vector.broadcast %broadcast_in_dim3A_92 : i32 to vector<16xi32>
      %parallel_loop3A = arith.constant 0 : i32
      %parallel_loop3A_94 = arith.constant 512 : i32
      %parallel_loop3A_95 = arith.constant 1 : i32
      scf.for %parallel_loop3A_321 = %parallel_loop3A to %parallel_loop3A_94 step %parallel_loop3A_95  : i32 {
        %parallel_loop3A_322 = arith.constant 8 : i32
        %parallel_loop3A_323 = arith.divsi %parallel_loop3A_321, %parallel_loop3A_322 : i32
        %parallel_loop3A_324 = arith.constant 0 : i32
        %parallel_loop3A_325 = arith.cmpi sgt, %parallel_loop3A_321, %parallel_loop3A_324 : i32
        %parallel_loop3A_326 = arith.extui %parallel_loop3A_325 : i1 to i32
        %parallel_loop3A_327 = arith.constant 0 : i32
        %parallel_loop3A_328 = arith.cmpi slt, %parallel_loop3A_321, %parallel_loop3A_327 : i32
        %parallel_loop3A_329 = arith.extui %parallel_loop3A_328 : i1 to i32
        %parallel_loop3A_330 = arith.subi %parallel_loop3A_326, %parallel_loop3A_329 : i32
        %parallel_loop3A_331 = arith.constant 0 : i32
        %parallel_loop3A_332 = arith.cmpi sgt, %parallel_loop3A_322, %parallel_loop3A_331 : i32
        %parallel_loop3A_333 = arith.extui %parallel_loop3A_332 : i1 to i32
        %parallel_loop3A_334 = arith.constant 0 : i32
        %parallel_loop3A_335 = arith.cmpi slt, %parallel_loop3A_322, %parallel_loop3A_334 : i32
        %parallel_loop3A_336 = arith.extui %parallel_loop3A_335 : i1 to i32
        %parallel_loop3A_337 = arith.subi %parallel_loop3A_333, %parallel_loop3A_336 : i32
        %parallel_loop3A_338 = arith.cmpi ne, %parallel_loop3A_330, %parallel_loop3A_337 : i32
        %parallel_loop3A_339 = arith.remsi %parallel_loop3A_321, %parallel_loop3A_322 : i32
        %parallel_loop3A_340 = arith.constant 0 : i32
        %parallel_loop3A_341 = arith.cmpi ne, %parallel_loop3A_339, %parallel_loop3A_340 : i32
        %parallel_loop3A_342 = arith.andi %parallel_loop3A_338, %parallel_loop3A_341 : i1
        %parallel_loop3A_343 = arith.constant 1 : i32
        %parallel_loop3A_344 = arith.subi %parallel_loop3A_323, %parallel_loop3A_343 : i32
        %parallel_loop3A_345 = arith.select %parallel_loop3A_342, %parallel_loop3A_344, %parallel_loop3A_323 : i32
        %parallel_loop3A_346 = arith.constant 8 : i32
        %parallel_loop3A_347 = arith.constant 0 : i32
        %parallel_loop3A_348 = arith.cmpi eq, %parallel_loop3A_346, %parallel_loop3A_347 : i32
        %parallel_loop3A_349 = arith.constant 1 : i32
        %parallel_loop3A_350 = arith.select %parallel_loop3A_348, %parallel_loop3A_349, %parallel_loop3A_346 : i32
        %parallel_loop3A_351 = arith.remsi %parallel_loop3A_321, %parallel_loop3A_350 : i32
        %parallel_loop3A_352 = arith.constant 0 : i32
        %parallel_loop3A_353 = arith.cmpi ne, %parallel_loop3A_351, %parallel_loop3A_352 : i32
        %parallel_loop3A_354 = arith.constant 0 : i32
        %parallel_loop3A_355 = arith.cmpi slt, %parallel_loop3A_351, %parallel_loop3A_354 : i32
        %parallel_loop3A_356 = arith.constant 0 : i32
        %parallel_loop3A_357 = arith.cmpi slt, %parallel_loop3A_350, %parallel_loop3A_356 : i32
        %parallel_loop3A_358 = arith.xori %parallel_loop3A_355, %parallel_loop3A_357 : i1
        %parallel_loop3A_359 = arith.andi %parallel_loop3A_358, %parallel_loop3A_353 : i1
        %parallel_loop3A_360 = arith.addi %parallel_loop3A_351, %parallel_loop3A_350 : i32
        %parallel_loop3A_361 = arith.select %parallel_loop3A_359, %parallel_loop3A_360, %parallel_loop3A_351 : i32
        %parallel_loop3A_362 = arith.constant 16 : i32
        %parallel_loop3A_363 = arith.muli %parallel_loop3A_361, %parallel_loop3A_362 : i32
        %parallel_loop3A_364 = arith.index_cast %parallel_loop3A_345 : i32 to index
        %parallel_loop3A_365 = arith.index_cast %parallel_loop3A_363 : i32 to index
        %parallel_loop3A_366 = tpu.vector_load %arg11[%parallel_loop3A_364, %parallel_loop3A_365] {strides = array<i32>} : memref<64x128xi32, #tpu.memory_space<vmem>>, vector<1x16xi32>,
        %parallel_loop3A_367 = vector.shape_cast %parallel_loop3A_366 : vector<1x16xi32> to vector<16xi32>
        %parallel_loop3A_368 = arith.constant 16 : i32
        %parallel_loop3A_369 = vector.broadcast %parallel_loop3A_368 : i32 to vector<16xi32>
        %parallel_loop3A_370 = arith.shli %parallel_loop3A_367, %parallel_loop3A_369 : vector<16xi32>
        %parallel_loop3A_371 = tpu.bitcast %parallel_loop3A_370 : vector<16xi32> -> vector<16xf32>
        %parallel_loop3A_372 = arith.andi %parallel_loop3A_367, %broadcast_in_dim3A_93 : vector<16xi32>
        %parallel_loop3A_373 = tpu.bitcast %parallel_loop3A_372 : vector<16xi32> -> vector<16xf32>
        %parallel_loop3A_374 = arith.index_cast %parallel_loop3A_345 : i32 to index
        %parallel_loop3A_375 = arith.index_cast %parallel_loop3A_363 : i32 to index
        %parallel_loop3A_376 = tpu.vector_load %arg9[%parallel_loop3A_374, %parallel_loop3A_375] {strides = array<i32>} : memref<64x128xf32, #tpu.memory_space<vmem>>, vector<1x16xf32>,
        %parallel_loop3A_377 = vector.shape_cast %parallel_loop3A_376 : vector<1x16xf32> to vector<16xf32>
        %parallel_loop3A_378 = arith.addf %parallel_loop3A_377, %parallel_loop3A_371 : vector<16xf32>
        %parallel_loop3A_379 = arith.constant 0.000000e+00 : f32
        %parallel_loop3A_380 = vector.broadcast %parallel_loop3A_379 : f32 to vector<16xf32>
        %parallel_loop3A_381 = arith.subf %parallel_loop3A_380, %parallel_loop3A_378 : vector<16xf32>
        %parallel_loop3A_382 = math.exp %parallel_loop3A_381 : vector<16xf32>
        %parallel_loop3A_383 = arith.constant 1.000000e+00 : f32
        %parallel_loop3A_384 = vector.broadcast %parallel_loop3A_383 : f32 to vector<16xf32>
        %parallel_loop3A_385 = arith.addf %parallel_loop3A_384, %parallel_loop3A_382 : vector<16xf32>
        %parallel_loop3A_386 = arith.constant 1.000000e+00 : f32
        %parallel_loop3A_387 = vector.broadcast %parallel_loop3A_386 : f32 to vector<16xf32>
        %parallel_loop3A_388 = arith.divf %parallel_loop3A_387, %parallel_loop3A_385 : vector<16xf32>
        %parallel_loop3A_389 = arith.mulf %parallel_loop3A_388, %parallel_loop3A_373 : vector<16xf32>
        %parallel_loop3A_390 = arith.index_cast %parallel_loop3A_345 : i32 to index
        %parallel_loop3A_391 = arith.index_cast %parallel_loop3A_363 : i32 to index
        %parallel_loop3A_392 = tpu.vector_load %arg13[%parallel_loop3A_390, %parallel_loop3A_391] {strides = array<i32>} : memref<64x128xf32, #tpu.memory_space<vmem>>, vector<1x16xf32>,
        %parallel_loop3A_393 = vector.shape_cast %parallel_loop3A_392 : vector<1x16xf32> to vector<16xf32>
        %parallel_loop3A_394 = vector.shape_cast %parallel_loop3A_389 : vector<16xf32> to vector<1x16xf32>
        tpu.vector_store %arg13[%parallel_loop3A_390, %parallel_loop3A_391], %parallel_loop3A_394 {strides = array<i32>} : memref<64x128xf32, #tpu.memory_space<vmem>>, vector<1x16xf32>,
      } {sc.loop_unroll_factor = 8 : i64, sc.parallel_access}
      %run_scoped3A = arith.constant 0 : i32
      "tpu.region"() ({
        %run_scoped3A_321 = tpu.sem_alloc : memref<!tpu.dma_semaphore, #tpu.memory_space<semaphore_mem>>
        %dma_start3A_322 = arith.constant 0 : i32
        %dma_start3A_323 = tpu.memref_slice %arg7[%run_scoped3A, %dma_start3A_322] : memref<8x64xi32, #tpu.memory_space<vmem>> -> memref<1x64xi32, #tpu.memory_space<vmem>>
        %dma_start3A_324 = tpu.memref_squeeze %dma_start3A_323 : memref<1x64xi32, #tpu.memory_space<vmem>> -> memref<64xi32, #tpu.memory_space<vmem>>
        %dma_start3A_325 = arith.constant 0 : i32
        %dma_start3A_326 = arith.constant 0 : i32
        %dma_start3A_327 = tpu.memref_slice %arg14[%dma_start3A_325, %dma_start3A_326] : memref<10008x128xf32, #tpu.memory_space<vmem_shared>> -> memref<10008x128xf32, #tpu.memory_space<vmem_shared>>
        tpu.enqueue_indirect_dma source(%arg13 : memref<64x128xf32, #tpu.memory_space<vmem>>) target(%dma_start3A_327 : memref<10008x128xf32, #tpu.memory_space<vmem_shared>>) offsets(%dma_start3A_324 : memref<64xi32, #tpu.memory_space<vmem>>) semaphore(%run_scoped3A_321 : memref<!tpu.dma_semaphore, #tpu.memory_space<semaphore_mem>>) {add = true}
        %dma_wait3A_328 = arith.constant 0 : i32
        %dma_wait3A_329 = tpu.memref_slice %arg7[%run_scoped3A, %dma_wait3A_328] : memref<8x64xi32, #tpu.memory_space<vmem>> -> memref<1x64xi32, #tpu.memory_space<vmem>>
        %dma_wait3A_330 = tpu.memref_squeeze %dma_wait3A_329 : memref<1x64xi32, #tpu.memory_space<vmem>> -> memref<64xi32, #tpu.memory_space<vmem>>
        %dma_wait3A_331 = arith.constant 0 : i32
        %dma_wait3A_332 = arith.constant 0 : i32
        %dma_wait3A_333 = tpu.memref_slice %arg14[%dma_wait3A_331, %dma_wait3A_332] : memref<10008x128xf32, #tpu.memory_space<vmem_shared>> -> memref<10008x128xf32, #tpu.memory_space<vmem_shared>>
        tpu.wait_indirect_dma semaphore(%run_scoped3A_321 : memref<!tpu.dma_semaphore, #tpu.memory_space<semaphore_mem>>) src(%arg13 : memref<64x128xf32, #tpu.memory_space<vmem>>) dst(%dma_wait3A_333 : memref<10008x128xf32, #tpu.memory_space<vmem_shared>>)
        tpu.yield
      }) : () -> ()
      %dma_wait3A_96 = arith.constant 1 : i32
      %dma_wait3A_97 = arith.constant 0 : i32
      %dma_wait3A_98 = tpu.memref_slice %arg7[%dma_wait3A_96, %dma_wait3A_97] : memref<8x64xi32, #tpu.memory_space<vmem>> -> memref<1x64xi32, #tpu.memory_space<vmem>>
      %dma_wait3A_99 = tpu.memref_squeeze %dma_wait3A_98 : memref<1x64xi32, #tpu.memory_space<vmem>> -> memref<64xi32, #tpu.memory_space<vmem>>
      %dma_wait3A_100 = arith.constant 0 : i32
      %dma_wait3A_101 = arith.constant 0 : i32
      %dma_wait3A_102 = tpu.memref_slice %arg2[%dma_wait3A_100, %dma_wait3A_101] : memref<10008x128xf32, #tpu.memory_space<hbm>> -> memref<10008x128xf32, #tpu.memory_space<hbm>>
      tpu.wait_indirect_dma semaphore(%arg16 : memref<!tpu.dma_semaphore, #tpu.memory_space<semaphore_mem>>) src(%dma_wait3A_102 : memref<10008x128xf32, #tpu.memory_space<hbm>>) dst(%arg10 : memref<64x128xf32, #tpu.memory_space<vmem>>)
      %dma_wait3A_103 = arith.constant 1 : i32
      %dma_wait3A_104 = arith.constant 0 : i32
      %dma_wait3A_105 = tpu.memref_slice %arg8[%dma_wait3A_103, %dma_wait3A_104] : memref<8x64xi32, #tpu.memory_space<vmem>> -> memref<1x64xi32, #tpu.memory_space<vmem>>
      %dma_wait3A_106 = tpu.memref_squeeze %dma_wait3A_105 : memref<1x64xi32, #tpu.memory_space<vmem>> -> memref<64xi32, #tpu.memory_space<vmem>>
      %dma_wait3A_107 = arith.constant 0 : i32
      %dma_wait3A_108 = arith.constant 0 : i32
      %dma_wait3A_109 = tpu.memref_slice %arg3[%dma_wait3A_107, %dma_wait3A_108] : memref<10008x128xi32, #tpu.memory_space<hbm>> -> memref<10008x128xi32, #tpu.memory_space<hbm>>
      tpu.wait_indirect_dma semaphore(%arg18 : memref<!tpu.dma_semaphore, #tpu.memory_space<semaphore_mem>>) src(%dma_wait3A_109 : memref<10008x128xi32, #tpu.memory_space<hbm>>) dst(%arg12 : memref<64x128xi32, #tpu.memory_space<vmem>>)
      %dma_start3A_110 = arith.constant 2 : i32
      %dma_start3A_111 = arith.constant 0 : i32
      %dma_start3A_112 = tpu.memref_slice %arg7[%dma_start3A_110, %dma_start3A_111] : memref<8x64xi32, #tpu.memory_space<vmem>> -> memref<1x64xi32, #tpu.memory_space<vmem>>
      %dma_start3A_113 = tpu.memref_squeeze %dma_start3A_112 : memref<1x64xi32, #tpu.memory_space<vmem>> -> memref<64xi32, #tpu.memory_space<vmem>>
      %dma_start3A_114 = arith.constant 0 : i32
      %dma_start3A_115 = arith.constant 0 : i32
      %dma_start3A_116 = tpu.memref_slice %arg2[%dma_start3A_114, %dma_start3A_115] : memref<10008x128xf32, #tpu.memory_space<hbm>> -> memref<10008x128xf32, #tpu.memory_space<hbm>>
      tpu.enqueue_indirect_dma source(%dma_start3A_116 : memref<10008x128xf32, #tpu.memory_space<hbm>>) target(%arg9 : memref<64x128xf32, #tpu.memory_space<vmem>>) offsets(%dma_start3A_113 : memref<64xi32, #tpu.memory_space<vmem>>) semaphore(%arg15 : memref<!tpu.dma_semaphore, #tpu.memory_space<semaphore_mem>>)
      %dma_start3A_117 = arith.constant 2 : i32
      %dma_start3A_118 = arith.constant 0 : i32
      %dma_start3A_119 = tpu.memref_slice %arg8[%dma_start3A_117, %dma_start3A_118] : memref<8x64xi32, #tpu.memory_space<vmem>> -> memref<1x64xi32, #tpu.memory_space<vmem>>
      %dma_start3A_120 = tpu.memref_squeeze %dma_start3A_119 : memref<1x64xi32, #tpu.memory_space<vmem>> -> memref<64xi32, #tpu.memory_space<vmem>>
      %dma_start3A_121 = arith.constant 0 : i32
      %dma_start3A_122 = arith.constant 0 : i32
      %dma_start3A_123 = tpu.memref_slice %arg3[%dma_start3A_121, %dma_start3A_122] : memref<10008x128xi32, #tpu.memory_space<hbm>> -> memref<10008x128xi32, #tpu.memory_space<hbm>>
      tpu.enqueue_indirect_dma source(%dma_start3A_123 : memref<10008x128xi32, #tpu.memory_space<hbm>>) target(%arg11 : memref<64x128xi32, #tpu.memory_space<vmem>>) offsets(%dma_start3A_120 : memref<64xi32, #tpu.memory_space<vmem>>) semaphore(%arg17 : memref<!tpu.dma_semaphore, #tpu.memory_space<semaphore_mem>>)
      %broadcast_in_dim3A_124 = arith.constant -65536 : i32
      %broadcast_in_dim3A_125 = vector.broadcast %broadcast_in_dim3A_124 : i32 to vector<16xi32>
      %parallel_loop3A_126 = arith.constant 0 : i32
      %parallel_loop3A_127 = arith.constant 512 : i32
      %parallel_loop3A_128 = arith.constant 1 : i32
      scf.for %parallel_loop3A_321 = %parallel_loop3A_126 to %parallel_loop3A_127 step %parallel_loop3A_128  : i32 {
        %parallel_loop3A_322 = arith.constant 8 : i32
        %parallel_loop3A_323 = arith.divsi %parallel_loop3A_321, %parallel_loop3A_322 : i32
        %parallel_loop3A_324 = arith.constant 0 : i32
        %parallel_loop3A_325 = arith.cmpi sgt, %parallel_loop3A_321, %parallel_loop3A_324 : i32
        %parallel_loop3A_326 = arith.extui %parallel_loop3A_325 : i1 to i32
        %parallel_loop3A_327 = arith.constant 0 : i32
        %parallel_loop3A_328 = arith.cmpi slt, %parallel_loop3A_321, %parallel_loop3A_327 : i32
        %parallel_loop3A_329 = arith.extui %parallel_loop3A_328 : i1 to i32
        %parallel_loop3A_330 = arith.subi %parallel_loop3A_326, %parallel_loop3A_329 : i32
        %parallel_loop3A_331 = arith.constant 0 : i32
        %parallel_loop3A_332 = arith.cmpi sgt, %parallel_loop3A_322, %parallel_loop3A_331 : i32
        %parallel_loop3A_333 = arith.extui %parallel_loop3A_332 : i1 to i32
        %parallel_loop3A_334 = arith.constant 0 : i32
        %parallel_loop3A_335 = arith.cmpi slt, %parallel_loop3A_322, %parallel_loop3A_334 : i32
        %parallel_loop3A_336 = arith.extui %parallel_loop3A_335 : i1 to i32
        %parallel_loop3A_337 = arith.subi %parallel_loop3A_333, %parallel_loop3A_336 : i32
        %parallel_loop3A_338 = arith.cmpi ne, %parallel_loop3A_330, %parallel_loop3A_337 : i32
        %parallel_loop3A_339 = arith.remsi %parallel_loop3A_321, %parallel_loop3A_322 : i32
        %parallel_loop3A_340 = arith.constant 0 : i32
        %parallel_loop3A_341 = arith.cmpi ne, %parallel_loop3A_339, %parallel_loop3A_340 : i32
        %parallel_loop3A_342 = arith.andi %parallel_loop3A_338, %parallel_loop3A_341 : i1
        %parallel_loop3A_343 = arith.constant 1 : i32
        %parallel_loop3A_344 = arith.subi %parallel_loop3A_323, %parallel_loop3A_343 : i32
        %parallel_loop3A_345 = arith.select %parallel_loop3A_342, %parallel_loop3A_344, %parallel_loop3A_323 : i32
        %parallel_loop3A_346 = arith.constant 8 : i32
        %parallel_loop3A_347 = arith.constant 0 : i32
        %parallel_loop3A_348 = arith.cmpi eq, %parallel_loop3A_346, %parallel_loop3A_347 : i32
        %parallel_loop3A_349 = arith.constant 1 : i32
        %parallel_loop3A_350 = arith.select %parallel_loop3A_348, %parallel_loop3A_349, %parallel_loop3A_346 : i32
        %parallel_loop3A_351 = arith.remsi %parallel_loop3A_321, %parallel_loop3A_350 : i32
        %parallel_loop3A_352 = arith.constant 0 : i32
        %parallel_loop3A_353 = arith.cmpi ne, %parallel_loop3A_351, %parallel_loop3A_352 : i32
        %parallel_loop3A_354 = arith.constant 0 : i32
        %parallel_loop3A_355 = arith.cmpi slt, %parallel_loop3A_351, %parallel_loop3A_354 : i32
        %parallel_loop3A_356 = arith.constant 0 : i32
        %parallel_loop3A_357 = arith.cmpi slt, %parallel_loop3A_350, %parallel_loop3A_356 : i32
        %parallel_loop3A_358 = arith.xori %parallel_loop3A_355, %parallel_loop3A_357 : i1
        %parallel_loop3A_359 = arith.andi %parallel_loop3A_358, %parallel_loop3A_353 : i1
        %parallel_loop3A_360 = arith.addi %parallel_loop3A_351, %parallel_loop3A_350 : i32
        %parallel_loop3A_361 = arith.select %parallel_loop3A_359, %parallel_loop3A_360, %parallel_loop3A_351 : i32
        %parallel_loop3A_362 = arith.constant 16 : i32
        %parallel_loop3A_363 = arith.muli %parallel_loop3A_361, %parallel_loop3A_362 : i32
        %parallel_loop3A_364 = arith.index_cast %parallel_loop3A_345 : i32 to index
        %parallel_loop3A_365 = arith.index_cast %parallel_loop3A_363 : i32 to index
        %parallel_loop3A_366 = tpu.vector_load %arg12[%parallel_loop3A_364, %parallel_loop3A_365] {strides = array<i32>} : memref<64x128xi32, #tpu.memory_space<vmem>>, vector<1x16xi32>,
        %parallel_loop3A_367 = vector.shape_cast %parallel_loop3A_366 : vector<1x16xi32> to vector<16xi32>
        %parallel_loop3A_368 = arith.constant 16 : i32
        %parallel_loop3A_369 = vector.broadcast %parallel_loop3A_368 : i32 to vector<16xi32>
        %parallel_loop3A_370 = arith.shli %parallel_loop3A_367, %parallel_loop3A_369 : vector<16xi32>
        %parallel_loop3A_371 = tpu.bitcast %parallel_loop3A_370 : vector<16xi32> -> vector<16xf32>
        %parallel_loop3A_372 = arith.andi %parallel_loop3A_367, %broadcast_in_dim3A_125 : vector<16xi32>
        %parallel_loop3A_373 = tpu.bitcast %parallel_loop3A_372 : vector<16xi32> -> vector<16xf32>
        %parallel_loop3A_374 = arith.index_cast %parallel_loop3A_345 : i32 to index
        %parallel_loop3A_375 = arith.index_cast %parallel_loop3A_363 : i32 to index
        %parallel_loop3A_376 = tpu.vector_load %arg10[%parallel_loop3A_374, %parallel_loop3A_375] {strides = array<i32>} : memref<64x128xf32, #tpu.memory_space<vmem>>, vector<1x16xf32>,
        %parallel_loop3A_377 = vector.shape_cast %parallel_loop3A_376 : vector<1x16xf32> to vector<16xf32>
        %parallel_loop3A_378 = arith.addf %parallel_loop3A_377, %parallel_loop3A_371 : vector<16xf32>
        %parallel_loop3A_379 = arith.constant 0.000000e+00 : f32
        %parallel_loop3A_380 = vector.broadcast %parallel_loop3A_379 : f32 to vector<16xf32>
        %parallel_loop3A_381 = arith.subf %parallel_loop3A_380, %parallel_loop3A_378 : vector<16xf32>
        %parallel_loop3A_382 = math.exp %parallel_loop3A_381 : vector<16xf32>
        %parallel_loop3A_383 = arith.constant 1.000000e+00 : f32
        %parallel_loop3A_384 = vector.broadcast %parallel_loop3A_383 : f32 to vector<16xf32>
        %parallel_loop3A_385 = arith.addf %parallel_loop3A_384, %parallel_loop3A_382 : vector<16xf32>
        %parallel_loop3A_386 = arith.constant 1.000000e+00 : f32
        %parallel_loop3A_387 = vector.broadcast %parallel_loop3A_386 : f32 to vector<16xf32>
        %parallel_loop3A_388 = arith.divf %parallel_loop3A_387, %parallel_loop3A_385 : vector<16xf32>
        %parallel_loop3A_389 = arith.mulf %parallel_loop3A_388, %parallel_loop3A_373 : vector<16xf32>
        %parallel_loop3A_390 = arith.index_cast %parallel_loop3A_345 : i32 to index
        %parallel_loop3A_391 = arith.index_cast %parallel_loop3A_363 : i32 to index
        %parallel_loop3A_392 = tpu.vector_load %arg13[%parallel_loop3A_390, %parallel_loop3A_391] {strides = array<i32>} : memref<64x128xf32, #tpu.memory_space<vmem>>, vector<1x16xf32>,
        %parallel_loop3A_393 = vector.shape_cast %parallel_loop3A_392 : vector<1x16xf32> to vector<16xf32>
        %parallel_loop3A_394 = vector.shape_cast %parallel_loop3A_389 : vector<16xf32> to vector<1x16xf32>
        tpu.vector_store %arg13[%parallel_loop3A_390, %parallel_loop3A_391], %parallel_loop3A_394 {strides = array<i32>} : memref<64x128xf32, #tpu.memory_space<vmem>>, vector<1x16xf32>,
      } {sc.loop_unroll_factor = 8 : i64, sc.parallel_access}
      %run_scoped3A_129 = arith.constant 1 : i32
      "tpu.region"() ({
        %run_scoped3A_321 = tpu.sem_alloc : memref<!tpu.dma_semaphore, #tpu.memory_space<semaphore_mem>>
        %dma_start3A_322 = arith.constant 0 : i32
        %dma_start3A_323 = tpu.memref_slice %arg7[%run_scoped3A_129, %dma_start3A_322] : memref<8x64xi32, #tpu.memory_space<vmem>> -> memref<1x64xi32, #tpu.memory_space<vmem>>
        %dma_start3A_324 = tpu.memref_squeeze %dma_start3A_323 : memref<1x64xi32, #tpu.memory_space<vmem>> -> memref<64xi32, #tpu.memory_space<vmem>>
        %dma_start3A_325 = arith.constant 0 : i32
        %dma_start3A_326 = arith.constant 0 : i32
        %dma_start3A_327 = tpu.memref_slice %arg14[%dma_start3A_325, %dma_start3A_326] : memref<10008x128xf32, #tpu.memory_space<vmem_shared>> -> memref<10008x128xf32, #tpu.memory_space<vmem_shared>>
        tpu.enqueue_indirect_dma source(%arg13 : memref<64x128xf32, #tpu.memory_space<vmem>>) target(%dma_start3A_327 : memref<10008x128xf32, #tpu.memory_space<vmem_shared>>) offsets(%dma_start3A_324 : memref<64xi32, #tpu.memory_space<vmem>>) semaphore(%run_scoped3A_321 : memref<!tpu.dma_semaphore, #tpu.memory_space<semaphore_mem>>) {add = true}
        %dma_wait3A_328 = arith.constant 0 : i32
        %dma_wait3A_329 = tpu.memref_slice %arg7[%run_scoped3A_129, %dma_wait3A_328] : memref<8x64xi32, #tpu.memory_space<vmem>> -> memref<1x64xi32, #tpu.memory_space<vmem>>
        %dma_wait3A_330 = tpu.memref_squeeze %dma_wait3A_329 : memref<1x64xi32, #tpu.memory_space<vmem>> -> memref<64xi32, #tpu.memory_space<vmem>>
        %dma_wait3A_331 = arith.constant 0 : i32
        %dma_wait3A_332 = arith.constant 0 : i32
        %dma_wait3A_333 = tpu.memref_slice %arg14[%dma_wait3A_331, %dma_wait3A_332] : memref<10008x128xf32, #tpu.memory_space<vmem_shared>> -> memref<10008x128xf32, #tpu.memory_space<vmem_shared>>
        tpu.wait_indirect_dma semaphore(%run_scoped3A_321 : memref<!tpu.dma_semaphore, #tpu.memory_space<semaphore_mem>>) src(%arg13 : memref<64x128xf32, #tpu.memory_space<vmem>>) dst(%dma_wait3A_333 : memref<10008x128xf32, #tpu.memory_space<vmem_shared>>)
        tpu.yield
      }) : () -> ()
      %dma_wait3A_130 = arith.constant 2 : i32
      %dma_wait3A_131 = arith.constant 0 : i32
      %dma_wait3A_132 = tpu.memref_slice %arg7[%dma_wait3A_130, %dma_wait3A_131] : memref<8x64xi32, #tpu.memory_space<vmem>> -> memref<1x64xi32, #tpu.memory_space<vmem>>
      %dma_wait3A_133 = tpu.memref_squeeze %dma_wait3A_132 : memref<1x64xi32, #tpu.memory_space<vmem>> -> memref<64xi32, #tpu.memory_space<vmem>>
      %dma_wait3A_134 = arith.constant 0 : i32
      %dma_wait3A_135 = arith.constant 0 : i32
      %dma_wait3A_136 = tpu.memref_slice %arg2[%dma_wait3A_134, %dma_wait3A_135] : memref<10008x128xf32, #tpu.memory_space<hbm>> -> memref<10008x128xf32, #tpu.memory_space<hbm>>
      tpu.wait_indirect_dma semaphore(%arg15 : memref<!tpu.dma_semaphore, #tpu.memory_space<semaphore_mem>>) src(%dma_wait3A_136 : memref<10008x128xf32, #tpu.memory_space<hbm>>) dst(%arg9 : memref<64x128xf32, #tpu.memory_space<vmem>>)
      %dma_wait3A_137 = arith.constant 2 : i32
      %dma_wait3A_138 = arith.constant 0 : i32
      %dma_wait3A_139 = tpu.memref_slice %arg8[%dma_wait3A_137, %dma_wait3A_138] : memref<8x64xi32, #tpu.memory_space<vmem>> -> memref<1x64xi32, #tpu.memory_space<vmem>>
      %dma_wait3A_140 = tpu.memref_squeeze %dma_wait3A_139 : memref<1x64xi32, #tpu.memory_space<vmem>> -> memref<64xi32, #tpu.memory_space<vmem>>
      %dma_wait3A_141 = arith.constant 0 : i32
      %dma_wait3A_142 = arith.constant 0 : i32
      %dma_wait3A_143 = tpu.memref_slice %arg3[%dma_wait3A_141, %dma_wait3A_142] : memref<10008x128xi32, #tpu.memory_space<hbm>> -> memref<10008x128xi32, #tpu.memory_space<hbm>>
      tpu.wait_indirect_dma semaphore(%arg17 : memref<!tpu.dma_semaphore, #tpu.memory_space<semaphore_mem>>) src(%dma_wait3A_143 : memref<10008x128xi32, #tpu.memory_space<hbm>>) dst(%arg11 : memref<64x128xi32, #tpu.memory_space<vmem>>)
      %dma_start3A_144 = arith.constant 3 : i32
      %dma_start3A_145 = arith.constant 0 : i32
      %dma_start3A_146 = tpu.memref_slice %arg7[%dma_start3A_144, %dma_start3A_145] : memref<8x64xi32, #tpu.memory_space<vmem>> -> memref<1x64xi32, #tpu.memory_space<vmem>>
      %dma_start3A_147 = tpu.memref_squeeze %dma_start3A_146 : memref<1x64xi32, #tpu.memory_space<vmem>> -> memref<64xi32, #tpu.memory_space<vmem>>
      %dma_start3A_148 = arith.constant 0 : i32
      %dma_start3A_149 = arith.constant 0 : i32
      %dma_start3A_150 = tpu.memref_slice %arg2[%dma_start3A_148, %dma_start3A_149] : memref<10008x128xf32, #tpu.memory_space<hbm>> -> memref<10008x128xf32, #tpu.memory_space<hbm>>
      tpu.enqueue_indirect_dma source(%dma_start3A_150 : memref<10008x128xf32, #tpu.memory_space<hbm>>) target(%arg10 : memref<64x128xf32, #tpu.memory_space<vmem>>) offsets(%dma_start3A_147 : memref<64xi32, #tpu.memory_space<vmem>>) semaphore(%arg16 : memref<!tpu.dma_semaphore, #tpu.memory_space<semaphore_mem>>)
      %dma_start3A_151 = arith.constant 3 : i32
      %dma_start3A_152 = arith.constant 0 : i32
      %dma_start3A_153 = tpu.memref_slice %arg8[%dma_start3A_151, %dma_start3A_152] : memref<8x64xi32, #tpu.memory_space<vmem>> -> memref<1x64xi32, #tpu.memory_space<vmem>>
      %dma_start3A_154 = tpu.memref_squeeze %dma_start3A_153 : memref<1x64xi32, #tpu.memory_space<vmem>> -> memref<64xi32, #tpu.memory_space<vmem>>
      %dma_start3A_155 = arith.constant 0 : i32
      %dma_start3A_156 = arith.constant 0 : i32
      %dma_start3A_157 = tpu.memref_slice %arg3[%dma_start3A_155, %dma_start3A_156] : memref<10008x128xi32, #tpu.memory_space<hbm>> -> memref<10008x128xi32, #tpu.memory_space<hbm>>
      tpu.enqueue_indirect_dma source(%dma_start3A_157 : memref<10008x128xi32, #tpu.memory_space<hbm>>) target(%arg12 : memref<64x128xi32, #tpu.memory_space<vmem>>) offsets(%dma_start3A_154 : memref<64xi32, #tpu.memory_space<vmem>>) semaphore(%arg18 : memref<!tpu.dma_semaphore, #tpu.memory_space<semaphore_mem>>)
      %broadcast_in_dim3A_158 = arith.constant -65536 : i32
      %broadcast_in_dim3A_159 = vector.broadcast %broadcast_in_dim3A_158 : i32 to vector<16xi32>
      %parallel_loop3A_160 = arith.constant 0 : i32
      %parallel_loop3A_161 = arith.constant 512 : i32
      %parallel_loop3A_162 = arith.constant 1 : i32
      scf.for %parallel_loop3A_321 = %parallel_loop3A_160 to %parallel_loop3A_161 step %parallel_loop3A_162  : i32 {
        %parallel_loop3A_322 = arith.constant 8 : i32
        %parallel_loop3A_323 = arith.divsi %parallel_loop3A_321, %parallel_loop3A_322 : i32
        %parallel_loop3A_324 = arith.constant 0 : i32
        %parallel_loop3A_325 = arith.cmpi sgt, %parallel_loop3A_321, %parallel_loop3A_324 : i32
        %parallel_loop3A_326 = arith.extui %parallel_loop3A_325 : i1 to i32
        %parallel_loop3A_327 = arith.constant 0 : i32
        %parallel_loop3A_328 = arith.cmpi slt, %parallel_loop3A_321, %parallel_loop3A_327 : i32
        %parallel_loop3A_329 = arith.extui %parallel_loop3A_328 : i1 to i32
        %parallel_loop3A_330 = arith.subi %parallel_loop3A_326, %parallel_loop3A_329 : i32
        %parallel_loop3A_331 = arith.constant 0 : i32
        %parallel_loop3A_332 = arith.cmpi sgt, %parallel_loop3A_322, %parallel_loop3A_331 : i32
        %parallel_loop3A_333 = arith.extui %parallel_loop3A_332 : i1 to i32
        %parallel_loop3A_334 = arith.constant 0 : i32
        %parallel_loop3A_335 = arith.cmpi slt, %parallel_loop3A_322, %parallel_loop3A_334 : i32
        %parallel_loop3A_336 = arith.extui %parallel_loop3A_335 : i1 to i32
        %parallel_loop3A_337 = arith.subi %parallel_loop3A_333, %parallel_loop3A_336 : i32
        %parallel_loop3A_338 = arith.cmpi ne, %parallel_loop3A_330, %parallel_loop3A_337 : i32
        %parallel_loop3A_339 = arith.remsi %parallel_loop3A_321, %parallel_loop3A_322 : i32
        %parallel_loop3A_340 = arith.constant 0 : i32
        %parallel_loop3A_341 = arith.cmpi ne, %parallel_loop3A_339, %parallel_loop3A_340 : i32
        %parallel_loop3A_342 = arith.andi %parallel_loop3A_338, %parallel_loop3A_341 : i1
        %parallel_loop3A_343 = arith.constant 1 : i32
        %parallel_loop3A_344 = arith.subi %parallel_loop3A_323, %parallel_loop3A_343 : i32
        %parallel_loop3A_345 = arith.select %parallel_loop3A_342, %parallel_loop3A_344, %parallel_loop3A_323 : i32
        %parallel_loop3A_346 = arith.constant 8 : i32
        %parallel_loop3A_347 = arith.constant 0 : i32
        %parallel_loop3A_348 = arith.cmpi eq, %parallel_loop3A_346, %parallel_loop3A_347 : i32
        %parallel_loop3A_349 = arith.constant 1 : i32
        %parallel_loop3A_350 = arith.select %parallel_loop3A_348, %parallel_loop3A_349, %parallel_loop3A_346 : i32
        %parallel_loop3A_351 = arith.remsi %parallel_loop3A_321, %parallel_loop3A_350 : i32
        %parallel_loop3A_352 = arith.constant 0 : i32
        %parallel_loop3A_353 = arith.cmpi ne, %parallel_loop3A_351, %parallel_loop3A_352 : i32
        %parallel_loop3A_354 = arith.constant 0 : i32
        %parallel_loop3A_355 = arith.cmpi slt, %parallel_loop3A_351, %parallel_loop3A_354 : i32
        %parallel_loop3A_356 = arith.constant 0 : i32
        %parallel_loop3A_357 = arith.cmpi slt, %parallel_loop3A_350, %parallel_loop3A_356 : i32
        %parallel_loop3A_358 = arith.xori %parallel_loop3A_355, %parallel_loop3A_357 : i1
        %parallel_loop3A_359 = arith.andi %parallel_loop3A_358, %parallel_loop3A_353 : i1
        %parallel_loop3A_360 = arith.addi %parallel_loop3A_351, %parallel_loop3A_350 : i32
        %parallel_loop3A_361 = arith.select %parallel_loop3A_359, %parallel_loop3A_360, %parallel_loop3A_351 : i32
        %parallel_loop3A_362 = arith.constant 16 : i32
        %parallel_loop3A_363 = arith.muli %parallel_loop3A_361, %parallel_loop3A_362 : i32
        %parallel_loop3A_364 = arith.index_cast %parallel_loop3A_345 : i32 to index
        %parallel_loop3A_365 = arith.index_cast %parallel_loop3A_363 : i32 to index
        %parallel_loop3A_366 = tpu.vector_load %arg11[%parallel_loop3A_364, %parallel_loop3A_365] {strides = array<i32>} : memref<64x128xi32, #tpu.memory_space<vmem>>, vector<1x16xi32>,
        %parallel_loop3A_367 = vector.shape_cast %parallel_loop3A_366 : vector<1x16xi32> to vector<16xi32>
        %parallel_loop3A_368 = arith.constant 16 : i32
        %parallel_loop3A_369 = vector.broadcast %parallel_loop3A_368 : i32 to vector<16xi32>
        %parallel_loop3A_370 = arith.shli %parallel_loop3A_367, %parallel_loop3A_369 : vector<16xi32>
        %parallel_loop3A_371 = tpu.bitcast %parallel_loop3A_370 : vector<16xi32> -> vector<16xf32>
        %parallel_loop3A_372 = arith.andi %parallel_loop3A_367, %broadcast_in_dim3A_159 : vector<16xi32>
        %parallel_loop3A_373 = tpu.bitcast %parallel_loop3A_372 : vector<16xi32> -> vector<16xf32>
        %parallel_loop3A_374 = arith.index_cast %parallel_loop3A_345 : i32 to index
        %parallel_loop3A_375 = arith.index_cast %parallel_loop3A_363 : i32 to index
        %parallel_loop3A_376 = tpu.vector_load %arg9[%parallel_loop3A_374, %parallel_loop3A_375] {strides = array<i32>} : memref<64x128xf32, #tpu.memory_space<vmem>>, vector<1x16xf32>,
        %parallel_loop3A_377 = vector.shape_cast %parallel_loop3A_376 : vector<1x16xf32> to vector<16xf32>
        %parallel_loop3A_378 = arith.addf %parallel_loop3A_377, %parallel_loop3A_371 : vector<16xf32>
        %parallel_loop3A_379 = arith.constant 0.000000e+00 : f32
        %parallel_loop3A_380 = vector.broadcast %parallel_loop3A_379 : f32 to vector<16xf32>
        %parallel_loop3A_381 = arith.subf %parallel_loop3A_380, %parallel_loop3A_378 : vector<16xf32>
        %parallel_loop3A_382 = math.exp %parallel_loop3A_381 : vector<16xf32>
        %parallel_loop3A_383 = arith.constant 1.000000e+00 : f32
        %parallel_loop3A_384 = vector.broadcast %parallel_loop3A_383 : f32 to vector<16xf32>
        %parallel_loop3A_385 = arith.addf %parallel_loop3A_384, %parallel_loop3A_382 : vector<16xf32>
        %parallel_loop3A_386 = arith.constant 1.000000e+00 : f32
        %parallel_loop3A_387 = vector.broadcast %parallel_loop3A_386 : f32 to vector<16xf32>
        %parallel_loop3A_388 = arith.divf %parallel_loop3A_387, %parallel_loop3A_385 : vector<16xf32>
        %parallel_loop3A_389 = arith.mulf %parallel_loop3A_388, %parallel_loop3A_373 : vector<16xf32>
        %parallel_loop3A_390 = arith.index_cast %parallel_loop3A_345 : i32 to index
        %parallel_loop3A_391 = arith.index_cast %parallel_loop3A_363 : i32 to index
        %parallel_loop3A_392 = tpu.vector_load %arg13[%parallel_loop3A_390, %parallel_loop3A_391] {strides = array<i32>} : memref<64x128xf32, #tpu.memory_space<vmem>>, vector<1x16xf32>,
        %parallel_loop3A_393 = vector.shape_cast %parallel_loop3A_392 : vector<1x16xf32> to vector<16xf32>
        %parallel_loop3A_394 = vector.shape_cast %parallel_loop3A_389 : vector<16xf32> to vector<1x16xf32>
        tpu.vector_store %arg13[%parallel_loop3A_390, %parallel_loop3A_391], %parallel_loop3A_394 {strides = array<i32>} : memref<64x128xf32, #tpu.memory_space<vmem>>, vector<1x16xf32>,
      } {sc.loop_unroll_factor = 8 : i64, sc.parallel_access}
      %run_scoped3A_163 = arith.constant 2 : i32
      "tpu.region"() ({
        %run_scoped3A_321 = tpu.sem_alloc : memref<!tpu.dma_semaphore, #tpu.memory_space<semaphore_mem>>
        %dma_start3A_322 = arith.constant 0 : i32
        %dma_start3A_323 = tpu.memref_slice %arg7[%run_scoped3A_163, %dma_start3A_322] : memref<8x64xi32, #tpu.memory_space<vmem>> -> memref<1x64xi32, #tpu.memory_space<vmem>>
        %dma_start3A_324 = tpu.memref_squeeze %dma_start3A_323 : memref<1x64xi32, #tpu.memory_space<vmem>> -> memref<64xi32, #tpu.memory_space<vmem>>
        %dma_start3A_325 = arith.constant 0 : i32
        %dma_start3A_326 = arith.constant 0 : i32
        %dma_start3A_327 = tpu.memref_slice %arg14[%dma_start3A_325, %dma_start3A_326] : memref<10008x128xf32, #tpu.memory_space<vmem_shared>> -> memref<10008x128xf32, #tpu.memory_space<vmem_shared>>
        tpu.enqueue_indirect_dma source(%arg13 : memref<64x128xf32, #tpu.memory_space<vmem>>) target(%dma_start3A_327 : memref<10008x128xf32, #tpu.memory_space<vmem_shared>>) offsets(%dma_start3A_324 : memref<64xi32, #tpu.memory_space<vmem>>) semaphore(%run_scoped3A_321 : memref<!tpu.dma_semaphore, #tpu.memory_space<semaphore_mem>>) {add = true}
        %dma_wait3A_328 = arith.constant 0 : i32
        %dma_wait3A_329 = tpu.memref_slice %arg7[%run_scoped3A_163, %dma_wait3A_328] : memref<8x64xi32, #tpu.memory_space<vmem>> -> memref<1x64xi32, #tpu.memory_space<vmem>>
        %dma_wait3A_330 = tpu.memref_squeeze %dma_wait3A_329 : memref<1x64xi32, #tpu.memory_space<vmem>> -> memref<64xi32, #tpu.memory_space<vmem>>
        %dma_wait3A_331 = arith.constant 0 : i32
        %dma_wait3A_332 = arith.constant 0 : i32
        %dma_wait3A_333 = tpu.memref_slice %arg14[%dma_wait3A_331, %dma_wait3A_332] : memref<10008x128xf32, #tpu.memory_space<vmem_shared>> -> memref<10008x128xf32, #tpu.memory_space<vmem_shared>>
        tpu.wait_indirect_dma semaphore(%run_scoped3A_321 : memref<!tpu.dma_semaphore, #tpu.memory_space<semaphore_mem>>) src(%arg13 : memref<64x128xf32, #tpu.memory_space<vmem>>) dst(%dma_wait3A_333 : memref<10008x128xf32, #tpu.memory_space<vmem_shared>>)
        tpu.yield
      }) : () -> ()
      %dma_wait3A_164 = arith.constant 3 : i32
      %dma_wait3A_165 = arith.constant 0 : i32
      %dma_wait3A_166 = tpu.memref_slice %arg7[%dma_wait3A_164, %dma_wait3A_165] : memref<8x64xi32, #tpu.memory_space<vmem>> -> memref<1x64xi32, #tpu.memory_space<vmem>>
      %dma_wait3A_167 = tpu.memref_squeeze %dma_wait3A_166 : memref<1x64xi32, #tpu.memory_space<vmem>> -> memref<64xi32, #tpu.memory_space<vmem>>
      %dma_wait3A_168 = arith.constant 0 : i32
      %dma_wait3A_169 = arith.constant 0 : i32
      %dma_wait3A_170 = tpu.memref_slice %arg2[%dma_wait3A_168, %dma_wait3A_169] : memref<10008x128xf32, #tpu.memory_space<hbm>> -> memref<10008x128xf32, #tpu.memory_space<hbm>>
      tpu.wait_indirect_dma semaphore(%arg16 : memref<!tpu.dma_semaphore, #tpu.memory_space<semaphore_mem>>) src(%dma_wait3A_170 : memref<10008x128xf32, #tpu.memory_space<hbm>>) dst(%arg10 : memref<64x128xf32, #tpu.memory_space<vmem>>)
      %dma_wait3A_171 = arith.constant 3 : i32
      %dma_wait3A_172 = arith.constant 0 : i32
      %dma_wait3A_173 = tpu.memref_slice %arg8[%dma_wait3A_171, %dma_wait3A_172] : memref<8x64xi32, #tpu.memory_space<vmem>> -> memref<1x64xi32, #tpu.memory_space<vmem>>
      %dma_wait3A_174 = tpu.memref_squeeze %dma_wait3A_173 : memref<1x64xi32, #tpu.memory_space<vmem>> -> memref<64xi32, #tpu.memory_space<vmem>>
      %dma_wait3A_175 = arith.constant 0 : i32
      %dma_wait3A_176 = arith.constant 0 : i32
      %dma_wait3A_177 = tpu.memref_slice %arg3[%dma_wait3A_175, %dma_wait3A_176] : memref<10008x128xi32, #tpu.memory_space<hbm>> -> memref<10008x128xi32, #tpu.memory_space<hbm>>
      tpu.wait_indirect_dma semaphore(%arg18 : memref<!tpu.dma_semaphore, #tpu.memory_space<semaphore_mem>>) src(%dma_wait3A_177 : memref<10008x128xi32, #tpu.memory_space<hbm>>) dst(%arg12 : memref<64x128xi32, #tpu.memory_space<vmem>>)
      %dma_start3A_178 = arith.constant 4 : i32
      %dma_start3A_179 = arith.constant 0 : i32
      %dma_start3A_180 = tpu.memref_slice %arg7[%dma_start3A_178, %dma_start3A_179] : memref<8x64xi32, #tpu.memory_space<vmem>> -> memref<1x64xi32, #tpu.memory_space<vmem>>
      %dma_start3A_181 = tpu.memref_squeeze %dma_start3A_180 : memref<1x64xi32, #tpu.memory_space<vmem>> -> memref<64xi32, #tpu.memory_space<vmem>>
      %dma_start3A_182 = arith.constant 0 : i32
      %dma_start3A_183 = arith.constant 0 : i32
      %dma_start3A_184 = tpu.memref_slice %arg2[%dma_start3A_182, %dma_start3A_183] : memref<10008x128xf32, #tpu.memory_space<hbm>> -> memref<10008x128xf32, #tpu.memory_space<hbm>>
      tpu.enqueue_indirect_dma source(%dma_start3A_184 : memref<10008x128xf32, #tpu.memory_space<hbm>>) target(%arg9 : memref<64x128xf32, #tpu.memory_space<vmem>>) offsets(%dma_start3A_181 : memref<64xi32, #tpu.memory_space<vmem>>) semaphore(%arg15 : memref<!tpu.dma_semaphore, #tpu.memory_space<semaphore_mem>>)
      %dma_start3A_185 = arith.constant 4 : i32
      %dma_start3A_186 = arith.constant 0 : i32
      %dma_start3A_187 = tpu.memref_slice %arg8[%dma_start3A_185, %dma_start3A_186] : memref<8x64xi32, #tpu.memory_space<vmem>> -> memref<1x64xi32, #tpu.memory_space<vmem>>
      %dma_start3A_188 = tpu.memref_squeeze %dma_start3A_187 : memref<1x64xi32, #tpu.memory_space<vmem>> -> memref<64xi32, #tpu.memory_space<vmem>>
      %dma_start3A_189 = arith.constant 0 : i32
      %dma_start3A_190 = arith.constant 0 : i32
      %dma_start3A_191 = tpu.memref_slice %arg3[%dma_start3A_189, %dma_start3A_190] : memref<10008x128xi32, #tpu.memory_space<hbm>> -> memref<10008x128xi32, #tpu.memory_space<hbm>>
      tpu.enqueue_indirect_dma source(%dma_start3A_191 : memref<10008x128xi32, #tpu.memory_space<hbm>>) target(%arg11 : memref<64x128xi32, #tpu.memory_space<vmem>>) offsets(%dma_start3A_188 : memref<64xi32, #tpu.memory_space<vmem>>) semaphore(%arg17 : memref<!tpu.dma_semaphore, #tpu.memory_space<semaphore_mem>>)
      %broadcast_in_dim3A_192 = arith.constant -65536 : i32
      %broadcast_in_dim3A_193 = vector.broadcast %broadcast_in_dim3A_192 : i32 to vector<16xi32>
      %parallel_loop3A_194 = arith.constant 0 : i32
      %parallel_loop3A_195 = arith.constant 512 : i32
      %parallel_loop3A_196 = arith.constant 1 : i32
      scf.for %parallel_loop3A_321 = %parallel_loop3A_194 to %parallel_loop3A_195 step %parallel_loop3A_196  : i32 {
        %parallel_loop3A_322 = arith.constant 8 : i32
        %parallel_loop3A_323 = arith.divsi %parallel_loop3A_321, %parallel_loop3A_322 : i32
        %parallel_loop3A_324 = arith.constant 0 : i32
        %parallel_loop3A_325 = arith.cmpi sgt, %parallel_loop3A_321, %parallel_loop3A_324 : i32
        %parallel_loop3A_326 = arith.extui %parallel_loop3A_325 : i1 to i32
        %parallel_loop3A_327 = arith.constant 0 : i32
        %parallel_loop3A_328 = arith.cmpi slt, %parallel_loop3A_321, %parallel_loop3A_327 : i32
        %parallel_loop3A_329 = arith.extui %parallel_loop3A_328 : i1 to i32
        %parallel_loop3A_330 = arith.subi %parallel_loop3A_326, %parallel_loop3A_329 : i32
        %parallel_loop3A_331 = arith.constant 0 : i32
        %parallel_loop3A_332 = arith.cmpi sgt, %parallel_loop3A_322, %parallel_loop3A_331 : i32
        %parallel_loop3A_333 = arith.extui %parallel_loop3A_332 : i1 to i32
        %parallel_loop3A_334 = arith.constant 0 : i32
        %parallel_loop3A_335 = arith.cmpi slt, %parallel_loop3A_322, %parallel_loop3A_334 : i32
        %parallel_loop3A_336 = arith.extui %parallel_loop3A_335 : i1 to i32
        %parallel_loop3A_337 = arith.subi %parallel_loop3A_333, %parallel_loop3A_336 : i32
        %parallel_loop3A_338 = arith.cmpi ne, %parallel_loop3A_330, %parallel_loop3A_337 : i32
        %parallel_loop3A_339 = arith.remsi %parallel_loop3A_321, %parallel_loop3A_322 : i32
        %parallel_loop3A_340 = arith.constant 0 : i32
        %parallel_loop3A_341 = arith.cmpi ne, %parallel_loop3A_339, %parallel_loop3A_340 : i32
        %parallel_loop3A_342 = arith.andi %parallel_loop3A_338, %parallel_loop3A_341 : i1
        %parallel_loop3A_343 = arith.constant 1 : i32
        %parallel_loop3A_344 = arith.subi %parallel_loop3A_323, %parallel_loop3A_343 : i32
        %parallel_loop3A_345 = arith.select %parallel_loop3A_342, %parallel_loop3A_344, %parallel_loop3A_323 : i32
        %parallel_loop3A_346 = arith.constant 8 : i32
        %parallel_loop3A_347 = arith.constant 0 : i32
        %parallel_loop3A_348 = arith.cmpi eq, %parallel_loop3A_346, %parallel_loop3A_347 : i32
        %parallel_loop3A_349 = arith.constant 1 : i32
        %parallel_loop3A_350 = arith.select %parallel_loop3A_348, %parallel_loop3A_349, %parallel_loop3A_346 : i32
        %parallel_loop3A_351 = arith.remsi %parallel_loop3A_321, %parallel_loop3A_350 : i32
        %parallel_loop3A_352 = arith.constant 0 : i32
        %parallel_loop3A_353 = arith.cmpi ne, %parallel_loop3A_351, %parallel_loop3A_352 : i32
        %parallel_loop3A_354 = arith.constant 0 : i32
        %parallel_loop3A_355 = arith.cmpi slt, %parallel_loop3A_351, %parallel_loop3A_354 : i32
        %parallel_loop3A_356 = arith.constant 0 : i32
        %parallel_loop3A_357 = arith.cmpi slt, %parallel_loop3A_350, %parallel_loop3A_356 : i32
        %parallel_loop3A_358 = arith.xori %parallel_loop3A_355, %parallel_loop3A_357 : i1
        %parallel_loop3A_359 = arith.andi %parallel_loop3A_358, %parallel_loop3A_353 : i1
        %parallel_loop3A_360 = arith.addi %parallel_loop3A_351, %parallel_loop3A_350 : i32
        %parallel_loop3A_361 = arith.select %parallel_loop3A_359, %parallel_loop3A_360, %parallel_loop3A_351 : i32
        %parallel_loop3A_362 = arith.constant 16 : i32
        %parallel_loop3A_363 = arith.muli %parallel_loop3A_361, %parallel_loop3A_362 : i32
        %parallel_loop3A_364 = arith.index_cast %parallel_loop3A_345 : i32 to index
        %parallel_loop3A_365 = arith.index_cast %parallel_loop3A_363 : i32 to index
        %parallel_loop3A_366 = tpu.vector_load %arg12[%parallel_loop3A_364, %parallel_loop3A_365] {strides = array<i32>} : memref<64x128xi32, #tpu.memory_space<vmem>>, vector<1x16xi32>,
        %parallel_loop3A_367 = vector.shape_cast %parallel_loop3A_366 : vector<1x16xi32> to vector<16xi32>
        %parallel_loop3A_368 = arith.constant 16 : i32
        %parallel_loop3A_369 = vector.broadcast %parallel_loop3A_368 : i32 to vector<16xi32>
        %parallel_loop3A_370 = arith.shli %parallel_loop3A_367, %parallel_loop3A_369 : vector<16xi32>
        %parallel_loop3A_371 = tpu.bitcast %parallel_loop3A_370 : vector<16xi32> -> vector<16xf32>
        %parallel_loop3A_372 = arith.andi %parallel_loop3A_367, %broadcast_in_dim3A_193 : vector<16xi32>
        %parallel_loop3A_373 = tpu.bitcast %parallel_loop3A_372 : vector<16xi32> -> vector<16xf32>
        %parallel_loop3A_374 = arith.index_cast %parallel_loop3A_345 : i32 to index
        %parallel_loop3A_375 = arith.index_cast %parallel_loop3A_363 : i32 to index
        %parallel_loop3A_376 = tpu.vector_load %arg10[%parallel_loop3A_374, %parallel_loop3A_375] {strides = array<i32>} : memref<64x128xf32, #tpu.memory_space<vmem>>, vector<1x16xf32>,
        %parallel_loop3A_377 = vector.shape_cast %parallel_loop3A_376 : vector<1x16xf32> to vector<16xf32>
        %parallel_loop3A_378 = arith.addf %parallel_loop3A_377, %parallel_loop3A_371 : vector<16xf32>
        %parallel_loop3A_379 = arith.constant 0.000000e+00 : f32
        %parallel_loop3A_380 = vector.broadcast %parallel_loop3A_379 : f32 to vector<16xf32>
        %parallel_loop3A_381 = arith.subf %parallel_loop3A_380, %parallel_loop3A_378 : vector<16xf32>
        %parallel_loop3A_382 = math.exp %parallel_loop3A_381 : vector<16xf32>
        %parallel_loop3A_383 = arith.constant 1.000000e+00 : f32
        %parallel_loop3A_384 = vector.broadcast %parallel_loop3A_383 : f32 to vector<16xf32>
        %parallel_loop3A_385 = arith.addf %parallel_loop3A_384, %parallel_loop3A_382 : vector<16xf32>
        %parallel_loop3A_386 = arith.constant 1.000000e+00 : f32
        %parallel_loop3A_387 = vector.broadcast %parallel_loop3A_386 : f32 to vector<16xf32>
        %parallel_loop3A_388 = arith.divf %parallel_loop3A_387, %parallel_loop3A_385 : vector<16xf32>
        %parallel_loop3A_389 = arith.mulf %parallel_loop3A_388, %parallel_loop3A_373 : vector<16xf32>
        %parallel_loop3A_390 = arith.index_cast %parallel_loop3A_345 : i32 to index
        %parallel_loop3A_391 = arith.index_cast %parallel_loop3A_363 : i32 to index
        %parallel_loop3A_392 = tpu.vector_load %arg13[%parallel_loop3A_390, %parallel_loop3A_391] {strides = array<i32>} : memref<64x128xf32, #tpu.memory_space<vmem>>, vector<1x16xf32>,
        %parallel_loop3A_393 = vector.shape_cast %parallel_loop3A_392 : vector<1x16xf32> to vector<16xf32>
        %parallel_loop3A_394 = vector.shape_cast %parallel_loop3A_389 : vector<16xf32> to vector<1x16xf32>
        tpu.vector_store %arg13[%parallel_loop3A_390, %parallel_loop3A_391], %parallel_loop3A_394 {strides = array<i32>} : memref<64x128xf32, #tpu.memory_space<vmem>>, vector<1x16xf32>,
      } {sc.loop_unroll_factor = 8 : i64, sc.parallel_access}
      %run_scoped3A_197 = arith.constant 3 : i32
      "tpu.region"() ({
        %run_scoped3A_321 = tpu.sem_alloc : memref<!tpu.dma_semaphore, #tpu.memory_space<semaphore_mem>>
        %dma_start3A_322 = arith.constant 0 : i32
        %dma_start3A_323 = tpu.memref_slice %arg7[%run_scoped3A_197, %dma_start3A_322] : memref<8x64xi32, #tpu.memory_space<vmem>> -> memref<1x64xi32, #tpu.memory_space<vmem>>
        %dma_start3A_324 = tpu.memref_squeeze %dma_start3A_323 : memref<1x64xi32, #tpu.memory_space<vmem>> -> memref<64xi32, #tpu.memory_space<vmem>>
        %dma_start3A_325 = arith.constant 0 : i32
        %dma_start3A_326 = arith.constant 0 : i32
        %dma_start3A_327 = tpu.memref_slice %arg14[%dma_start3A_325, %dma_start3A_326] : memref<10008x128xf32, #tpu.memory_space<vmem_shared>> -> memref<10008x128xf32, #tpu.memory_space<vmem_shared>>
        tpu.enqueue_indirect_dma source(%arg13 : memref<64x128xf32, #tpu.memory_space<vmem>>) target(%dma_start3A_327 : memref<10008x128xf32, #tpu.memory_space<vmem_shared>>) offsets(%dma_start3A_324 : memref<64xi32, #tpu.memory_space<vmem>>) semaphore(%run_scoped3A_321 : memref<!tpu.dma_semaphore, #tpu.memory_space<semaphore_mem>>) {add = true}
        %dma_wait3A_328 = arith.constant 0 : i32
        %dma_wait3A_329 = tpu.memref_slice %arg7[%run_scoped3A_197, %dma_wait3A_328] : memref<8x64xi32, #tpu.memory_space<vmem>> -> memref<1x64xi32, #tpu.memory_space<vmem>>
        %dma_wait3A_330 = tpu.memref_squeeze %dma_wait3A_329 : memref<1x64xi32, #tpu.memory_space<vmem>> -> memref<64xi32, #tpu.memory_space<vmem>>
        %dma_wait3A_331 = arith.constant 0 : i32
        %dma_wait3A_332 = arith.constant 0 : i32
        %dma_wait3A_333 = tpu.memref_slice %arg14[%dma_wait3A_331, %dma_wait3A_332] : memref<10008x128xf32, #tpu.memory_space<vmem_shared>> -> memref<10008x128xf32, #tpu.memory_space<vmem_shared>>
        tpu.wait_indirect_dma semaphore(%run_scoped3A_321 : memref<!tpu.dma_semaphore, #tpu.memory_space<semaphore_mem>>) src(%arg13 : memref<64x128xf32, #tpu.memory_space<vmem>>) dst(%dma_wait3A_333 : memref<10008x128xf32, #tpu.memory_space<vmem_shared>>)
        tpu.yield
      }) : () -> ()
      %dma_wait3A_198 = arith.constant 4 : i32
      %dma_wait3A_199 = arith.constant 0 : i32
      %dma_wait3A_200 = tpu.memref_slice %arg7[%dma_wait3A_198, %dma_wait3A_199] : memref<8x64xi32, #tpu.memory_space<vmem>> -> memref<1x64xi32, #tpu.memory_space<vmem>>
      %dma_wait3A_201 = tpu.memref_squeeze %dma_wait3A_200 : memref<1x64xi32, #tpu.memory_space<vmem>> -> memref<64xi32, #tpu.memory_space<vmem>>
      %dma_wait3A_202 = arith.constant 0 : i32
      %dma_wait3A_203 = arith.constant 0 : i32
      %dma_wait3A_204 = tpu.memref_slice %arg2[%dma_wait3A_202, %dma_wait3A_203] : memref<10008x128xf32, #tpu.memory_space<hbm>> -> memref<10008x128xf32, #tpu.memory_space<hbm>>
      tpu.wait_indirect_dma semaphore(%arg15 : memref<!tpu.dma_semaphore, #tpu.memory_space<semaphore_mem>>) src(%dma_wait3A_204 : memref<10008x128xf32, #tpu.memory_space<hbm>>) dst(%arg9 : memref<64x128xf32, #tpu.memory_space<vmem>>)
      %dma_wait3A_205 = arith.constant 4 : i32
      %dma_wait3A_206 = arith.constant 0 : i32
      %dma_wait3A_207 = tpu.memref_slice %arg8[%dma_wait3A_205, %dma_wait3A_206] : memref<8x64xi32, #tpu.memory_space<vmem>> -> memref<1x64xi32, #tpu.memory_space<vmem>>
      %dma_wait3A_208 = tpu.memref_squeeze %dma_wait3A_207 : memref<1x64xi32, #tpu.memory_space<vmem>> -> memref<64xi32, #tpu.memory_space<vmem>>
      %dma_wait3A_209 = arith.constant 0 : i32
      %dma_wait3A_210 = arith.constant 0 : i32
      %dma_wait3A_211 = tpu.memref_slice %arg3[%dma_wait3A_209, %dma_wait3A_210] : memref<10008x128xi32, #tpu.memory_space<hbm>> -> memref<10008x128xi32, #tpu.memory_space<hbm>>
      tpu.wait_indirect_dma semaphore(%arg17 : memref<!tpu.dma_semaphore, #tpu.memory_space<semaphore_mem>>) src(%dma_wait3A_211 : memref<10008x128xi32, #tpu.memory_space<hbm>>) dst(%arg11 : memref<64x128xi32, #tpu.memory_space<vmem>>)
      %dma_start3A_212 = arith.constant 5 : i32
      %dma_start3A_213 = arith.constant 0 : i32
      %dma_start3A_214 = tpu.memref_slice %arg7[%dma_start3A_212, %dma_start3A_213] : memref<8x64xi32, #tpu.memory_space<vmem>> -> memref<1x64xi32, #tpu.memory_space<vmem>>
      %dma_start3A_215 = tpu.memref_squeeze %dma_start3A_214 : memref<1x64xi32, #tpu.memory_space<vmem>> -> memref<64xi32, #tpu.memory_space<vmem>>
      %dma_start3A_216 = arith.constant 0 : i32
      %dma_start3A_217 = arith.constant 0 : i32
      %dma_start3A_218 = tpu.memref_slice %arg2[%dma_start3A_216, %dma_start3A_217] : memref<10008x128xf32, #tpu.memory_space<hbm>> -> memref<10008x128xf32, #tpu.memory_space<hbm>>
      tpu.enqueue_indirect_dma source(%dma_start3A_218 : memref<10008x128xf32, #tpu.memory_space<hbm>>) target(%arg10 : memref<64x128xf32, #tpu.memory_space<vmem>>) offsets(%dma_start3A_215 : memref<64xi32, #tpu.memory_space<vmem>>) semaphore(%arg16 : memref<!tpu.dma_semaphore, #tpu.memory_space<semaphore_mem>>)
      %dma_start3A_219 = arith.constant 5 : i32
      %dma_start3A_220 = arith.constant 0 : i32
      %dma_start3A_221 = tpu.memref_slice %arg8[%dma_start3A_219, %dma_start3A_220] : memref<8x64xi32, #tpu.memory_space<vmem>> -> memref<1x64xi32, #tpu.memory_space<vmem>>
      %dma_start3A_222 = tpu.memref_squeeze %dma_start3A_221 : memref<1x64xi32, #tpu.memory_space<vmem>> -> memref<64xi32, #tpu.memory_space<vmem>>
      %dma_start3A_223 = arith.constant 0 : i32
      %dma_start3A_224 = arith.constant 0 : i32
      %dma_start3A_225 = tpu.memref_slice %arg3[%dma_start3A_223, %dma_start3A_224] : memref<10008x128xi32, #tpu.memory_space<hbm>> -> memref<10008x128xi32, #tpu.memory_space<hbm>>
      tpu.enqueue_indirect_dma source(%dma_start3A_225 : memref<10008x128xi32, #tpu.memory_space<hbm>>) target(%arg12 : memref<64x128xi32, #tpu.memory_space<vmem>>) offsets(%dma_start3A_222 : memref<64xi32, #tpu.memory_space<vmem>>) semaphore(%arg18 : memref<!tpu.dma_semaphore, #tpu.memory_space<semaphore_mem>>)
      %broadcast_in_dim3A_226 = arith.constant -65536 : i32
      %broadcast_in_dim3A_227 = vector.broadcast %broadcast_in_dim3A_226 : i32 to vector<16xi32>
      %parallel_loop3A_228 = arith.constant 0 : i32
      %parallel_loop3A_229 = arith.constant 512 : i32
      %parallel_loop3A_230 = arith.constant 1 : i32
      scf.for %parallel_loop3A_321 = %parallel_loop3A_228 to %parallel_loop3A_229 step %parallel_loop3A_230  : i32 {
        %parallel_loop3A_322 = arith.constant 8 : i32
        %parallel_loop3A_323 = arith.divsi %parallel_loop3A_321, %parallel_loop3A_322 : i32
        %parallel_loop3A_324 = arith.constant 0 : i32
        %parallel_loop3A_325 = arith.cmpi sgt, %parallel_loop3A_321, %parallel_loop3A_324 : i32
        %parallel_loop3A_326 = arith.extui %parallel_loop3A_325 : i1 to i32
        %parallel_loop3A_327 = arith.constant 0 : i32
        %parallel_loop3A_328 = arith.cmpi slt, %parallel_loop3A_321, %parallel_loop3A_327 : i32
        %parallel_loop3A_329 = arith.extui %parallel_loop3A_328 : i1 to i32
        %parallel_loop3A_330 = arith.subi %parallel_loop3A_326, %parallel_loop3A_329 : i32
        %parallel_loop3A_331 = arith.constant 0 : i32
        %parallel_loop3A_332 = arith.cmpi sgt, %parallel_loop3A_322, %parallel_loop3A_331 : i32
        %parallel_loop3A_333 = arith.extui %parallel_loop3A_332 : i1 to i32
        %parallel_loop3A_334 = arith.constant 0 : i32
        %parallel_loop3A_335 = arith.cmpi slt, %parallel_loop3A_322, %parallel_loop3A_334 : i32
        %parallel_loop3A_336 = arith.extui %parallel_loop3A_335 : i1 to i32
        %parallel_loop3A_337 = arith.subi %parallel_loop3A_333, %parallel_loop3A_336 : i32
        %parallel_loop3A_338 = arith.cmpi ne, %parallel_loop3A_330, %parallel_loop3A_337 : i32
        %parallel_loop3A_339 = arith.remsi %parallel_loop3A_321, %parallel_loop3A_322 : i32
        %parallel_loop3A_340 = arith.constant 0 : i32
        %parallel_loop3A_341 = arith.cmpi ne, %parallel_loop3A_339, %parallel_loop3A_340 : i32
        %parallel_loop3A_342 = arith.andi %parallel_loop3A_338, %parallel_loop3A_341 : i1
        %parallel_loop3A_343 = arith.constant 1 : i32
        %parallel_loop3A_344 = arith.subi %parallel_loop3A_323, %parallel_loop3A_343 : i32
        %parallel_loop3A_345 = arith.select %parallel_loop3A_342, %parallel_loop3A_344, %parallel_loop3A_323 : i32
        %parallel_loop3A_346 = arith.constant 8 : i32
        %parallel_loop3A_347 = arith.constant 0 : i32
        %parallel_loop3A_348 = arith.cmpi eq, %parallel_loop3A_346, %parallel_loop3A_347 : i32
        %parallel_loop3A_349 = arith.constant 1 : i32
        %parallel_loop3A_350 = arith.select %parallel_loop3A_348, %parallel_loop3A_349, %parallel_loop3A_346 : i32
        %parallel_loop3A_351 = arith.remsi %parallel_loop3A_321, %parallel_loop3A_350 : i32
        %parallel_loop3A_352 = arith.constant 0 : i32
        %parallel_loop3A_353 = arith.cmpi ne, %parallel_loop3A_351, %parallel_loop3A_352 : i32
        %parallel_loop3A_354 = arith.constant 0 : i32
        %parallel_loop3A_355 = arith.cmpi slt, %parallel_loop3A_351, %parallel_loop3A_354 : i32
        %parallel_loop3A_356 = arith.constant 0 : i32
        %parallel_loop3A_357 = arith.cmpi slt, %parallel_loop3A_350, %parallel_loop3A_356 : i32
        %parallel_loop3A_358 = arith.xori %parallel_loop3A_355, %parallel_loop3A_357 : i1
        %parallel_loop3A_359 = arith.andi %parallel_loop3A_358, %parallel_loop3A_353 : i1
        %parallel_loop3A_360 = arith.addi %parallel_loop3A_351, %parallel_loop3A_350 : i32
        %parallel_loop3A_361 = arith.select %parallel_loop3A_359, %parallel_loop3A_360, %parallel_loop3A_351 : i32
        %parallel_loop3A_362 = arith.constant 16 : i32
        %parallel_loop3A_363 = arith.muli %parallel_loop3A_361, %parallel_loop3A_362 : i32
        %parallel_loop3A_364 = arith.index_cast %parallel_loop3A_345 : i32 to index
        %parallel_loop3A_365 = arith.index_cast %parallel_loop3A_363 : i32 to index
        %parallel_loop3A_366 = tpu.vector_load %arg11[%parallel_loop3A_364, %parallel_loop3A_365] {strides = array<i32>} : memref<64x128xi32, #tpu.memory_space<vmem>>, vector<1x16xi32>,
        %parallel_loop3A_367 = vector.shape_cast %parallel_loop3A_366 : vector<1x16xi32> to vector<16xi32>
        %parallel_loop3A_368 = arith.constant 16 : i32
        %parallel_loop3A_369 = vector.broadcast %parallel_loop3A_368 : i32 to vector<16xi32>
        %parallel_loop3A_370 = arith.shli %parallel_loop3A_367, %parallel_loop3A_369 : vector<16xi32>
        %parallel_loop3A_371 = tpu.bitcast %parallel_loop3A_370 : vector<16xi32> -> vector<16xf32>
        %parallel_loop3A_372 = arith.andi %parallel_loop3A_367, %broadcast_in_dim3A_227 : vector<16xi32>
        %parallel_loop3A_373 = tpu.bitcast %parallel_loop3A_372 : vector<16xi32> -> vector<16xf32>
        %parallel_loop3A_374 = arith.index_cast %parallel_loop3A_345 : i32 to index
        %parallel_loop3A_375 = arith.index_cast %parallel_loop3A_363 : i32 to index
        %parallel_loop3A_376 = tpu.vector_load %arg9[%parallel_loop3A_374, %parallel_loop3A_375] {strides = array<i32>} : memref<64x128xf32, #tpu.memory_space<vmem>>, vector<1x16xf32>,
        %parallel_loop3A_377 = vector.shape_cast %parallel_loop3A_376 : vector<1x16xf32> to vector<16xf32>
        %parallel_loop3A_378 = arith.addf %parallel_loop3A_377, %parallel_loop3A_371 : vector<16xf32>
        %parallel_loop3A_379 = arith.constant 0.000000e+00 : f32
        %parallel_loop3A_380 = vector.broadcast %parallel_loop3A_379 : f32 to vector<16xf32>
        %parallel_loop3A_381 = arith.subf %parallel_loop3A_380, %parallel_loop3A_378 : vector<16xf32>
        %parallel_loop3A_382 = math.exp %parallel_loop3A_381 : vector<16xf32>
        %parallel_loop3A_383 = arith.constant 1.000000e+00 : f32
        %parallel_loop3A_384 = vector.broadcast %parallel_loop3A_383 : f32 to vector<16xf32>
        %parallel_loop3A_385 = arith.addf %parallel_loop3A_384, %parallel_loop3A_382 : vector<16xf32>
        %parallel_loop3A_386 = arith.constant 1.000000e+00 : f32
        %parallel_loop3A_387 = vector.broadcast %parallel_loop3A_386 : f32 to vector<16xf32>
        %parallel_loop3A_388 = arith.divf %parallel_loop3A_387, %parallel_loop3A_385 : vector<16xf32>
        %parallel_loop3A_389 = arith.mulf %parallel_loop3A_388, %parallel_loop3A_373 : vector<16xf32>
        %parallel_loop3A_390 = arith.index_cast %parallel_loop3A_345 : i32 to index
        %parallel_loop3A_391 = arith.index_cast %parallel_loop3A_363 : i32 to index
        %parallel_loop3A_392 = tpu.vector_load %arg13[%parallel_loop3A_390, %parallel_loop3A_391] {strides = array<i32>} : memref<64x128xf32, #tpu.memory_space<vmem>>, vector<1x16xf32>,
        %parallel_loop3A_393 = vector.shape_cast %parallel_loop3A_392 : vector<1x16xf32> to vector<16xf32>
        %parallel_loop3A_394 = vector.shape_cast %parallel_loop3A_389 : vector<16xf32> to vector<1x16xf32>
        tpu.vector_store %arg13[%parallel_loop3A_390, %parallel_loop3A_391], %parallel_loop3A_394 {strides = array<i32>} : memref<64x128xf32, #tpu.memory_space<vmem>>, vector<1x16xf32>,
      } {sc.loop_unroll_factor = 8 : i64, sc.parallel_access}
      %run_scoped3A_231 = arith.constant 4 : i32
      "tpu.region"() ({
        %run_scoped3A_321 = tpu.sem_alloc : memref<!tpu.dma_semaphore, #tpu.memory_space<semaphore_mem>>
        %dma_start3A_322 = arith.constant 0 : i32
        %dma_start3A_323 = tpu.memref_slice %arg7[%run_scoped3A_231, %dma_start3A_322] : memref<8x64xi32, #tpu.memory_space<vmem>> -> memref<1x64xi32, #tpu.memory_space<vmem>>
        %dma_start3A_324 = tpu.memref_squeeze %dma_start3A_323 : memref<1x64xi32, #tpu.memory_space<vmem>> -> memref<64xi32, #tpu.memory_space<vmem>>
        %dma_start3A_325 = arith.constant 0 : i32
        %dma_start3A_326 = arith.constant 0 : i32
        %dma_start3A_327 = tpu.memref_slice %arg14[%dma_start3A_325, %dma_start3A_326] : memref<10008x128xf32, #tpu.memory_space<vmem_shared>> -> memref<10008x128xf32, #tpu.memory_space<vmem_shared>>
        tpu.enqueue_indirect_dma source(%arg13 : memref<64x128xf32, #tpu.memory_space<vmem>>) target(%dma_start3A_327 : memref<10008x128xf32, #tpu.memory_space<vmem_shared>>) offsets(%dma_start3A_324 : memref<64xi32, #tpu.memory_space<vmem>>) semaphore(%run_scoped3A_321 : memref<!tpu.dma_semaphore, #tpu.memory_space<semaphore_mem>>) {add = true}
        %dma_wait3A_328 = arith.constant 0 : i32
        %dma_wait3A_329 = tpu.memref_slice %arg7[%run_scoped3A_231, %dma_wait3A_328] : memref<8x64xi32, #tpu.memory_space<vmem>> -> memref<1x64xi32, #tpu.memory_space<vmem>>
        %dma_wait3A_330 = tpu.memref_squeeze %dma_wait3A_329 : memref<1x64xi32, #tpu.memory_space<vmem>> -> memref<64xi32, #tpu.memory_space<vmem>>
        %dma_wait3A_331 = arith.constant 0 : i32
        %dma_wait3A_332 = arith.constant 0 : i32
        %dma_wait3A_333 = tpu.memref_slice %arg14[%dma_wait3A_331, %dma_wait3A_332] : memref<10008x128xf32, #tpu.memory_space<vmem_shared>> -> memref<10008x128xf32, #tpu.memory_space<vmem_shared>>
        tpu.wait_indirect_dma semaphore(%run_scoped3A_321 : memref<!tpu.dma_semaphore, #tpu.memory_space<semaphore_mem>>) src(%arg13 : memref<64x128xf32, #tpu.memory_space<vmem>>) dst(%dma_wait3A_333 : memref<10008x128xf32, #tpu.memory_space<vmem_shared>>)
        tpu.yield
      }) : () -> ()
      %dma_wait3A_232 = arith.constant 5 : i32
      %dma_wait3A_233 = arith.constant 0 : i32
      %dma_wait3A_234 = tpu.memref_slice %arg7[%dma_wait3A_232, %dma_wait3A_233] : memref<8x64xi32, #tpu.memory_space<vmem>> -> memref<1x64xi32, #tpu.memory_space<vmem>>
      %dma_wait3A_235 = tpu.memref_squeeze %dma_wait3A_234 : memref<1x64xi32, #tpu.memory_space<vmem>> -> memref<64xi32, #tpu.memory_space<vmem>>
      %dma_wait3A_236 = arith.constant 0 : i32
      %dma_wait3A_237 = arith.constant 0 : i32
      %dma_wait3A_238 = tpu.memref_slice %arg2[%dma_wait3A_236, %dma_wait3A_237] : memref<10008x128xf32, #tpu.memory_space<hbm>> -> memref<10008x128xf32, #tpu.memory_space<hbm>>
      tpu.wait_indirect_dma semaphore(%arg16 : memref<!tpu.dma_semaphore, #tpu.memory_space<semaphore_mem>>) src(%dma_wait3A_238 : memref<10008x128xf32, #tpu.memory_space<hbm>>) dst(%arg10 : memref<64x128xf32, #tpu.memory_space<vmem>>)
      %dma_wait3A_239 = arith.constant 5 : i32
      %dma_wait3A_240 = arith.constant 0 : i32
      %dma_wait3A_241 = tpu.memref_slice %arg8[%dma_wait3A_239, %dma_wait3A_240] : memref<8x64xi32, #tpu.memory_space<vmem>> -> memref<1x64xi32, #tpu.memory_space<vmem>>
      %dma_wait3A_242 = tpu.memref_squeeze %dma_wait3A_241 : memref<1x64xi32, #tpu.memory_space<vmem>> -> memref<64xi32, #tpu.memory_space<vmem>>
      %dma_wait3A_243 = arith.constant 0 : i32
      %dma_wait3A_244 = arith.constant 0 : i32
      %dma_wait3A_245 = tpu.memref_slice %arg3[%dma_wait3A_243, %dma_wait3A_244] : memref<10008x128xi32, #tpu.memory_space<hbm>> -> memref<10008x128xi32, #tpu.memory_space<hbm>>
      tpu.wait_indirect_dma semaphore(%arg18 : memref<!tpu.dma_semaphore, #tpu.memory_space<semaphore_mem>>) src(%dma_wait3A_245 : memref<10008x128xi32, #tpu.memory_space<hbm>>) dst(%arg12 : memref<64x128xi32, #tpu.memory_space<vmem>>)
      %dma_start3A_246 = arith.constant 6 : i32
      %dma_start3A_247 = arith.constant 0 : i32
      %dma_start3A_248 = tpu.memref_slice %arg7[%dma_start3A_246, %dma_start3A_247] : memref<8x64xi32, #tpu.memory_space<vmem>> -> memref<1x64xi32, #tpu.memory_space<vmem>>
      %dma_start3A_249 = tpu.memref_squeeze %dma_start3A_248 : memref<1x64xi32, #tpu.memory_space<vmem>> -> memref<64xi32, #tpu.memory_space<vmem>>
      %dma_start3A_250 = arith.constant 0 : i32
      %dma_start3A_251 = arith.constant 0 : i32
      %dma_start3A_252 = tpu.memref_slice %arg2[%dma_start3A_250, %dma_start3A_251] : memref<10008x128xf32, #tpu.memory_space<hbm>> -> memref<10008x128xf32, #tpu.memory_space<hbm>>
      tpu.enqueue_indirect_dma source(%dma_start3A_252 : memref<10008x128xf32, #tpu.memory_space<hbm>>) target(%arg9 : memref<64x128xf32, #tpu.memory_space<vmem>>) offsets(%dma_start3A_249 : memref<64xi32, #tpu.memory_space<vmem>>) semaphore(%arg15 : memref<!tpu.dma_semaphore, #tpu.memory_space<semaphore_mem>>)
      %dma_start3A_253 = arith.constant 6 : i32
      %dma_start3A_254 = arith.constant 0 : i32
      %dma_start3A_255 = tpu.memref_slice %arg8[%dma_start3A_253, %dma_start3A_254] : memref<8x64xi32, #tpu.memory_space<vmem>> -> memref<1x64xi32, #tpu.memory_space<vmem>>
      %dma_start3A_256 = tpu.memref_squeeze %dma_start3A_255 : memref<1x64xi32, #tpu.memory_space<vmem>> -> memref<64xi32, #tpu.memory_space<vmem>>
      %dma_start3A_257 = arith.constant 0 : i32
      %dma_start3A_258 = arith.constant 0 : i32
      %dma_start3A_259 = tpu.memref_slice %arg3[%dma_start3A_257, %dma_start3A_258] : memref<10008x128xi32, #tpu.memory_space<hbm>> -> memref<10008x128xi32, #tpu.memory_space<hbm>>
      tpu.enqueue_indirect_dma source(%dma_start3A_259 : memref<10008x128xi32, #tpu.memory_space<hbm>>) target(%arg11 : memref<64x128xi32, #tpu.memory_space<vmem>>) offsets(%dma_start3A_256 : memref<64xi32, #tpu.memory_space<vmem>>) semaphore(%arg17 : memref<!tpu.dma_semaphore, #tpu.memory_space<semaphore_mem>>)
      %broadcast_in_dim3A_260 = arith.constant -65536 : i32
      %broadcast_in_dim3A_261 = vector.broadcast %broadcast_in_dim3A_260 : i32 to vector<16xi32>
      %parallel_loop3A_262 = arith.constant 0 : i32
      %parallel_loop3A_263 = arith.constant 512 : i32
      %parallel_loop3A_264 = arith.constant 1 : i32
      scf.for %parallel_loop3A_321 = %parallel_loop3A_262 to %parallel_loop3A_263 step %parallel_loop3A_264  : i32 {
        %parallel_loop3A_322 = arith.constant 8 : i32
        %parallel_loop3A_323 = arith.divsi %parallel_loop3A_321, %parallel_loop3A_322 : i32
        %parallel_loop3A_324 = arith.constant 0 : i32
        %parallel_loop3A_325 = arith.cmpi sgt, %parallel_loop3A_321, %parallel_loop3A_324 : i32
        %parallel_loop3A_326 = arith.extui %parallel_loop3A_325 : i1 to i32
        %parallel_loop3A_327 = arith.constant 0 : i32
        %parallel_loop3A_328 = arith.cmpi slt, %parallel_loop3A_321, %parallel_loop3A_327 : i32
        %parallel_loop3A_329 = arith.extui %parallel_loop3A_328 : i1 to i32
        %parallel_loop3A_330 = arith.subi %parallel_loop3A_326, %parallel_loop3A_329 : i32
        %parallel_loop3A_331 = arith.constant 0 : i32
        %parallel_loop3A_332 = arith.cmpi sgt, %parallel_loop3A_322, %parallel_loop3A_331 : i32
        %parallel_loop3A_333 = arith.extui %parallel_loop3A_332 : i1 to i32
        %parallel_loop3A_334 = arith.constant 0 : i32
        %parallel_loop3A_335 = arith.cmpi slt, %parallel_loop3A_322, %parallel_loop3A_334 : i32
        %parallel_loop3A_336 = arith.extui %parallel_loop3A_335 : i1 to i32
        %parallel_loop3A_337 = arith.subi %parallel_loop3A_333, %parallel_loop3A_336 : i32
        %parallel_loop3A_338 = arith.cmpi ne, %parallel_loop3A_330, %parallel_loop3A_337 : i32
        %parallel_loop3A_339 = arith.remsi %parallel_loop3A_321, %parallel_loop3A_322 : i32
        %parallel_loop3A_340 = arith.constant 0 : i32
        %parallel_loop3A_341 = arith.cmpi ne, %parallel_loop3A_339, %parallel_loop3A_340 : i32
        %parallel_loop3A_342 = arith.andi %parallel_loop3A_338, %parallel_loop3A_341 : i1
        %parallel_loop3A_343 = arith.constant 1 : i32
        %parallel_loop3A_344 = arith.subi %parallel_loop3A_323, %parallel_loop3A_343 : i32
        %parallel_loop3A_345 = arith.select %parallel_loop3A_342, %parallel_loop3A_344, %parallel_loop3A_323 : i32
        %parallel_loop3A_346 = arith.constant 8 : i32
        %parallel_loop3A_347 = arith.constant 0 : i32
        %parallel_loop3A_348 = arith.cmpi eq, %parallel_loop3A_346, %parallel_loop3A_347 : i32
        %parallel_loop3A_349 = arith.constant 1 : i32
        %parallel_loop3A_350 = arith.select %parallel_loop3A_348, %parallel_loop3A_349, %parallel_loop3A_346 : i32
        %parallel_loop3A_351 = arith.remsi %parallel_loop3A_321, %parallel_loop3A_350 : i32
        %parallel_loop3A_352 = arith.constant 0 : i32
        %parallel_loop3A_353 = arith.cmpi ne, %parallel_loop3A_351, %parallel_loop3A_352 : i32
        %parallel_loop3A_354 = arith.constant 0 : i32
        %parallel_loop3A_355 = arith.cmpi slt, %parallel_loop3A_351, %parallel_loop3A_354 : i32
        %parallel_loop3A_356 = arith.constant 0 : i32
        %parallel_loop3A_357 = arith.cmpi slt, %parallel_loop3A_350, %parallel_loop3A_356 : i32
        %parallel_loop3A_358 = arith.xori %parallel_loop3A_355, %parallel_loop3A_357 : i1
        %parallel_loop3A_359 = arith.andi %parallel_loop3A_358, %parallel_loop3A_353 : i1
        %parallel_loop3A_360 = arith.addi %parallel_loop3A_351, %parallel_loop3A_350 : i32
        %parallel_loop3A_361 = arith.select %parallel_loop3A_359, %parallel_loop3A_360, %parallel_loop3A_351 : i32
        %parallel_loop3A_362 = arith.constant 16 : i32
        %parallel_loop3A_363 = arith.muli %parallel_loop3A_361, %parallel_loop3A_362 : i32
        %parallel_loop3A_364 = arith.index_cast %parallel_loop3A_345 : i32 to index
        %parallel_loop3A_365 = arith.index_cast %parallel_loop3A_363 : i32 to index
        %parallel_loop3A_366 = tpu.vector_load %arg12[%parallel_loop3A_364, %parallel_loop3A_365] {strides = array<i32>} : memref<64x128xi32, #tpu.memory_space<vmem>>, vector<1x16xi32>,
        %parallel_loop3A_367 = vector.shape_cast %parallel_loop3A_366 : vector<1x16xi32> to vector<16xi32>
        %parallel_loop3A_368 = arith.constant 16 : i32
        %parallel_loop3A_369 = vector.broadcast %parallel_loop3A_368 : i32 to vector<16xi32>
        %parallel_loop3A_370 = arith.shli %parallel_loop3A_367, %parallel_loop3A_369 : vector<16xi32>
        %parallel_loop3A_371 = tpu.bitcast %parallel_loop3A_370 : vector<16xi32> -> vector<16xf32>
        %parallel_loop3A_372 = arith.andi %parallel_loop3A_367, %broadcast_in_dim3A_261 : vector<16xi32>
        %parallel_loop3A_373 = tpu.bitcast %parallel_loop3A_372 : vector<16xi32> -> vector<16xf32>
        %parallel_loop3A_374 = arith.index_cast %parallel_loop3A_345 : i32 to index
        %parallel_loop3A_375 = arith.index_cast %parallel_loop3A_363 : i32 to index
        %parallel_loop3A_376 = tpu.vector_load %arg10[%parallel_loop3A_374, %parallel_loop3A_375] {strides = array<i32>} : memref<64x128xf32, #tpu.memory_space<vmem>>, vector<1x16xf32>,
        %parallel_loop3A_377 = vector.shape_cast %parallel_loop3A_376 : vector<1x16xf32> to vector<16xf32>
        %parallel_loop3A_378 = arith.addf %parallel_loop3A_377, %parallel_loop3A_371 : vector<16xf32>
        %parallel_loop3A_379 = arith.constant 0.000000e+00 : f32
        %parallel_loop3A_380 = vector.broadcast %parallel_loop3A_379 : f32 to vector<16xf32>
        %parallel_loop3A_381 = arith.subf %parallel_loop3A_380, %parallel_loop3A_378 : vector<16xf32>
        %parallel_loop3A_382 = math.exp %parallel_loop3A_381 : vector<16xf32>
        %parallel_loop3A_383 = arith.constant 1.000000e+00 : f32
        %parallel_loop3A_384 = vector.broadcast %parallel_loop3A_383 : f32 to vector<16xf32>
        %parallel_loop3A_385 = arith.addf %parallel_loop3A_384, %parallel_loop3A_382 : vector<16xf32>
        %parallel_loop3A_386 = arith.constant 1.000000e+00 : f32
        %parallel_loop3A_387 = vector.broadcast %parallel_loop3A_386 : f32 to vector<16xf32>
        %parallel_loop3A_388 = arith.divf %parallel_loop3A_387, %parallel_loop3A_385 : vector<16xf32>
        %parallel_loop3A_389 = arith.mulf %parallel_loop3A_388, %parallel_loop3A_373 : vector<16xf32>
        %parallel_loop3A_390 = arith.index_cast %parallel_loop3A_345 : i32 to index
        %parallel_loop3A_391 = arith.index_cast %parallel_loop3A_363 : i32 to index
        %parallel_loop3A_392 = tpu.vector_load %arg13[%parallel_loop3A_390, %parallel_loop3A_391] {strides = array<i32>} : memref<64x128xf32, #tpu.memory_space<vmem>>, vector<1x16xf32>,
        %parallel_loop3A_393 = vector.shape_cast %parallel_loop3A_392 : vector<1x16xf32> to vector<16xf32>
        %parallel_loop3A_394 = vector.shape_cast %parallel_loop3A_389 : vector<16xf32> to vector<1x16xf32>
        tpu.vector_store %arg13[%parallel_loop3A_390, %parallel_loop3A_391], %parallel_loop3A_394 {strides = array<i32>} : memref<64x128xf32, #tpu.memory_space<vmem>>, vector<1x16xf32>,
      } {sc.loop_unroll_factor = 8 : i64, sc.parallel_access}
      %run_scoped3A_265 = arith.constant 5 : i32
      "tpu.region"() ({
        %run_scoped3A_321 = tpu.sem_alloc : memref<!tpu.dma_semaphore, #tpu.memory_space<semaphore_mem>>
        %dma_start3A_322 = arith.constant 0 : i32
        %dma_start3A_323 = tpu.memref_slice %arg7[%run_scoped3A_265, %dma_start3A_322] : memref<8x64xi32, #tpu.memory_space<vmem>> -> memref<1x64xi32, #tpu.memory_space<vmem>>
        %dma_start3A_324 = tpu.memref_squeeze %dma_start3A_323 : memref<1x64xi32, #tpu.memory_space<vmem>> -> memref<64xi32, #tpu.memory_space<vmem>>
        %dma_start3A_325 = arith.constant 0 : i32
        %dma_start3A_326 = arith.constant 0 : i32
        %dma_start3A_327 = tpu.memref_slice %arg14[%dma_start3A_325, %dma_start3A_326] : memref<10008x128xf32, #tpu.memory_space<vmem_shared>> -> memref<10008x128xf32, #tpu.memory_space<vmem_shared>>
        tpu.enqueue_indirect_dma source(%arg13 : memref<64x128xf32, #tpu.memory_space<vmem>>) target(%dma_start3A_327 : memref<10008x128xf32, #tpu.memory_space<vmem_shared>>) offsets(%dma_start3A_324 : memref<64xi32, #tpu.memory_space<vmem>>) semaphore(%run_scoped3A_321 : memref<!tpu.dma_semaphore, #tpu.memory_space<semaphore_mem>>) {add = true}
        %dma_wait3A_328 = arith.constant 0 : i32
        %dma_wait3A_329 = tpu.memref_slice %arg7[%run_scoped3A_265, %dma_wait3A_328] : memref<8x64xi32, #tpu.memory_space<vmem>> -> memref<1x64xi32, #tpu.memory_space<vmem>>
        %dma_wait3A_330 = tpu.memref_squeeze %dma_wait3A_329 : memref<1x64xi32, #tpu.memory_space<vmem>> -> memref<64xi32, #tpu.memory_space<vmem>>
        %dma_wait3A_331 = arith.constant 0 : i32
        %dma_wait3A_332 = arith.constant 0 : i32
        %dma_wait3A_333 = tpu.memref_slice %arg14[%dma_wait3A_331, %dma_wait3A_332] : memref<10008x128xf32, #tpu.memory_space<vmem_shared>> -> memref<10008x128xf32, #tpu.memory_space<vmem_shared>>
        tpu.wait_indirect_dma semaphore(%run_scoped3A_321 : memref<!tpu.dma_semaphore, #tpu.memory_space<semaphore_mem>>) src(%arg13 : memref<64x128xf32, #tpu.memory_space<vmem>>) dst(%dma_wait3A_333 : memref<10008x128xf32, #tpu.memory_space<vmem_shared>>)
        tpu.yield
      }) : () -> ()
      %dma_wait3A_266 = arith.constant 6 : i32
      %dma_wait3A_267 = arith.constant 0 : i32
      %dma_wait3A_268 = tpu.memref_slice %arg7[%dma_wait3A_266, %dma_wait3A_267] : memref<8x64xi32, #tpu.memory_space<vmem>> -> memref<1x64xi32, #tpu.memory_space<vmem>>
      %dma_wait3A_269 = tpu.memref_squeeze %dma_wait3A_268 : memref<1x64xi32, #tpu.memory_space<vmem>> -> memref<64xi32, #tpu.memory_space<vmem>>
      %dma_wait3A_270 = arith.constant 0 : i32
      %dma_wait3A_271 = arith.constant 0 : i32
      %dma_wait3A_272 = tpu.memref_slice %arg2[%dma_wait3A_270, %dma_wait3A_271] : memref<10008x128xf32, #tpu.memory_space<hbm>> -> memref<10008x128xf32, #tpu.memory_space<hbm>>
      tpu.wait_indirect_dma semaphore(%arg15 : memref<!tpu.dma_semaphore, #tpu.memory_space<semaphore_mem>>) src(%dma_wait3A_272 : memref<10008x128xf32, #tpu.memory_space<hbm>>) dst(%arg9 : memref<64x128xf32, #tpu.memory_space<vmem>>)
      %dma_wait3A_273 = arith.constant 6 : i32
      %dma_wait3A_274 = arith.constant 0 : i32
      %dma_wait3A_275 = tpu.memref_slice %arg8[%dma_wait3A_273, %dma_wait3A_274] : memref<8x64xi32, #tpu.memory_space<vmem>> -> memref<1x64xi32, #tpu.memory_space<vmem>>
      %dma_wait3A_276 = tpu.memref_squeeze %dma_wait3A_275 : memref<1x64xi32, #tpu.memory_space<vmem>> -> memref<64xi32, #tpu.memory_space<vmem>>
      %dma_wait3A_277 = arith.constant 0 : i32
      %dma_wait3A_278 = arith.constant 0 : i32
      %dma_wait3A_279 = tpu.memref_slice %arg3[%dma_wait3A_277, %dma_wait3A_278] : memref<10008x128xi32, #tpu.memory_space<hbm>> -> memref<10008x128xi32, #tpu.memory_space<hbm>>
      tpu.wait_indirect_dma semaphore(%arg17 : memref<!tpu.dma_semaphore, #tpu.memory_space<semaphore_mem>>) src(%dma_wait3A_279 : memref<10008x128xi32, #tpu.memory_space<hbm>>) dst(%arg11 : memref<64x128xi32, #tpu.memory_space<vmem>>)
      %dma_start3A_280 = arith.constant 7 : i32
      %dma_start3A_281 = arith.constant 0 : i32
      %dma_start3A_282 = tpu.memref_slice %arg7[%dma_start3A_280, %dma_start3A_281] : memref<8x64xi32, #tpu.memory_space<vmem>> -> memref<1x64xi32, #tpu.memory_space<vmem>>
      %dma_start3A_283 = tpu.memref_squeeze %dma_start3A_282 : memref<1x64xi32, #tpu.memory_space<vmem>> -> memref<64xi32, #tpu.memory_space<vmem>>
      %dma_start3A_284 = arith.constant 0 : i32
      %dma_start3A_285 = arith.constant 0 : i32
      %dma_start3A_286 = tpu.memref_slice %arg2[%dma_start3A_284, %dma_start3A_285] : memref<10008x128xf32, #tpu.memory_space<hbm>> -> memref<10008x128xf32, #tpu.memory_space<hbm>>
      tpu.enqueue_indirect_dma source(%dma_start3A_286 : memref<10008x128xf32, #tpu.memory_space<hbm>>) target(%arg10 : memref<64x128xf32, #tpu.memory_space<vmem>>) offsets(%dma_start3A_283 : memref<64xi32, #tpu.memory_space<vmem>>) semaphore(%arg16 : memref<!tpu.dma_semaphore, #tpu.memory_space<semaphore_mem>>)
      %dma_start3A_287 = arith.constant 7 : i32
      %dma_start3A_288 = arith.constant 0 : i32
      %dma_start3A_289 = tpu.memref_slice %arg8[%dma_start3A_287, %dma_start3A_288] : memref<8x64xi32, #tpu.memory_space<vmem>> -> memref<1x64xi32, #tpu.memory_space<vmem>>
      %dma_start3A_290 = tpu.memref_squeeze %dma_start3A_289 : memref<1x64xi32, #tpu.memory_space<vmem>> -> memref<64xi32, #tpu.memory_space<vmem>>
      %dma_start3A_291 = arith.constant 0 : i32
      %dma_start3A_292 = arith.constant 0 : i32
      %dma_start3A_293 = tpu.memref_slice %arg3[%dma_start3A_291, %dma_start3A_292] : memref<10008x128xi32, #tpu.memory_space<hbm>> -> memref<10008x128xi32, #tpu.memory_space<hbm>>
      tpu.enqueue_indirect_dma source(%dma_start3A_293 : memref<10008x128xi32, #tpu.memory_space<hbm>>) target(%arg12 : memref<64x128xi32, #tpu.memory_space<vmem>>) offsets(%dma_start3A_290 : memref<64xi32, #tpu.memory_space<vmem>>) semaphore(%arg18 : memref<!tpu.dma_semaphore, #tpu.memory_space<semaphore_mem>>)
      %broadcast_in_dim3A_294 = arith.constant -65536 : i32
      %broadcast_in_dim3A_295 = vector.broadcast %broadcast_in_dim3A_294 : i32 to vector<16xi32>
      %parallel_loop3A_296 = arith.constant 0 : i32
      %parallel_loop3A_297 = arith.constant 512 : i32
      %parallel_loop3A_298 = arith.constant 1 : i32
      scf.for %parallel_loop3A_321 = %parallel_loop3A_296 to %parallel_loop3A_297 step %parallel_loop3A_298  : i32 {
        %parallel_loop3A_322 = arith.constant 8 : i32
        %parallel_loop3A_323 = arith.divsi %parallel_loop3A_321, %parallel_loop3A_322 : i32
        %parallel_loop3A_324 = arith.constant 0 : i32
        %parallel_loop3A_325 = arith.cmpi sgt, %parallel_loop3A_321, %parallel_loop3A_324 : i32
        %parallel_loop3A_326 = arith.extui %parallel_loop3A_325 : i1 to i32
        %parallel_loop3A_327 = arith.constant 0 : i32
        %parallel_loop3A_328 = arith.cmpi slt, %parallel_loop3A_321, %parallel_loop3A_327 : i32
        %parallel_loop3A_329 = arith.extui %parallel_loop3A_328 : i1 to i32
        %parallel_loop3A_330 = arith.subi %parallel_loop3A_326, %parallel_loop3A_329 : i32
        %parallel_loop3A_331 = arith.constant 0 : i32
        %parallel_loop3A_332 = arith.cmpi sgt, %parallel_loop3A_322, %parallel_loop3A_331 : i32
        %parallel_loop3A_333 = arith.extui %parallel_loop3A_332 : i1 to i32
        %parallel_loop3A_334 = arith.constant 0 : i32
        %parallel_loop3A_335 = arith.cmpi slt, %parallel_loop3A_322, %parallel_loop3A_334 : i32
        %parallel_loop3A_336 = arith.extui %parallel_loop3A_335 : i1 to i32
        %parallel_loop3A_337 = arith.subi %parallel_loop3A_333, %parallel_loop3A_336 : i32
        %parallel_loop3A_338 = arith.cmpi ne, %parallel_loop3A_330, %parallel_loop3A_337 : i32
        %parallel_loop3A_339 = arith.remsi %parallel_loop3A_321, %parallel_loop3A_322 : i32
        %parallel_loop3A_340 = arith.constant 0 : i32
        %parallel_loop3A_341 = arith.cmpi ne, %parallel_loop3A_339, %parallel_loop3A_340 : i32
        %parallel_loop3A_342 = arith.andi %parallel_loop3A_338, %parallel_loop3A_341 : i1
        %parallel_loop3A_343 = arith.constant 1 : i32
        %parallel_loop3A_344 = arith.subi %parallel_loop3A_323, %parallel_loop3A_343 : i32
        %parallel_loop3A_345 = arith.select %parallel_loop3A_342, %parallel_loop3A_344, %parallel_loop3A_323 : i32
        %parallel_loop3A_346 = arith.constant 8 : i32
        %parallel_loop3A_347 = arith.constant 0 : i32
        %parallel_loop3A_348 = arith.cmpi eq, %parallel_loop3A_346, %parallel_loop3A_347 : i32
        %parallel_loop3A_349 = arith.constant 1 : i32
        %parallel_loop3A_350 = arith.select %parallel_loop3A_348, %parallel_loop3A_349, %parallel_loop3A_346 : i32
        %parallel_loop3A_351 = arith.remsi %parallel_loop3A_321, %parallel_loop3A_350 : i32
        %parallel_loop3A_352 = arith.constant 0 : i32
        %parallel_loop3A_353 = arith.cmpi ne, %parallel_loop3A_351, %parallel_loop3A_352 : i32
        %parallel_loop3A_354 = arith.constant 0 : i32
        %parallel_loop3A_355 = arith.cmpi slt, %parallel_loop3A_351, %parallel_loop3A_354 : i32
        %parallel_loop3A_356 = arith.constant 0 : i32
        %parallel_loop3A_357 = arith.cmpi slt, %parallel_loop3A_350, %parallel_loop3A_356 : i32
        %parallel_loop3A_358 = arith.xori %parallel_loop3A_355, %parallel_loop3A_357 : i1
        %parallel_loop3A_359 = arith.andi %parallel_loop3A_358, %parallel_loop3A_353 : i1
        %parallel_loop3A_360 = arith.addi %parallel_loop3A_351, %parallel_loop3A_350 : i32
        %parallel_loop3A_361 = arith.select %parallel_loop3A_359, %parallel_loop3A_360, %parallel_loop3A_351 : i32
        %parallel_loop3A_362 = arith.constant 16 : i32
        %parallel_loop3A_363 = arith.muli %parallel_loop3A_361, %parallel_loop3A_362 : i32
        %parallel_loop3A_364 = arith.index_cast %parallel_loop3A_345 : i32 to index
        %parallel_loop3A_365 = arith.index_cast %parallel_loop3A_363 : i32 to index
        %parallel_loop3A_366 = tpu.vector_load %arg11[%parallel_loop3A_364, %parallel_loop3A_365] {strides = array<i32>} : memref<64x128xi32, #tpu.memory_space<vmem>>, vector<1x16xi32>,
        %parallel_loop3A_367 = vector.shape_cast %parallel_loop3A_366 : vector<1x16xi32> to vector<16xi32>
        %parallel_loop3A_368 = arith.constant 16 : i32
        %parallel_loop3A_369 = vector.broadcast %parallel_loop3A_368 : i32 to vector<16xi32>
        %parallel_loop3A_370 = arith.shli %parallel_loop3A_367, %parallel_loop3A_369 : vector<16xi32>
        %parallel_loop3A_371 = tpu.bitcast %parallel_loop3A_370 : vector<16xi32> -> vector<16xf32>
        %parallel_loop3A_372 = arith.andi %parallel_loop3A_367, %broadcast_in_dim3A_295 : vector<16xi32>
        %parallel_loop3A_373 = tpu.bitcast %parallel_loop3A_372 : vector<16xi32> -> vector<16xf32>
        %parallel_loop3A_374 = arith.index_cast %parallel_loop3A_345 : i32 to index
        %parallel_loop3A_375 = arith.index_cast %parallel_loop3A_363 : i32 to index
        %parallel_loop3A_376 = tpu.vector_load %arg9[%parallel_loop3A_374, %parallel_loop3A_375] {strides = array<i32>} : memref<64x128xf32, #tpu.memory_space<vmem>>, vector<1x16xf32>,
        %parallel_loop3A_377 = vector.shape_cast %parallel_loop3A_376 : vector<1x16xf32> to vector<16xf32>
        %parallel_loop3A_378 = arith.addf %parallel_loop3A_377, %parallel_loop3A_371 : vector<16xf32>
        %parallel_loop3A_379 = arith.constant 0.000000e+00 : f32
        %parallel_loop3A_380 = vector.broadcast %parallel_loop3A_379 : f32 to vector<16xf32>
        %parallel_loop3A_381 = arith.subf %parallel_loop3A_380, %parallel_loop3A_378 : vector<16xf32>
        %parallel_loop3A_382 = math.exp %parallel_loop3A_381 : vector<16xf32>
        %parallel_loop3A_383 = arith.constant 1.000000e+00 : f32
        %parallel_loop3A_384 = vector.broadcast %parallel_loop3A_383 : f32 to vector<16xf32>
        %parallel_loop3A_385 = arith.addf %parallel_loop3A_384, %parallel_loop3A_382 : vector<16xf32>
        %parallel_loop3A_386 = arith.constant 1.000000e+00 : f32
        %parallel_loop3A_387 = vector.broadcast %parallel_loop3A_386 : f32 to vector<16xf32>
        %parallel_loop3A_388 = arith.divf %parallel_loop3A_387, %parallel_loop3A_385 : vector<16xf32>
        %parallel_loop3A_389 = arith.mulf %parallel_loop3A_388, %parallel_loop3A_373 : vector<16xf32>
        %parallel_loop3A_390 = arith.index_cast %parallel_loop3A_345 : i32 to index
        %parallel_loop3A_391 = arith.index_cast %parallel_loop3A_363 : i32 to index
        %parallel_loop3A_392 = tpu.vector_load %arg13[%parallel_loop3A_390, %parallel_loop3A_391] {strides = array<i32>} : memref<64x128xf32, #tpu.memory_space<vmem>>, vector<1x16xf32>,
        %parallel_loop3A_393 = vector.shape_cast %parallel_loop3A_392 : vector<1x16xf32> to vector<16xf32>
        %parallel_loop3A_394 = vector.shape_cast %parallel_loop3A_389 : vector<16xf32> to vector<1x16xf32>
        tpu.vector_store %arg13[%parallel_loop3A_390, %parallel_loop3A_391], %parallel_loop3A_394 {strides = array<i32>} : memref<64x128xf32, #tpu.memory_space<vmem>>, vector<1x16xf32>,
      } {sc.loop_unroll_factor = 8 : i64, sc.parallel_access}
      %run_scoped3A_299 = arith.constant 6 : i32
      "tpu.region"() ({
        %run_scoped3A_321 = tpu.sem_alloc : memref<!tpu.dma_semaphore, #tpu.memory_space<semaphore_mem>>
        %dma_start3A_322 = arith.constant 0 : i32
        %dma_start3A_323 = tpu.memref_slice %arg7[%run_scoped3A_299, %dma_start3A_322] : memref<8x64xi32, #tpu.memory_space<vmem>> -> memref<1x64xi32, #tpu.memory_space<vmem>>
        %dma_start3A_324 = tpu.memref_squeeze %dma_start3A_323 : memref<1x64xi32, #tpu.memory_space<vmem>> -> memref<64xi32, #tpu.memory_space<vmem>>
        %dma_start3A_325 = arith.constant 0 : i32
        %dma_start3A_326 = arith.constant 0 : i32
        %dma_start3A_327 = tpu.memref_slice %arg14[%dma_start3A_325, %dma_start3A_326] : memref<10008x128xf32, #tpu.memory_space<vmem_shared>> -> memref<10008x128xf32, #tpu.memory_space<vmem_shared>>
        tpu.enqueue_indirect_dma source(%arg13 : memref<64x128xf32, #tpu.memory_space<vmem>>) target(%dma_start3A_327 : memref<10008x128xf32, #tpu.memory_space<vmem_shared>>) offsets(%dma_start3A_324 : memref<64xi32, #tpu.memory_space<vmem>>) semaphore(%run_scoped3A_321 : memref<!tpu.dma_semaphore, #tpu.memory_space<semaphore_mem>>) {add = true}
        %dma_wait3A_328 = arith.constant 0 : i32
        %dma_wait3A_329 = tpu.memref_slice %arg7[%run_scoped3A_299, %dma_wait3A_328] : memref<8x64xi32, #tpu.memory_space<vmem>> -> memref<1x64xi32, #tpu.memory_space<vmem>>
        %dma_wait3A_330 = tpu.memref_squeeze %dma_wait3A_329 : memref<1x64xi32, #tpu.memory_space<vmem>> -> memref<64xi32, #tpu.memory_space<vmem>>
        %dma_wait3A_331 = arith.constant 0 : i32
        %dma_wait3A_332 = arith.constant 0 : i32
        %dma_wait3A_333 = tpu.memref_slice %arg14[%dma_wait3A_331, %dma_wait3A_332] : memref<10008x128xf32, #tpu.memory_space<vmem_shared>> -> memref<10008x128xf32, #tpu.memory_space<vmem_shared>>
        tpu.wait_indirect_dma semaphore(%run_scoped3A_321 : memref<!tpu.dma_semaphore, #tpu.memory_space<semaphore_mem>>) src(%arg13 : memref<64x128xf32, #tpu.memory_space<vmem>>) dst(%dma_wait3A_333 : memref<10008x128xf32, #tpu.memory_space<vmem_shared>>)
        tpu.yield
      }) : () -> ()
      %dma_wait3A_300 = arith.constant 7 : i32
      %dma_wait3A_301 = arith.constant 0 : i32
      %dma_wait3A_302 = tpu.memref_slice %arg7[%dma_wait3A_300, %dma_wait3A_301] : memref<8x64xi32, #tpu.memory_space<vmem>> -> memref<1x64xi32, #tpu.memory_space<vmem>>
      %dma_wait3A_303 = tpu.memref_squeeze %dma_wait3A_302 : memref<1x64xi32, #tpu.memory_space<vmem>> -> memref<64xi32, #tpu.memory_space<vmem>>
      %dma_wait3A_304 = arith.constant 0 : i32
      %dma_wait3A_305 = arith.constant 0 : i32
      %dma_wait3A_306 = tpu.memref_slice %arg2[%dma_wait3A_304, %dma_wait3A_305] : memref<10008x128xf32, #tpu.memory_space<hbm>> -> memref<10008x128xf32, #tpu.memory_space<hbm>>
      tpu.wait_indirect_dma semaphore(%arg16 : memref<!tpu.dma_semaphore, #tpu.memory_space<semaphore_mem>>) src(%dma_wait3A_306 : memref<10008x128xf32, #tpu.memory_space<hbm>>) dst(%arg10 : memref<64x128xf32, #tpu.memory_space<vmem>>)
      %dma_wait3A_307 = arith.constant 7 : i32
      %dma_wait3A_308 = arith.constant 0 : i32
      %dma_wait3A_309 = tpu.memref_slice %arg8[%dma_wait3A_307, %dma_wait3A_308] : memref<8x64xi32, #tpu.memory_space<vmem>> -> memref<1x64xi32, #tpu.memory_space<vmem>>
      %dma_wait3A_310 = tpu.memref_squeeze %dma_wait3A_309 : memref<1x64xi32, #tpu.memory_space<vmem>> -> memref<64xi32, #tpu.memory_space<vmem>>
      %dma_wait3A_311 = arith.constant 0 : i32
      %dma_wait3A_312 = arith.constant 0 : i32
      %dma_wait3A_313 = tpu.memref_slice %arg3[%dma_wait3A_311, %dma_wait3A_312] : memref<10008x128xi32, #tpu.memory_space<hbm>> -> memref<10008x128xi32, #tpu.memory_space<hbm>>
      tpu.wait_indirect_dma semaphore(%arg18 : memref<!tpu.dma_semaphore, #tpu.memory_space<semaphore_mem>>) src(%dma_wait3A_313 : memref<10008x128xi32, #tpu.memory_space<hbm>>) dst(%arg12 : memref<64x128xi32, #tpu.memory_space<vmem>>)
      %broadcast_in_dim3A_314 = arith.constant -65536 : i32
      %broadcast_in_dim3A_315 = vector.broadcast %broadcast_in_dim3A_314 : i32 to vector<16xi32>
      %parallel_loop3A_316 = arith.constant 0 : i32
      %parallel_loop3A_317 = arith.constant 512 : i32
      %parallel_loop3A_318 = arith.constant 1 : i32
      scf.for %parallel_loop3A_321 = %parallel_loop3A_316 to %parallel_loop3A_317 step %parallel_loop3A_318  : i32 {
        %parallel_loop3A_322 = arith.constant 8 : i32
        %parallel_loop3A_323 = arith.divsi %parallel_loop3A_321, %parallel_loop3A_322 : i32
        %parallel_loop3A_324 = arith.constant 0 : i32
        %parallel_loop3A_325 = arith.cmpi sgt, %parallel_loop3A_321, %parallel_loop3A_324 : i32
        %parallel_loop3A_326 = arith.extui %parallel_loop3A_325 : i1 to i32
        %parallel_loop3A_327 = arith.constant 0 : i32
        %parallel_loop3A_328 = arith.cmpi slt, %parallel_loop3A_321, %parallel_loop3A_327 : i32
        %parallel_loop3A_329 = arith.extui %parallel_loop3A_328 : i1 to i32
        %parallel_loop3A_330 = arith.subi %parallel_loop3A_326, %parallel_loop3A_329 : i32
        %parallel_loop3A_331 = arith.constant 0 : i32
        %parallel_loop3A_332 = arith.cmpi sgt, %parallel_loop3A_322, %parallel_loop3A_331 : i32
        %parallel_loop3A_333 = arith.extui %parallel_loop3A_332 : i1 to i32
        %parallel_loop3A_334 = arith.constant 0 : i32
        %parallel_loop3A_335 = arith.cmpi slt, %parallel_loop3A_322, %parallel_loop3A_334 : i32
        %parallel_loop3A_336 = arith.extui %parallel_loop3A_335 : i1 to i32
        %parallel_loop3A_337 = arith.subi %parallel_loop3A_333, %parallel_loop3A_336 : i32
        %parallel_loop3A_338 = arith.cmpi ne, %parallel_loop3A_330, %parallel_loop3A_337 : i32
        %parallel_loop3A_339 = arith.remsi %parallel_loop3A_321, %parallel_loop3A_322 : i32
        %parallel_loop3A_340 = arith.constant 0 : i32
        %parallel_loop3A_341 = arith.cmpi ne, %parallel_loop3A_339, %parallel_loop3A_340 : i32
        %parallel_loop3A_342 = arith.andi %parallel_loop3A_338, %parallel_loop3A_341 : i1
        %parallel_loop3A_343 = arith.constant 1 : i32
        %parallel_loop3A_344 = arith.subi %parallel_loop3A_323, %parallel_loop3A_343 : i32
        %parallel_loop3A_345 = arith.select %parallel_loop3A_342, %parallel_loop3A_344, %parallel_loop3A_323 : i32
        %parallel_loop3A_346 = arith.constant 8 : i32
        %parallel_loop3A_347 = arith.constant 0 : i32
        %parallel_loop3A_348 = arith.cmpi eq, %parallel_loop3A_346, %parallel_loop3A_347 : i32
        %parallel_loop3A_349 = arith.constant 1 : i32
        %parallel_loop3A_350 = arith.select %parallel_loop3A_348, %parallel_loop3A_349, %parallel_loop3A_346 : i32
        %parallel_loop3A_351 = arith.remsi %parallel_loop3A_321, %parallel_loop3A_350 : i32
        %parallel_loop3A_352 = arith.constant 0 : i32
        %parallel_loop3A_353 = arith.cmpi ne, %parallel_loop3A_351, %parallel_loop3A_352 : i32
        %parallel_loop3A_354 = arith.constant 0 : i32
        %parallel_loop3A_355 = arith.cmpi slt, %parallel_loop3A_351, %parallel_loop3A_354 : i32
        %parallel_loop3A_356 = arith.constant 0 : i32
        %parallel_loop3A_357 = arith.cmpi slt, %parallel_loop3A_350, %parallel_loop3A_356 : i32
        %parallel_loop3A_358 = arith.xori %parallel_loop3A_355, %parallel_loop3A_357 : i1
        %parallel_loop3A_359 = arith.andi %parallel_loop3A_358, %parallel_loop3A_353 : i1
        %parallel_loop3A_360 = arith.addi %parallel_loop3A_351, %parallel_loop3A_350 : i32
        %parallel_loop3A_361 = arith.select %parallel_loop3A_359, %parallel_loop3A_360, %parallel_loop3A_351 : i32
        %parallel_loop3A_362 = arith.constant 16 : i32
        %parallel_loop3A_363 = arith.muli %parallel_loop3A_361, %parallel_loop3A_362 : i32
        %parallel_loop3A_364 = arith.index_cast %parallel_loop3A_345 : i32 to index
        %parallel_loop3A_365 = arith.index_cast %parallel_loop3A_363 : i32 to index
        %parallel_loop3A_366 = tpu.vector_load %arg12[%parallel_loop3A_364, %parallel_loop3A_365] {strides = array<i32>} : memref<64x128xi32, #tpu.memory_space<vmem>>, vector<1x16xi32>,
        %parallel_loop3A_367 = vector.shape_cast %parallel_loop3A_366 : vector<1x16xi32> to vector<16xi32>
        %parallel_loop3A_368 = arith.constant 16 : i32
        %parallel_loop3A_369 = vector.broadcast %parallel_loop3A_368 : i32 to vector<16xi32>
        %parallel_loop3A_370 = arith.shli %parallel_loop3A_367, %parallel_loop3A_369 : vector<16xi32>
        %parallel_loop3A_371 = tpu.bitcast %parallel_loop3A_370 : vector<16xi32> -> vector<16xf32>
        %parallel_loop3A_372 = arith.andi %parallel_loop3A_367, %broadcast_in_dim3A_315 : vector<16xi32>
        %parallel_loop3A_373 = tpu.bitcast %parallel_loop3A_372 : vector<16xi32> -> vector<16xf32>
        %parallel_loop3A_374 = arith.index_cast %parallel_loop3A_345 : i32 to index
        %parallel_loop3A_375 = arith.index_cast %parallel_loop3A_363 : i32 to index
        %parallel_loop3A_376 = tpu.vector_load %arg10[%parallel_loop3A_374, %parallel_loop3A_375] {strides = array<i32>} : memref<64x128xf32, #tpu.memory_space<vmem>>, vector<1x16xf32>,
        %parallel_loop3A_377 = vector.shape_cast %parallel_loop3A_376 : vector<1x16xf32> to vector<16xf32>
        %parallel_loop3A_378 = arith.addf %parallel_loop3A_377, %parallel_loop3A_371 : vector<16xf32>
        %parallel_loop3A_379 = arith.constant 0.000000e+00 : f32
        %parallel_loop3A_380 = vector.broadcast %parallel_loop3A_379 : f32 to vector<16xf32>
        %parallel_loop3A_381 = arith.subf %parallel_loop3A_380, %parallel_loop3A_378 : vector<16xf32>
        %parallel_loop3A_382 = math.exp %parallel_loop3A_381 : vector<16xf32>
        %parallel_loop3A_383 = arith.constant 1.000000e+00 : f32
        %parallel_loop3A_384 = vector.broadcast %parallel_loop3A_383 : f32 to vector<16xf32>
        %parallel_loop3A_385 = arith.addf %parallel_loop3A_384, %parallel_loop3A_382 : vector<16xf32>
        %parallel_loop3A_386 = arith.constant 1.000000e+00 : f32
        %parallel_loop3A_387 = vector.broadcast %parallel_loop3A_386 : f32 to vector<16xf32>
        %parallel_loop3A_388 = arith.divf %parallel_loop3A_387, %parallel_loop3A_385 : vector<16xf32>
        %parallel_loop3A_389 = arith.mulf %parallel_loop3A_388, %parallel_loop3A_373 : vector<16xf32>
        %parallel_loop3A_390 = arith.index_cast %parallel_loop3A_345 : i32 to index
        %parallel_loop3A_391 = arith.index_cast %parallel_loop3A_363 : i32 to index
        %parallel_loop3A_392 = tpu.vector_load %arg13[%parallel_loop3A_390, %parallel_loop3A_391] {strides = array<i32>} : memref<64x128xf32, #tpu.memory_space<vmem>>, vector<1x16xf32>,
        %parallel_loop3A_393 = vector.shape_cast %parallel_loop3A_392 : vector<1x16xf32> to vector<16xf32>
        %parallel_loop3A_394 = vector.shape_cast %parallel_loop3A_389 : vector<16xf32> to vector<1x16xf32>
        tpu.vector_store %arg13[%parallel_loop3A_390, %parallel_loop3A_391], %parallel_loop3A_394 {strides = array<i32>} : memref<64x128xf32, #tpu.memory_space<vmem>>, vector<1x16xf32>,
      } {sc.loop_unroll_factor = 8 : i64, sc.parallel_access}
      %run_scoped3A_319 = arith.constant 7 : i32
      "tpu.region"() ({
        %run_scoped3A_321 = tpu.sem_alloc : memref<!tpu.dma_semaphore, #tpu.memory_space<semaphore_mem>>
        %dma_start3A_322 = arith.constant 0 : i32
        %dma_start3A_323 = tpu.memref_slice %arg7[%run_scoped3A_319, %dma_start3A_322] : memref<8x64xi32, #tpu.memory_space<vmem>> -> memref<1x64xi32, #tpu.memory_space<vmem>>
        %dma_start3A_324 = tpu.memref_squeeze %dma_start3A_323 : memref<1x64xi32, #tpu.memory_space<vmem>> -> memref<64xi32, #tpu.memory_space<vmem>>
        %dma_start3A_325 = arith.constant 0 : i32
        %dma_start3A_326 = arith.constant 0 : i32
        %dma_start3A_327 = tpu.memref_slice %arg14[%dma_start3A_325, %dma_start3A_326] : memref<10008x128xf32, #tpu.memory_space<vmem_shared>> -> memref<10008x128xf32, #tpu.memory_space<vmem_shared>>
        tpu.enqueue_indirect_dma source(%arg13 : memref<64x128xf32, #tpu.memory_space<vmem>>) target(%dma_start3A_327 : memref<10008x128xf32, #tpu.memory_space<vmem_shared>>) offsets(%dma_start3A_324 : memref<64xi32, #tpu.memory_space<vmem>>) semaphore(%run_scoped3A_321 : memref<!tpu.dma_semaphore, #tpu.memory_space<semaphore_mem>>) {add = true}
        %dma_wait3A_328 = arith.constant 0 : i32
        %dma_wait3A_329 = tpu.memref_slice %arg7[%run_scoped3A_319, %dma_wait3A_328] : memref<8x64xi32, #tpu.memory_space<vmem>> -> memref<1x64xi32, #tpu.memory_space<vmem>>
        %dma_wait3A_330 = tpu.memref_squeeze %dma_wait3A_329 : memref<1x64xi32, #tpu.memory_space<vmem>> -> memref<64xi32, #tpu.memory_space<vmem>>
        %dma_wait3A_331 = arith.constant 0 : i32
        %dma_wait3A_332 = arith.constant 0 : i32
        %dma_wait3A_333 = tpu.memref_slice %arg14[%dma_wait3A_331, %dma_wait3A_332] : memref<10008x128xf32, #tpu.memory_space<vmem_shared>> -> memref<10008x128xf32, #tpu.memory_space<vmem_shared>>
        tpu.wait_indirect_dma semaphore(%run_scoped3A_321 : memref<!tpu.dma_semaphore, #tpu.memory_space<semaphore_mem>>) src(%arg13 : memref<64x128xf32, #tpu.memory_space<vmem>>) dst(%dma_wait3A_333 : memref<10008x128xf32, #tpu.memory_space<vmem_shared>>)
        tpu.yield
      }) : () -> ()
      %while3A_320 = arith.constant 0 : i32
      scf.yield %while3A_320 : i32
    }
    %while3A_34 = arith.constant 1 : i32
    %while3A_35 = scf.for %while3A_47 = %while3A_31 to %while3A_27 step %while3A_34 iter_args(%while3A_48 = %while3A_33) -> (i32)  : i32 {
      %mul3A_49 = arith.constant 8 : i32
      %mul3A_50 = arith.muli %while3A_47, %mul3A_49 : i32
      %add3A_51 = arith.addi %select_n3A, %mul3A_50 : i32
      "tpu.region"() ({
        %run_scoped3A_321 = tpu.sem_alloc : memref<!tpu.dma_semaphore, #tpu.memory_space<semaphore_mem>>
        %dma_start3A_322 = arith.constant 0 : i32
        %dma_start3A_323 = tpu.memref_slice %arg4[%add3A_51, %dma_start3A_322] : memref<5120x64xi32, #tpu.memory_space<hbm>> -> memref<8x64xi32, #tpu.memory_space<hbm>>
        %dma_start3A_324 = arith.constant 0 : i32
        %dma_start3A_325 = tpu.memref_slice %arg4[%add3A_51, %dma_start3A_324] : memref<5120x64xi32, #tpu.memory_space<hbm>> -> memref<8x64xi32, #tpu.memory_space<hbm>>
        tpu.enqueue_dma source(%dma_start3A_325 : memref<8x64xi32, #tpu.memory_space<hbm>>) target(%arg7 : memref<8x64xi32, #tpu.memory_space<vmem>>) target_semaphore(%run_scoped3A_321 : memref<!tpu.dma_semaphore, #tpu.memory_space<semaphore_mem>>)
        %dma_wait3A_326 = arith.constant 0 : i32
        %dma_wait3A_327 = tpu.memref_slice %arg4[%add3A_51, %dma_wait3A_326] : memref<5120x64xi32, #tpu.memory_space<hbm>> -> memref<8x64xi32, #tpu.memory_space<hbm>>
        %dma_wait3A_328 = arith.constant 0 : i32
        %dma_wait3A_329 = tpu.memref_slice %arg4[%add3A_51, %dma_wait3A_328] : memref<5120x64xi32, #tpu.memory_space<hbm>> -> memref<8x64xi32, #tpu.memory_space<hbm>>
        tpu.wait_dma2 semaphore(%run_scoped3A_321 : memref<!tpu.dma_semaphore, #tpu.memory_space<semaphore_mem>>) src(%dma_wait3A_329 : memref<8x64xi32, #tpu.memory_space<hbm>>) dst(%arg7 : memref<8x64xi32, #tpu.memory_space<vmem>>)
        tpu.yield
      }) : () -> ()
      "tpu.region"() ({
        %run_scoped3A_321 = tpu.sem_alloc : memref<!tpu.dma_semaphore, #tpu.memory_space<semaphore_mem>>
        %dma_start3A_322 = arith.constant 0 : i32
        %dma_start3A_323 = tpu.memref_slice %arg5[%add3A_51, %dma_start3A_322] : memref<5120x64xi32, #tpu.memory_space<hbm>> -> memref<8x64xi32, #tpu.memory_space<hbm>>
        %dma_start3A_324 = arith.constant 0 : i32
        %dma_start3A_325 = tpu.memref_slice %arg5[%add3A_51, %dma_start3A_324] : memref<5120x64xi32, #tpu.memory_space<hbm>> -> memref<8x64xi32, #tpu.memory_space<hbm>>
        tpu.enqueue_dma source(%dma_start3A_325 : memref<8x64xi32, #tpu.memory_space<hbm>>) target(%arg8 : memref<8x64xi32, #tpu.memory_space<vmem>>) target_semaphore(%run_scoped3A_321 : memref<!tpu.dma_semaphore, #tpu.memory_space<semaphore_mem>>)
        %dma_wait3A_326 = arith.constant 0 : i32
        %dma_wait3A_327 = tpu.memref_slice %arg5[%add3A_51, %dma_wait3A_326] : memref<5120x64xi32, #tpu.memory_space<hbm>> -> memref<8x64xi32, #tpu.memory_space<hbm>>
        %dma_wait3A_328 = arith.constant 0 : i32
        %dma_wait3A_329 = tpu.memref_slice %arg5[%add3A_51, %dma_wait3A_328] : memref<5120x64xi32, #tpu.memory_space<hbm>> -> memref<8x64xi32, #tpu.memory_space<hbm>>
        tpu.wait_dma2 semaphore(%run_scoped3A_321 : memref<!tpu.dma_semaphore, #tpu.memory_space<semaphore_mem>>) src(%dma_wait3A_329 : memref<8x64xi32, #tpu.memory_space<hbm>>) dst(%arg8 : memref<8x64xi32, #tpu.memory_space<vmem>>)
        tpu.yield
      }) : () -> ()
      %dma_start3A = arith.constant 0 : i32
      %dma_start3A_52 = arith.constant 0 : i32
      %dma_start3A_53 = tpu.memref_slice %arg7[%dma_start3A, %dma_start3A_52] : memref<8x64xi32, #tpu.memory_space<vmem>> -> memref<1x64xi32, #tpu.memory_space<vmem>>
      %dma_start3A_54 = tpu.memref_squeeze %dma_start3A_53 : memref<1x64xi32, #tpu.memory_space<vmem>> -> memref<64xi32, #tpu.memory_space<vmem>>
      %dma_start3A_55 = arith.constant 0 : i32
      %dma_start3A_56 = arith.constant 0 : i32
      %dma_start3A_57 = tpu.memref_slice %arg2[%dma_start3A_55, %dma_start3A_56] : memref<10008x128xf32, #tpu.memory_space<hbm>> -> memref<10008x128xf32, #tpu.memory_space<hbm>>
      tpu.enqueue_indirect_dma source(%dma_start3A_57 : memref<10008x128xf32, #tpu.memory_space<hbm>>) target(%arg9 : memref<64x128xf32, #tpu.memory_space<vmem>>) offsets(%dma_start3A_54 : memref<64xi32, #tpu.memory_space<vmem>>) semaphore(%arg15 : memref<!tpu.dma_semaphore, #tpu.memory_space<semaphore_mem>>)
      %dma_start3A_58 = arith.constant 0 : i32
      %dma_start3A_59 = arith.constant 0 : i32
      %dma_start3A_60 = tpu.memref_slice %arg8[%dma_start3A_58, %dma_start3A_59] : memref<8x64xi32, #tpu.memory_space<vmem>> -> memref<1x64xi32, #tpu.memory_space<vmem>>
      %dma_start3A_61 = tpu.memref_squeeze %dma_start3A_60 : memref<1x64xi32, #tpu.memory_space<vmem>> -> memref<64xi32, #tpu.memory_space<vmem>>
      %dma_start3A_62 = arith.constant 0 : i32
      %dma_start3A_63 = arith.constant 0 : i32
      %dma_start3A_64 = tpu.memref_slice %arg3[%dma_start3A_62, %dma_start3A_63] : memref<10008x128xi32, #tpu.memory_space<hbm>> -> memref<10008x128xi32, #tpu.memory_space<hbm>>
      tpu.enqueue_indirect_dma source(%dma_start3A_64 : memref<10008x128xi32, #tpu.memory_space<hbm>>) target(%arg11 : memref<64x128xi32, #tpu.memory_space<vmem>>) offsets(%dma_start3A_61 : memref<64xi32, #tpu.memory_space<vmem>>) semaphore(%arg17 : memref<!tpu.dma_semaphore, #tpu.memory_space<semaphore_mem>>)
      %dma_wait3A = arith.constant 0 : i32
      %dma_wait3A_65 = arith.constant 0 : i32
      %dma_wait3A_66 = tpu.memref_slice %arg7[%dma_wait3A, %dma_wait3A_65] : memref<8x64xi32, #tpu.memory_space<vmem>> -> memref<1x64xi32, #tpu.memory_space<vmem>>
      %dma_wait3A_67 = tpu.memref_squeeze %dma_wait3A_66 : memref<1x64xi32, #tpu.memory_space<vmem>> -> memref<64xi32, #tpu.memory_space<vmem>>
      %dma_wait3A_68 = arith.constant 0 : i32
      %dma_wait3A_69 = arith.constant 0 : i32
      %dma_wait3A_70 = tpu.memref_slice %arg2[%dma_wait3A_68, %dma_wait3A_69] : memref<10008x128xf32, #tpu.memory_space<hbm>> -> memref<10008x128xf32, #tpu.memory_space<hbm>>
      tpu.wait_indirect_dma semaphore(%arg15 : memref<!tpu.dma_semaphore, #tpu.memory_space<semaphore_mem>>) src(%dma_wait3A_70 : memref<10008x128xf32, #tpu.memory_space<hbm>>) dst(%arg9 : memref<64x128xf32, #tpu.memory_space<vmem>>)
      %dma_wait3A_71 = arith.constant 0 : i32
      %dma_wait3A_72 = arith.constant 0 : i32
      %dma_wait3A_73 = tpu.memref_slice %arg8[%dma_wait3A_71, %dma_wait3A_72] : memref<8x64xi32, #tpu.memory_space<vmem>> -> memref<1x64xi32, #tpu.memory_space<vmem>>
      %dma_wait3A_74 = tpu.memref_squeeze %dma_wait3A_73 : memref<1x64xi32, #tpu.memory_space<vmem>> -> memref<64xi32, #tpu.memory_space<vmem>>
      %dma_wait3A_75 = arith.constant 0 : i32
      %dma_wait3A_76 = arith.constant 0 : i32
      %dma_wait3A_77 = tpu.memref_slice %arg3[%dma_wait3A_75, %dma_wait3A_76] : memref<10008x128xi32, #tpu.memory_space<hbm>> -> memref<10008x128xi32, #tpu.memory_space<hbm>>
      tpu.wait_indirect_dma semaphore(%arg17 : memref<!tpu.dma_semaphore, #tpu.memory_space<semaphore_mem>>) src(%dma_wait3A_77 : memref<10008x128xi32, #tpu.memory_space<hbm>>) dst(%arg11 : memref<64x128xi32, #tpu.memory_space<vmem>>)
      %dma_start3A_78 = arith.constant 1 : i32
      %dma_start3A_79 = arith.constant 0 : i32
      %dma_start3A_80 = tpu.memref_slice %arg7[%dma_start3A_78, %dma_start3A_79] : memref<8x64xi32, #tpu.memory_space<vmem>> -> memref<1x64xi32, #tpu.memory_space<vmem>>
      %dma_start3A_81 = tpu.memref_squeeze %dma_start3A_80 : memref<1x64xi32, #tpu.memory_space<vmem>> -> memref<64xi32, #tpu.memory_space<vmem>>
      %dma_start3A_82 = arith.constant 0 : i32
      %dma_start3A_83 = arith.constant 0 : i32
      %dma_start3A_84 = tpu.memref_slice %arg2[%dma_start3A_82, %dma_start3A_83] : memref<10008x128xf32, #tpu.memory_space<hbm>> -> memref<10008x128xf32, #tpu.memory_space<hbm>>
      tpu.enqueue_indirect_dma source(%dma_start3A_84 : memref<10008x128xf32, #tpu.memory_space<hbm>>) target(%arg10 : memref<64x128xf32, #tpu.memory_space<vmem>>) offsets(%dma_start3A_81 : memref<64xi32, #tpu.memory_space<vmem>>) semaphore(%arg16 : memref<!tpu.dma_semaphore, #tpu.memory_space<semaphore_mem>>)
      %dma_start3A_85 = arith.constant 1 : i32
      %dma_start3A_86 = arith.constant 0 : i32
      %dma_start3A_87 = tpu.memref_slice %arg8[%dma_start3A_85, %dma_start3A_86] : memref<8x64xi32, #tpu.memory_space<vmem>> -> memref<1x64xi32, #tpu.memory_space<vmem>>
      %dma_start3A_88 = tpu.memref_squeeze %dma_start3A_87 : memref<1x64xi32, #tpu.memory_space<vmem>> -> memref<64xi32, #tpu.memory_space<vmem>>
      %dma_start3A_89 = arith.constant 0 : i32
      %dma_start3A_90 = arith.constant 0 : i32
      %dma_start3A_91 = tpu.memref_slice %arg3[%dma_start3A_89, %dma_start3A_90] : memref<10008x128xi32, #tpu.memory_space<hbm>> -> memref<10008x128xi32, #tpu.memory_space<hbm>>
      tpu.enqueue_indirect_dma source(%dma_start3A_91 : memref<10008x128xi32, #tpu.memory_space<hbm>>) target(%arg12 : memref<64x128xi32, #tpu.memory_space<vmem>>) offsets(%dma_start3A_88 : memref<64xi32, #tpu.memory_space<vmem>>) semaphore(%arg18 : memref<!tpu.dma_semaphore, #tpu.memory_space<semaphore_mem>>)
      %broadcast_in_dim3A_92 = arith.constant -65536 : i32
      %broadcast_in_dim3A_93 = vector.broadcast %broadcast_in_dim3A_92 : i32 to vector<16xi32>
      %parallel_loop3A = arith.constant 0 : i32
      %parallel_loop3A_94 = arith.constant 512 : i32
      %parallel_loop3A_95 = arith.constant 1 : i32
      scf.for %parallel_loop3A_321 = %parallel_loop3A to %parallel_loop3A_94 step %parallel_loop3A_95  : i32 {
        %parallel_loop3A_322 = arith.constant 8 : i32
        %parallel_loop3A_323 = arith.divsi %parallel_loop3A_321, %parallel_loop3A_322 : i32
        %parallel_loop3A_324 = arith.constant 0 : i32
        %parallel_loop3A_325 = arith.cmpi sgt, %parallel_loop3A_321, %parallel_loop3A_324 : i32
        %parallel_loop3A_326 = arith.extui %parallel_loop3A_325 : i1 to i32
        %parallel_loop3A_327 = arith.constant 0 : i32
        %parallel_loop3A_328 = arith.cmpi slt, %parallel_loop3A_321, %parallel_loop3A_327 : i32
        %parallel_loop3A_329 = arith.extui %parallel_loop3A_328 : i1 to i32
        %parallel_loop3A_330 = arith.subi %parallel_loop3A_326, %parallel_loop3A_329 : i32
        %parallel_loop3A_331 = arith.constant 0 : i32
        %parallel_loop3A_332 = arith.cmpi sgt, %parallel_loop3A_322, %parallel_loop3A_331 : i32
        %parallel_loop3A_333 = arith.extui %parallel_loop3A_332 : i1 to i32
        %parallel_loop3A_334 = arith.constant 0 : i32
        %parallel_loop3A_335 = arith.cmpi slt, %parallel_loop3A_322, %parallel_loop3A_334 : i32
        %parallel_loop3A_336 = arith.extui %parallel_loop3A_335 : i1 to i32
        %parallel_loop3A_337 = arith.subi %parallel_loop3A_333, %parallel_loop3A_336 : i32
        %parallel_loop3A_338 = arith.cmpi ne, %parallel_loop3A_330, %parallel_loop3A_337 : i32
        %parallel_loop3A_339 = arith.remsi %parallel_loop3A_321, %parallel_loop3A_322 : i32
        %parallel_loop3A_340 = arith.constant 0 : i32
        %parallel_loop3A_341 = arith.cmpi ne, %parallel_loop3A_339, %parallel_loop3A_340 : i32
        %parallel_loop3A_342 = arith.andi %parallel_loop3A_338, %parallel_loop3A_341 : i1
        %parallel_loop3A_343 = arith.constant 1 : i32
        %parallel_loop3A_344 = arith.subi %parallel_loop3A_323, %parallel_loop3A_343 : i32
        %parallel_loop3A_345 = arith.select %parallel_loop3A_342, %parallel_loop3A_344, %parallel_loop3A_323 : i32
        %parallel_loop3A_346 = arith.constant 8 : i32
        %parallel_loop3A_347 = arith.constant 0 : i32
        %parallel_loop3A_348 = arith.cmpi eq, %parallel_loop3A_346, %parallel_loop3A_347 : i32
        %parallel_loop3A_349 = arith.constant 1 : i32
        %parallel_loop3A_350 = arith.select %parallel_loop3A_348, %parallel_loop3A_349, %parallel_loop3A_346 : i32
        %parallel_loop3A_351 = arith.remsi %parallel_loop3A_321, %parallel_loop3A_350 : i32
        %parallel_loop3A_352 = arith.constant 0 : i32
        %parallel_loop3A_353 = arith.cmpi ne, %parallel_loop3A_351, %parallel_loop3A_352 : i32
        %parallel_loop3A_354 = arith.constant 0 : i32
        %parallel_loop3A_355 = arith.cmpi slt, %parallel_loop3A_351, %parallel_loop3A_354 : i32
        %parallel_loop3A_356 = arith.constant 0 : i32
        %parallel_loop3A_357 = arith.cmpi slt, %parallel_loop3A_350, %parallel_loop3A_356 : i32
        %parallel_loop3A_358 = arith.xori %parallel_loop3A_355, %parallel_loop3A_357 : i1
        %parallel_loop3A_359 = arith.andi %parallel_loop3A_358, %parallel_loop3A_353 : i1
        %parallel_loop3A_360 = arith.addi %parallel_loop3A_351, %parallel_loop3A_350 : i32
        %parallel_loop3A_361 = arith.select %parallel_loop3A_359, %parallel_loop3A_360, %parallel_loop3A_351 : i32
        %parallel_loop3A_362 = arith.constant 16 : i32
        %parallel_loop3A_363 = arith.muli %parallel_loop3A_361, %parallel_loop3A_362 : i32
        %parallel_loop3A_364 = arith.index_cast %parallel_loop3A_345 : i32 to index
        %parallel_loop3A_365 = arith.index_cast %parallel_loop3A_363 : i32 to index
        %parallel_loop3A_366 = tpu.vector_load %arg11[%parallel_loop3A_364, %parallel_loop3A_365] {strides = array<i32>} : memref<64x128xi32, #tpu.memory_space<vmem>>, vector<1x16xi32>,
        %parallel_loop3A_367 = vector.shape_cast %parallel_loop3A_366 : vector<1x16xi32> to vector<16xi32>
        %parallel_loop3A_368 = arith.constant 16 : i32
        %parallel_loop3A_369 = vector.broadcast %parallel_loop3A_368 : i32 to vector<16xi32>
        %parallel_loop3A_370 = arith.shli %parallel_loop3A_367, %parallel_loop3A_369 : vector<16xi32>
        %parallel_loop3A_371 = tpu.bitcast %parallel_loop3A_370 : vector<16xi32> -> vector<16xf32>
        %parallel_loop3A_372 = arith.andi %parallel_loop3A_367, %broadcast_in_dim3A_93 : vector<16xi32>
        %parallel_loop3A_373 = tpu.bitcast %parallel_loop3A_372 : vector<16xi32> -> vector<16xf32>
        %parallel_loop3A_374 = arith.index_cast %parallel_loop3A_345 : i32 to index
        %parallel_loop3A_375 = arith.index_cast %parallel_loop3A_363 : i32 to index
        %parallel_loop3A_376 = tpu.vector_load %arg9[%parallel_loop3A_374, %parallel_loop3A_375] {strides = array<i32>} : memref<64x128xf32, #tpu.memory_space<vmem>>, vector<1x16xf32>,
        %parallel_loop3A_377 = vector.shape_cast %parallel_loop3A_376 : vector<1x16xf32> to vector<16xf32>
        %parallel_loop3A_378 = arith.addf %parallel_loop3A_377, %parallel_loop3A_371 : vector<16xf32>
        %parallel_loop3A_379 = arith.constant 0.000000e+00 : f32
        %parallel_loop3A_380 = vector.broadcast %parallel_loop3A_379 : f32 to vector<16xf32>
        %parallel_loop3A_381 = arith.subf %parallel_loop3A_380, %parallel_loop3A_378 : vector<16xf32>
        %parallel_loop3A_382 = math.exp %parallel_loop3A_381 : vector<16xf32>
        %parallel_loop3A_383 = arith.constant 1.000000e+00 : f32
        %parallel_loop3A_384 = vector.broadcast %parallel_loop3A_383 : f32 to vector<16xf32>
        %parallel_loop3A_385 = arith.addf %parallel_loop3A_384, %parallel_loop3A_382 : vector<16xf32>
        %parallel_loop3A_386 = arith.constant 1.000000e+00 : f32
        %parallel_loop3A_387 = vector.broadcast %parallel_loop3A_386 : f32 to vector<16xf32>
        %parallel_loop3A_388 = arith.divf %parallel_loop3A_387, %parallel_loop3A_385 : vector<16xf32>
        %parallel_loop3A_389 = arith.mulf %parallel_loop3A_388, %parallel_loop3A_373 : vector<16xf32>
        %parallel_loop3A_390 = arith.index_cast %parallel_loop3A_345 : i32 to index
        %parallel_loop3A_391 = arith.index_cast %parallel_loop3A_363 : i32 to index
        %parallel_loop3A_392 = tpu.vector_load %arg13[%parallel_loop3A_390, %parallel_loop3A_391] {strides = array<i32>} : memref<64x128xf32, #tpu.memory_space<vmem>>, vector<1x16xf32>,
        %parallel_loop3A_393 = vector.shape_cast %parallel_loop3A_392 : vector<1x16xf32> to vector<16xf32>
        %parallel_loop3A_394 = vector.shape_cast %parallel_loop3A_389 : vector<16xf32> to vector<1x16xf32>
        tpu.vector_store %arg13[%parallel_loop3A_390, %parallel_loop3A_391], %parallel_loop3A_394 {strides = array<i32>} : memref<64x128xf32, #tpu.memory_space<vmem>>, vector<1x16xf32>,
      } {sc.loop_unroll_factor = 8 : i64, sc.parallel_access}
      %run_scoped3A = arith.constant 0 : i32
      "tpu.region"() ({
        %run_scoped3A_321 = tpu.sem_alloc : memref<!tpu.dma_semaphore, #tpu.memory_space<semaphore_mem>>
        %dma_start3A_322 = arith.constant 0 : i32
        %dma_start3A_323 = tpu.memref_slice %arg7[%run_scoped3A, %dma_start3A_322] : memref<8x64xi32, #tpu.memory_space<vmem>> -> memref<1x64xi32, #tpu.memory_space<vmem>>
        %dma_start3A_324 = tpu.memref_squeeze %dma_start3A_323 : memref<1x64xi32, #tpu.memory_space<vmem>> -> memref<64xi32, #tpu.memory_space<vmem>>
        %dma_start3A_325 = arith.constant 0 : i32
        %dma_start3A_326 = arith.constant 0 : i32
        %dma_start3A_327 = tpu.memref_slice %arg14[%dma_start3A_325, %dma_start3A_326] : memref<10008x128xf32, #tpu.memory_space<vmem_shared>> -> memref<10008x128xf32, #tpu.memory_space<vmem_shared>>
        tpu.enqueue_indirect_dma source(%arg13 : memref<64x128xf32, #tpu.memory_space<vmem>>) target(%dma_start3A_327 : memref<10008x128xf32, #tpu.memory_space<vmem_shared>>) offsets(%dma_start3A_324 : memref<64xi32, #tpu.memory_space<vmem>>) semaphore(%run_scoped3A_321 : memref<!tpu.dma_semaphore, #tpu.memory_space<semaphore_mem>>) {add = true}
        %dma_wait3A_328 = arith.constant 0 : i32
        %dma_wait3A_329 = tpu.memref_slice %arg7[%run_scoped3A, %dma_wait3A_328] : memref<8x64xi32, #tpu.memory_space<vmem>> -> memref<1x64xi32, #tpu.memory_space<vmem>>
        %dma_wait3A_330 = tpu.memref_squeeze %dma_wait3A_329 : memref<1x64xi32, #tpu.memory_space<vmem>> -> memref<64xi32, #tpu.memory_space<vmem>>
        %dma_wait3A_331 = arith.constant 0 : i32
        %dma_wait3A_332 = arith.constant 0 : i32
        %dma_wait3A_333 = tpu.memref_slice %arg14[%dma_wait3A_331, %dma_wait3A_332] : memref<10008x128xf32, #tpu.memory_space<vmem_shared>> -> memref<10008x128xf32, #tpu.memory_space<vmem_shared>>
        tpu.wait_indirect_dma semaphore(%run_scoped3A_321 : memref<!tpu.dma_semaphore, #tpu.memory_space<semaphore_mem>>) src(%arg13 : memref<64x128xf32, #tpu.memory_space<vmem>>) dst(%dma_wait3A_333 : memref<10008x128xf32, #tpu.memory_space<vmem_shared>>)
        tpu.yield
      }) : () -> ()
      %dma_wait3A_96 = arith.constant 1 : i32
      %dma_wait3A_97 = arith.constant 0 : i32
      %dma_wait3A_98 = tpu.memref_slice %arg7[%dma_wait3A_96, %dma_wait3A_97] : memref<8x64xi32, #tpu.memory_space<vmem>> -> memref<1x64xi32, #tpu.memory_space<vmem>>
      %dma_wait3A_99 = tpu.memref_squeeze %dma_wait3A_98 : memref<1x64xi32, #tpu.memory_space<vmem>> -> memref<64xi32, #tpu.memory_space<vmem>>
      %dma_wait3A_100 = arith.constant 0 : i32
      %dma_wait3A_101 = arith.constant 0 : i32
      %dma_wait3A_102 = tpu.memref_slice %arg2[%dma_wait3A_100, %dma_wait3A_101] : memref<10008x128xf32, #tpu.memory_space<hbm>> -> memref<10008x128xf32, #tpu.memory_space<hbm>>
      tpu.wait_indirect_dma semaphore(%arg16 : memref<!tpu.dma_semaphore, #tpu.memory_space<semaphore_mem>>) src(%dma_wait3A_102 : memref<10008x128xf32, #tpu.memory_space<hbm>>) dst(%arg10 : memref<64x128xf32, #tpu.memory_space<vmem>>)
      %dma_wait3A_103 = arith.constant 1 : i32
      %dma_wait3A_104 = arith.constant 0 : i32
      %dma_wait3A_105 = tpu.memref_slice %arg8[%dma_wait3A_103, %dma_wait3A_104] : memref<8x64xi32, #tpu.memory_space<vmem>> -> memref<1x64xi32, #tpu.memory_space<vmem>>
      %dma_wait3A_106 = tpu.memref_squeeze %dma_wait3A_105 : memref<1x64xi32, #tpu.memory_space<vmem>> -> memref<64xi32, #tpu.memory_space<vmem>>
      %dma_wait3A_107 = arith.constant 0 : i32
      %dma_wait3A_108 = arith.constant 0 : i32
      %dma_wait3A_109 = tpu.memref_slice %arg3[%dma_wait3A_107, %dma_wait3A_108] : memref<10008x128xi32, #tpu.memory_space<hbm>> -> memref<10008x128xi32, #tpu.memory_space<hbm>>
      tpu.wait_indirect_dma semaphore(%arg18 : memref<!tpu.dma_semaphore, #tpu.memory_space<semaphore_mem>>) src(%dma_wait3A_109 : memref<10008x128xi32, #tpu.memory_space<hbm>>) dst(%arg12 : memref<64x128xi32, #tpu.memory_space<vmem>>)
      %dma_start3A_110 = arith.constant 2 : i32
      %dma_start3A_111 = arith.constant 0 : i32
      %dma_start3A_112 = tpu.memref_slice %arg7[%dma_start3A_110, %dma_start3A_111] : memref<8x64xi32, #tpu.memory_space<vmem>> -> memref<1x64xi32, #tpu.memory_space<vmem>>
      %dma_start3A_113 = tpu.memref_squeeze %dma_start3A_112 : memref<1x64xi32, #tpu.memory_space<vmem>> -> memref<64xi32, #tpu.memory_space<vmem>>
      %dma_start3A_114 = arith.constant 0 : i32
      %dma_start3A_115 = arith.constant 0 : i32
      %dma_start3A_116 = tpu.memref_slice %arg2[%dma_start3A_114, %dma_start3A_115] : memref<10008x128xf32, #tpu.memory_space<hbm>> -> memref<10008x128xf32, #tpu.memory_space<hbm>>
      tpu.enqueue_indirect_dma source(%dma_start3A_116 : memref<10008x128xf32, #tpu.memory_space<hbm>>) target(%arg9 : memref<64x128xf32, #tpu.memory_space<vmem>>) offsets(%dma_start3A_113 : memref<64xi32, #tpu.memory_space<vmem>>) semaphore(%arg15 : memref<!tpu.dma_semaphore, #tpu.memory_space<semaphore_mem>>)
      %dma_start3A_117 = arith.constant 2 : i32
      %dma_start3A_118 = arith.constant 0 : i32
      %dma_start3A_119 = tpu.memref_slice %arg8[%dma_start3A_117, %dma_start3A_118] : memref<8x64xi32, #tpu.memory_space<vmem>> -> memref<1x64xi32, #tpu.memory_space<vmem>>
      %dma_start3A_120 = tpu.memref_squeeze %dma_start3A_119 : memref<1x64xi32, #tpu.memory_space<vmem>> -> memref<64xi32, #tpu.memory_space<vmem>>
      %dma_start3A_121 = arith.constant 0 : i32
      %dma_start3A_122 = arith.constant 0 : i32
      %dma_start3A_123 = tpu.memref_slice %arg3[%dma_start3A_121, %dma_start3A_122] : memref<10008x128xi32, #tpu.memory_space<hbm>> -> memref<10008x128xi32, #tpu.memory_space<hbm>>
      tpu.enqueue_indirect_dma source(%dma_start3A_123 : memref<10008x128xi32, #tpu.memory_space<hbm>>) target(%arg11 : memref<64x128xi32, #tpu.memory_space<vmem>>) offsets(%dma_start3A_120 : memref<64xi32, #tpu.memory_space<vmem>>) semaphore(%arg17 : memref<!tpu.dma_semaphore, #tpu.memory_space<semaphore_mem>>)
      %broadcast_in_dim3A_124 = arith.constant -65536 : i32
      %broadcast_in_dim3A_125 = vector.broadcast %broadcast_in_dim3A_124 : i32 to vector<16xi32>
      %parallel_loop3A_126 = arith.constant 0 : i32
      %parallel_loop3A_127 = arith.constant 512 : i32
      %parallel_loop3A_128 = arith.constant 1 : i32
      scf.for %parallel_loop3A_321 = %parallel_loop3A_126 to %parallel_loop3A_127 step %parallel_loop3A_128  : i32 {
        %parallel_loop3A_322 = arith.constant 8 : i32
        %parallel_loop3A_323 = arith.divsi %parallel_loop3A_321, %parallel_loop3A_322 : i32
        %parallel_loop3A_324 = arith.constant 0 : i32
        %parallel_loop3A_325 = arith.cmpi sgt, %parallel_loop3A_321, %parallel_loop3A_324 : i32
        %parallel_loop3A_326 = arith.extui %parallel_loop3A_325 : i1 to i32
        %parallel_loop3A_327 = arith.constant 0 : i32
        %parallel_loop3A_328 = arith.cmpi slt, %parallel_loop3A_321, %parallel_loop3A_327 : i32
        %parallel_loop3A_329 = arith.extui %parallel_loop3A_328 : i1 to i32
        %parallel_loop3A_330 = arith.subi %parallel_loop3A_326, %parallel_loop3A_329 : i32
        %parallel_loop3A_331 = arith.constant 0 : i32
        %parallel_loop3A_332 = arith.cmpi sgt, %parallel_loop3A_322, %parallel_loop3A_331 : i32
        %parallel_loop3A_333 = arith.extui %parallel_loop3A_332 : i1 to i32
        %parallel_loop3A_334 = arith.constant 0 : i32
        %parallel_loop3A_335 = arith.cmpi slt, %parallel_loop3A_322, %parallel_loop3A_334 : i32
        %parallel_loop3A_336 = arith.extui %parallel_loop3A_335 : i1 to i32
        %parallel_loop3A_337 = arith.subi %parallel_loop3A_333, %parallel_loop3A_336 : i32
        %parallel_loop3A_338 = arith.cmpi ne, %parallel_loop3A_330, %parallel_loop3A_337 : i32
        %parallel_loop3A_339 = arith.remsi %parallel_loop3A_321, %parallel_loop3A_322 : i32
        %parallel_loop3A_340 = arith.constant 0 : i32
        %parallel_loop3A_341 = arith.cmpi ne, %parallel_loop3A_339, %parallel_loop3A_340 : i32
        %parallel_loop3A_342 = arith.andi %parallel_loop3A_338, %parallel_loop3A_341 : i1
        %parallel_loop3A_343 = arith.constant 1 : i32
        %parallel_loop3A_344 = arith.subi %parallel_loop3A_323, %parallel_loop3A_343 : i32
        %parallel_loop3A_345 = arith.select %parallel_loop3A_342, %parallel_loop3A_344, %parallel_loop3A_323 : i32
        %parallel_loop3A_346 = arith.constant 8 : i32
        %parallel_loop3A_347 = arith.constant 0 : i32
        %parallel_loop3A_348 = arith.cmpi eq, %parallel_loop3A_346, %parallel_loop3A_347 : i32
        %parallel_loop3A_349 = arith.constant 1 : i32
        %parallel_loop3A_350 = arith.select %parallel_loop3A_348, %parallel_loop3A_349, %parallel_loop3A_346 : i32
        %parallel_loop3A_351 = arith.remsi %parallel_loop3A_321, %parallel_loop3A_350 : i32
        %parallel_loop3A_352 = arith.constant 0 : i32
        %parallel_loop3A_353 = arith.cmpi ne, %parallel_loop3A_351, %parallel_loop3A_352 : i32
        %parallel_loop3A_354 = arith.constant 0 : i32
        %parallel_loop3A_355 = arith.cmpi slt, %parallel_loop3A_351, %parallel_loop3A_354 : i32
        %parallel_loop3A_356 = arith.constant 0 : i32
        %parallel_loop3A_357 = arith.cmpi slt, %parallel_loop3A_350, %parallel_loop3A_356 : i32
        %parallel_loop3A_358 = arith.xori %parallel_loop3A_355, %parallel_loop3A_357 : i1
        %parallel_loop3A_359 = arith.andi %parallel_loop3A_358, %parallel_loop3A_353 : i1
        %parallel_loop3A_360 = arith.addi %parallel_loop3A_351, %parallel_loop3A_350 : i32
        %parallel_loop3A_361 = arith.select %parallel_loop3A_359, %parallel_loop3A_360, %parallel_loop3A_351 : i32
        %parallel_loop3A_362 = arith.constant 16 : i32
        %parallel_loop3A_363 = arith.muli %parallel_loop3A_361, %parallel_loop3A_362 : i32
        %parallel_loop3A_364 = arith.index_cast %parallel_loop3A_345 : i32 to index
        %parallel_loop3A_365 = arith.index_cast %parallel_loop3A_363 : i32 to index
        %parallel_loop3A_366 = tpu.vector_load %arg12[%parallel_loop3A_364, %parallel_loop3A_365] {strides = array<i32>} : memref<64x128xi32, #tpu.memory_space<vmem>>, vector<1x16xi32>,
        %parallel_loop3A_367 = vector.shape_cast %parallel_loop3A_366 : vector<1x16xi32> to vector<16xi32>
        %parallel_loop3A_368 = arith.constant 16 : i32
        %parallel_loop3A_369 = vector.broadcast %parallel_loop3A_368 : i32 to vector<16xi32>
        %parallel_loop3A_370 = arith.shli %parallel_loop3A_367, %parallel_loop3A_369 : vector<16xi32>
        %parallel_loop3A_371 = tpu.bitcast %parallel_loop3A_370 : vector<16xi32> -> vector<16xf32>
        %parallel_loop3A_372 = arith.andi %parallel_loop3A_367, %broadcast_in_dim3A_125 : vector<16xi32>
        %parallel_loop3A_373 = tpu.bitcast %parallel_loop3A_372 : vector<16xi32> -> vector<16xf32>
        %parallel_loop3A_374 = arith.index_cast %parallel_loop3A_345 : i32 to index
        %parallel_loop3A_375 = arith.index_cast %parallel_loop3A_363 : i32 to index
        %parallel_loop3A_376 = tpu.vector_load %arg10[%parallel_loop3A_374, %parallel_loop3A_375] {strides = array<i32>} : memref<64x128xf32, #tpu.memory_space<vmem>>, vector<1x16xf32>,
        %parallel_loop3A_377 = vector.shape_cast %parallel_loop3A_376 : vector<1x16xf32> to vector<16xf32>
        %parallel_loop3A_378 = arith.addf %parallel_loop3A_377, %parallel_loop3A_371 : vector<16xf32>
        %parallel_loop3A_379 = arith.constant 0.000000e+00 : f32
        %parallel_loop3A_380 = vector.broadcast %parallel_loop3A_379 : f32 to vector<16xf32>
        %parallel_loop3A_381 = arith.subf %parallel_loop3A_380, %parallel_loop3A_378 : vector<16xf32>
        %parallel_loop3A_382 = math.exp %parallel_loop3A_381 : vector<16xf32>
        %parallel_loop3A_383 = arith.constant 1.000000e+00 : f32
        %parallel_loop3A_384 = vector.broadcast %parallel_loop3A_383 : f32 to vector<16xf32>
        %parallel_loop3A_385 = arith.addf %parallel_loop3A_384, %parallel_loop3A_382 : vector<16xf32>
        %parallel_loop3A_386 = arith.constant 1.000000e+00 : f32
        %parallel_loop3A_387 = vector.broadcast %parallel_loop3A_386 : f32 to vector<16xf32>
        %parallel_loop3A_388 = arith.divf %parallel_loop3A_387, %parallel_loop3A_385 : vector<16xf32>
        %parallel_loop3A_389 = arith.mulf %parallel_loop3A_388, %parallel_loop3A_373 : vector<16xf32>
        %parallel_loop3A_390 = arith.index_cast %parallel_loop3A_345 : i32 to index
        %parallel_loop3A_391 = arith.index_cast %parallel_loop3A_363 : i32 to index
        %parallel_loop3A_392 = tpu.vector_load %arg13[%parallel_loop3A_390, %parallel_loop3A_391] {strides = array<i32>} : memref<64x128xf32, #tpu.memory_space<vmem>>, vector<1x16xf32>,
        %parallel_loop3A_393 = vector.shape_cast %parallel_loop3A_392 : vector<1x16xf32> to vector<16xf32>
        %parallel_loop3A_394 = vector.shape_cast %parallel_loop3A_389 : vector<16xf32> to vector<1x16xf32>
        tpu.vector_store %arg13[%parallel_loop3A_390, %parallel_loop3A_391], %parallel_loop3A_394 {strides = array<i32>} : memref<64x128xf32, #tpu.memory_space<vmem>>, vector<1x16xf32>,
      } {sc.loop_unroll_factor = 8 : i64, sc.parallel_access}
      %run_scoped3A_129 = arith.constant 1 : i32
      "tpu.region"() ({
        %run_scoped3A_321 = tpu.sem_alloc : memref<!tpu.dma_semaphore, #tpu.memory_space<semaphore_mem>>
        %dma_start3A_322 = arith.constant 0 : i32
        %dma_start3A_323 = tpu.memref_slice %arg7[%run_scoped3A_129, %dma_start3A_322] : memref<8x64xi32, #tpu.memory_space<vmem>> -> memref<1x64xi32, #tpu.memory_space<vmem>>
        %dma_start3A_324 = tpu.memref_squeeze %dma_start3A_323 : memref<1x64xi32, #tpu.memory_space<vmem>> -> memref<64xi32, #tpu.memory_space<vmem>>
        %dma_start3A_325 = arith.constant 0 : i32
        %dma_start3A_326 = arith.constant 0 : i32
        %dma_start3A_327 = tpu.memref_slice %arg14[%dma_start3A_325, %dma_start3A_326] : memref<10008x128xf32, #tpu.memory_space<vmem_shared>> -> memref<10008x128xf32, #tpu.memory_space<vmem_shared>>
        tpu.enqueue_indirect_dma source(%arg13 : memref<64x128xf32, #tpu.memory_space<vmem>>) target(%dma_start3A_327 : memref<10008x128xf32, #tpu.memory_space<vmem_shared>>) offsets(%dma_start3A_324 : memref<64xi32, #tpu.memory_space<vmem>>) semaphore(%run_scoped3A_321 : memref<!tpu.dma_semaphore, #tpu.memory_space<semaphore_mem>>) {add = true}
        %dma_wait3A_328 = arith.constant 0 : i32
        %dma_wait3A_329 = tpu.memref_slice %arg7[%run_scoped3A_129, %dma_wait3A_328] : memref<8x64xi32, #tpu.memory_space<vmem>> -> memref<1x64xi32, #tpu.memory_space<vmem>>
        %dma_wait3A_330 = tpu.memref_squeeze %dma_wait3A_329 : memref<1x64xi32, #tpu.memory_space<vmem>> -> memref<64xi32, #tpu.memory_space<vmem>>
        %dma_wait3A_331 = arith.constant 0 : i32
        %dma_wait3A_332 = arith.constant 0 : i32
        %dma_wait3A_333 = tpu.memref_slice %arg14[%dma_wait3A_331, %dma_wait3A_332] : memref<10008x128xf32, #tpu.memory_space<vmem_shared>> -> memref<10008x128xf32, #tpu.memory_space<vmem_shared>>
        tpu.wait_indirect_dma semaphore(%run_scoped3A_321 : memref<!tpu.dma_semaphore, #tpu.memory_space<semaphore_mem>>) src(%arg13 : memref<64x128xf32, #tpu.memory_space<vmem>>) dst(%dma_wait3A_333 : memref<10008x128xf32, #tpu.memory_space<vmem_shared>>)
        tpu.yield
      }) : () -> ()
      %dma_wait3A_130 = arith.constant 2 : i32
      %dma_wait3A_131 = arith.constant 0 : i32
      %dma_wait3A_132 = tpu.memref_slice %arg7[%dma_wait3A_130, %dma_wait3A_131] : memref<8x64xi32, #tpu.memory_space<vmem>> -> memref<1x64xi32, #tpu.memory_space<vmem>>
      %dma_wait3A_133 = tpu.memref_squeeze %dma_wait3A_132 : memref<1x64xi32, #tpu.memory_space<vmem>> -> memref<64xi32, #tpu.memory_space<vmem>>
      %dma_wait3A_134 = arith.constant 0 : i32
      %dma_wait3A_135 = arith.constant 0 : i32
      %dma_wait3A_136 = tpu.memref_slice %arg2[%dma_wait3A_134, %dma_wait3A_135] : memref<10008x128xf32, #tpu.memory_space<hbm>> -> memref<10008x128xf32, #tpu.memory_space<hbm>>
      tpu.wait_indirect_dma semaphore(%arg15 : memref<!tpu.dma_semaphore, #tpu.memory_space<semaphore_mem>>) src(%dma_wait3A_136 : memref<10008x128xf32, #tpu.memory_space<hbm>>) dst(%arg9 : memref<64x128xf32, #tpu.memory_space<vmem>>)
      %dma_wait3A_137 = arith.constant 2 : i32
      %dma_wait3A_138 = arith.constant 0 : i32
      %dma_wait3A_139 = tpu.memref_slice %arg8[%dma_wait3A_137, %dma_wait3A_138] : memref<8x64xi32, #tpu.memory_space<vmem>> -> memref<1x64xi32, #tpu.memory_space<vmem>>
      %dma_wait3A_140 = tpu.memref_squeeze %dma_wait3A_139 : memref<1x64xi32, #tpu.memory_space<vmem>> -> memref<64xi32, #tpu.memory_space<vmem>>
      %dma_wait3A_141 = arith.constant 0 : i32
      %dma_wait3A_142 = arith.constant 0 : i32
      %dma_wait3A_143 = tpu.memref_slice %arg3[%dma_wait3A_141, %dma_wait3A_142] : memref<10008x128xi32, #tpu.memory_space<hbm>> -> memref<10008x128xi32, #tpu.memory_space<hbm>>
      tpu.wait_indirect_dma semaphore(%arg17 : memref<!tpu.dma_semaphore, #tpu.memory_space<semaphore_mem>>) src(%dma_wait3A_143 : memref<10008x128xi32, #tpu.memory_space<hbm>>) dst(%arg11 : memref<64x128xi32, #tpu.memory_space<vmem>>)
      %dma_start3A_144 = arith.constant 3 : i32
      %dma_start3A_145 = arith.constant 0 : i32
      %dma_start3A_146 = tpu.memref_slice %arg7[%dma_start3A_144, %dma_start3A_145] : memref<8x64xi32, #tpu.memory_space<vmem>> -> memref<1x64xi32, #tpu.memory_space<vmem>>
      %dma_start3A_147 = tpu.memref_squeeze %dma_start3A_146 : memref<1x64xi32, #tpu.memory_space<vmem>> -> memref<64xi32, #tpu.memory_space<vmem>>
      %dma_start3A_148 = arith.constant 0 : i32
      %dma_start3A_149 = arith.constant 0 : i32
      %dma_start3A_150 = tpu.memref_slice %arg2[%dma_start3A_148, %dma_start3A_149] : memref<10008x128xf32, #tpu.memory_space<hbm>> -> memref<10008x128xf32, #tpu.memory_space<hbm>>
      tpu.enqueue_indirect_dma source(%dma_start3A_150 : memref<10008x128xf32, #tpu.memory_space<hbm>>) target(%arg10 : memref<64x128xf32, #tpu.memory_space<vmem>>) offsets(%dma_start3A_147 : memref<64xi32, #tpu.memory_space<vmem>>) semaphore(%arg16 : memref<!tpu.dma_semaphore, #tpu.memory_space<semaphore_mem>>)
      %dma_start3A_151 = arith.constant 3 : i32
      %dma_start3A_152 = arith.constant 0 : i32
      %dma_start3A_153 = tpu.memref_slice %arg8[%dma_start3A_151, %dma_start3A_152] : memref<8x64xi32, #tpu.memory_space<vmem>> -> memref<1x64xi32, #tpu.memory_space<vmem>>
      %dma_start3A_154 = tpu.memref_squeeze %dma_start3A_153 : memref<1x64xi32, #tpu.memory_space<vmem>> -> memref<64xi32, #tpu.memory_space<vmem>>
      %dma_start3A_155 = arith.constant 0 : i32
      %dma_start3A_156 = arith.constant 0 : i32
      %dma_start3A_157 = tpu.memref_slice %arg3[%dma_start3A_155, %dma_start3A_156] : memref<10008x128xi32, #tpu.memory_space<hbm>> -> memref<10008x128xi32, #tpu.memory_space<hbm>>
      tpu.enqueue_indirect_dma source(%dma_start3A_157 : memref<10008x128xi32, #tpu.memory_space<hbm>>) target(%arg12 : memref<64x128xi32, #tpu.memory_space<vmem>>) offsets(%dma_start3A_154 : memref<64xi32, #tpu.memory_space<vmem>>) semaphore(%arg18 : memref<!tpu.dma_semaphore, #tpu.memory_space<semaphore_mem>>)
      %broadcast_in_dim3A_158 = arith.constant -65536 : i32
      %broadcast_in_dim3A_159 = vector.broadcast %broadcast_in_dim3A_158 : i32 to vector<16xi32>
      %parallel_loop3A_160 = arith.constant 0 : i32
      %parallel_loop3A_161 = arith.constant 512 : i32
      %parallel_loop3A_162 = arith.constant 1 : i32
      scf.for %parallel_loop3A_321 = %parallel_loop3A_160 to %parallel_loop3A_161 step %parallel_loop3A_162  : i32 {
        %parallel_loop3A_322 = arith.constant 8 : i32
        %parallel_loop3A_323 = arith.divsi %parallel_loop3A_321, %parallel_loop3A_322 : i32
        %parallel_loop3A_324 = arith.constant 0 : i32
        %parallel_loop3A_325 = arith.cmpi sgt, %parallel_loop3A_321, %parallel_loop3A_324 : i32
        %parallel_loop3A_326 = arith.extui %parallel_loop3A_325 : i1 to i32
        %parallel_loop3A_327 = arith.constant 0 : i32
        %parallel_loop3A_328 = arith.cmpi slt, %parallel_loop3A_321, %parallel_loop3A_327 : i32
        %parallel_loop3A_329 = arith.extui %parallel_loop3A_328 : i1 to i32
        %parallel_loop3A_330 = arith.subi %parallel_loop3A_326, %parallel_loop3A_329 : i32
        %parallel_loop3A_331 = arith.constant 0 : i32
        %parallel_loop3A_332 = arith.cmpi sgt, %parallel_loop3A_322, %parallel_loop3A_331 : i32
        %parallel_loop3A_333 = arith.extui %parallel_loop3A_332 : i1 to i32
        %parallel_loop3A_334 = arith.constant 0 : i32
        %parallel_loop3A_335 = arith.cmpi slt, %parallel_loop3A_322, %parallel_loop3A_334 : i32
        %parallel_loop3A_336 = arith.extui %parallel_loop3A_335 : i1 to i32
        %parallel_loop3A_337 = arith.subi %parallel_loop3A_333, %parallel_loop3A_336 : i32
        %parallel_loop3A_338 = arith.cmpi ne, %parallel_loop3A_330, %parallel_loop3A_337 : i32
        %parallel_loop3A_339 = arith.remsi %parallel_loop3A_321, %parallel_loop3A_322 : i32
        %parallel_loop3A_340 = arith.constant 0 : i32
        %parallel_loop3A_341 = arith.cmpi ne, %parallel_loop3A_339, %parallel_loop3A_340 : i32
        %parallel_loop3A_342 = arith.andi %parallel_loop3A_338, %parallel_loop3A_341 : i1
        %parallel_loop3A_343 = arith.constant 1 : i32
        %parallel_loop3A_344 = arith.subi %parallel_loop3A_323, %parallel_loop3A_343 : i32
        %parallel_loop3A_345 = arith.select %parallel_loop3A_342, %parallel_loop3A_344, %parallel_loop3A_323 : i32
        %parallel_loop3A_346 = arith.constant 8 : i32
        %parallel_loop3A_347 = arith.constant 0 : i32
        %parallel_loop3A_348 = arith.cmpi eq, %parallel_loop3A_346, %parallel_loop3A_347 : i32
        %parallel_loop3A_349 = arith.constant 1 : i32
        %parallel_loop3A_350 = arith.select %parallel_loop3A_348, %parallel_loop3A_349, %parallel_loop3A_346 : i32
        %parallel_loop3A_351 = arith.remsi %parallel_loop3A_321, %parallel_loop3A_350 : i32
        %parallel_loop3A_352 = arith.constant 0 : i32
        %parallel_loop3A_353 = arith.cmpi ne, %parallel_loop3A_351, %parallel_loop3A_352 : i32
        %parallel_loop3A_354 = arith.constant 0 : i32
        %parallel_loop3A_355 = arith.cmpi slt, %parallel_loop3A_351, %parallel_loop3A_354 : i32
        %parallel_loop3A_356 = arith.constant 0 : i32
        %parallel_loop3A_357 = arith.cmpi slt, %parallel_loop3A_350, %parallel_loop3A_356 : i32
        %parallel_loop3A_358 = arith.xori %parallel_loop3A_355, %parallel_loop3A_357 : i1
        %parallel_loop3A_359 = arith.andi %parallel_loop3A_358, %parallel_loop3A_353 : i1
        %parallel_loop3A_360 = arith.addi %parallel_loop3A_351, %parallel_loop3A_350 : i32
        %parallel_loop3A_361 = arith.select %parallel_loop3A_359, %parallel_loop3A_360, %parallel_loop3A_351 : i32
        %parallel_loop3A_362 = arith.constant 16 : i32
        %parallel_loop3A_363 = arith.muli %parallel_loop3A_361, %parallel_loop3A_362 : i32
        %parallel_loop3A_364 = arith.index_cast %parallel_loop3A_345 : i32 to index
        %parallel_loop3A_365 = arith.index_cast %parallel_loop3A_363 : i32 to index
        %parallel_loop3A_366 = tpu.vector_load %arg11[%parallel_loop3A_364, %parallel_loop3A_365] {strides = array<i32>} : memref<64x128xi32, #tpu.memory_space<vmem>>, vector<1x16xi32>,
        %parallel_loop3A_367 = vector.shape_cast %parallel_loop3A_366 : vector<1x16xi32> to vector<16xi32>
        %parallel_loop3A_368 = arith.constant 16 : i32
        %parallel_loop3A_369 = vector.broadcast %parallel_loop3A_368 : i32 to vector<16xi32>
        %parallel_loop3A_370 = arith.shli %parallel_loop3A_367, %parallel_loop3A_369 : vector<16xi32>
        %parallel_loop3A_371 = tpu.bitcast %parallel_loop3A_370 : vector<16xi32> -> vector<16xf32>
        %parallel_loop3A_372 = arith.andi %parallel_loop3A_367, %broadcast_in_dim3A_159 : vector<16xi32>
        %parallel_loop3A_373 = tpu.bitcast %parallel_loop3A_372 : vector<16xi32> -> vector<16xf32>
        %parallel_loop3A_374 = arith.index_cast %parallel_loop3A_345 : i32 to index
        %parallel_loop3A_375 = arith.index_cast %parallel_loop3A_363 : i32 to index
        %parallel_loop3A_376 = tpu.vector_load %arg9[%parallel_loop3A_374, %parallel_loop3A_375] {strides = array<i32>} : memref<64x128xf32, #tpu.memory_space<vmem>>, vector<1x16xf32>,
        %parallel_loop3A_377 = vector.shape_cast %parallel_loop3A_376 : vector<1x16xf32> to vector<16xf32>
        %parallel_loop3A_378 = arith.addf %parallel_loop3A_377, %parallel_loop3A_371 : vector<16xf32>
        %parallel_loop3A_379 = arith.constant 0.000000e+00 : f32
        %parallel_loop3A_380 = vector.broadcast %parallel_loop3A_379 : f32 to vector<16xf32>
        %parallel_loop3A_381 = arith.subf %parallel_loop3A_380, %parallel_loop3A_378 : vector<16xf32>
        %parallel_loop3A_382 = math.exp %parallel_loop3A_381 : vector<16xf32>
        %parallel_loop3A_383 = arith.constant 1.000000e+00 : f32
        %parallel_loop3A_384 = vector.broadcast %parallel_loop3A_383 : f32 to vector<16xf32>
        %parallel_loop3A_385 = arith.addf %parallel_loop3A_384, %parallel_loop3A_382 : vector<16xf32>
        %parallel_loop3A_386 = arith.constant 1.000000e+00 : f32
        %parallel_loop3A_387 = vector.broadcast %parallel_loop3A_386 : f32 to vector<16xf32>
        %parallel_loop3A_388 = arith.divf %parallel_loop3A_387, %parallel_loop3A_385 : vector<16xf32>
        %parallel_loop3A_389 = arith.mulf %parallel_loop3A_388, %parallel_loop3A_373 : vector<16xf32>
        %parallel_loop3A_390 = arith.index_cast %parallel_loop3A_345 : i32 to index
        %parallel_loop3A_391 = arith.index_cast %parallel_loop3A_363 : i32 to index
        %parallel_loop3A_392 = tpu.vector_load %arg13[%parallel_loop3A_390, %parallel_loop3A_391] {strides = array<i32>} : memref<64x128xf32, #tpu.memory_space<vmem>>, vector<1x16xf32>,
        %parallel_loop3A_393 = vector.shape_cast %parallel_loop3A_392 : vector<1x16xf32> to vector<16xf32>
        %parallel_loop3A_394 = vector.shape_cast %parallel_loop3A_389 : vector<16xf32> to vector<1x16xf32>
        tpu.vector_store %arg13[%parallel_loop3A_390, %parallel_loop3A_391], %parallel_loop3A_394 {strides = array<i32>} : memref<64x128xf32, #tpu.memory_space<vmem>>, vector<1x16xf32>,
      } {sc.loop_unroll_factor = 8 : i64, sc.parallel_access}
      %run_scoped3A_163 = arith.constant 2 : i32
      "tpu.region"() ({
        %run_scoped3A_321 = tpu.sem_alloc : memref<!tpu.dma_semaphore, #tpu.memory_space<semaphore_mem>>
        %dma_start3A_322 = arith.constant 0 : i32
        %dma_start3A_323 = tpu.memref_slice %arg7[%run_scoped3A_163, %dma_start3A_322] : memref<8x64xi32, #tpu.memory_space<vmem>> -> memref<1x64xi32, #tpu.memory_space<vmem>>
        %dma_start3A_324 = tpu.memref_squeeze %dma_start3A_323 : memref<1x64xi32, #tpu.memory_space<vmem>> -> memref<64xi32, #tpu.memory_space<vmem>>
        %dma_start3A_325 = arith.constant 0 : i32
        %dma_start3A_326 = arith.constant 0 : i32
        %dma_start3A_327 = tpu.memref_slice %arg14[%dma_start3A_325, %dma_start3A_326] : memref<10008x128xf32, #tpu.memory_space<vmem_shared>> -> memref<10008x128xf32, #tpu.memory_space<vmem_shared>>
        tpu.enqueue_indirect_dma source(%arg13 : memref<64x128xf32, #tpu.memory_space<vmem>>) target(%dma_start3A_327 : memref<10008x128xf32, #tpu.memory_space<vmem_shared>>) offsets(%dma_start3A_324 : memref<64xi32, #tpu.memory_space<vmem>>) semaphore(%run_scoped3A_321 : memref<!tpu.dma_semaphore, #tpu.memory_space<semaphore_mem>>) {add = true}
        %dma_wait3A_328 = arith.constant 0 : i32
        %dma_wait3A_329 = tpu.memref_slice %arg7[%run_scoped3A_163, %dma_wait3A_328] : memref<8x64xi32, #tpu.memory_space<vmem>> -> memref<1x64xi32, #tpu.memory_space<vmem>>
        %dma_wait3A_330 = tpu.memref_squeeze %dma_wait3A_329 : memref<1x64xi32, #tpu.memory_space<vmem>> -> memref<64xi32, #tpu.memory_space<vmem>>
        %dma_wait3A_331 = arith.constant 0 : i32
        %dma_wait3A_332 = arith.constant 0 : i32
        %dma_wait3A_333 = tpu.memref_slice %arg14[%dma_wait3A_331, %dma_wait3A_332] : memref<10008x128xf32, #tpu.memory_space<vmem_shared>> -> memref<10008x128xf32, #tpu.memory_space<vmem_shared>>
        tpu.wait_indirect_dma semaphore(%run_scoped3A_321 : memref<!tpu.dma_semaphore, #tpu.memory_space<semaphore_mem>>) src(%arg13 : memref<64x128xf32, #tpu.memory_space<vmem>>) dst(%dma_wait3A_333 : memref<10008x128xf32, #tpu.memory_space<vmem_shared>>)
        tpu.yield
      }) : () -> ()
      %dma_wait3A_164 = arith.constant 3 : i32
      %dma_wait3A_165 = arith.constant 0 : i32
      %dma_wait3A_166 = tpu.memref_slice %arg7[%dma_wait3A_164, %dma_wait3A_165] : memref<8x64xi32, #tpu.memory_space<vmem>> -> memref<1x64xi32, #tpu.memory_space<vmem>>
      %dma_wait3A_167 = tpu.memref_squeeze %dma_wait3A_166 : memref<1x64xi32, #tpu.memory_space<vmem>> -> memref<64xi32, #tpu.memory_space<vmem>>
      %dma_wait3A_168 = arith.constant 0 : i32
      %dma_wait3A_169 = arith.constant 0 : i32
      %dma_wait3A_170 = tpu.memref_slice %arg2[%dma_wait3A_168, %dma_wait3A_169] : memref<10008x128xf32, #tpu.memory_space<hbm>> -> memref<10008x128xf32, #tpu.memory_space<hbm>>
      tpu.wait_indirect_dma semaphore(%arg16 : memref<!tpu.dma_semaphore, #tpu.memory_space<semaphore_mem>>) src(%dma_wait3A_170 : memref<10008x128xf32, #tpu.memory_space<hbm>>) dst(%arg10 : memref<64x128xf32, #tpu.memory_space<vmem>>)
      %dma_wait3A_171 = arith.constant 3 : i32
      %dma_wait3A_172 = arith.constant 0 : i32
      %dma_wait3A_173 = tpu.memref_slice %arg8[%dma_wait3A_171, %dma_wait3A_172] : memref<8x64xi32, #tpu.memory_space<vmem>> -> memref<1x64xi32, #tpu.memory_space<vmem>>
      %dma_wait3A_174 = tpu.memref_squeeze %dma_wait3A_173 : memref<1x64xi32, #tpu.memory_space<vmem>> -> memref<64xi32, #tpu.memory_space<vmem>>
      %dma_wait3A_175 = arith.constant 0 : i32
      %dma_wait3A_176 = arith.constant 0 : i32
      %dma_wait3A_177 = tpu.memref_slice %arg3[%dma_wait3A_175, %dma_wait3A_176] : memref<10008x128xi32, #tpu.memory_space<hbm>> -> memref<10008x128xi32, #tpu.memory_space<hbm>>
      tpu.wait_indirect_dma semaphore(%arg18 : memref<!tpu.dma_semaphore, #tpu.memory_space<semaphore_mem>>) src(%dma_wait3A_177 : memref<10008x128xi32, #tpu.memory_space<hbm>>) dst(%arg12 : memref<64x128xi32, #tpu.memory_space<vmem>>)
      %dma_start3A_178 = arith.constant 4 : i32
      %dma_start3A_179 = arith.constant 0 : i32
      %dma_start3A_180 = tpu.memref_slice %arg7[%dma_start3A_178, %dma_start3A_179] : memref<8x64xi32, #tpu.memory_space<vmem>> -> memref<1x64xi32, #tpu.memory_space<vmem>>
      %dma_start3A_181 = tpu.memref_squeeze %dma_start3A_180 : memref<1x64xi32, #tpu.memory_space<vmem>> -> memref<64xi32, #tpu.memory_space<vmem>>
      %dma_start3A_182 = arith.constant 0 : i32
      %dma_start3A_183 = arith.constant 0 : i32
      %dma_start3A_184 = tpu.memref_slice %arg2[%dma_start3A_182, %dma_start3A_183] : memref<10008x128xf32, #tpu.memory_space<hbm>> -> memref<10008x128xf32, #tpu.memory_space<hbm>>
      tpu.enqueue_indirect_dma source(%dma_start3A_184 : memref<10008x128xf32, #tpu.memory_space<hbm>>) target(%arg9 : memref<64x128xf32, #tpu.memory_space<vmem>>) offsets(%dma_start3A_181 : memref<64xi32, #tpu.memory_space<vmem>>) semaphore(%arg15 : memref<!tpu.dma_semaphore, #tpu.memory_space<semaphore_mem>>)
      %dma_start3A_185 = arith.constant 4 : i32
      %dma_start3A_186 = arith.constant 0 : i32
      %dma_start3A_187 = tpu.memref_slice %arg8[%dma_start3A_185, %dma_start3A_186] : memref<8x64xi32, #tpu.memory_space<vmem>> -> memref<1x64xi32, #tpu.memory_space<vmem>>
      %dma_start3A_188 = tpu.memref_squeeze %dma_start3A_187 : memref<1x64xi32, #tpu.memory_space<vmem>> -> memref<64xi32, #tpu.memory_space<vmem>>
      %dma_start3A_189 = arith.constant 0 : i32
      %dma_start3A_190 = arith.constant 0 : i32
      %dma_start3A_191 = tpu.memref_slice %arg3[%dma_start3A_189, %dma_start3A_190] : memref<10008x128xi32, #tpu.memory_space<hbm>> -> memref<10008x128xi32, #tpu.memory_space<hbm>>
      tpu.enqueue_indirect_dma source(%dma_start3A_191 : memref<10008x128xi32, #tpu.memory_space<hbm>>) target(%arg11 : memref<64x128xi32, #tpu.memory_space<vmem>>) offsets(%dma_start3A_188 : memref<64xi32, #tpu.memory_space<vmem>>) semaphore(%arg17 : memref<!tpu.dma_semaphore, #tpu.memory_space<semaphore_mem>>)
      %broadcast_in_dim3A_192 = arith.constant -65536 : i32
      %broadcast_in_dim3A_193 = vector.broadcast %broadcast_in_dim3A_192 : i32 to vector<16xi32>
      %parallel_loop3A_194 = arith.constant 0 : i32
      %parallel_loop3A_195 = arith.constant 512 : i32
      %parallel_loop3A_196 = arith.constant 1 : i32
      scf.for %parallel_loop3A_321 = %parallel_loop3A_194 to %parallel_loop3A_195 step %parallel_loop3A_196  : i32 {
        %parallel_loop3A_322 = arith.constant 8 : i32
        %parallel_loop3A_323 = arith.divsi %parallel_loop3A_321, %parallel_loop3A_322 : i32
        %parallel_loop3A_324 = arith.constant 0 : i32
        %parallel_loop3A_325 = arith.cmpi sgt, %parallel_loop3A_321, %parallel_loop3A_324 : i32
        %parallel_loop3A_326 = arith.extui %parallel_loop3A_325 : i1 to i32
        %parallel_loop3A_327 = arith.constant 0 : i32
        %parallel_loop3A_328 = arith.cmpi slt, %parallel_loop3A_321, %parallel_loop3A_327 : i32
        %parallel_loop3A_329 = arith.extui %parallel_loop3A_328 : i1 to i32
        %parallel_loop3A_330 = arith.subi %parallel_loop3A_326, %parallel_loop3A_329 : i32
        %parallel_loop3A_331 = arith.constant 0 : i32
        %parallel_loop3A_332 = arith.cmpi sgt, %parallel_loop3A_322, %parallel_loop3A_331 : i32
        %parallel_loop3A_333 = arith.extui %parallel_loop3A_332 : i1 to i32
        %parallel_loop3A_334 = arith.constant 0 : i32
        %parallel_loop3A_335 = arith.cmpi slt, %parallel_loop3A_322, %parallel_loop3A_334 : i32
        %parallel_loop3A_336 = arith.extui %parallel_loop3A_335 : i1 to i32
        %parallel_loop3A_337 = arith.subi %parallel_loop3A_333, %parallel_loop3A_336 : i32
        %parallel_loop3A_338 = arith.cmpi ne, %parallel_loop3A_330, %parallel_loop3A_337 : i32
        %parallel_loop3A_339 = arith.remsi %parallel_loop3A_321, %parallel_loop3A_322 : i32
        %parallel_loop3A_340 = arith.constant 0 : i32
        %parallel_loop3A_341 = arith.cmpi ne, %parallel_loop3A_339, %parallel_loop3A_340 : i32
        %parallel_loop3A_342 = arith.andi %parallel_loop3A_338, %parallel_loop3A_341 : i1
        %parallel_loop3A_343 = arith.constant 1 : i32
        %parallel_loop3A_344 = arith.subi %parallel_loop3A_323, %parallel_loop3A_343 : i32
        %parallel_loop3A_345 = arith.select %parallel_loop3A_342, %parallel_loop3A_344, %parallel_loop3A_323 : i32
        %parallel_loop3A_346 = arith.constant 8 : i32
        %parallel_loop3A_347 = arith.constant 0 : i32
        %parallel_loop3A_348 = arith.cmpi eq, %parallel_loop3A_346, %parallel_loop3A_347 : i32
        %parallel_loop3A_349 = arith.constant 1 : i32
        %parallel_loop3A_350 = arith.select %parallel_loop3A_348, %parallel_loop3A_349, %parallel_loop3A_346 : i32
        %parallel_loop3A_351 = arith.remsi %parallel_loop3A_321, %parallel_loop3A_350 : i32
        %parallel_loop3A_352 = arith.constant 0 : i32
        %parallel_loop3A_353 = arith.cmpi ne, %parallel_loop3A_351, %parallel_loop3A_352 : i32
        %parallel_loop3A_354 = arith.constant 0 : i32
        %parallel_loop3A_355 = arith.cmpi slt, %parallel_loop3A_351, %parallel_loop3A_354 : i32
        %parallel_loop3A_356 = arith.constant 0 : i32
        %parallel_loop3A_357 = arith.cmpi slt, %parallel_loop3A_350, %parallel_loop3A_356 : i32
        %parallel_loop3A_358 = arith.xori %parallel_loop3A_355, %parallel_loop3A_357 : i1
        %parallel_loop3A_359 = arith.andi %parallel_loop3A_358, %parallel_loop3A_353 : i1
        %parallel_loop3A_360 = arith.addi %parallel_loop3A_351, %parallel_loop3A_350 : i32
        %parallel_loop3A_361 = arith.select %parallel_loop3A_359, %parallel_loop3A_360, %parallel_loop3A_351 : i32
        %parallel_loop3A_362 = arith.constant 16 : i32
        %parallel_loop3A_363 = arith.muli %parallel_loop3A_361, %parallel_loop3A_362 : i32
        %parallel_loop3A_364 = arith.index_cast %parallel_loop3A_345 : i32 to index
        %parallel_loop3A_365 = arith.index_cast %parallel_loop3A_363 : i32 to index
        %parallel_loop3A_366 = tpu.vector_load %arg12[%parallel_loop3A_364, %parallel_loop3A_365] {strides = array<i32>} : memref<64x128xi32, #tpu.memory_space<vmem>>, vector<1x16xi32>,
        %parallel_loop3A_367 = vector.shape_cast %parallel_loop3A_366 : vector<1x16xi32> to vector<16xi32>
        %parallel_loop3A_368 = arith.constant 16 : i32
        %parallel_loop3A_369 = vector.broadcast %parallel_loop3A_368 : i32 to vector<16xi32>
        %parallel_loop3A_370 = arith.shli %parallel_loop3A_367, %parallel_loop3A_369 : vector<16xi32>
        %parallel_loop3A_371 = tpu.bitcast %parallel_loop3A_370 : vector<16xi32> -> vector<16xf32>
        %parallel_loop3A_372 = arith.andi %parallel_loop3A_367, %broadcast_in_dim3A_193 : vector<16xi32>
        %parallel_loop3A_373 = tpu.bitcast %parallel_loop3A_372 : vector<16xi32> -> vector<16xf32>
        %parallel_loop3A_374 = arith.index_cast %parallel_loop3A_345 : i32 to index
        %parallel_loop3A_375 = arith.index_cast %parallel_loop3A_363 : i32 to index
        %parallel_loop3A_376 = tpu.vector_load %arg10[%parallel_loop3A_374, %parallel_loop3A_375] {strides = array<i32>} : memref<64x128xf32, #tpu.memory_space<vmem>>, vector<1x16xf32>,
        %parallel_loop3A_377 = vector.shape_cast %parallel_loop3A_376 : vector<1x16xf32> to vector<16xf32>
        %parallel_loop3A_378 = arith.addf %parallel_loop3A_377, %parallel_loop3A_371 : vector<16xf32>
        %parallel_loop3A_379 = arith.constant 0.000000e+00 : f32
        %parallel_loop3A_380 = vector.broadcast %parallel_loop3A_379 : f32 to vector<16xf32>
        %parallel_loop3A_381 = arith.subf %parallel_loop3A_380, %parallel_loop3A_378 : vector<16xf32>
        %parallel_loop3A_382 = math.exp %parallel_loop3A_381 : vector<16xf32>
        %parallel_loop3A_383 = arith.constant 1.000000e+00 : f32
        %parallel_loop3A_384 = vector.broadcast %parallel_loop3A_383 : f32 to vector<16xf32>
        %parallel_loop3A_385 = arith.addf %parallel_loop3A_384, %parallel_loop3A_382 : vector<16xf32>
        %parallel_loop3A_386 = arith.constant 1.000000e+00 : f32
        %parallel_loop3A_387 = vector.broadcast %parallel_loop3A_386 : f32 to vector<16xf32>
        %parallel_loop3A_388 = arith.divf %parallel_loop3A_387, %parallel_loop3A_385 : vector<16xf32>
        %parallel_loop3A_389 = arith.mulf %parallel_loop3A_388, %parallel_loop3A_373 : vector<16xf32>
        %parallel_loop3A_390 = arith.index_cast %parallel_loop3A_345 : i32 to index
        %parallel_loop3A_391 = arith.index_cast %parallel_loop3A_363 : i32 to index
        %parallel_loop3A_392 = tpu.vector_load %arg13[%parallel_loop3A_390, %parallel_loop3A_391] {strides = array<i32>} : memref<64x128xf32, #tpu.memory_space<vmem>>, vector<1x16xf32>,
        %parallel_loop3A_393 = vector.shape_cast %parallel_loop3A_392 : vector<1x16xf32> to vector<16xf32>
        %parallel_loop3A_394 = vector.shape_cast %parallel_loop3A_389 : vector<16xf32> to vector<1x16xf32>
        tpu.vector_store %arg13[%parallel_loop3A_390, %parallel_loop3A_391], %parallel_loop3A_394 {strides = array<i32>} : memref<64x128xf32, #tpu.memory_space<vmem>>, vector<1x16xf32>,
      } {sc.loop_unroll_factor = 8 : i64, sc.parallel_access}
      %run_scoped3A_197 = arith.constant 3 : i32
      "tpu.region"() ({
        %run_scoped3A_321 = tpu.sem_alloc : memref<!tpu.dma_semaphore, #tpu.memory_space<semaphore_mem>>
        %dma_start3A_322 = arith.constant 0 : i32
        %dma_start3A_323 = tpu.memref_slice %arg7[%run_scoped3A_197, %dma_start3A_322] : memref<8x64xi32, #tpu.memory_space<vmem>> -> memref<1x64xi32, #tpu.memory_space<vmem>>
        %dma_start3A_324 = tpu.memref_squeeze %dma_start3A_323 : memref<1x64xi32, #tpu.memory_space<vmem>> -> memref<64xi32, #tpu.memory_space<vmem>>
        %dma_start3A_325 = arith.constant 0 : i32
        %dma_start3A_326 = arith.constant 0 : i32
        %dma_start3A_327 = tpu.memref_slice %arg14[%dma_start3A_325, %dma_start3A_326] : memref<10008x128xf32, #tpu.memory_space<vmem_shared>> -> memref<10008x128xf32, #tpu.memory_space<vmem_shared>>
        tpu.enqueue_indirect_dma source(%arg13 : memref<64x128xf32, #tpu.memory_space<vmem>>) target(%dma_start3A_327 : memref<10008x128xf32, #tpu.memory_space<vmem_shared>>) offsets(%dma_start3A_324 : memref<64xi32, #tpu.memory_space<vmem>>) semaphore(%run_scoped3A_321 : memref<!tpu.dma_semaphore, #tpu.memory_space<semaphore_mem>>) {add = true}
        %dma_wait3A_328 = arith.constant 0 : i32
        %dma_wait3A_329 = tpu.memref_slice %arg7[%run_scoped3A_197, %dma_wait3A_328] : memref<8x64xi32, #tpu.memory_space<vmem>> -> memref<1x64xi32, #tpu.memory_space<vmem>>
        %dma_wait3A_330 = tpu.memref_squeeze %dma_wait3A_329 : memref<1x64xi32, #tpu.memory_space<vmem>> -> memref<64xi32, #tpu.memory_space<vmem>>
        %dma_wait3A_331 = arith.constant 0 : i32
        %dma_wait3A_332 = arith.constant 0 : i32
        %dma_wait3A_333 = tpu.memref_slice %arg14[%dma_wait3A_331, %dma_wait3A_332] : memref<10008x128xf32, #tpu.memory_space<vmem_shared>> -> memref<10008x128xf32, #tpu.memory_space<vmem_shared>>
        tpu.wait_indirect_dma semaphore(%run_scoped3A_321 : memref<!tpu.dma_semaphore, #tpu.memory_space<semaphore_mem>>) src(%arg13 : memref<64x128xf32, #tpu.memory_space<vmem>>) dst(%dma_wait3A_333 : memref<10008x128xf32, #tpu.memory_space<vmem_shared>>)
        tpu.yield
      }) : () -> ()
      %dma_wait3A_198 = arith.constant 4 : i32
      %dma_wait3A_199 = arith.constant 0 : i32
      %dma_wait3A_200 = tpu.memref_slice %arg7[%dma_wait3A_198, %dma_wait3A_199] : memref<8x64xi32, #tpu.memory_space<vmem>> -> memref<1x64xi32, #tpu.memory_space<vmem>>
      %dma_wait3A_201 = tpu.memref_squeeze %dma_wait3A_200 : memref<1x64xi32, #tpu.memory_space<vmem>> -> memref<64xi32, #tpu.memory_space<vmem>>
      %dma_wait3A_202 = arith.constant 0 : i32
      %dma_wait3A_203 = arith.constant 0 : i32
      %dma_wait3A_204 = tpu.memref_slice %arg2[%dma_wait3A_202, %dma_wait3A_203] : memref<10008x128xf32, #tpu.memory_space<hbm>> -> memref<10008x128xf32, #tpu.memory_space<hbm>>
      tpu.wait_indirect_dma semaphore(%arg15 : memref<!tpu.dma_semaphore, #tpu.memory_space<semaphore_mem>>) src(%dma_wait3A_204 : memref<10008x128xf32, #tpu.memory_space<hbm>>) dst(%arg9 : memref<64x128xf32, #tpu.memory_space<vmem>>)
      %dma_wait3A_205 = arith.constant 4 : i32
      %dma_wait3A_206 = arith.constant 0 : i32
      %dma_wait3A_207 = tpu.memref_slice %arg8[%dma_wait3A_205, %dma_wait3A_206] : memref<8x64xi32, #tpu.memory_space<vmem>> -> memref<1x64xi32, #tpu.memory_space<vmem>>
      %dma_wait3A_208 = tpu.memref_squeeze %dma_wait3A_207 : memref<1x64xi32, #tpu.memory_space<vmem>> -> memref<64xi32, #tpu.memory_space<vmem>>
      %dma_wait3A_209 = arith.constant 0 : i32
      %dma_wait3A_210 = arith.constant 0 : i32
      %dma_wait3A_211 = tpu.memref_slice %arg3[%dma_wait3A_209, %dma_wait3A_210] : memref<10008x128xi32, #tpu.memory_space<hbm>> -> memref<10008x128xi32, #tpu.memory_space<hbm>>
      tpu.wait_indirect_dma semaphore(%arg17 : memref<!tpu.dma_semaphore, #tpu.memory_space<semaphore_mem>>) src(%dma_wait3A_211 : memref<10008x128xi32, #tpu.memory_space<hbm>>) dst(%arg11 : memref<64x128xi32, #tpu.memory_space<vmem>>)
      %dma_start3A_212 = arith.constant 5 : i32
      %dma_start3A_213 = arith.constant 0 : i32
      %dma_start3A_214 = tpu.memref_slice %arg7[%dma_start3A_212, %dma_start3A_213] : memref<8x64xi32, #tpu.memory_space<vmem>> -> memref<1x64xi32, #tpu.memory_space<vmem>>
      %dma_start3A_215 = tpu.memref_squeeze %dma_start3A_214 : memref<1x64xi32, #tpu.memory_space<vmem>> -> memref<64xi32, #tpu.memory_space<vmem>>
      %dma_start3A_216 = arith.constant 0 : i32
      %dma_start3A_217 = arith.constant 0 : i32
      %dma_start3A_218 = tpu.memref_slice %arg2[%dma_start3A_216, %dma_start3A_217] : memref<10008x128xf32, #tpu.memory_space<hbm>> -> memref<10008x128xf32, #tpu.memory_space<hbm>>
      tpu.enqueue_indirect_dma source(%dma_start3A_218 : memref<10008x128xf32, #tpu.memory_space<hbm>>) target(%arg10 : memref<64x128xf32, #tpu.memory_space<vmem>>) offsets(%dma_start3A_215 : memref<64xi32, #tpu.memory_space<vmem>>) semaphore(%arg16 : memref<!tpu.dma_semaphore, #tpu.memory_space<semaphore_mem>>)
      %dma_start3A_219 = arith.constant 5 : i32
      %dma_start3A_220 = arith.constant 0 : i32
      %dma_start3A_221 = tpu.memref_slice %arg8[%dma_start3A_219, %dma_start3A_220] : memref<8x64xi32, #tpu.memory_space<vmem>> -> memref<1x64xi32, #tpu.memory_space<vmem>>
      %dma_start3A_222 = tpu.memref_squeeze %dma_start3A_221 : memref<1x64xi32, #tpu.memory_space<vmem>> -> memref<64xi32, #tpu.memory_space<vmem>>
      %dma_start3A_223 = arith.constant 0 : i32
      %dma_start3A_224 = arith.constant 0 : i32
      %dma_start3A_225 = tpu.memref_slice %arg3[%dma_start3A_223, %dma_start3A_224] : memref<10008x128xi32, #tpu.memory_space<hbm>> -> memref<10008x128xi32, #tpu.memory_space<hbm>>
      tpu.enqueue_indirect_dma source(%dma_start3A_225 : memref<10008x128xi32, #tpu.memory_space<hbm>>) target(%arg12 : memref<64x128xi32, #tpu.memory_space<vmem>>) offsets(%dma_start3A_222 : memref<64xi32, #tpu.memory_space<vmem>>) semaphore(%arg18 : memref<!tpu.dma_semaphore, #tpu.memory_space<semaphore_mem>>)
      %broadcast_in_dim3A_226 = arith.constant -65536 : i32
      %broadcast_in_dim3A_227 = vector.broadcast %broadcast_in_dim3A_226 : i32 to vector<16xi32>
      %parallel_loop3A_228 = arith.constant 0 : i32
      %parallel_loop3A_229 = arith.constant 512 : i32
      %parallel_loop3A_230 = arith.constant 1 : i32
      scf.for %parallel_loop3A_321 = %parallel_loop3A_228 to %parallel_loop3A_229 step %parallel_loop3A_230  : i32 {
        %parallel_loop3A_322 = arith.constant 8 : i32
        %parallel_loop3A_323 = arith.divsi %parallel_loop3A_321, %parallel_loop3A_322 : i32
        %parallel_loop3A_324 = arith.constant 0 : i32
        %parallel_loop3A_325 = arith.cmpi sgt, %parallel_loop3A_321, %parallel_loop3A_324 : i32
        %parallel_loop3A_326 = arith.extui %parallel_loop3A_325 : i1 to i32
        %parallel_loop3A_327 = arith.constant 0 : i32
        %parallel_loop3A_328 = arith.cmpi slt, %parallel_loop3A_321, %parallel_loop3A_327 : i32
        %parallel_loop3A_329 = arith.extui %parallel_loop3A_328 : i1 to i32
        %parallel_loop3A_330 = arith.subi %parallel_loop3A_326, %parallel_loop3A_329 : i32
        %parallel_loop3A_331 = arith.constant 0 : i32
        %parallel_loop3A_332 = arith.cmpi sgt, %parallel_loop3A_322, %parallel_loop3A_331 : i32
        %parallel_loop3A_333 = arith.extui %parallel_loop3A_332 : i1 to i32
        %parallel_loop3A_334 = arith.constant 0 : i32
        %parallel_loop3A_335 = arith.cmpi slt, %parallel_loop3A_322, %parallel_loop3A_334 : i32
        %parallel_loop3A_336 = arith.extui %parallel_loop3A_335 : i1 to i32
        %parallel_loop3A_337 = arith.subi %parallel_loop3A_333, %parallel_loop3A_336 : i32
        %parallel_loop3A_338 = arith.cmpi ne, %parallel_loop3A_330, %parallel_loop3A_337 : i32
        %parallel_loop3A_339 = arith.remsi %parallel_loop3A_321, %parallel_loop3A_322 : i32
        %parallel_loop3A_340 = arith.constant 0 : i32
        %parallel_loop3A_341 = arith.cmpi ne, %parallel_loop3A_339, %parallel_loop3A_340 : i32
        %parallel_loop3A_342 = arith.andi %parallel_loop3A_338, %parallel_loop3A_341 : i1
        %parallel_loop3A_343 = arith.constant 1 : i32
        %parallel_loop3A_344 = arith.subi %parallel_loop3A_323, %parallel_loop3A_343 : i32
        %parallel_loop3A_345 = arith.select %parallel_loop3A_342, %parallel_loop3A_344, %parallel_loop3A_323 : i32
        %parallel_loop3A_346 = arith.constant 8 : i32
        %parallel_loop3A_347 = arith.constant 0 : i32
        %parallel_loop3A_348 = arith.cmpi eq, %parallel_loop3A_346, %parallel_loop3A_347 : i32
        %parallel_loop3A_349 = arith.constant 1 : i32
        %parallel_loop3A_350 = arith.select %parallel_loop3A_348, %parallel_loop3A_349, %parallel_loop3A_346 : i32
        %parallel_loop3A_351 = arith.remsi %parallel_loop3A_321, %parallel_loop3A_350 : i32
        %parallel_loop3A_352 = arith.constant 0 : i32
        %parallel_loop3A_353 = arith.cmpi ne, %parallel_loop3A_351, %parallel_loop3A_352 : i32
        %parallel_loop3A_354 = arith.constant 0 : i32
        %parallel_loop3A_355 = arith.cmpi slt, %parallel_loop3A_351, %parallel_loop3A_354 : i32
        %parallel_loop3A_356 = arith.constant 0 : i32
        %parallel_loop3A_357 = arith.cmpi slt, %parallel_loop3A_350, %parallel_loop3A_356 : i32
        %parallel_loop3A_358 = arith.xori %parallel_loop3A_355, %parallel_loop3A_357 : i1
        %parallel_loop3A_359 = arith.andi %parallel_loop3A_358, %parallel_loop3A_353 : i1
        %parallel_loop3A_360 = arith.addi %parallel_loop3A_351, %parallel_loop3A_350 : i32
        %parallel_loop3A_361 = arith.select %parallel_loop3A_359, %parallel_loop3A_360, %parallel_loop3A_351 : i32
        %parallel_loop3A_362 = arith.constant 16 : i32
        %parallel_loop3A_363 = arith.muli %parallel_loop3A_361, %parallel_loop3A_362 : i32
        %parallel_loop3A_364 = arith.index_cast %parallel_loop3A_345 : i32 to index
        %parallel_loop3A_365 = arith.index_cast %parallel_loop3A_363 : i32 to index
        %parallel_loop3A_366 = tpu.vector_load %arg11[%parallel_loop3A_364, %parallel_loop3A_365] {strides = array<i32>} : memref<64x128xi32, #tpu.memory_space<vmem>>, vector<1x16xi32>,
        %parallel_loop3A_367 = vector.shape_cast %parallel_loop3A_366 : vector<1x16xi32> to vector<16xi32>
        %parallel_loop3A_368 = arith.constant 16 : i32
        %parallel_loop3A_369 = vector.broadcast %parallel_loop3A_368 : i32 to vector<16xi32>
        %parallel_loop3A_370 = arith.shli %parallel_loop3A_367, %parallel_loop3A_369 : vector<16xi32>
        %parallel_loop3A_371 = tpu.bitcast %parallel_loop3A_370 : vector<16xi32> -> vector<16xf32>
        %parallel_loop3A_372 = arith.andi %parallel_loop3A_367, %broadcast_in_dim3A_227 : vector<16xi32>
        %parallel_loop3A_373 = tpu.bitcast %parallel_loop3A_372 : vector<16xi32> -> vector<16xf32>
        %parallel_loop3A_374 = arith.index_cast %parallel_loop3A_345 : i32 to index
        %parallel_loop3A_375 = arith.index_cast %parallel_loop3A_363 : i32 to index
        %parallel_loop3A_376 = tpu.vector_load %arg9[%parallel_loop3A_374, %parallel_loop3A_375] {strides = array<i32>} : memref<64x128xf32, #tpu.memory_space<vmem>>, vector<1x16xf32>,
        %parallel_loop3A_377 = vector.shape_cast %parallel_loop3A_376 : vector<1x16xf32> to vector<16xf32>
        %parallel_loop3A_378 = arith.addf %parallel_loop3A_377, %parallel_loop3A_371 : vector<16xf32>
        %parallel_loop3A_379 = arith.constant 0.000000e+00 : f32
        %parallel_loop3A_380 = vector.broadcast %parallel_loop3A_379 : f32 to vector<16xf32>
        %parallel_loop3A_381 = arith.subf %parallel_loop3A_380, %parallel_loop3A_378 : vector<16xf32>
        %parallel_loop3A_382 = math.exp %parallel_loop3A_381 : vector<16xf32>
        %parallel_loop3A_383 = arith.constant 1.000000e+00 : f32
        %parallel_loop3A_384 = vector.broadcast %parallel_loop3A_383 : f32 to vector<16xf32>
        %parallel_loop3A_385 = arith.addf %parallel_loop3A_384, %parallel_loop3A_382 : vector<16xf32>
        %parallel_loop3A_386 = arith.constant 1.000000e+00 : f32
        %parallel_loop3A_387 = vector.broadcast %parallel_loop3A_386 : f32 to vector<16xf32>
        %parallel_loop3A_388 = arith.divf %parallel_loop3A_387, %parallel_loop3A_385 : vector<16xf32>
        %parallel_loop3A_389 = arith.mulf %parallel_loop3A_388, %parallel_loop3A_373 : vector<16xf32>
        %parallel_loop3A_390 = arith.index_cast %parallel_loop3A_345 : i32 to index
        %parallel_loop3A_391 = arith.index_cast %parallel_loop3A_363 : i32 to index
        %parallel_loop3A_392 = tpu.vector_load %arg13[%parallel_loop3A_390, %parallel_loop3A_391] {strides = array<i32>} : memref<64x128xf32, #tpu.memory_space<vmem>>, vector<1x16xf32>,
        %parallel_loop3A_393 = vector.shape_cast %parallel_loop3A_392 : vector<1x16xf32> to vector<16xf32>
        %parallel_loop3A_394 = vector.shape_cast %parallel_loop3A_389 : vector<16xf32> to vector<1x16xf32>
        tpu.vector_store %arg13[%parallel_loop3A_390, %parallel_loop3A_391], %parallel_loop3A_394 {strides = array<i32>} : memref<64x128xf32, #tpu.memory_space<vmem>>, vector<1x16xf32>,
      } {sc.loop_unroll_factor = 8 : i64, sc.parallel_access}
      %run_scoped3A_231 = arith.constant 4 : i32
      "tpu.region"() ({
        %run_scoped3A_321 = tpu.sem_alloc : memref<!tpu.dma_semaphore, #tpu.memory_space<semaphore_mem>>
        %dma_start3A_322 = arith.constant 0 : i32
        %dma_start3A_323 = tpu.memref_slice %arg7[%run_scoped3A_231, %dma_start3A_322] : memref<8x64xi32, #tpu.memory_space<vmem>> -> memref<1x64xi32, #tpu.memory_space<vmem>>
        %dma_start3A_324 = tpu.memref_squeeze %dma_start3A_323 : memref<1x64xi32, #tpu.memory_space<vmem>> -> memref<64xi32, #tpu.memory_space<vmem>>
        %dma_start3A_325 = arith.constant 0 : i32
        %dma_start3A_326 = arith.constant 0 : i32
        %dma_start3A_327 = tpu.memref_slice %arg14[%dma_start3A_325, %dma_start3A_326] : memref<10008x128xf32, #tpu.memory_space<vmem_shared>> -> memref<10008x128xf32, #tpu.memory_space<vmem_shared>>
        tpu.enqueue_indirect_dma source(%arg13 : memref<64x128xf32, #tpu.memory_space<vmem>>) target(%dma_start3A_327 : memref<10008x128xf32, #tpu.memory_space<vmem_shared>>) offsets(%dma_start3A_324 : memref<64xi32, #tpu.memory_space<vmem>>) semaphore(%run_scoped3A_321 : memref<!tpu.dma_semaphore, #tpu.memory_space<semaphore_mem>>) {add = true}
        %dma_wait3A_328 = arith.constant 0 : i32
        %dma_wait3A_329 = tpu.memref_slice %arg7[%run_scoped3A_231, %dma_wait3A_328] : memref<8x64xi32, #tpu.memory_space<vmem>> -> memref<1x64xi32, #tpu.memory_space<vmem>>
        %dma_wait3A_330 = tpu.memref_squeeze %dma_wait3A_329 : memref<1x64xi32, #tpu.memory_space<vmem>> -> memref<64xi32, #tpu.memory_space<vmem>>
        %dma_wait3A_331 = arith.constant 0 : i32
        %dma_wait3A_332 = arith.constant 0 : i32
        %dma_wait3A_333 = tpu.memref_slice %arg14[%dma_wait3A_331, %dma_wait3A_332] : memref<10008x128xf32, #tpu.memory_space<vmem_shared>> -> memref<10008x128xf32, #tpu.memory_space<vmem_shared>>
        tpu.wait_indirect_dma semaphore(%run_scoped3A_321 : memref<!tpu.dma_semaphore, #tpu.memory_space<semaphore_mem>>) src(%arg13 : memref<64x128xf32, #tpu.memory_space<vmem>>) dst(%dma_wait3A_333 : memref<10008x128xf32, #tpu.memory_space<vmem_shared>>)
        tpu.yield
      }) : () -> ()
      %dma_wait3A_232 = arith.constant 5 : i32
      %dma_wait3A_233 = arith.constant 0 : i32
      %dma_wait3A_234 = tpu.memref_slice %arg7[%dma_wait3A_232, %dma_wait3A_233] : memref<8x64xi32, #tpu.memory_space<vmem>> -> memref<1x64xi32, #tpu.memory_space<vmem>>
      %dma_wait3A_235 = tpu.memref_squeeze %dma_wait3A_234 : memref<1x64xi32, #tpu.memory_space<vmem>> -> memref<64xi32, #tpu.memory_space<vmem>>
      %dma_wait3A_236 = arith.constant 0 : i32
      %dma_wait3A_237 = arith.constant 0 : i32
      %dma_wait3A_238 = tpu.memref_slice %arg2[%dma_wait3A_236, %dma_wait3A_237] : memref<10008x128xf32, #tpu.memory_space<hbm>> -> memref<10008x128xf32, #tpu.memory_space<hbm>>
      tpu.wait_indirect_dma semaphore(%arg16 : memref<!tpu.dma_semaphore, #tpu.memory_space<semaphore_mem>>) src(%dma_wait3A_238 : memref<10008x128xf32, #tpu.memory_space<hbm>>) dst(%arg10 : memref<64x128xf32, #tpu.memory_space<vmem>>)
      %dma_wait3A_239 = arith.constant 5 : i32
      %dma_wait3A_240 = arith.constant 0 : i32
      %dma_wait3A_241 = tpu.memref_slice %arg8[%dma_wait3A_239, %dma_wait3A_240] : memref<8x64xi32, #tpu.memory_space<vmem>> -> memref<1x64xi32, #tpu.memory_space<vmem>>
      %dma_wait3A_242 = tpu.memref_squeeze %dma_wait3A_241 : memref<1x64xi32, #tpu.memory_space<vmem>> -> memref<64xi32, #tpu.memory_space<vmem>>
      %dma_wait3A_243 = arith.constant 0 : i32
      %dma_wait3A_244 = arith.constant 0 : i32
      %dma_wait3A_245 = tpu.memref_slice %arg3[%dma_wait3A_243, %dma_wait3A_244] : memref<10008x128xi32, #tpu.memory_space<hbm>> -> memref<10008x128xi32, #tpu.memory_space<hbm>>
      tpu.wait_indirect_dma semaphore(%arg18 : memref<!tpu.dma_semaphore, #tpu.memory_space<semaphore_mem>>) src(%dma_wait3A_245 : memref<10008x128xi32, #tpu.memory_space<hbm>>) dst(%arg12 : memref<64x128xi32, #tpu.memory_space<vmem>>)
      %dma_start3A_246 = arith.constant 6 : i32
      %dma_start3A_247 = arith.constant 0 : i32
      %dma_start3A_248 = tpu.memref_slice %arg7[%dma_start3A_246, %dma_start3A_247] : memref<8x64xi32, #tpu.memory_space<vmem>> -> memref<1x64xi32, #tpu.memory_space<vmem>>
      %dma_start3A_249 = tpu.memref_squeeze %dma_start3A_248 : memref<1x64xi32, #tpu.memory_space<vmem>> -> memref<64xi32, #tpu.memory_space<vmem>>
      %dma_start3A_250 = arith.constant 0 : i32
      %dma_start3A_251 = arith.constant 0 : i32
      %dma_start3A_252 = tpu.memref_slice %arg2[%dma_start3A_250, %dma_start3A_251] : memref<10008x128xf32, #tpu.memory_space<hbm>> -> memref<10008x128xf32, #tpu.memory_space<hbm>>
      tpu.enqueue_indirect_dma source(%dma_start3A_252 : memref<10008x128xf32, #tpu.memory_space<hbm>>) target(%arg9 : memref<64x128xf32, #tpu.memory_space<vmem>>) offsets(%dma_start3A_249 : memref<64xi32, #tpu.memory_space<vmem>>) semaphore(%arg15 : memref<!tpu.dma_semaphore, #tpu.memory_space<semaphore_mem>>)
      %dma_start3A_253 = arith.constant 6 : i32
      %dma_start3A_254 = arith.constant 0 : i32
      %dma_start3A_255 = tpu.memref_slice %arg8[%dma_start3A_253, %dma_start3A_254] : memref<8x64xi32, #tpu.memory_space<vmem>> -> memref<1x64xi32, #tpu.memory_space<vmem>>
      %dma_start3A_256 = tpu.memref_squeeze %dma_start3A_255 : memref<1x64xi32, #tpu.memory_space<vmem>> -> memref<64xi32, #tpu.memory_space<vmem>>
      %dma_start3A_257 = arith.constant 0 : i32
      %dma_start3A_258 = arith.constant 0 : i32
      %dma_start3A_259 = tpu.memref_slice %arg3[%dma_start3A_257, %dma_start3A_258] : memref<10008x128xi32, #tpu.memory_space<hbm>> -> memref<10008x128xi32, #tpu.memory_space<hbm>>
      tpu.enqueue_indirect_dma source(%dma_start3A_259 : memref<10008x128xi32, #tpu.memory_space<hbm>>) target(%arg11 : memref<64x128xi32, #tpu.memory_space<vmem>>) offsets(%dma_start3A_256 : memref<64xi32, #tpu.memory_space<vmem>>) semaphore(%arg17 : memref<!tpu.dma_semaphore, #tpu.memory_space<semaphore_mem>>)
      %broadcast_in_dim3A_260 = arith.constant -65536 : i32
      %broadcast_in_dim3A_261 = vector.broadcast %broadcast_in_dim3A_260 : i32 to vector<16xi32>
      %parallel_loop3A_262 = arith.constant 0 : i32
      %parallel_loop3A_263 = arith.constant 512 : i32
      %parallel_loop3A_264 = arith.constant 1 : i32
      scf.for %parallel_loop3A_321 = %parallel_loop3A_262 to %parallel_loop3A_263 step %parallel_loop3A_264  : i32 {
        %parallel_loop3A_322 = arith.constant 8 : i32
        %parallel_loop3A_323 = arith.divsi %parallel_loop3A_321, %parallel_loop3A_322 : i32
        %parallel_loop3A_324 = arith.constant 0 : i32
        %parallel_loop3A_325 = arith.cmpi sgt, %parallel_loop3A_321, %parallel_loop3A_324 : i32
        %parallel_loop3A_326 = arith.extui %parallel_loop3A_325 : i1 to i32
        %parallel_loop3A_327 = arith.constant 0 : i32
        %parallel_loop3A_328 = arith.cmpi slt, %parallel_loop3A_321, %parallel_loop3A_327 : i32
        %parallel_loop3A_329 = arith.extui %parallel_loop3A_328 : i1 to i32
        %parallel_loop3A_330 = arith.subi %parallel_loop3A_326, %parallel_loop3A_329 : i32
        %parallel_loop3A_331 = arith.constant 0 : i32
        %parallel_loop3A_332 = arith.cmpi sgt, %parallel_loop3A_322, %parallel_loop3A_331 : i32
        %parallel_loop3A_333 = arith.extui %parallel_loop3A_332 : i1 to i32
        %parallel_loop3A_334 = arith.constant 0 : i32
        %parallel_loop3A_335 = arith.cmpi slt, %parallel_loop3A_322, %parallel_loop3A_334 : i32
        %parallel_loop3A_336 = arith.extui %parallel_loop3A_335 : i1 to i32
        %parallel_loop3A_337 = arith.subi %parallel_loop3A_333, %parallel_loop3A_336 : i32
        %parallel_loop3A_338 = arith.cmpi ne, %parallel_loop3A_330, %parallel_loop3A_337 : i32
        %parallel_loop3A_339 = arith.remsi %parallel_loop3A_321, %parallel_loop3A_322 : i32
        %parallel_loop3A_340 = arith.constant 0 : i32
        %parallel_loop3A_341 = arith.cmpi ne, %parallel_loop3A_339, %parallel_loop3A_340 : i32
        %parallel_loop3A_342 = arith.andi %parallel_loop3A_338, %parallel_loop3A_341 : i1
        %parallel_loop3A_343 = arith.constant 1 : i32
        %parallel_loop3A_344 = arith.subi %parallel_loop3A_323, %parallel_loop3A_343 : i32
        %parallel_loop3A_345 = arith.select %parallel_loop3A_342, %parallel_loop3A_344, %parallel_loop3A_323 : i32
        %parallel_loop3A_346 = arith.constant 8 : i32
        %parallel_loop3A_347 = arith.constant 0 : i32
        %parallel_loop3A_348 = arith.cmpi eq, %parallel_loop3A_346, %parallel_loop3A_347 : i32
        %parallel_loop3A_349 = arith.constant 1 : i32
        %parallel_loop3A_350 = arith.select %parallel_loop3A_348, %parallel_loop3A_349, %parallel_loop3A_346 : i32
        %parallel_loop3A_351 = arith.remsi %parallel_loop3A_321, %parallel_loop3A_350 : i32
        %parallel_loop3A_352 = arith.constant 0 : i32
        %parallel_loop3A_353 = arith.cmpi ne, %parallel_loop3A_351, %parallel_loop3A_352 : i32
        %parallel_loop3A_354 = arith.constant 0 : i32
        %parallel_loop3A_355 = arith.cmpi slt, %parallel_loop3A_351, %parallel_loop3A_354 : i32
        %parallel_loop3A_356 = arith.constant 0 : i32
        %parallel_loop3A_357 = arith.cmpi slt, %parallel_loop3A_350, %parallel_loop3A_356 : i32
        %parallel_loop3A_358 = arith.xori %parallel_loop3A_355, %parallel_loop3A_357 : i1
        %parallel_loop3A_359 = arith.andi %parallel_loop3A_358, %parallel_loop3A_353 : i1
        %parallel_loop3A_360 = arith.addi %parallel_loop3A_351, %parallel_loop3A_350 : i32
        %parallel_loop3A_361 = arith.select %parallel_loop3A_359, %parallel_loop3A_360, %parallel_loop3A_351 : i32
        %parallel_loop3A_362 = arith.constant 16 : i32
        %parallel_loop3A_363 = arith.muli %parallel_loop3A_361, %parallel_loop3A_362 : i32
        %parallel_loop3A_364 = arith.index_cast %parallel_loop3A_345 : i32 to index
        %parallel_loop3A_365 = arith.index_cast %parallel_loop3A_363 : i32 to index
        %parallel_loop3A_366 = tpu.vector_load %arg12[%parallel_loop3A_364, %parallel_loop3A_365] {strides = array<i32>} : memref<64x128xi32, #tpu.memory_space<vmem>>, vector<1x16xi32>,
        %parallel_loop3A_367 = vector.shape_cast %parallel_loop3A_366 : vector<1x16xi32> to vector<16xi32>
        %parallel_loop3A_368 = arith.constant 16 : i32
        %parallel_loop3A_369 = vector.broadcast %parallel_loop3A_368 : i32 to vector<16xi32>
        %parallel_loop3A_370 = arith.shli %parallel_loop3A_367, %parallel_loop3A_369 : vector<16xi32>
        %parallel_loop3A_371 = tpu.bitcast %parallel_loop3A_370 : vector<16xi32> -> vector<16xf32>
        %parallel_loop3A_372 = arith.andi %parallel_loop3A_367, %broadcast_in_dim3A_261 : vector<16xi32>
        %parallel_loop3A_373 = tpu.bitcast %parallel_loop3A_372 : vector<16xi32> -> vector<16xf32>
        %parallel_loop3A_374 = arith.index_cast %parallel_loop3A_345 : i32 to index
        %parallel_loop3A_375 = arith.index_cast %parallel_loop3A_363 : i32 to index
        %parallel_loop3A_376 = tpu.vector_load %arg10[%parallel_loop3A_374, %parallel_loop3A_375] {strides = array<i32>} : memref<64x128xf32, #tpu.memory_space<vmem>>, vector<1x16xf32>,
        %parallel_loop3A_377 = vector.shape_cast %parallel_loop3A_376 : vector<1x16xf32> to vector<16xf32>
        %parallel_loop3A_378 = arith.addf %parallel_loop3A_377, %parallel_loop3A_371 : vector<16xf32>
        %parallel_loop3A_379 = arith.constant 0.000000e+00 : f32
        %parallel_loop3A_380 = vector.broadcast %parallel_loop3A_379 : f32 to vector<16xf32>
        %parallel_loop3A_381 = arith.subf %parallel_loop3A_380, %parallel_loop3A_378 : vector<16xf32>
        %parallel_loop3A_382 = math.exp %parallel_loop3A_381 : vector<16xf32>
        %parallel_loop3A_383 = arith.constant 1.000000e+00 : f32
        %parallel_loop3A_384 = vector.broadcast %parallel_loop3A_383 : f32 to vector<16xf32>
        %parallel_loop3A_385 = arith.addf %parallel_loop3A_384, %parallel_loop3A_382 : vector<16xf32>
        %parallel_loop3A_386 = arith.constant 1.000000e+00 : f32
        %parallel_loop3A_387 = vector.broadcast %parallel_loop3A_386 : f32 to vector<16xf32>
        %parallel_loop3A_388 = arith.divf %parallel_loop3A_387, %parallel_loop3A_385 : vector<16xf32>
        %parallel_loop3A_389 = arith.mulf %parallel_loop3A_388, %parallel_loop3A_373 : vector<16xf32>
        %parallel_loop3A_390 = arith.index_cast %parallel_loop3A_345 : i32 to index
        %parallel_loop3A_391 = arith.index_cast %parallel_loop3A_363 : i32 to index
        %parallel_loop3A_392 = tpu.vector_load %arg13[%parallel_loop3A_390, %parallel_loop3A_391] {strides = array<i32>} : memref<64x128xf32, #tpu.memory_space<vmem>>, vector<1x16xf32>,
        %parallel_loop3A_393 = vector.shape_cast %parallel_loop3A_392 : vector<1x16xf32> to vector<16xf32>
        %parallel_loop3A_394 = vector.shape_cast %parallel_loop3A_389 : vector<16xf32> to vector<1x16xf32>
        tpu.vector_store %arg13[%parallel_loop3A_390, %parallel_loop3A_391], %parallel_loop3A_394 {strides = array<i32>} : memref<64x128xf32, #tpu.memory_space<vmem>>, vector<1x16xf32>,
      } {sc.loop_unroll_factor = 8 : i64, sc.parallel_access}
      %run_scoped3A_265 = arith.constant 5 : i32
      "tpu.region"() ({
        %run_scoped3A_321 = tpu.sem_alloc : memref<!tpu.dma_semaphore, #tpu.memory_space<semaphore_mem>>
        %dma_start3A_322 = arith.constant 0 : i32
        %dma_start3A_323 = tpu.memref_slice %arg7[%run_scoped3A_265, %dma_start3A_322] : memref<8x64xi32, #tpu.memory_space<vmem>> -> memref<1x64xi32, #tpu.memory_space<vmem>>
        %dma_start3A_324 = tpu.memref_squeeze %dma_start3A_323 : memref<1x64xi32, #tpu.memory_space<vmem>> -> memref<64xi32, #tpu.memory_space<vmem>>
        %dma_start3A_325 = arith.constant 0 : i32
        %dma_start3A_326 = arith.constant 0 : i32
        %dma_start3A_327 = tpu.memref_slice %arg14[%dma_start3A_325, %dma_start3A_326] : memref<10008x128xf32, #tpu.memory_space<vmem_shared>> -> memref<10008x128xf32, #tpu.memory_space<vmem_shared>>
        tpu.enqueue_indirect_dma source(%arg13 : memref<64x128xf32, #tpu.memory_space<vmem>>) target(%dma_start3A_327 : memref<10008x128xf32, #tpu.memory_space<vmem_shared>>) offsets(%dma_start3A_324 : memref<64xi32, #tpu.memory_space<vmem>>) semaphore(%run_scoped3A_321 : memref<!tpu.dma_semaphore, #tpu.memory_space<semaphore_mem>>) {add = true}
        %dma_wait3A_328 = arith.constant 0 : i32
        %dma_wait3A_329 = tpu.memref_slice %arg7[%run_scoped3A_265, %dma_wait3A_328] : memref<8x64xi32, #tpu.memory_space<vmem>> -> memref<1x64xi32, #tpu.memory_space<vmem>>
        %dma_wait3A_330 = tpu.memref_squeeze %dma_wait3A_329 : memref<1x64xi32, #tpu.memory_space<vmem>> -> memref<64xi32, #tpu.memory_space<vmem>>
        %dma_wait3A_331 = arith.constant 0 : i32
        %dma_wait3A_332 = arith.constant 0 : i32
        %dma_wait3A_333 = tpu.memref_slice %arg14[%dma_wait3A_331, %dma_wait3A_332] : memref<10008x128xf32, #tpu.memory_space<vmem_shared>> -> memref<10008x128xf32, #tpu.memory_space<vmem_shared>>
        tpu.wait_indirect_dma semaphore(%run_scoped3A_321 : memref<!tpu.dma_semaphore, #tpu.memory_space<semaphore_mem>>) src(%arg13 : memref<64x128xf32, #tpu.memory_space<vmem>>) dst(%dma_wait3A_333 : memref<10008x128xf32, #tpu.memory_space<vmem_shared>>)
        tpu.yield
      }) : () -> ()
      %dma_wait3A_266 = arith.constant 6 : i32
      %dma_wait3A_267 = arith.constant 0 : i32
      %dma_wait3A_268 = tpu.memref_slice %arg7[%dma_wait3A_266, %dma_wait3A_267] : memref<8x64xi32, #tpu.memory_space<vmem>> -> memref<1x64xi32, #tpu.memory_space<vmem>>
      %dma_wait3A_269 = tpu.memref_squeeze %dma_wait3A_268 : memref<1x64xi32, #tpu.memory_space<vmem>> -> memref<64xi32, #tpu.memory_space<vmem>>
      %dma_wait3A_270 = arith.constant 0 : i32
      %dma_wait3A_271 = arith.constant 0 : i32
      %dma_wait3A_272 = tpu.memref_slice %arg2[%dma_wait3A_270, %dma_wait3A_271] : memref<10008x128xf32, #tpu.memory_space<hbm>> -> memref<10008x128xf32, #tpu.memory_space<hbm>>
      tpu.wait_indirect_dma semaphore(%arg15 : memref<!tpu.dma_semaphore, #tpu.memory_space<semaphore_mem>>) src(%dma_wait3A_272 : memref<10008x128xf32, #tpu.memory_space<hbm>>) dst(%arg9 : memref<64x128xf32, #tpu.memory_space<vmem>>)
      %dma_wait3A_273 = arith.constant 6 : i32
      %dma_wait3A_274 = arith.constant 0 : i32
      %dma_wait3A_275 = tpu.memref_slice %arg8[%dma_wait3A_273, %dma_wait3A_274] : memref<8x64xi32, #tpu.memory_space<vmem>> -> memref<1x64xi32, #tpu.memory_space<vmem>>
      %dma_wait3A_276 = tpu.memref_squeeze %dma_wait3A_275 : memref<1x64xi32, #tpu.memory_space<vmem>> -> memref<64xi32, #tpu.memory_space<vmem>>
      %dma_wait3A_277 = arith.constant 0 : i32
      %dma_wait3A_278 = arith.constant 0 : i32
      %dma_wait3A_279 = tpu.memref_slice %arg3[%dma_wait3A_277, %dma_wait3A_278] : memref<10008x128xi32, #tpu.memory_space<hbm>> -> memref<10008x128xi32, #tpu.memory_space<hbm>>
      tpu.wait_indirect_dma semaphore(%arg17 : memref<!tpu.dma_semaphore, #tpu.memory_space<semaphore_mem>>) src(%dma_wait3A_279 : memref<10008x128xi32, #tpu.memory_space<hbm>>) dst(%arg11 : memref<64x128xi32, #tpu.memory_space<vmem>>)
      %dma_start3A_280 = arith.constant 7 : i32
      %dma_start3A_281 = arith.constant 0 : i32
      %dma_start3A_282 = tpu.memref_slice %arg7[%dma_start3A_280, %dma_start3A_281] : memref<8x64xi32, #tpu.memory_space<vmem>> -> memref<1x64xi32, #tpu.memory_space<vmem>>
      %dma_start3A_283 = tpu.memref_squeeze %dma_start3A_282 : memref<1x64xi32, #tpu.memory_space<vmem>> -> memref<64xi32, #tpu.memory_space<vmem>>
      %dma_start3A_284 = arith.constant 0 : i32
      %dma_start3A_285 = arith.constant 0 : i32
      %dma_start3A_286 = tpu.memref_slice %arg2[%dma_start3A_284, %dma_start3A_285] : memref<10008x128xf32, #tpu.memory_space<hbm>> -> memref<10008x128xf32, #tpu.memory_space<hbm>>
      tpu.enqueue_indirect_dma source(%dma_start3A_286 : memref<10008x128xf32, #tpu.memory_space<hbm>>) target(%arg10 : memref<64x128xf32, #tpu.memory_space<vmem>>) offsets(%dma_start3A_283 : memref<64xi32, #tpu.memory_space<vmem>>) semaphore(%arg16 : memref<!tpu.dma_semaphore, #tpu.memory_space<semaphore_mem>>)
      %dma_start3A_287 = arith.constant 7 : i32
      %dma_start3A_288 = arith.constant 0 : i32
      %dma_start3A_289 = tpu.memref_slice %arg8[%dma_start3A_287, %dma_start3A_288] : memref<8x64xi32, #tpu.memory_space<vmem>> -> memref<1x64xi32, #tpu.memory_space<vmem>>
      %dma_start3A_290 = tpu.memref_squeeze %dma_start3A_289 : memref<1x64xi32, #tpu.memory_space<vmem>> -> memref<64xi32, #tpu.memory_space<vmem>>
      %dma_start3A_291 = arith.constant 0 : i32
      %dma_start3A_292 = arith.constant 0 : i32
      %dma_start3A_293 = tpu.memref_slice %arg3[%dma_start3A_291, %dma_start3A_292] : memref<10008x128xi32, #tpu.memory_space<hbm>> -> memref<10008x128xi32, #tpu.memory_space<hbm>>
      tpu.enqueue_indirect_dma source(%dma_start3A_293 : memref<10008x128xi32, #tpu.memory_space<hbm>>) target(%arg12 : memref<64x128xi32, #tpu.memory_space<vmem>>) offsets(%dma_start3A_290 : memref<64xi32, #tpu.memory_space<vmem>>) semaphore(%arg18 : memref<!tpu.dma_semaphore, #tpu.memory_space<semaphore_mem>>)
      %broadcast_in_dim3A_294 = arith.constant -65536 : i32
      %broadcast_in_dim3A_295 = vector.broadcast %broadcast_in_dim3A_294 : i32 to vector<16xi32>
      %parallel_loop3A_296 = arith.constant 0 : i32
      %parallel_loop3A_297 = arith.constant 512 : i32
      %parallel_loop3A_298 = arith.constant 1 : i32
      scf.for %parallel_loop3A_321 = %parallel_loop3A_296 to %parallel_loop3A_297 step %parallel_loop3A_298  : i32 {
        %parallel_loop3A_322 = arith.constant 8 : i32
        %parallel_loop3A_323 = arith.divsi %parallel_loop3A_321, %parallel_loop3A_322 : i32
        %parallel_loop3A_324 = arith.constant 0 : i32
        %parallel_loop3A_325 = arith.cmpi sgt, %parallel_loop3A_321, %parallel_loop3A_324 : i32
        %parallel_loop3A_326 = arith.extui %parallel_loop3A_325 : i1 to i32
        %parallel_loop3A_327 = arith.constant 0 : i32
        %parallel_loop3A_328 = arith.cmpi slt, %parallel_loop3A_321, %parallel_loop3A_327 : i32
        %parallel_loop3A_329 = arith.extui %parallel_loop3A_328 : i1 to i32
        %parallel_loop3A_330 = arith.subi %parallel_loop3A_326, %parallel_loop3A_329 : i32
        %parallel_loop3A_331 = arith.constant 0 : i32
        %parallel_loop3A_332 = arith.cmpi sgt, %parallel_loop3A_322, %parallel_loop3A_331 : i32
        %parallel_loop3A_333 = arith.extui %parallel_loop3A_332 : i1 to i32
        %parallel_loop3A_334 = arith.constant 0 : i32
        %parallel_loop3A_335 = arith.cmpi slt, %parallel_loop3A_322, %parallel_loop3A_334 : i32
        %parallel_loop3A_336 = arith.extui %parallel_loop3A_335 : i1 to i32
        %parallel_loop3A_337 = arith.subi %parallel_loop3A_333, %parallel_loop3A_336 : i32
        %parallel_loop3A_338 = arith.cmpi ne, %parallel_loop3A_330, %parallel_loop3A_337 : i32
        %parallel_loop3A_339 = arith.remsi %parallel_loop3A_321, %parallel_loop3A_322 : i32
        %parallel_loop3A_340 = arith.constant 0 : i32
        %parallel_loop3A_341 = arith.cmpi ne, %parallel_loop3A_339, %parallel_loop3A_340 : i32
        %parallel_loop3A_342 = arith.andi %parallel_loop3A_338, %parallel_loop3A_341 : i1
        %parallel_loop3A_343 = arith.constant 1 : i32
        %parallel_loop3A_344 = arith.subi %parallel_loop3A_323, %parallel_loop3A_343 : i32
        %parallel_loop3A_345 = arith.select %parallel_loop3A_342, %parallel_loop3A_344, %parallel_loop3A_323 : i32
        %parallel_loop3A_346 = arith.constant 8 : i32
        %parallel_loop3A_347 = arith.constant 0 : i32
        %parallel_loop3A_348 = arith.cmpi eq, %parallel_loop3A_346, %parallel_loop3A_347 : i32
        %parallel_loop3A_349 = arith.constant 1 : i32
        %parallel_loop3A_350 = arith.select %parallel_loop3A_348, %parallel_loop3A_349, %parallel_loop3A_346 : i32
        %parallel_loop3A_351 = arith.remsi %parallel_loop3A_321, %parallel_loop3A_350 : i32
        %parallel_loop3A_352 = arith.constant 0 : i32
        %parallel_loop3A_353 = arith.cmpi ne, %parallel_loop3A_351, %parallel_loop3A_352 : i32
        %parallel_loop3A_354 = arith.constant 0 : i32
        %parallel_loop3A_355 = arith.cmpi slt, %parallel_loop3A_351, %parallel_loop3A_354 : i32
        %parallel_loop3A_356 = arith.constant 0 : i32
        %parallel_loop3A_357 = arith.cmpi slt, %parallel_loop3A_350, %parallel_loop3A_356 : i32
        %parallel_loop3A_358 = arith.xori %parallel_loop3A_355, %parallel_loop3A_357 : i1
        %parallel_loop3A_359 = arith.andi %parallel_loop3A_358, %parallel_loop3A_353 : i1
        %parallel_loop3A_360 = arith.addi %parallel_loop3A_351, %parallel_loop3A_350 : i32
        %parallel_loop3A_361 = arith.select %parallel_loop3A_359, %parallel_loop3A_360, %parallel_loop3A_351 : i32
        %parallel_loop3A_362 = arith.constant 16 : i32
        %parallel_loop3A_363 = arith.muli %parallel_loop3A_361, %parallel_loop3A_362 : i32
        %parallel_loop3A_364 = arith.index_cast %parallel_loop3A_345 : i32 to index
        %parallel_loop3A_365 = arith.index_cast %parallel_loop3A_363 : i32 to index
        %parallel_loop3A_366 = tpu.vector_load %arg11[%parallel_loop3A_364, %parallel_loop3A_365] {strides = array<i32>} : memref<64x128xi32, #tpu.memory_space<vmem>>, vector<1x16xi32>,
        %parallel_loop3A_367 = vector.shape_cast %parallel_loop3A_366 : vector<1x16xi32> to vector<16xi32>
        %parallel_loop3A_368 = arith.constant 16 : i32
        %parallel_loop3A_369 = vector.broadcast %parallel_loop3A_368 : i32 to vector<16xi32>
        %parallel_loop3A_370 = arith.shli %parallel_loop3A_367, %parallel_loop3A_369 : vector<16xi32>
        %parallel_loop3A_371 = tpu.bitcast %parallel_loop3A_370 : vector<16xi32> -> vector<16xf32>
        %parallel_loop3A_372 = arith.andi %parallel_loop3A_367, %broadcast_in_dim3A_295 : vector<16xi32>
        %parallel_loop3A_373 = tpu.bitcast %parallel_loop3A_372 : vector<16xi32> -> vector<16xf32>
        %parallel_loop3A_374 = arith.index_cast %parallel_loop3A_345 : i32 to index
        %parallel_loop3A_375 = arith.index_cast %parallel_loop3A_363 : i32 to index
        %parallel_loop3A_376 = tpu.vector_load %arg9[%parallel_loop3A_374, %parallel_loop3A_375] {strides = array<i32>} : memref<64x128xf32, #tpu.memory_space<vmem>>, vector<1x16xf32>,
        %parallel_loop3A_377 = vector.shape_cast %parallel_loop3A_376 : vector<1x16xf32> to vector<16xf32>
        %parallel_loop3A_378 = arith.addf %parallel_loop3A_377, %parallel_loop3A_371 : vector<16xf32>
        %parallel_loop3A_379 = arith.constant 0.000000e+00 : f32
        %parallel_loop3A_380 = vector.broadcast %parallel_loop3A_379 : f32 to vector<16xf32>
        %parallel_loop3A_381 = arith.subf %parallel_loop3A_380, %parallel_loop3A_378 : vector<16xf32>
        %parallel_loop3A_382 = math.exp %parallel_loop3A_381 : vector<16xf32>
        %parallel_loop3A_383 = arith.constant 1.000000e+00 : f32
        %parallel_loop3A_384 = vector.broadcast %parallel_loop3A_383 : f32 to vector<16xf32>
        %parallel_loop3A_385 = arith.addf %parallel_loop3A_384, %parallel_loop3A_382 : vector<16xf32>
        %parallel_loop3A_386 = arith.constant 1.000000e+00 : f32
        %parallel_loop3A_387 = vector.broadcast %parallel_loop3A_386 : f32 to vector<16xf32>
        %parallel_loop3A_388 = arith.divf %parallel_loop3A_387, %parallel_loop3A_385 : vector<16xf32>
        %parallel_loop3A_389 = arith.mulf %parallel_loop3A_388, %parallel_loop3A_373 : vector<16xf32>
        %parallel_loop3A_390 = arith.index_cast %parallel_loop3A_345 : i32 to index
        %parallel_loop3A_391 = arith.index_cast %parallel_loop3A_363 : i32 to index
        %parallel_loop3A_392 = tpu.vector_load %arg13[%parallel_loop3A_390, %parallel_loop3A_391] {strides = array<i32>} : memref<64x128xf32, #tpu.memory_space<vmem>>, vector<1x16xf32>,
        %parallel_loop3A_393 = vector.shape_cast %parallel_loop3A_392 : vector<1x16xf32> to vector<16xf32>
        %parallel_loop3A_394 = vector.shape_cast %parallel_loop3A_389 : vector<16xf32> to vector<1x16xf32>
        tpu.vector_store %arg13[%parallel_loop3A_390, %parallel_loop3A_391], %parallel_loop3A_394 {strides = array<i32>} : memref<64x128xf32, #tpu.memory_space<vmem>>, vector<1x16xf32>,
      } {sc.loop_unroll_factor = 8 : i64, sc.parallel_access}
      %run_scoped3A_299 = arith.constant 6 : i32
      "tpu.region"() ({
        %run_scoped3A_321 = tpu.sem_alloc : memref<!tpu.dma_semaphore, #tpu.memory_space<semaphore_mem>>
        %dma_start3A_322 = arith.constant 0 : i32
        %dma_start3A_323 = tpu.memref_slice %arg7[%run_scoped3A_299, %dma_start3A_322] : memref<8x64xi32, #tpu.memory_space<vmem>> -> memref<1x64xi32, #tpu.memory_space<vmem>>
        %dma_start3A_324 = tpu.memref_squeeze %dma_start3A_323 : memref<1x64xi32, #tpu.memory_space<vmem>> -> memref<64xi32, #tpu.memory_space<vmem>>
        %dma_start3A_325 = arith.constant 0 : i32
        %dma_start3A_326 = arith.constant 0 : i32
        %dma_start3A_327 = tpu.memref_slice %arg14[%dma_start3A_325, %dma_start3A_326] : memref<10008x128xf32, #tpu.memory_space<vmem_shared>> -> memref<10008x128xf32, #tpu.memory_space<vmem_shared>>
        tpu.enqueue_indirect_dma source(%arg13 : memref<64x128xf32, #tpu.memory_space<vmem>>) target(%dma_start3A_327 : memref<10008x128xf32, #tpu.memory_space<vmem_shared>>) offsets(%dma_start3A_324 : memref<64xi32, #tpu.memory_space<vmem>>) semaphore(%run_scoped3A_321 : memref<!tpu.dma_semaphore, #tpu.memory_space<semaphore_mem>>) {add = true}
        %dma_wait3A_328 = arith.constant 0 : i32
        %dma_wait3A_329 = tpu.memref_slice %arg7[%run_scoped3A_299, %dma_wait3A_328] : memref<8x64xi32, #tpu.memory_space<vmem>> -> memref<1x64xi32, #tpu.memory_space<vmem>>
        %dma_wait3A_330 = tpu.memref_squeeze %dma_wait3A_329 : memref<1x64xi32, #tpu.memory_space<vmem>> -> memref<64xi32, #tpu.memory_space<vmem>>
        %dma_wait3A_331 = arith.constant 0 : i32
        %dma_wait3A_332 = arith.constant 0 : i32
        %dma_wait3A_333 = tpu.memref_slice %arg14[%dma_wait3A_331, %dma_wait3A_332] : memref<10008x128xf32, #tpu.memory_space<vmem_shared>> -> memref<10008x128xf32, #tpu.memory_space<vmem_shared>>
        tpu.wait_indirect_dma semaphore(%run_scoped3A_321 : memref<!tpu.dma_semaphore, #tpu.memory_space<semaphore_mem>>) src(%arg13 : memref<64x128xf32, #tpu.memory_space<vmem>>) dst(%dma_wait3A_333 : memref<10008x128xf32, #tpu.memory_space<vmem_shared>>)
        tpu.yield
      }) : () -> ()
      %dma_wait3A_300 = arith.constant 7 : i32
      %dma_wait3A_301 = arith.constant 0 : i32
      %dma_wait3A_302 = tpu.memref_slice %arg7[%dma_wait3A_300, %dma_wait3A_301] : memref<8x64xi32, #tpu.memory_space<vmem>> -> memref<1x64xi32, #tpu.memory_space<vmem>>
      %dma_wait3A_303 = tpu.memref_squeeze %dma_wait3A_302 : memref<1x64xi32, #tpu.memory_space<vmem>> -> memref<64xi32, #tpu.memory_space<vmem>>
      %dma_wait3A_304 = arith.constant 0 : i32
      %dma_wait3A_305 = arith.constant 0 : i32
      %dma_wait3A_306 = tpu.memref_slice %arg2[%dma_wait3A_304, %dma_wait3A_305] : memref<10008x128xf32, #tpu.memory_space<hbm>> -> memref<10008x128xf32, #tpu.memory_space<hbm>>
      tpu.wait_indirect_dma semaphore(%arg16 : memref<!tpu.dma_semaphore, #tpu.memory_space<semaphore_mem>>) src(%dma_wait3A_306 : memref<10008x128xf32, #tpu.memory_space<hbm>>) dst(%arg10 : memref<64x128xf32, #tpu.memory_space<vmem>>)
      %dma_wait3A_307 = arith.constant 7 : i32
      %dma_wait3A_308 = arith.constant 0 : i32
      %dma_wait3A_309 = tpu.memref_slice %arg8[%dma_wait3A_307, %dma_wait3A_308] : memref<8x64xi32, #tpu.memory_space<vmem>> -> memref<1x64xi32, #tpu.memory_space<vmem>>
      %dma_wait3A_310 = tpu.memref_squeeze %dma_wait3A_309 : memref<1x64xi32, #tpu.memory_space<vmem>> -> memref<64xi32, #tpu.memory_space<vmem>>
      %dma_wait3A_311 = arith.constant 0 : i32
      %dma_wait3A_312 = arith.constant 0 : i32
      %dma_wait3A_313 = tpu.memref_slice %arg3[%dma_wait3A_311, %dma_wait3A_312] : memref<10008x128xi32, #tpu.memory_space<hbm>> -> memref<10008x128xi32, #tpu.memory_space<hbm>>
      tpu.wait_indirect_dma semaphore(%arg18 : memref<!tpu.dma_semaphore, #tpu.memory_space<semaphore_mem>>) src(%dma_wait3A_313 : memref<10008x128xi32, #tpu.memory_space<hbm>>) dst(%arg12 : memref<64x128xi32, #tpu.memory_space<vmem>>)
      %broadcast_in_dim3A_314 = arith.constant -65536 : i32
      %broadcast_in_dim3A_315 = vector.broadcast %broadcast_in_dim3A_314 : i32 to vector<16xi32>
      %parallel_loop3A_316 = arith.constant 0 : i32
      %parallel_loop3A_317 = arith.constant 512 : i32
      %parallel_loop3A_318 = arith.constant 1 : i32
      scf.for %parallel_loop3A_321 = %parallel_loop3A_316 to %parallel_loop3A_317 step %parallel_loop3A_318  : i32 {
        %parallel_loop3A_322 = arith.constant 8 : i32
        %parallel_loop3A_323 = arith.divsi %parallel_loop3A_321, %parallel_loop3A_322 : i32
        %parallel_loop3A_324 = arith.constant 0 : i32
        %parallel_loop3A_325 = arith.cmpi sgt, %parallel_loop3A_321, %parallel_loop3A_324 : i32
        %parallel_loop3A_326 = arith.extui %parallel_loop3A_325 : i1 to i32
        %parallel_loop3A_327 = arith.constant 0 : i32
        %parallel_loop3A_328 = arith.cmpi slt, %parallel_loop3A_321, %parallel_loop3A_327 : i32
        %parallel_loop3A_329 = arith.extui %parallel_loop3A_328 : i1 to i32
        %parallel_loop3A_330 = arith.subi %parallel_loop3A_326, %parallel_loop3A_329 : i32
        %parallel_loop3A_331 = arith.constant 0 : i32
        %parallel_loop3A_332 = arith.cmpi sgt, %parallel_loop3A_322, %parallel_loop3A_331 : i32
        %parallel_loop3A_333 = arith.extui %parallel_loop3A_332 : i1 to i32
        %parallel_loop3A_334 = arith.constant 0 : i32
        %parallel_loop3A_335 = arith.cmpi slt, %parallel_loop3A_322, %parallel_loop3A_334 : i32
        %parallel_loop3A_336 = arith.extui %parallel_loop3A_335 : i1 to i32
        %parallel_loop3A_337 = arith.subi %parallel_loop3A_333, %parallel_loop3A_336 : i32
        %parallel_loop3A_338 = arith.cmpi ne, %parallel_loop3A_330, %parallel_loop3A_337 : i32
        %parallel_loop3A_339 = arith.remsi %parallel_loop3A_321, %parallel_loop3A_322 : i32
        %parallel_loop3A_340 = arith.constant 0 : i32
        %parallel_loop3A_341 = arith.cmpi ne, %parallel_loop3A_339, %parallel_loop3A_340 : i32
        %parallel_loop3A_342 = arith.andi %parallel_loop3A_338, %parallel_loop3A_341 : i1
        %parallel_loop3A_343 = arith.constant 1 : i32
        %parallel_loop3A_344 = arith.subi %parallel_loop3A_323, %parallel_loop3A_343 : i32
        %parallel_loop3A_345 = arith.select %parallel_loop3A_342, %parallel_loop3A_344, %parallel_loop3A_323 : i32
        %parallel_loop3A_346 = arith.constant 8 : i32
        %parallel_loop3A_347 = arith.constant 0 : i32
        %parallel_loop3A_348 = arith.cmpi eq, %parallel_loop3A_346, %parallel_loop3A_347 : i32
        %parallel_loop3A_349 = arith.constant 1 : i32
        %parallel_loop3A_350 = arith.select %parallel_loop3A_348, %parallel_loop3A_349, %parallel_loop3A_346 : i32
        %parallel_loop3A_351 = arith.remsi %parallel_loop3A_321, %parallel_loop3A_350 : i32
        %parallel_loop3A_352 = arith.constant 0 : i32
        %parallel_loop3A_353 = arith.cmpi ne, %parallel_loop3A_351, %parallel_loop3A_352 : i32
        %parallel_loop3A_354 = arith.constant 0 : i32
        %parallel_loop3A_355 = arith.cmpi slt, %parallel_loop3A_351, %parallel_loop3A_354 : i32
        %parallel_loop3A_356 = arith.constant 0 : i32
        %parallel_loop3A_357 = arith.cmpi slt, %parallel_loop3A_350, %parallel_loop3A_356 : i32
        %parallel_loop3A_358 = arith.xori %parallel_loop3A_355, %parallel_loop3A_357 : i1
        %parallel_loop3A_359 = arith.andi %parallel_loop3A_358, %parallel_loop3A_353 : i1
        %parallel_loop3A_360 = arith.addi %parallel_loop3A_351, %parallel_loop3A_350 : i32
        %parallel_loop3A_361 = arith.select %parallel_loop3A_359, %parallel_loop3A_360, %parallel_loop3A_351 : i32
        %parallel_loop3A_362 = arith.constant 16 : i32
        %parallel_loop3A_363 = arith.muli %parallel_loop3A_361, %parallel_loop3A_362 : i32
        %parallel_loop3A_364 = arith.index_cast %parallel_loop3A_345 : i32 to index
        %parallel_loop3A_365 = arith.index_cast %parallel_loop3A_363 : i32 to index
        %parallel_loop3A_366 = tpu.vector_load %arg12[%parallel_loop3A_364, %parallel_loop3A_365] {strides = array<i32>} : memref<64x128xi32, #tpu.memory_space<vmem>>, vector<1x16xi32>,
        %parallel_loop3A_367 = vector.shape_cast %parallel_loop3A_366 : vector<1x16xi32> to vector<16xi32>
        %parallel_loop3A_368 = arith.constant 16 : i32
        %parallel_loop3A_369 = vector.broadcast %parallel_loop3A_368 : i32 to vector<16xi32>
        %parallel_loop3A_370 = arith.shli %parallel_loop3A_367, %parallel_loop3A_369 : vector<16xi32>
        %parallel_loop3A_371 = tpu.bitcast %parallel_loop3A_370 : vector<16xi32> -> vector<16xf32>
        %parallel_loop3A_372 = arith.andi %parallel_loop3A_367, %broadcast_in_dim3A_315 : vector<16xi32>
        %parallel_loop3A_373 = tpu.bitcast %parallel_loop3A_372 : vector<16xi32> -> vector<16xf32>
        %parallel_loop3A_374 = arith.index_cast %parallel_loop3A_345 : i32 to index
        %parallel_loop3A_375 = arith.index_cast %parallel_loop3A_363 : i32 to index
        %parallel_loop3A_376 = tpu.vector_load %arg10[%parallel_loop3A_374, %parallel_loop3A_375] {strides = array<i32>} : memref<64x128xf32, #tpu.memory_space<vmem>>, vector<1x16xf32>,
        %parallel_loop3A_377 = vector.shape_cast %parallel_loop3A_376 : vector<1x16xf32> to vector<16xf32>
        %parallel_loop3A_378 = arith.addf %parallel_loop3A_377, %parallel_loop3A_371 : vector<16xf32>
        %parallel_loop3A_379 = arith.constant 0.000000e+00 : f32
        %parallel_loop3A_380 = vector.broadcast %parallel_loop3A_379 : f32 to vector<16xf32>
        %parallel_loop3A_381 = arith.subf %parallel_loop3A_380, %parallel_loop3A_378 : vector<16xf32>
        %parallel_loop3A_382 = math.exp %parallel_loop3A_381 : vector<16xf32>
        %parallel_loop3A_383 = arith.constant 1.000000e+00 : f32
        %parallel_loop3A_384 = vector.broadcast %parallel_loop3A_383 : f32 to vector<16xf32>
        %parallel_loop3A_385 = arith.addf %parallel_loop3A_384, %parallel_loop3A_382 : vector<16xf32>
        %parallel_loop3A_386 = arith.constant 1.000000e+00 : f32
        %parallel_loop3A_387 = vector.broadcast %parallel_loop3A_386 : f32 to vector<16xf32>
        %parallel_loop3A_388 = arith.divf %parallel_loop3A_387, %parallel_loop3A_385 : vector<16xf32>
        %parallel_loop3A_389 = arith.mulf %parallel_loop3A_388, %parallel_loop3A_373 : vector<16xf32>
        %parallel_loop3A_390 = arith.index_cast %parallel_loop3A_345 : i32 to index
        %parallel_loop3A_391 = arith.index_cast %parallel_loop3A_363 : i32 to index
        %parallel_loop3A_392 = tpu.vector_load %arg13[%parallel_loop3A_390, %parallel_loop3A_391] {strides = array<i32>} : memref<64x128xf32, #tpu.memory_space<vmem>>, vector<1x16xf32>,
        %parallel_loop3A_393 = vector.shape_cast %parallel_loop3A_392 : vector<1x16xf32> to vector<16xf32>
        %parallel_loop3A_394 = vector.shape_cast %parallel_loop3A_389 : vector<16xf32> to vector<1x16xf32>
        tpu.vector_store %arg13[%parallel_loop3A_390, %parallel_loop3A_391], %parallel_loop3A_394 {strides = array<i32>} : memref<64x128xf32, #tpu.memory_space<vmem>>, vector<1x16xf32>,
      } {sc.loop_unroll_factor = 8 : i64, sc.parallel_access}
      %run_scoped3A_319 = arith.constant 7 : i32
      "tpu.region"() ({
        %run_scoped3A_321 = tpu.sem_alloc : memref<!tpu.dma_semaphore, #tpu.memory_space<semaphore_mem>>
        %dma_start3A_322 = arith.constant 0 : i32
        %dma_start3A_323 = tpu.memref_slice %arg7[%run_scoped3A_319, %dma_start3A_322] : memref<8x64xi32, #tpu.memory_space<vmem>> -> memref<1x64xi32, #tpu.memory_space<vmem>>
        %dma_start3A_324 = tpu.memref_squeeze %dma_start3A_323 : memref<1x64xi32, #tpu.memory_space<vmem>> -> memref<64xi32, #tpu.memory_space<vmem>>
        %dma_start3A_325 = arith.constant 0 : i32
        %dma_start3A_326 = arith.constant 0 : i32
        %dma_start3A_327 = tpu.memref_slice %arg14[%dma_start3A_325, %dma_start3A_326] : memref<10008x128xf32, #tpu.memory_space<vmem_shared>> -> memref<10008x128xf32, #tpu.memory_space<vmem_shared>>
        tpu.enqueue_indirect_dma source(%arg13 : memref<64x128xf32, #tpu.memory_space<vmem>>) target(%dma_start3A_327 : memref<10008x128xf32, #tpu.memory_space<vmem_shared>>) offsets(%dma_start3A_324 : memref<64xi32, #tpu.memory_space<vmem>>) semaphore(%run_scoped3A_321 : memref<!tpu.dma_semaphore, #tpu.memory_space<semaphore_mem>>) {add = true}
        %dma_wait3A_328 = arith.constant 0 : i32
        %dma_wait3A_329 = tpu.memref_slice %arg7[%run_scoped3A_319, %dma_wait3A_328] : memref<8x64xi32, #tpu.memory_space<vmem>> -> memref<1x64xi32, #tpu.memory_space<vmem>>
        %dma_wait3A_330 = tpu.memref_squeeze %dma_wait3A_329 : memref<1x64xi32, #tpu.memory_space<vmem>> -> memref<64xi32, #tpu.memory_space<vmem>>
        %dma_wait3A_331 = arith.constant 0 : i32
        %dma_wait3A_332 = arith.constant 0 : i32
        %dma_wait3A_333 = tpu.memref_slice %arg14[%dma_wait3A_331, %dma_wait3A_332] : memref<10008x128xf32, #tpu.memory_space<vmem_shared>> -> memref<10008x128xf32, #tpu.memory_space<vmem_shared>>
        tpu.wait_indirect_dma semaphore(%run_scoped3A_321 : memref<!tpu.dma_semaphore, #tpu.memory_space<semaphore_mem>>) src(%arg13 : memref<64x128xf32, #tpu.memory_space<vmem>>) dst(%dma_wait3A_333 : memref<10008x128xf32, #tpu.memory_space<vmem_shared>>)
        tpu.yield
      }) : () -> ()
      %while3A_320 = arith.constant 0 : i32
      scf.yield %while3A_320 : i32
    }
    %barrier3A_36 = arith.constant 0 : index
    tpu.barrier barrier_id(%barrier3A_36)
    %lt3A_37 = arith.constant 15 : i32
    %lt3A_38 = arith.cmpi slt, %arg1, %lt3A_37 : i32
    %convert_element_type3A_39 = arith.extui %lt3A_38 : i1 to i32
    %cond3A_40 = arith.constant 0 : i32
    %cond3A_41 = arith.cmpi ne, %convert_element_type3A_39, %cond3A_40 : i32
    scf.if %cond3A_41 {
      "tpu.region"() ({
        %run_scoped3A = tpu.sem_alloc : memref<!tpu.dma_semaphore, #tpu.memory_space<semaphore_mem>>
        %dma_start3A = arith.constant 0 : i32
        %dma_start3A_47 = tpu.memref_slice %arg6[%arg0, %mul3A_17, %dma_start3A] : memref<2x10008x128xf32, #tpu.memory_space<hbm>> -> memref<1x632x128xf32, #tpu.memory_space<hbm>>
        %dma_start3A_48 = tpu.memref_squeeze %dma_start3A_47 : memref<1x632x128xf32, #tpu.memory_space<hbm>> -> memref<632x128xf32, #tpu.memory_space<hbm>>
        %dma_start3A_49 = arith.constant 0 : i32
        %dma_start3A_50 = tpu.memref_slice %arg14[%mul3A_17, %dma_start3A_49] : memref<10008x128xf32, #tpu.memory_space<vmem_shared>> -> memref<632x128xf32, #tpu.memory_space<vmem_shared>>
        tpu.enqueue_dma source(%dma_start3A_50 : memref<632x128xf32, #tpu.memory_space<vmem_shared>>) target(%dma_start3A_48 : memref<632x128xf32, #tpu.memory_space<hbm>>) target_semaphore(%run_scoped3A : memref<!tpu.dma_semaphore, #tpu.memory_space<semaphore_mem>>)
        %dma_wait3A = arith.constant 0 : i32
        %dma_wait3A_51 = tpu.memref_slice %arg6[%arg0, %mul3A_17, %dma_wait3A] : memref<2x10008x128xf32, #tpu.memory_space<hbm>> -> memref<1x632x128xf32, #tpu.memory_space<hbm>>
        %dma_wait3A_52 = tpu.memref_squeeze %dma_wait3A_51 : memref<1x632x128xf32, #tpu.memory_space<hbm>> -> memref<632x128xf32, #tpu.memory_space<hbm>>
        %dma_wait3A_53 = arith.constant 0 : i32
        %dma_wait3A_54 = tpu.memref_slice %arg14[%mul3A_17, %dma_wait3A_53] : memref<10008x128xf32, #tpu.memory_space<vmem_shared>> -> memref<632x128xf32, #tpu.memory_space<vmem_shared>>
        tpu.wait_dma2 semaphore(%run_scoped3A : memref<!tpu.dma_semaphore, #tpu.memory_space<semaphore_mem>>) src(%dma_wait3A_54 : memref<632x128xf32, #tpu.memory_space<vmem_shared>>) dst(%dma_wait3A_52 : memref<632x128xf32, #tpu.memory_space<hbm>>)
        tpu.yield
      }) : () -> ()
    } else {
    }
    %eq3A_42 = arith.constant 15 : i32
    %eq3A_43 = arith.cmpi eq, %arg1, %eq3A_42 : i32
    %convert_element_type3A_44 = arith.extui %eq3A_43 : i1 to i32
    %cond3A_45 = arith.constant 0 : i32
    %cond3A_46 = arith.cmpi ne, %convert_element_type3A_44, %cond3A_45 : i32
    scf.if %cond3A_46 {
      "tpu.region"() ({
        %run_scoped3A = tpu.sem_alloc : memref<!tpu.dma_semaphore, #tpu.memory_space<semaphore_mem>>
        %dma_start3A = arith.constant 0 : i32
        %dma_start3A_47 = tpu.memref_slice %arg6[%arg0, %mul3A_17, %dma_start3A] : memref<2x10008x128xf32, #tpu.memory_space<hbm>> -> memref<1x528x128xf32, #tpu.memory_space<hbm>>
        %dma_start3A_48 = tpu.memref_squeeze %dma_start3A_47 : memref<1x528x128xf32, #tpu.memory_space<hbm>> -> memref<528x128xf32, #tpu.memory_space<hbm>>
        %dma_start3A_49 = arith.constant 0 : i32
        %dma_start3A_50 = tpu.memref_slice %arg14[%mul3A_17, %dma_start3A_49] : memref<10008x128xf32, #tpu.memory_space<vmem_shared>> -> memref<528x128xf32, #tpu.memory_space<vmem_shared>>
        tpu.enqueue_dma source(%dma_start3A_50 : memref<528x128xf32, #tpu.memory_space<vmem_shared>>) target(%dma_start3A_48 : memref<528x128xf32, #tpu.memory_space<hbm>>) target_semaphore(%run_scoped3A : memref<!tpu.dma_semaphore, #tpu.memory_space<semaphore_mem>>)
        %dma_wait3A = arith.constant 0 : i32
        %dma_wait3A_51 = tpu.memref_slice %arg6[%arg0, %mul3A_17, %dma_wait3A] : memref<2x10008x128xf32, #tpu.memory_space<hbm>> -> memref<1x528x128xf32, #tpu.memory_space<hbm>>
        %dma_wait3A_52 = tpu.memref_squeeze %dma_wait3A_51 : memref<1x528x128xf32, #tpu.memory_space<hbm>> -> memref<528x128xf32, #tpu.memory_space<hbm>>
        %dma_wait3A_53 = arith.constant 0 : i32
        %dma_wait3A_54 = tpu.memref_slice %arg14[%mul3A_17, %dma_wait3A_53] : memref<10008x128xf32, #tpu.memory_space<vmem_shared>> -> memref<528x128xf32, #tpu.memory_space<vmem_shared>>
        tpu.wait_dma2 semaphore(%run_scoped3A : memref<!tpu.dma_semaphore, #tpu.memory_space<semaphore_mem>>) src(%dma_wait3A_54 : memref<528x128xf32, #tpu.memory_space<vmem_shared>>) dst(%dma_wait3A_52 : memref<528x128xf32, #tpu.memory_space<hbm>>)
        tpu.yield
      }) : () -> ()
    } else {
    }
    return
  }
}

module attributes {stable_mosaic.version = 14 : i64} {
  func.func @_mm_body(%arg0: i32, %arg1: memref<3336x128xf32, #tpu.memory_space<vmem>>, %arg2: memref<128x128xf32, #tpu.memory_space<vmem>>, %arg3: memref<128x128xf32, #tpu.memory_space<vmem>>, %arg4: memref<128x128xf32, #tpu.memory_space<vmem>>, %arg5: memref<1x128xf32, #tpu.memory_space<vmem>>, %arg6: memref<1x128xf32, #tpu.memory_space<vmem>>, %arg7: memref<3336x128xf32, #tpu.memory_space<vmem>>, %arg8: memref<3336x128xi32, #tpu.memory_space<vmem>>) attributes {dimension_semantics = [#tpu.dimension_semantics<arbitrary>], iteration_bounds = array<i64: 3>, scalar_prefetch = 0 : i64, scratch_operands = 0 : i64, tpu.core_type = #tpu.core_type<tc>, window_params = [{transform_indices = @transform_0, window_bounds = array<i64: 3336, 128>}, {pipeline_mode = #tpu.pipeline_mode<synchronous>, transform_indices = @transform_1, window_bounds = array<i64: 128, 128>}, {pipeline_mode = #tpu.pipeline_mode<synchronous>, transform_indices = @transform_2, window_bounds = array<i64: 128, 128>}, {pipeline_mode = #tpu.pipeline_mode<synchronous>, transform_indices = @transform_3, window_bounds = array<i64: 128, 128>}, {pipeline_mode = #tpu.pipeline_mode<synchronous>, transform_indices = @transform_4, window_bounds = array<i64: 1, 128>}, {pipeline_mode = #tpu.pipeline_mode<synchronous>, transform_indices = @transform_5, window_bounds = array<i64: 1, 128>}, {transform_indices = @transform_6, window_bounds = array<i64: 3336, 128>}, {transform_indices = @transform_7, window_bounds = array<i64: 3336, 128>}]} {
    %get3A = arith.constant 0 : index
    %get3A_0 = arith.constant 0 : index
    %get3A_1 = vector.load %arg1[%get3A, %get3A_0] : memref<3336x128xf32, #tpu.memory_space<vmem>>, vector<3336x128xf32>
    %get3A_2 = arith.constant 0 : index
    %get3A_3 = arith.constant 0 : index
    %get3A_4 = vector.load %arg2[%get3A_2, %get3A_3] : memref<128x128xf32, #tpu.memory_space<vmem>>, vector<128x128xf32>
    %dot_general3A = arith.constant dense<0.000000e+00> : vector<3336x128xf32>
    %dot_general3A_5 = tpu.matmul %get3A_1, %get3A_4, %dot_general3A {dimension_numbers = #tpu.dot_dimension_numbers<[1], [0], [0], [1], [0, 0, 1, 1], [], []>, transpose_lhs_hint = false} : vector<3336x128xf32>, vector<128x128xf32>, vector<3336x128xf32> -> vector<3336x128xf32>
    %swap3A = arith.constant 0 : index
    %swap3A_6 = arith.constant 0 : index
    %swap3A_7 = vector.load %arg7[%swap3A, %swap3A_6] : memref<3336x128xf32, #tpu.memory_space<vmem>>, vector<3336x128xf32>
    tpu.vector_store %arg7[%swap3A, %swap3A_6], %dot_general3A_5 {strides = array<i32>} : memref<3336x128xf32, #tpu.memory_space<vmem>>, vector<3336x128xf32>,
    %get3A_8 = arith.constant 0 : index
    %get3A_9 = arith.constant 0 : index
    %get3A_10 = vector.load %arg3[%get3A_8, %get3A_9] : memref<128x128xf32, #tpu.memory_space<vmem>>, vector<128x128xf32>
    %dot_general3A_11 = arith.constant dense<0.000000e+00> : vector<3336x128xf32>
    %dot_general3A_12 = tpu.matmul %get3A_1, %get3A_10, %dot_general3A_11 {dimension_numbers = #tpu.dot_dimension_numbers<[1], [0], [0], [1], [0, 0, 1, 1], [], []>, transpose_lhs_hint = false} : vector<3336x128xf32>, vector<128x128xf32>, vector<3336x128xf32> -> vector<3336x128xf32>
    %get3A_13 = arith.constant 0 : index
    %get3A_14 = arith.constant 0 : index
    %get3A_15 = vector.load %arg5[%get3A_13, %get3A_14] : memref<1x128xf32, #tpu.memory_space<vmem>>, vector<1x128xf32>
    %add3A = vector.broadcast %get3A_15 : vector<1x128xf32> to vector<3336x128xf32>
    %add3A_16 = arith.addf %dot_general3A_12, %add3A : vector<3336x128xf32>
    %get3A_17 = arith.constant 0 : index
    %get3A_18 = arith.constant 0 : index
    %get3A_19 = vector.load %arg4[%get3A_17, %get3A_18] : memref<128x128xf32, #tpu.memory_space<vmem>>, vector<128x128xf32>
    %dot_general3A_20 = arith.constant dense<0.000000e+00> : vector<3336x128xf32>
    %dot_general3A_21 = tpu.matmul %get3A_1, %get3A_19, %dot_general3A_20 {dimension_numbers = #tpu.dot_dimension_numbers<[1], [0], [0], [1], [0, 0, 1, 1], [], []>, transpose_lhs_hint = false} : vector<3336x128xf32>, vector<128x128xf32>, vector<3336x128xf32> -> vector<3336x128xf32>
    %get3A_22 = arith.constant 0 : index
    %get3A_23 = arith.constant 0 : index
    %get3A_24 = vector.load %arg6[%get3A_22, %get3A_23] : memref<1x128xf32, #tpu.memory_space<vmem>>, vector<1x128xf32>
    %add3A_25 = vector.broadcast %get3A_24 : vector<1x128xf32> to vector<3336x128xf32>
    %add3A_26 = arith.addf %dot_general3A_21, %add3A_25 : vector<3336x128xf32>
    %bitcast_convert_type3A = tpu.bitcast %add3A_16 : vector<3336x128xf32> -> vector<3336x128xi32>
    %add3A_27 = arith.constant 32768 : i32
    %add3A_28 = vector.broadcast %add3A_27 : i32 to vector<3336x128xi32>
    %add3A_29 = arith.addi %bitcast_convert_type3A, %add3A_28 : vector<3336x128xi32>
    %bitcast_convert_type3A_30 = tpu.bitcast %add3A_26 : vector<3336x128xf32> -> vector<3336x128xi32>
    %add3A_31 = arith.constant 32768 : i32
    %add3A_32 = vector.broadcast %add3A_31 : i32 to vector<3336x128xi32>
    %add3A_33 = arith.addi %bitcast_convert_type3A_30, %add3A_32 : vector<3336x128xi32>
    %shift_right_logical3A = arith.constant 16 : i32
    %shift_right_logical3A_34 = vector.broadcast %shift_right_logical3A : i32 to vector<3336x128xi32>
    %shift_right_logical3A_35 = arith.shrui %add3A_29, %shift_right_logical3A_34 : vector<3336x128xi32>
    %and3A = arith.constant -65536 : i32
    %and3A_36 = vector.broadcast %and3A : i32 to vector<3336x128xi32>
    %and3A_37 = arith.andi %add3A_33, %and3A_36 : vector<3336x128xi32>
    %or3A = arith.ori %shift_right_logical3A_35, %and3A_37 : vector<3336x128xi32>
    %swap3A_38 = arith.constant 0 : index
    %swap3A_39 = arith.constant 0 : index
    %swap3A_40 = vector.load %arg8[%swap3A_38, %swap3A_39] : memref<3336x128xi32, #tpu.memory_space<vmem>>, vector<3336x128xi32>
    tpu.vector_store %arg8[%swap3A_38, %swap3A_39], %or3A {strides = array<i32>} : memref<3336x128xi32, #tpu.memory_space<vmem>>, vector<3336x128xi32>,
    return
  }
  func.func @transform_0(%arg0: i32) -> (i32, i32) {
    %c0_i32 = arith.constant 0 : i32
    %c0_i32_0 = arith.constant 0 : i32
    return %arg0, %c0_i32 : i32, i32
  }
  func.func @transform_1(%arg0: i32) -> (i32, i32) {
    %c0_i32 = arith.constant 0 : i32
    %c0_i32_0 = arith.constant 0 : i32
    %c0_i32_1 = arith.constant 0 : i32
    return %c0_i32, %c0_i32_0 : i32, i32
  }
  func.func @transform_2(%arg0: i32) -> (i32, i32) {
    %c0_i32 = arith.constant 0 : i32
    %c0_i32_0 = arith.constant 0 : i32
    %c0_i32_1 = arith.constant 0 : i32
    return %c0_i32, %c0_i32_0 : i32, i32
  }
  func.func @transform_3(%arg0: i32) -> (i32, i32) {
    %c0_i32 = arith.constant 0 : i32
    %c0_i32_0 = arith.constant 0 : i32
    %c0_i32_1 = arith.constant 0 : i32
    return %c0_i32, %c0_i32_0 : i32, i32
  }
  func.func @transform_4(%arg0: i32) -> (i32, i32) {
    %c0_i32 = arith.constant 0 : i32
    %c0_i32_0 = arith.constant 0 : i32
    %c0_i32_1 = arith.constant 0 : i32
    return %c0_i32, %c0_i32_0 : i32, i32
  }
  func.func @transform_5(%arg0: i32) -> (i32, i32) {
    %c0_i32 = arith.constant 0 : i32
    %c0_i32_0 = arith.constant 0 : i32
    %c0_i32_1 = arith.constant 0 : i32
    return %c0_i32, %c0_i32_0 : i32, i32
  }
  func.func @transform_6(%arg0: i32) -> (i32, i32) {
    %c0_i32 = arith.constant 0 : i32
    %c0_i32_0 = arith.constant 0 : i32
    return %arg0, %c0_i32 : i32, i32
  }
  func.func @transform_7(%arg0: i32) -> (i32, i32) {
    %c0_i32 = arith.constant 0 : i32
    %c0_i32_0 = arith.constant 0 : i32
    return %arg0, %c0_i32 : i32, i32
  }
}

module attributes {stable_mosaic.version = 14 : i64} {
  func.func @_fin_body(%arg0: i32, %arg1: memref<2000x128xf32, #tpu.memory_space<vmem>>, %arg2: memref<128x128xf32, #tpu.memory_space<vmem>>, %arg3: memref<1x128xf32, #tpu.memory_space<vmem>>, %arg4: memref<2x2000x128xf32, #tpu.memory_space<vmem>>, %arg5: memref<2000x128xf32, #tpu.memory_space<vmem>>) attributes {dimension_semantics = [#tpu.dimension_semantics<arbitrary>], iteration_bounds = array<i64: 5>, scalar_prefetch = 0 : i64, scratch_operands = 0 : i64, tpu.core_type = #tpu.core_type<tc>, window_params = [{transform_indices = @transform_0, window_bounds = array<i64: 2000, 128>}, {pipeline_mode = #tpu.pipeline_mode<synchronous>, transform_indices = @transform_1, window_bounds = array<i64: 128, 128>}, {pipeline_mode = #tpu.pipeline_mode<synchronous>, transform_indices = @transform_2, window_bounds = array<i64: 1, 128>}, {transform_indices = @transform_3, window_bounds = array<i64: 2, 2000, 128>}, {transform_indices = @transform_4, window_bounds = array<i64: 2000, 128>}]} {
    %get3A = arith.constant 0 : index
    %get3A_0 = arith.constant 0 : index
    %get3A_1 = vector.load %arg1[%get3A, %get3A_0] : memref<2000x128xf32, #tpu.memory_space<vmem>>, vector<2000x128xf32>
    %get3A_2 = arith.constant 0 : index
    %get3A_3 = arith.constant 0 : index
    %get3A_4 = vector.load %arg2[%get3A_2, %get3A_3] : memref<128x128xf32, #tpu.memory_space<vmem>>, vector<128x128xf32>
    %dot_general3A = arith.constant dense<0.000000e+00> : vector<2000x128xf32>
    %dot_general3A_5 = tpu.matmul %get3A_1, %get3A_4, %dot_general3A {dimension_numbers = #tpu.dot_dimension_numbers<[1], [0], [0], [1], [0, 0, 1, 1], [], []>, transpose_lhs_hint = false} : vector<2000x128xf32>, vector<128x128xf32>, vector<2000x128xf32> -> vector<2000x128xf32>
    %get3A_6 = arith.constant 0 : index
    %get3A_7 = arith.constant 0 : index
    %get3A_8 = vector.load %arg3[%get3A_6, %get3A_7] : memref<1x128xf32, #tpu.memory_space<vmem>>, vector<1x128xf32>
    %add3A = vector.broadcast %get3A_8 : vector<1x128xf32> to vector<2000x128xf32>
    %add3A_9 = arith.addf %dot_general3A_5, %add3A : vector<2000x128xf32>
    %get3A_10 = arith.constant 0 : index
    %get3A_11 = arith.constant 0 : index
    %get3A_12 = arith.constant 0 : index
    %get3A_13 = vector.load %arg4[%get3A_10, %get3A_11, %get3A_12] : memref<2x2000x128xf32, #tpu.memory_space<vmem>>, vector<1x2000x128xf32>
    %get3A_14 = vector.shape_cast %get3A_13 : vector<1x2000x128xf32> to vector<2000x128xf32>
    %add3A_15 = arith.addf %add3A_9, %get3A_14 : vector<2000x128xf32>
    %get3A_16 = arith.constant 1 : index
    %get3A_17 = arith.constant 0 : index
    %get3A_18 = arith.constant 0 : index
    %get3A_19 = vector.load %arg4[%get3A_16, %get3A_17, %get3A_18] : memref<2x2000x128xf32, #tpu.memory_space<vmem>>, vector<1x2000x128xf32>
    %get3A_20 = vector.shape_cast %get3A_19 : vector<1x2000x128xf32> to vector<2000x128xf32>
    %add3A_21 = arith.addf %add3A_15, %get3A_20 : vector<2000x128xf32>
    %swap3A = arith.constant 0 : index
    %swap3A_22 = arith.constant 0 : index
    %swap3A_23 = vector.load %arg5[%swap3A, %swap3A_22] : memref<2000x128xf32, #tpu.memory_space<vmem>>, vector<2000x128xf32>
    tpu.vector_store %arg5[%swap3A, %swap3A_22], %add3A_21 {strides = array<i32>} : memref<2000x128xf32, #tpu.memory_space<vmem>>, vector<2000x128xf32>,
    return
  }
  func.func @transform_0(%arg0: i32) -> (i32, i32) {
    %c0_i32 = arith.constant 0 : i32
    %c0_i32_0 = arith.constant 0 : i32
    return %arg0, %c0_i32 : i32, i32
  }
  func.func @transform_1(%arg0: i32) -> (i32, i32) {
    %c0_i32 = arith.constant 0 : i32
    %c0_i32_0 = arith.constant 0 : i32
    %c0_i32_1 = arith.constant 0 : i32
    return %c0_i32, %c0_i32_0 : i32, i32
  }
  func.func @transform_2(%arg0: i32) -> (i32, i32) {
    %c0_i32 = arith.constant 0 : i32
    %c0_i32_0 = arith.constant 0 : i32
    %c0_i32_1 = arith.constant 0 : i32
    return %c0_i32, %c0_i32_0 : i32, i32
  }
  func.func @transform_3(%arg0: i32) -> (i32, i32, i32) {
    %c0_i32 = arith.constant 0 : i32
    %c0_i32_0 = arith.constant 0 : i32
    %c0_i32_1 = arith.constant 0 : i32
    return %c0_i32, %arg0, %c0_i32_0 : i32, i32, i32
  }
  func.func @transform_4(%arg0: i32) -> (i32, i32) {
    %c0_i32 = arith.constant 0 : i32
    %c0_i32_0 = arith.constant 0 : i32
    return %arg0, %c0_i32 : i32, i32
  }
}

</mosaic_0001>

<sc_bundles>
// kernel: kernel.5.cloned.1.call-start
scs
__scs_entry_jumppad:
0x0: {  	(pc) =	sbr.rel $0x88, $3  }
0x1: {  	(tag) =	ssettag $0x0;
	lr =	simm.s32 $0x1  }
0x2: {  	[smem:$0x3F99] =	sst lr;
	_ =	strace $0xD0000000  }
0x3: {  	_ = 	snop  }
0x4: {  	_ = 	snop  }
0x5: {  	_ = 	snop  }
0x6: {  	_ = 	snop  }
0x7: {  	_ = 	snop  }
__scs_overlays_trampoline_lowered:
0x8: {  	[smem:$0x3FA8] =	sst s0  }
0x9: {  	[smem:$0x3FA9] =	sst s1  }
0xa: {  	[smem:$0x3FAA] =	sst s2  }
0xb: {  	[smem:$0x3FAB] =	sst s3  }
0xc: {  	[smem:$0x3FAC] =	sst s4  }
0xd: {  	[smem:$0x3FAD] =	sst s5  }
0xe: {  	[smem:$0x3FAE] =	sst s6  }
0xf: {  	[smem:$0x3FAF] =	sst s7  }
0x10: {  	[smem:$0x3FB0] =	sst s8  }
0x11: {  	[smem:$0x3FB1] =	sst s9;
	s0 =	simm.s32 @!p0 $0x0  }
0x12: {  	s1 =	sld [smem:$0x3F97];
	s0 =	simm.s32 @p0 $0x1  }
0x13: {  	[smem:$0x3FB2] =	sst s0;
	s0 =	simm.s32 @!p1 $0x0  }
0x14: {  	s2 =	sld [smem:$0x3F96];
	s0 =	simm.s32 @p1 $0x1  }
0x15: {  	[smem:$0x3FB3] =	sst s0;
	s0 =	simm.s32 @!p2 $0x0  }
0x16: {  	s3 =	sld [smem:$0x3FDB];
	s0 =	simm.s32 @p2 $0x1  }
0x17: {  	s4 =	simm.s32 $0x1BF5;
	[smem:$0x3FB5] =	sst s0  }
0x18: {  	s0 =	sld [smem:$0x3F98];
	_ =	swait.ge [sflag:s4], $0x0  }
0x19: {  	s7 =	sld [smem:$0x3F99]  }
0x1a: {  	s8 =	sadd.s32 $0xFFFFE003, lr  }
0x1b: {  	s9 =	sadd.s32 $0xFFFFFEF7, lr;
	s5 =	simm.s32 $0xFFFFFFFF;
	p2 =	slt.u32 s8, $0xFFFFF086  }
0x1c: {  	p1 =	slt.u32 s9, $0xF7A;
	s5 =	simm.s32 @!p2 $0x0  }
0x1d: {  	s5 =	simm.s32 @p1 $0x1;
	p0 =	seq.s32 s7, s2  }
0x1e: {  	s7 =	smul.u32 @!p0 $0xF7A, s2;
	p2 =	seq.s32 @!p0 s5, $0x0  }
0x1f: {  	s9 =	smul.u32 $0xF7A, s1;
	s8 =	simm.s32 @!p0 $0x1BF5;
	p2 =	por !p2, p0  }
0x20: {  	[sflag:s8] =	ssyncset.s32 @!p0 $0xFFFFF086;
	s6 =	sadd.s32 @!p0 s3, s7;
	s7 =	simm.s32 @!p0 $0x108  }
0x21: {  	s3 =	sadd.s32 s3, s9;
	s6 =	sadd.s32 @!p0 $0x88, s6;
	s7 =	simm.s32 @p2 $0x1082  }
0x22: {  	[simem:s7], [sflag:s8] =	dma.local @!p0 [hbm:s6], $0xF7A  }
0x23: {  	s9 =	sor.u32 $0xD0000000, s2;
	s6 =	simm.s32 $0x108;
	_ =	swait.ge @!p0 [sflag:s8], $0x0  }
0x24: {  	s3 =	sadd.s32 $0x88, s3;
	s6 =	simm.s32 @!p1 $0x1082;
	[sflag:s4] =	ssyncset.s32 $0xFFFFF086  }
0x25: {  	[simem:s6], [sflag:s4] =	dma.local [hbm:s3], $0xF7A  }
0x26: {  	[smem:$0x3F99] =	sst s1;
	(tag) =	ssettag s2;
	_ =	strace s9  }
0x27: {  	s1 =	sld [smem:$0x3FA9]  }
0x28: {  	s2 =	sld [smem:$0x3FAA]  }
0x29: {  	s4 =	sld [smem:$0x3FAC]  }
0x2a: {  	p0 =	seq.s32 s5, $0x0;
	s5 =	sld [smem:$0x3FAD]  }
0x2b: {  	s6 =	sld [smem:$0x3FAE]  }
0x2c: {  	s7 =	sld [smem:$0x3FAF]  }
0x2d: {  	s3 =	simm.s32 $0x108;
	s8 =	sld [smem:$0x3FB0]  }
0x2e: {  	s3 =	simm.s32 @!p0 $0x1082;
	s9 =	sld [smem:$0x3FB1]  }
0x2f: {  	lr =	sadd.s32 s0, s3;
	s0 =	sld [smem:$0x3FA8]  }
0x30: {  	s3 =	sld [smem:$0x3FAB]  }
0x31: {  	[smem:$0x3FB4] =	sst s10  }
0x32: {  	s10 =	sld [smem:$0x3FB2];
	_ =	sdelay $0x3  }
0x33: {  	p0 =	seq.s32 s10, $0x1;
	s10 =	sld [smem:$0x3FB4];
	_ =	sdelay $0x3  }
0x34: {  	[smem:$0x3FB4] =	sst s10  }
0x35: {  	s10 =	sld [smem:$0x3FB3];
	_ =	sdelay $0x3  }
0x36: {  	p1 =	seq.s32 s10, $0x1;
	s10 =	sld [smem:$0x3FB4];
	_ =	sdelay $0x3  }
0x37: {  	[smem:$0x3FB4] =	sst s10  }
0x38: {  	s10 =	sld [smem:$0x3FB5]  }
0x39: {  	_ = 	snop;
	(pc) =	sbr.ind lr, $3  }
0x3a: {  	_ = 	snop  }
0x3b: {  	_ = 	snop  }
0x3c: {  	p2 =	seq.s32 s10, $0x1;
	s10 =	sld [smem:$0x3FB4]  }
0x3d: {  	_ =	shalt  }
0x3e: {  	_ =	shalt  }
0x3f: {  	_ =	shalt  }
0x40: {  	_ =	shalt  }
0x41: {  	_ =	shalt  }
0x42: {  	_ =	shalt  }
0x43: {  	_ =	shalt  }
0x44: {  	_ =	shalt  }
0x45: {  	_ =	shalt  }
0x46: {  	_ =	shalt  }
0x47: {  	_ =	shalt  }
0x48: {  	_ =	shalt  }
0x49: {  	_ =	shalt  }
0x4a: {  	_ =	shalt  }
0x4b: {  	_ =	shalt  }
0x4c: {  	_ =	shalt  }
0x4d: {  	_ =	shalt  }
0x4e: {  	_ =	shalt  }
0x4f: {  	_ =	shalt  }
0x50: {  	_ =	shalt  }
0x51: {  	_ =	shalt  }
0x52: {  	_ =	shalt  }
0x53: {  	_ =	shalt  }
0x54: {  	_ =	shalt  }
0x55: {  	_ =	shalt  }
0x56: {  	_ =	shalt  }
0x57: {  	_ =	shalt  }
0x58: {  	_ =	shalt  }
0x59: {  	_ =	shalt  }
0x5a: {  	_ =	shalt  }
0x5b: {  	_ =	shalt  }
0x5c: {  	_ =	shalt  }
0x5d: {  	_ =	shalt  }
0x5e: {  	_ =	shalt  }
0x5f: {  	_ =	shalt  }
0x60: {  	_ =	shalt  }
0x61: {  	_ =	shalt  }
0x62: {  	_ =	shalt  }
0x63: {  	_ =	shalt  }
0x64: {  	_ =	shalt  }
0x65: {  	_ =	shalt  }
0x66: {  	_ =	shalt  }
0x67: {  	_ =	shalt  }
0x68: {  	_ =	shalt  }
0x69: {  	_ =	shalt  }
0x6a: {  	_ =	shalt  }
0x6b: {  	_ =	shalt  }
0x6c: {  	_ =	shalt  }
0x6d: {  	_ =	shalt  }
0x6e: {  	_ =	shalt  }
0x6f: {  	_ =	shalt  }
0x70: {  	_ =	shalt  }
0x71: {  	_ =	shalt  }
0x72: {  	_ =	shalt  }
0x73: {  	_ =	shalt  }
0x74: {  	_ =	shalt  }
0x75: {  	_ =	shalt  }
0x76: {  	_ =	shalt  }
0x77: {  	_ =	shalt  }
0x78: {  	_ =	shalt  }
0x79: {  	_ =	shalt  }
0x7a: {  	_ =	shalt  }
0x7b: {  	_ =	shalt  }
0x7c: {  	_ =	shalt  }
0x7d: {  	_ =	shalt  }
0x7e: {  	_ =	shalt  }
0x7f: {  	_ =	shalt  }
0x80: {  	_ =	shalt  }
0x81: {  	_ =	shalt  }
0x82: {  	_ =	shalt  }
0x83: {  	_ =	shalt  }
0x84: {  	_ =	shalt  }
0x85: {  	_ =	shalt  }
0x86: {  	_ =	shalt  }
0x87: {  	_ =	shalt  }
.Lfunc_end0:
.L_simem_size_0:
called_computation_lowered:
.L_overlay_start_0:
0x88: {  	s2 =	sld [smem:$0x3FD9]  }
0x89: {  	s3 =	sld [smem:$0x3FFE];
	_ =	sdelay $0x1  }
0x8a: {  	s1 =	srdreg.scid  }
0x8b: {  	s0 =	sand.u32 $0x1, s1  }
0x8c: {  	s17 =	sshll.u32 s0, $0xA;
	s2 =	sadd.s32 s3, s2  }
0x8d: {  	s2 =	sadd.s32 s2, s17  }
0x8e: {  	[smem:$0x3FC0] =	sst s2  }
0x8f: {  	_ = 	snop  }
0x90: {  	s2 =	sld [smem:$0x3FD0];
	(tm) =	ssettm $0x1  }
0x91: {  	s18 =	sld [smem:$0x3FFB];
	_ =	sdelay $0x3  }
0x92: {  	_ =	strace s18  }
0x93: {  	s3 =	sld [smem:$0x3FFC];
	_ =	sdelay $0x3  }
0x94: {  	_ =	strace s3  }
0x95: {  	s3 =	sld [smem:$0x3FFD];
	_ =	sdelay $0x3  }
0x96: {  	_ =	strace s3  }
0x97: {  	_ =	strace $0x8FFFFFFF  }
0x98: {  	s19 =	sld [smem:$0x3FDB];
	_ =	sdelay $0x1  }
0x99: {  	s4 =	simm.s32 $_scs_section_size  }
0x9a: {  	s5 =	simm.s32 $_size__tile_overlayer_lowered;
	s6 =	simm.s32 $_tile_overlayer_lowered  }
0x9b: {  	s22 =	simm.s32 $0x1BFF;
	s21 =	sshll.u32 s6, $0x1;
	s3 =	sadd.s32 s4, s19  }
0x9c: {  	s7 =	simm.s32 $0x0;
	s20 =	sshll.u32 s5, $0x1;
	s5 =	sadd.s32 s21, s3  }
0x9d: {  	[timem:s7], [sflag:s22] =	dma.local [hbm:s5], s20  }
0x9e: {  	_ =	swait.ge [sflag:s22], s20  }
0x9f: {  	s4 =	ssub.s32 $0x0, s20;
	[sflag:s22] =	ssyncset.done $0x0  }
0xa0: {  	[sflag:s22] =	ssyncadd.s32 s4;
	_ =	sdelay $0x1  }
0xa1: {  	s23 =	simm.s32 $0x1B8B  }
0xa2: {  	_ =	swait.ge [sflag:s23], $0x1  }
0xa3: {  	[sflag:s23] =	ssyncset.done $0x0  }
0xa4: {  	s25 =	simm.s32 $0x1B8E;
	s24 =	sld [smem:$0x3FFE];
	[sflag:s23] =	ssyncadd.s32 $0xFFFFFFFF  }
0xa5: {  	s26 =	simm.s32 $execute0_lowered;
	[smem:$0x3FD2] =	sst s25  }
0xa6: {  	s5 =	sshll.u32 s26, $0x1;
	_ =	strace $0x80000046;
	[dreg:$0x1] =	wrdreg $0xFFFFFFFF  }
0xa7: {  	s28 =	simm.s32 $_size_execute0_lowered;
	s3 =	sadd.s32 s3, s5;
	[dreg:$0x0] =	wrdreg $0x0  }
0xa8: {  	s5 =	sshll.u32 s28, $0x1;
	[dreg:$0x2] =	wrdreg s3  }
0xa9: {  	[dreg:$0x3] =	wrdreg s5  }
0xaa: {  	[dreg:$0x4] =	wrdreg $0xC0  }
0xab: {  	_ =	task [dreg:s7], $0x5FFFF  }
0xac: {  	[dreg:$0x1] =	wrdreg $0xFFFFFFFF  }
0xad: {  	[dreg:$0x0] =	wrdreg $0x60  }
0xae: {  	[dreg:$0x2] =	wrdreg s24  }
0xaf: {  	[dreg:$0x3] =	wrdreg s2  }
0xb0: {  	[dreg:$0x4] =	wrdreg $0xA8000  }
0xb1: {  	[dreg:$0x5] =	wrdreg $0x9  }
0xb2: {  	_ =	task.clear_ibuf [dreg:s7], $0x6FFFF;
	_ =	strace $0x90000046  }
0xb3: {  	s29 =	simm.s32 $0x9;
	_ =	strace $0x80000048  }
0xb4: {  	_ =	swait.ge [sflag:s29], $0x1  }
0xb5: {  	[sflag:s29] =	ssyncadd.s32 $0xFFFFFFFF  }
0xb6: {  	_ =	strace $0x90000048  }
0xb7: {  	_ =	sfence  }
0xb8: {  	s30 =	sld [smem:$0x0];
	_ =	sdelay $0x2  }
0xb9: {  	s31 =	sshll.u32 s1, $0xD;
	s1 =	sshrl.u32 s1, $0x2  }
0xba: {  	s3 =	sand.u32 $0x4000, s31;
	s1 =	sadd.s32 s1, s30  }
0xbb: {  	s0 =	sor.u32 s3, s0;
	s1 =	sshll.u32 s1, $0x11  }
0xbc: {  	s0 =	sor.u32 s1, s0  }
0xbd: {  	s0 =	sadd.s32 $0x8F2B, s0  }
0xbe: {  	[sflag:s0] =	ssyncadd.remote.s32 $0x1  }
0xbf: {  	_ =	sfence.sel $0xFFFF  }
0xc0: {  	[dreg:$0x0] =	wrdreg $0xFFFFFFFF;
	(pc) =	sbr.abs _section_cstart, $3  }
0xc1: {  	[dreg:$0x1] =	wrdreg $0xFFFFFFFF  }
0xc2: {  	_ =	task.clear_ibuf [dreg:s7], $0x2FFFF;
	_ =	strace $0x9FFFFFFF  }
0xc3: {  	(tm) =	ssettm $0x7FFFFFFF  }
tec
execute0_lowered:
.L_overlay_start_1:
0x0: {  	(tag) =	ssettag $0x1  }
0x1: {  	s0 =	rddreg [dreg:$0x0]  }
0x2: {  	s2 =	rddreg [dreg:$0x2];
	s3 =	simm.s32 $0x0  }
0x3: {  	s1 =	srdreg.scid;
	s11 =	stileid.u32;
	s28 =	simm.s32 $0x180  }
0x4: {  	s30 =	simm.s32 $0x200;
	s29 =	simm.s32 $0x0;
	[smem:$0x7FF] =	sst s3  }
0x5: {  	s5 =	sadd.s32 $0x15800, s0;
	s6 =	sadd.s32 $0x3CA00, s0;
	s4 =	sadd.s32 $0x1800, s0  }
0x6: {  	s1 =	sand.u32 $0x1, s1;
	s0 =	sadd.s32 $0x63C00, s0;
	s7 =	smul.u32 $0x4F000, s11  }
0x7: {  	s8 =	sshll.u32 s11, $0x3;
	s10 =	sshll.u32 s11, $0x5;
	s12 =	smul.u32 $0x13C00, s11  }
0x8: {  	s15 =	sadd.s32 $0x12A400, s2;
	_ =	strace $0x80000047;
	[dreg:$0x4] =	wrdreg s4  }
0x9: {  	s16 =	sadd.s32 $0x12C400, s2;
	p0 =	seq.s32 s11, $0xF;
	[dreg:$0x10] =	wrdreg s15  }
0xa: {  	s18 =	sadd.s32 $0x12E400, s2;
	s20 =	sadd.s32 $0x130400, s2;
	[dreg:$0x11] =	wrdreg s16  }
0xb: {  	s21 =	sadd.s32 $0x132400, s2;
	s22 =	sadd.s32 $0x134400, s2;
	[dreg:$0x14] =	wrdreg s18  }
0xc: {  	s11 =	simm.s32 $0x40;
	s23 =	ssub.s32 $0x2, s1;
	[dreg:$0x15] =	wrdreg s20  }
0xd: {  	p1 =	seq.s32 s1, $0x0;
	s8 =	sor.u32 $0x200, s8;
	[dreg:$0x16] =	wrdreg s21  }
0xe: {  	s1 =	smul.u32 $0x138C00, s1;
	[dreg:$0x17] =	wrdreg s22;
	s7 =	sshrl.u32 s7, $0x2  }
0xf: {  	s15 =	simm.s32 $0x3;
	s16 =	simm.s32 $0x80;
	s19 =	sadd.s32 s7, s2  }
0x10: {  	s20 =	simm.s32 $0x6800;
	s7 =	sadd.s32 $0x2000, s19;
	[dreg:$0x5] =	wrdreg s19  }
0x11: {  	s21 =	simm.s32 $0x8800;
	s24 =	sadd.s32 $0x4000, s19;
	[dreg:$0x6] =	wrdreg s7  }
0x12: {  	s22 =	simm.s32 $0x2;
	s25 =	sadd.s32 $0x6000, s19;
	[dreg:$0x7] =	wrdreg s24  }
0x13: {  	s18 =	simm.s32 $0x380;
	s26 =	sadd.s32 $0x8000, s19;
	[dreg:$0x8] =	wrdreg s25  }
0x14: {  	s9 =	sshrl.u32 s23, $0x1;
	s31 =	sadd.s32 $0xA000, s19;
	[dreg:$0x9] =	wrdreg s26  }
0x15: {  	s4 =	ssub.s32 s23, s9;
	s9 =	sadd.s32 $0xC000, s19;
	[dreg:$0xa] =	wrdreg s31  }
0x16: {  	s8 =	smov.u32 @p1 s10;
	s10 =	sadd.s32 $0xE000, s19;
	[dreg:$0xb] =	wrdreg s9  }
0x17: {  	s13 =	sadd.s32 $0x10000, s19;
	s14 =	sadd.s32 $0x12000, s19;
	[dreg:$0xc] =	wrdreg s10  }
0x18: {  	s23 =	smax.u32 s4, $0x1;
	s4 =	simm.s32 $0x5;
	[dreg:$0xd] =	wrdreg s13  }
0x19: {  	[dreg:$0xe] =	wrdreg s14;
	s26 =	sadd.s32 $0x128400, s2;
	s7 =	sadd.s32 s12, s1  }
0x1a: {  	s1 =	sshrl.u32 s1, $0x3;
	s24 =	simm.s32 $0x20;
	s25 =	sadd.s32 $0x136400, s2  }
0x1b: {  	[dreg:$0x18] =	wrdreg s23;
	s31 =	sadd.s32 $0x138400, s2;
	s10 =	simm.s32 $0x400  }
0x1c: {  	s12 =	simm.s32 $0x800;
	s13 =	simm.s32 $0x4800;
	s14 =	simm.s32 $0x1  }
0x1d: {  	s23 =	simm.s32 $0x4;
	s9 =	simm.s32 $0x300;
	[dreg:$0x19] =	wrdreg s25  }
0x1e: {  	s7 =	sshrl.u32 s7, $0x3;
	s1 =	sadd.s32 s0, s1;
	[dreg:$0x1a] =	wrdreg s31  }
0x1f: {  	s24 =	simm.s32 @!p1 $0x8;
	[dreg:$0xf] =	wrdreg s26;
	s0 =	sadd.s32 s0, s7  }
0x20: {  	s25 =	simm.s32 $0x100;
	s17 =	sadd.s32 $0x25080, s1;
	[dreg:$0x12] =	wrdreg s0  }
0x21: {  	v0 =	vimm.f32 $0.0e+00;
	[dreg:$0x13] =	wrdreg s17;
	s17 =	simm.s32 $0x2800;
	s0 =	simm.s32 $0x280  }
.LBB2_1:
0x22: {  	[dreg:$0x1b] =	wrdreg s29;
	s1 =	simm.s32 $0x0;
	s7 =	simm.s32 $0x200  }
.LBB2_2:
0x23: {  	p1 =	sne.s32 s7, $0x7E00;
	[tilespmem:s1+$0x8870] =	vst v0  }
0x24: {  	[tilespmem:s1+$0x8800] =	vst v0  }
0x25: {  	[tilespmem:s1+$0x8810] =	vst v0  }
.Ltmp0:
0x26: {  	[tilespmem:s1+$0x8820] =	vst v0;
	(pc) =	sbr.rel @p1 .LBB2_2-.Ltmp0, $4  }
0x27: {  	[tilespmem:s1+$0x8830] =	vst v0  }
0x28: {  	[tilespmem:s1+$0x8840] =	vst v0  }
0x29: {  	[tilespmem:s1+$0x8850] =	vst v0  }
0x2a: {  	[tilespmem:s1+$0x8860] =	vst v0;
	s1 =	sshra.s32 s7, $0x2;
	s7 =	sadd.s32 $0x200, s7  }
0x2b: {  	[tilespmem:s1+$0x8870] =	vst v0  }
0x2c: {  	[tilespmem:s1+$0x8800] =	vst v0  }
0x2d: {  	[tilespmem:s1+$0x8810] =	vst v0  }
0x2e: {  	[tilespmem:s1+$0x8820] =	vst v0  }
0x2f: {  	[tilespmem:s1+$0x8830] =	vst v0  }
0x30: {  	[tilespmem:s1+$0x8840] =	vst v0  }
0x31: {  	[tilespmem:s1+$0x8850] =	vst v0  }
0x32: {  	[tilespmem:s1+$0x8860] =	vst v0;
	s1 =	simm.s32 @p0 $0x8800;
	s7 =	simm.s32 @p0 $0x5  }
0x33: {  	[spmem:s26] =	stream.linear.scatter @p0 [tilespmem:s1], [sflag:$0x5], $0x2000, $0x38;
	[tilespmem:$0x1E0C0] =	vst v63  }
0x34: {  	_ =	swait.ge @p0 [sflag:s7], $0x2000  }
0x35: {  	[sflag:s7] =	ssyncset.done @p0 $0x0  }
0x36: {  	s26 =	rddreg [dreg:$0x10];
	[sflag:s7] =	ssyncadd.s32 @p0 $0xFFFFE000  }
0x37: {  	[spmem:s26] =	stream.linear.scatter @p0 [tilespmem:s1], [sflag:$0x5], $0x2000, $0x38;
	[tilespmem:$0x1E0C0] =	vst v63  }
0x38: {  	_ =	swait.ge @p0 [sflag:s7], $0x2000  }
0x39: {  	[sflag:s7] =	ssyncset.done @p0 $0x0  }
0x3a: {  	s26 =	rddreg [dreg:$0x11];
	[sflag:s7] =	ssyncadd.s32 @p0 $0xFFFFE000  }
0x3b: {  	[spmem:s26] =	stream.linear.scatter @p0 [tilespmem:s1], [sflag:$0x5], $0x2000, $0x38;
	[tilespmem:$0x1E0C0] =	vst v63  }
0x3c: {  	_ =	swait.ge @p0 [sflag:s7], $0x2000  }
0x3d: {  	[sflag:s7] =	ssyncset.done @p0 $0x0  }
0x3e: {  	s26 =	rddreg [dreg:$0x14];
	[sflag:s7] =	ssyncadd.s32 @p0 $0xFFFFE000  }
0x3f: {  	[spmem:s26] =	stream.linear.scatter @p0 [tilespmem:s1], [sflag:$0x5], $0x2000, $0x38;
	[tilespmem:$0x1E0C0] =	vst v63  }
0x40: {  	_ =	swait.ge @p0 [sflag:s7], $0x2000  }
0x41: {  	[sflag:s7] =	ssyncset.done @p0 $0x0  }
0x42: {  	s26 =	rddreg [dreg:$0x15];
	[sflag:s7] =	ssyncadd.s32 @p0 $0xFFFFE000  }
0x43: {  	[spmem:s26] =	stream.linear.scatter @p0 [tilespmem:s1], [sflag:$0x5], $0x2000, $0x38;
	[tilespmem:$0x1E0C0] =	vst v63  }
0x44: {  	_ =	swait.ge @p0 [sflag:s7], $0x2000  }
0x45: {  	[sflag:s7] =	ssyncset.done @p0 $0x0  }
0x46: {  	s26 =	rddreg [dreg:$0x16];
	[sflag:s7] =	ssyncadd.s32 @p0 $0xFFFFE000  }
0x47: {  	[spmem:s26] =	stream.linear.scatter @p0 [tilespmem:s1], [sflag:$0x5], $0x2000, $0x38;
	[tilespmem:$0x1E0C0] =	vst v63  }
0x48: {  	_ =	swait.ge @p0 [sflag:s7], $0x2000  }
0x49: {  	[sflag:s7] =	ssyncset.done @p0 $0x0  }
0x4a: {  	s26 =	rddreg [dreg:$0x17];
	[sflag:s7] =	ssyncadd.s32 @p0 $0xFFFFE000  }
0x4b: {  	[spmem:s26] =	stream.linear.scatter @p0 [tilespmem:s1], [sflag:$0x5], $0x2000, $0x38;
	[tilespmem:$0x1E0C0] =	vst v63  }
0x4c: {  	_ =	swait.ge @p0 [sflag:s7], $0x2000  }
0x4d: {  	[sflag:s7] =	ssyncset.done @p0 $0x0  }
0x4e: {  	s26 =	rddreg [dreg:$0x19];
	[sflag:s7] =	ssyncadd.s32 @p0 $0xFFFFE000  }
0x4f: {  	[spmem:s26] =	stream.linear.scatter @p0 [tilespmem:s1], [sflag:$0x5], $0x2000, $0x38;
	[tilespmem:$0x1E0C0] =	vst v63  }
0x50: {  	_ =	swait.ge @p0 [sflag:s7], $0x2000  }
0x51: {  	[sflag:s7] =	ssyncset.done @p0 $0x0  }
0x52: {  	s26 =	rddreg [dreg:$0x1a];
	[sflag:s7] =	ssyncadd.s32 @p0 $0xFFFFE000  }
0x53: {  	[spmem:s26] =	stream.linear.scatter @p0 [tilespmem:s1], [sflag:$0x5], $0x800, $0x38;
	[tilespmem:$0x1E0C0] =	vst v63  }
0x54: {  	_ =	swait.ge @p0 [sflag:s7], $0x800  }
0x55: {  	[sflag:s7] =	ssyncset.done @p0 $0x0  }
0x56: {  	s1 =	simm.s32 @!p0 $0x8800;
	[sflag:s7] =	ssyncadd.s32 @p0 $0xFFFFF800;
	s7 =	simm.s32 @!p0 $0x5  }
0x57: {  	[spmem:s19] =	stream.linear.scatter @!p0 [tilespmem:s1], [sflag:$0x5], $0x2000, $0x38;
	[tilespmem:$0x1E0C0] =	vst v63  }
0x58: {  	_ =	swait.ge @!p0 [sflag:s7], $0x2000  }
0x59: {  	[sflag:s7] =	ssyncset.done @!p0 $0x0  }
0x5a: {  	s19 =	rddreg [dreg:$0x6];
	[sflag:s7] =	ssyncadd.s32 @!p0 $0xFFFFE000  }
0x5b: {  	[spmem:s19] =	stream.linear.scatter @!p0 [tilespmem:s1], [sflag:$0x5], $0x2000, $0x38;
	[tilespmem:$0x1E0C0] =	vst v63  }
0x5c: {  	_ =	swait.ge @!p0 [sflag:s7], $0x2000  }
0x5d: {  	[sflag:s7] =	ssyncset.done @!p0 $0x0  }
0x5e: {  	s19 =	rddreg [dreg:$0x7];
	[sflag:s7] =	ssyncadd.s32 @!p0 $0xFFFFE000  }
0x5f: {  	[spmem:s19] =	stream.linear.scatter @!p0 [tilespmem:s1], [sflag:$0x5], $0x2000, $0x38;
	[tilespmem:$0x1E0C0] =	vst v63  }
0x60: {  	_ =	swait.ge @!p0 [sflag:s7], $0x2000  }
0x61: {  	[sflag:s7] =	ssyncset.done @!p0 $0x0  }
0x62: {  	s19 =	rddreg [dreg:$0x8];
	[sflag:s7] =	ssyncadd.s32 @!p0 $0xFFFFE000  }
0x63: {  	[spmem:s19] =	stream.linear.scatter @!p0 [tilespmem:s1], [sflag:$0x5], $0x2000, $0x38;
	[tilespmem:$0x1E0C0] =	vst v63  }
0x64: {  	_ =	swait.ge @!p0 [sflag:s7], $0x2000  }
0x65: {  	[sflag:s7] =	ssyncset.done @!p0 $0x0  }
0x66: {  	s19 =	rddreg [dreg:$0x9];
	[sflag:s7] =	ssyncadd.s32 @!p0 $0xFFFFE000  }
0x67: {  	[spmem:s19] =	stream.linear.scatter @!p0 [tilespmem:s1], [sflag:$0x5], $0x2000, $0x38;
	[tilespmem:$0x1E0C0] =	vst v63  }
0x68: {  	_ =	swait.ge @!p0 [sflag:s7], $0x2000  }
0x69: {  	[sflag:s7] =	ssyncset.done @!p0 $0x0  }
0x6a: {  	s19 =	rddreg [dreg:$0xa];
	[sflag:s7] =	ssyncadd.s32 @!p0 $0xFFFFE000  }
0x6b: {  	[spmem:s19] =	stream.linear.scatter @!p0 [tilespmem:s1], [sflag:$0x5], $0x2000, $0x38;
	[tilespmem:$0x1E0C0] =	vst v63  }
0x6c: {  	_ =	swait.ge @!p0 [sflag:s7], $0x2000  }
0x6d: {  	[sflag:s7] =	ssyncset.done @!p0 $0x0  }
0x6e: {  	s19 =	rddreg [dreg:$0xb];
	[sflag:s7] =	ssyncadd.s32 @!p0 $0xFFFFE000  }
0x6f: {  	[spmem:s19] =	stream.linear.scatter @!p0 [tilespmem:s1], [sflag:$0x5], $0x2000, $0x38;
	[tilespmem:$0x1E0C0] =	vst v63  }
0x70: {  	_ =	swait.ge @!p0 [sflag:s7], $0x2000  }
0x71: {  	[sflag:s7] =	ssyncset.done @!p0 $0x0  }
0x72: {  	s19 =	rddreg [dreg:$0xc];
	[sflag:s7] =	ssyncadd.s32 @!p0 $0xFFFFE000  }
0x73: {  	[spmem:s19] =	stream.linear.scatter @!p0 [tilespmem:s1], [sflag:$0x5], $0x2000, $0x38;
	[tilespmem:$0x1E0C0] =	vst v63  }
0x74: {  	_ =	swait.ge @!p0 [sflag:s7], $0x2000  }
0x75: {  	[sflag:s7] =	ssyncset.done @!p0 $0x0  }
0x76: {  	s19 =	rddreg [dreg:$0xd];
	[sflag:s7] =	ssyncadd.s32 @!p0 $0xFFFFE000  }
0x77: {  	[spmem:s19] =	stream.linear.scatter @!p0 [tilespmem:s1], [sflag:$0x5], $0x2000, $0x38;
	[tilespmem:$0x1E0C0] =	vst v63  }
0x78: {  	_ =	swait.ge @!p0 [sflag:s7], $0x2000  }
0x79: {  	[sflag:s7] =	ssyncset.done @!p0 $0x0  }
0x7a: {  	s19 =	rddreg [dreg:$0xe];
	[sflag:s7] =	ssyncadd.s32 @!p0 $0xFFFFE000  }
0x7b: {  	[spmem:s19] =	stream.linear.scatter @!p0 [tilespmem:s1], [sflag:$0x5], $0x1C00, $0x38;
	[tilespmem:$0x1E0C0] =	vst v63  }
0x7c: {  	_ =	swait.ge @!p0 [sflag:s7], $0x1C00  }
0x7d: {  	[sflag:s7] =	ssyncset.done @!p0 $0x0  }
0x7e: {  	[sflag:s7] =	ssyncadd.s32 @!p0 $0xFFFFE400  }
0x7f: {  	s29 =	simm.s32 $0x0;
	[bflag:$0x0] =	sbarrier.arrive $0xFFFF  }
.LBB2_4:
0x80: {  	s1 =	sadd.s32 s8, s29  }
0x81: {  	s7 =	rddreg [dreg:$0x1];
	s1 =	sshll.u32 s1, $0x7  }
0x82: {  	s7 =	sadd.s32 s7, s1  }
0x83: {  	[tilespmem:s3], [sflag:$0x5] =	stream.linear.gather [hbm4b:s7+s3], $0x400, $0x38;
	[tilespmem:$0x1E0C0] =	vst v63  }
0x84: {  	_ =	swait.ge [sflag:s4], $0x400  }
0x85: {  	[sflag:s4] =	ssyncset.done $0x0;
	s19 =	rddreg [dreg:$0x4]  }
0x86: {  	[sflag:s4] =	ssyncadd.s32 $0xFFFFFC00;
	s1 =	sadd.s32 s19, s1  }
0x87: {  	[tilespmem:s10], [sflag:$0x5] =	stream.linear.gather [hbm4b:s1+s3], $0x400, $0x38;
	[tilespmem:$0x1E0C0] =	vst v63  }
0x88: {  	_ =	swait.ge [sflag:s4], $0x400  }
0x89: {  	[sflag:s4] =	ssyncset.done $0x0  }
0x8a: {  	[sflag:s4] =	ssyncadd.s32 $0xFFFFFC00  }
0x8b: {  	[tilespmem:s12], [sflag:$0x1] =	stream.indirect.gather [hbm4b:s5+s11], $0x80, s3, s11, $0xb8;
	[tilespmem:$0x1E0C0] =	vst v63  }
0x8c: {  	_ = 	snop  }
0x8d: {  	[tilespmem:s13], [sflag:$0x3] =	stream.indirect.gather [hbm4b:s6+s11], $0x80, s10, s11, $0xb8;
	[tilespmem:$0x1E0C0] =	vst v63  }
0x8e: {  	_ =	swait.ge [sflag:s14], $0x2000  }
0x8f: {  	[sflag:s14] =	ssyncset.done $0x0  }
0x90: {  	[sflag:s14] =	ssyncadd.s32 $0xFFFFE000  }
0x91: {  	_ =	swait.ge [sflag:s15], $0x2000  }
0x92: {  	[sflag:s15] =	ssyncset.done $0x0  }
0x93: {  	[sflag:s15] =	ssyncadd.s32 $0xFFFFE000  }
0x94: {  	[tilespmem:s17], [sflag:$0x2] =	stream.indirect.gather [hbm4b:s5+s11], $0x80, s16, s11, $0xb8;
	[tilespmem:$0x1E0C0] =	vst v63  }
0x95: {  	s26 =	simm.s32 $0x480;
	s7 =	simm.s32 $0x4840  }
0x96: {  	[tilespmem:s20], [sflag:$0x4] =	stream.indirect.gather [hbm4b:s6+s11], $0x80, s26, s11, $0xb8;
	[tilespmem:$0x1E0C0] =	vst v63  }
0x97: {  	s19 =	simm.s32 $0x840;
	v8 =	vld [tilespmem:s7+$0xFFFFFFD0]  }
0x98: {  	v2 =	vld [tilespmem:s19+$0x0]  }
0x99: {  	v3 =	vld [tilespmem:s19+$0x30]  }
0x9a: {  	v1 =	vld [tilespmem:s19+$0xFFFFFFD0]  }
0x9b: {  	v9 =	vld [tilespmem:s7+$0x30]  }
0x9c: {  	v4 =	vld [tilespmem:s19+$0xFFFFFFF0]  }
0x9d: {  	v5 =	vld [tilespmem:s19+$0x20]  }
0x9e: {  	v7 =	vld [tilespmem:s7+$0x0]  }
0x9f: {  	v12 =	vld [tilespmem:s7+$0x20];
	v6 =	vshll.u32 v8, $0x10  }
0xa0: {  	v15 =	vld [tilespmem:s7+$0xFFFFFFC0];
	v10 =	vshll.u32 v9, $0x10;
	v6 =	vadd.f32 v6, v1  }
0xa1: {  	v1 =	vld [tilespmem:s7+$0x10];
	v3 =	vadd.f32 v10, v3  }
0xa2: {  	v10 =	vld [tilespmem:s19+$0xFFFFFFC0];
	v6 =	vsub.f32 $0.0e+00, v6  }
0xa3: {  	v11 =	vld [tilespmem:s19+$0x10];
	v13 =	vshll.u32 v7, $0x10;
	v14 =	vsub.f32 $0.0e+00, v3  }
0xa4: {  	v16 =	vld [tilespmem:s7+$0xFFFFFFE0];
	v2 =	vadd.f32 v13, v2;
	v6 =	vmul.f32 $1.442695020e+00, v6  }
0xa5: {  	s31 =	simm.s32 $0x8C0;
	v3 =	vld [tilespmem:s7+$0xFFFFFFF0];
	v13 =	vmul.f32 $1.442695020e+00, v14  }
0xa6: {  	v19 =	vld [tilespmem:s31+$0x20];
	v17 =	vshll.u32 v15, $0x10;
	v18 =	vsub.f32 $0.0e+00, v2;
	(erf) = vpow2.f32 v6  }
0xa7: {  	s26 =	simm.s32 $0x48C0;
	v14 =	vld [tilespmem:s19+$0xFFFFFFE0];
	v10 =	vadd.f32 v17, v10;
	v6 =	vshll.u32 v1, $0x10;
	(erf) = vpow2.f32 v13  }
0xa8: {  	v2 =	vld [tilespmem:s26+$0xFFFFFFD0];
	v6 =	vadd.f32 v6, v11;
	v11 =	vmul.f32 $1.442695020e+00, v18  }
0xa9: {  	v20 =	vld [tilespmem:s31+$0xFFFFFFD0];
	v13 =	vshll.u32 v12, $0x10;
	v10 =	vsub.f32 $0.0e+00, v10  }
0xaa: {  	v17 =	vld [tilespmem:s31+$0x0];
	v5 =	vadd.f32 v13, v5;
	v13 =	vshll.u32 v3, $0x10;
	(erf) = vpow2.f32 v11  }
0xab: {  	v18 =	vld [tilespmem:s31+$0x30];
	v6 =	vsub.f32 $0.0e+00, v6;
	v11 =	vshll.u32 v16, $0x10;
	v4 =	vadd.f32 v13, v4  }
0xac: {  	v10 =	vmul.f32 $1.442695020e+00, v10;
	v11 =	vadd.f32 v11, v14;
	v13 =	vsub.f32 $0.0e+00, v5;
	v5 =	vld [tilespmem:s26+$0x30]  }
0xad: {  	v23 =	vshll.u32 v2, $0x10;
	v6 =	vmul.f32 $1.442695020e+00, v6;
	v14 =	vsub.f32 $0.0e+00, v4;
	v4 =	vld [tilespmem:s26+$0x20]  }
0xae: {  	(erf) = vpow2.f32 v10;
	v10 =	vmul.f32 $1.442695020e+00, v13;
	v13 =	vsub.f32 $0.0e+00, v11;
	v11 =	vld [tilespmem:s26+$0xFFFFFFF0]  }
0xaf: {  	v20 =	vadd.f32 v23, v20;
	(erf) = vpow2.f32 v6;
	v6 =	vld [tilespmem:s26+$0xFFFFFFE0];
	v14 =	vmul.f32 $1.442695020e+00, v14;
	v21 =	vpop (erf)  }
0xb0: {  	v22 =	vmul.f32 $1.442695020e+00, v13;
	v13 =	vld [tilespmem:s26+$0x0];
	v24 =	vpop (erf);
	(erf) = vpow2.f32 v10  }
0xb1: {  	v20 =	vsub.f32 $0.0e+00, v20;
	v10 =	vld [tilespmem:s26+$0xFFFFFFC0];
	(erf) = vpow2.f32 v14  }
0xb2: {  	v23 =	vshll.u32 v5, $0x10;
	v21 =	vadd.f32 $1.000000000e+00, v21;
	v14 =	vld [tilespmem:s26+$0x10];
	(erf) = vpow2.f32 v22  }
0xb3: {  	v25 =	vld [tilespmem:s31+$0x10];
	v32 =	vmul.f32 $1.442695020e+00, v20;
	v18 =	vadd.f32 v23, v18;
	v28 =	vadd.f32 $1.000000000e+00, v24;
	v26 =	vpop (erf)  }
0xb4: {  	v27 =	vld [tilespmem:s31+$0xFFFFFFF0];
	v22 =	vshll.u32 v4, $0x10;
	v23 =	vadd.f32 $1.000000000e+00, v26;
	(erf) = vrcp.f32 v21  }
0xb5: {  	v24 =	vshll.u32 v6, $0x10;
	v18 =	vsub.f32 $0.0e+00, v18;
	v19 =	vadd.f32 v22, v19;
	v21 =	vld [tilespmem:s31+$0xFFFFFFE0]  }
0xb6: {  	v31 =	vld [tilespmem:s31+$0xFFFFFFC0];
	v26 =	vshll.u32 v11, $0x10;
	v22 =	vshll.u32 v13, $0x10;
	(erf) = vrcp.f32 v23  }
0xb7: {  	v29 =	vpop (erf);
	v17 =	vadd.f32 v22, v17;
	v30 =	vshll.u32 v10, $0x10;
	v20 =	vshll.u32 v14, $0x10  }
0xb8: {  	v29 =	vadd.f32 $1.000000000e+00, v29;
	v23 =	vpop (erf);
	v20 =	vadd.f32 v20, v25;
	v25 =	vmul.f32 $1.442695020e+00, v18  }
0xb9: {  	v19 =	vsub.f32 $0.0e+00, v19;
	v17 =	vsub.f32 $0.0e+00, v17;
	v33 =	vpop (erf);
	(erf) = vpow2.f32 v32  }
0xba: {  	v18 =	vadd.f32 $1.000000000e+00, v23;
	v22 =	vadd.f32 v24, v21;
	(erf) = vpow2.f32 v25;
	v23 =	vpop (erf)  }
0xbb: {  	v24 =	vadd.f32 v26, v27;
	v21 =	vmul.f32 $1.442695020e+00, v17;
	v25 =	vadd.f32 v30, v31;
	v26 =	vpop (erf)  }
0xbc: {  	s1 =	simm.s32 $0x8840;
	v17 =	vmul.f32 $1.442695020e+00, v19;
	(erf) = vrcp.f32 v29;
	v26 =	vadd.f32 $1.000000000e+00, v26  }
0xbd: {  	s7 =	simm.s32 $0x4940;
	s19 =	simm.s32 $0x8840;
	s26 =	simm.s32 $0x8;
	v27 =	vadd.f32 $1.000000000e+00, v33;
	v25 =	vsub.f32 $0.0e+00, v25;
	v19 =	vpop (erf);
	(erf) = vrcp.f32 v28  }
.LBB2_5:
0xbe: {  	v28 =	vld [tilespmem:s7+$0xFFFFFFD0];
	s26 =	sadd.s32 $0x8, s26;
	v24 =	vsub.f32 $0.0e+00, v24;
	v20 =	vsub.f32 $0.0e+00, v20;
	s31 =	sadd.s32 $0x80, s31;
	s19 =	sadd.s32 $0x80, s19;
	(erf) = vrcp.f32 v26;
	v26 =	vmovc v1;
	v1 =	vmovc v14  }
0xbf: {  	v33 =	vsub.f32 $0.0e+00, v22;
	v22 =	vand.u32 $0xFFFF0000, v3;
	v29 =	vld [tilespmem:s31+$0x0];
	p1 =	slt.u32 s26, $0x1F8;
	v30 =	vpop (erf);
	(erf) = vrcp.f32 v27  }
0xc0: {  	v23 =	vadd.f32 $1.000000000e+00, v23;
	v3 =	vmovc v11;
	v25 =	vmul.f32 $1.442695020e+00, v25;
	v27 =	vld [tilespmem:s31+$0x30];
	v20 =	vmul.f32 $1.442695020e+00, v20  }
0xc1: {  	v11 =	vand.u32 $0xFFFF0000, v7;
	v7 =	vmovc v13;
	v32 =	vmul.f32 $1.442695020e+00, v33;
	v31 =	vld [tilespmem:s31+$0xFFFFFFF0];
	(erf) = vrcp.f32 v18  }
0xc2: {  	v33 =	vand.u32 $0xFFFF0000, v8;
	v11 =	vmul.f32 v11, v30;
	v18 =	vld [tilespmem:s31+$0x20];
	v14 =	vpop (erf);
	(erf) = vpow2.f32 v21  }
0xc3: {  	v19 =	vmul.f32 v33, v19;
	v13 =	vshll.u32 v28, $0x10;
	v21 =	vld [tilespmem:s31+$0xFFFFFFD0];
	v30 =	vpop (erf);
	(erf) = vrcp.f32 v23  }
0xc4: {  	v16 =	vand.u32 $0xFFFF0000, v16;
	v12 =	vand.u32 $0xFFFF0000, v12;
	v8 =	vmovc v2;
	v2 =	vmovc v28;
	v23 =	vld [tilespmem:s7+$0x30];
	(erf) = vpow2.f32 v25;
	[tilespmem:s1+$0x0] =	vst v11  }
0xc5: {  	v9 =	vand.u32 $0xFFFF0000, v9;
	v11 =	vand.u32 $0xFFFF0000, v15;
	v25 =	vld [tilespmem:s7+$0x20];
	(erf) = vpow2.f32 v20;
	[tilespmem:s1+$0xFFFFFFD0] =	vst v19;
	v15 =	vpop (erf)  }
0xc6: {  	v28 =	vadd.f32 $1.000000000e+00, v30;
	v19 =	vld [tilespmem:s7+$0xFFFFFFE0];
	(erf) = vpow2.f32 v17;
	v15 =	vmul.f32 v11, v15;
	v17 =	vpop (erf)  }
0xc7: {  	v20 =	vmul.f32 $1.442695020e+00, v24;
	v24 =	vand.u32 $0xFFFF0000, v26;
	v11 =	vld [tilespmem:s7+$0xFFFFFFF0];
	v33 =	vmul.f32 v9, v17;
	v17 =	vpop (erf)  }
0xc8: {  	v26 =	vadd.f32 $1.000000000e+00, v14;
	v21 =	vadd.f32 v13, v21;
	v13 =	vld [tilespmem:s7+$0x0];
	[tilespmem:s1+$0xFFFFFFC0] =	vst v15;
	v34 =	vmul.f32 v16, v17;
	v14 =	vpop (erf)  }
0xc9: {  	v9 =	vmovc v5;
	v30 =	vld [tilespmem:s7+$0xFFFFFFC0];
	v16 =	vshll.u32 v23, $0x10;
	(erf) = vpow2.f32 v20;
	v12 =	vmul.f32 v12, v14;
	[tilespmem:s1+$0x30] =	vst v33;
	v5 =	vmovc v23  }
0xca: {  	v17 =	vsub.f32 $0.0e+00, v21;
	v14 =	vld [tilespmem:s7+$0x10];
	v20 =	vshll.u32 v25, $0x10;
	(erf) = vpow2.f32 v32;
	[tilespmem:s1+$0xFFFFFFE0] =	vst v34;
	v15 =	vpop (erf)  }
0xcb: {  	v16 =	vadd.f32 v16, v27;
	v21 =	vshll.u32 v19, $0x10;
	v23 =	vld [tilespmem:s31+$0x10];
	v27 =	vpop (erf);
	v15 =	vmul.f32 v24, v15;
	[tilespmem:s1+$0x20] =	vst v12  }
0xcc: {  	v24 =	vadd.f32 v20, v18;
	v34 =	vadd.f32 $1.000000000e+00, v27;
	(erf) = vrcp.f32 v26;
	v18 =	vpop (erf)  }
0xcd: {  	v27 =	vshll.u32 v11, $0x10;
	v26 =	vld [tilespmem:s31+$0xFFFFFFE0];
	v20 =	vshll.u32 v13, $0x10;
	v32 =	vpop (erf);
	v18 =	vmul.f32 v22, v18;
	[tilespmem:s1+$0x10] =	vst v15  }
0xce: {  	v35 =	vsub.f32 $0.0e+00, v16;
	v15 =	vshll.u32 v30, $0x10;
	v33 =	vld [tilespmem:s31+$0xFFFFFFC0];
	(erf) = vrcp.f32 v34;
	v12 =	vpop (erf)  }
0xcf: {  	v17 =	vmul.f32 $1.442695020e+00, v17;
	v22 =	vadd.f32 v20, v29;
	v20 =	vshll.u32 v14, $0x10;
	v29 =	vpop (erf);
	[tilespmem:s1+$0xFFFFFFF0] =	vst v18;
	s1 =	smov.u32 s19  }
0xd0: {  	v34 =	vmul.f32 $1.442695020e+00, v35;
	v18 =	vadd.f32 $1.000000000e+00, v12;
	v12 =	vmovc v4;
	v4 =	vmovc v25;
	v20 =	vadd.f32 v20, v23  }
.Ltmp1:
0xd1: {  	v32 =	vadd.f32 $1.000000000e+00, v32;
	v16 =	vmovc v6;
	v6 =	vmovc v19;
	v25 =	vsub.f32 $0.0e+00, v22;
	(erf) = vpow2.f32 v17;
	(pc) =	sbr.rel @p1 .LBB2_5-.Ltmp1, $4  }
0xd2: {  	v17 =	vsub.f32 $0.0e+00, v24;
	v22 =	vadd.f32 v21, v26;
	(erf) = vpow2.f32 v34;
	v23 =	vpop (erf)  }
0xd3: {  	v24 =	vadd.f32 v27, v31;
	v21 =	vmul.f32 $1.442695020e+00, v25;
	v33 =	vadd.f32 v15, v33;
	v15 =	vpop (erf)  }
0xd4: {  	v17 =	vmul.f32 $1.442695020e+00, v17;
	v26 =	vadd.f32 $1.000000000e+00, v15;
	(erf) = vrcp.f32 v32;
	v15 =	vmovc v10;
	v10 =	vmovc v30  }
0xd5: {  	s7 =	sadd.s32 $0x80, s7;
	v27 =	vadd.f32 $1.000000000e+00, v29;
	v25 =	vsub.f32 $0.0e+00, v33;
	v19 =	vpop (erf);
	(erf) = vrcp.f32 v28  }
0xd6: {  	(erf) = vrcp.f32 v26  }
0xd7: {  	v23 =	vadd.f32 $1.000000000e+00, v23;
	(erf) = vrcp.f32 v27  }
0xd8: {  	v20 =	vsub.f32 $0.0e+00, v20;
	(erf) = vrcp.f32 v18;
	v18 =	vmul.f32 $1.442695020e+00, v25  }
0xd9: {  	v22 =	vsub.f32 $0.0e+00, v22;
	(erf) = vpow2.f32 v21  }
0xda: {  	v20 =	vmul.f32 $1.442695020e+00, v20;
	v21 =	vsub.f32 $0.0e+00, v24;
	v24 =	vpop (erf);
	(erf) = vrcp.f32 v23  }
0xdb: {  	v23 =	vpop (erf);
	(erf) = vpow2.f32 v18  }
0xdc: {  	v18 =	vpop (erf);
	(erf) = vpow2.f32 v20;
	v20 =	vmul.f32 $1.442695020e+00, v21  }
0xdd: {  	v21 =	vmul.f32 $1.442695020e+00, v22  }
0xde: {  	v22 =	vpop (erf);
	(erf) = vpow2.f32 v17  }
0xdf: {  	v17 =	vpop (erf);
	(erf) = vpow2.f32 v20  }
0xe0: {  	v20 =	vpop (erf);
	(erf) = vpow2.f32 v21  }
0xe1: {  	v21 =	vpop (erf)  }
0xe2: {  	v25 =	vpop (erf)  }
0xe3: {  	v23 =	vadd.f32 $1.000000000e+00, v23;
	v26 =	vpop (erf)  }
0xe4: {  	v27 =	vpop (erf);
	v26 =	vadd.f32 $1.000000000e+00, v26  }
0xe5: {  	v7 =	vand.u32 $0xFFFF0000, v7;
	(erf) = vrcp.f32 v23;
	v28 =	vpop (erf)  }
0xe6: {  	v7 =	vmul.f32 v7, v24;
	v29 =	vpop (erf);
	(erf) = vrcp.f32 v26  }
0xe7: {  	v8 =	vand.u32 $0xFFFF0000, v8;
	v15 =	vand.u32 $0xFFFF0000, v15;
	v23 =	vpop (erf)  }
0xe8: {  	v16 =	vand.u32 $0xFFFF0000, v16;
	[tilespmem:s1+$0x0] =	vst v7;
	v7 =	vmul.f32 v15, v22;
	v24 =	vadd.f32 $1.000000000e+00, v28;
	v26 =	vpop (erf)  }
0xe9: {  	v9 =	vand.u32 $0xFFFF0000, v9;
	v8 =	vmul.f32 v8, v19;
	v18 =	vadd.f32 $1.000000000e+00, v18;
	v19 =	vpop (erf)  }
0xea: {  	[tilespmem:s1+$0xFFFFFFC0] =	vst v7;
	v7 =	vmul.f32 v16, v20;
	(erf) = vrcp.f32 v24;
	v19 =	vadd.f32 $1.000000000e+00, v19  }
0xeb: {  	[tilespmem:s1+$0xFFFFFFD0] =	vst v8;
	v8 =	vmul.f32 v9, v17;
	v23 =	vadd.f32 $1.000000000e+00, v23;
	(erf) = vrcp.f32 v18  }
0xec: {  	v15 =	vadd.f32 $1.000000000e+00, v29;
	(erf) = vrcp.f32 v19  }
0xed: {  	v1 =	vand.u32 $0xFFFF0000, v1;
	v9 =	vadd.f32 $1.000000000e+00, v26;
	(erf) = vrcp.f32 v23  }
0xee: {  	[tilespmem:s1+$0xFFFFFFE0] =	vst v7;
	v1 =	vmul.f32 v1, v25;
	v7 =	vpop (erf);
	(erf) = vrcp.f32 v15  }
0xef: {  	[tilespmem:s1+$0x30] =	vst v8;
	(erf) = vrcp.f32 v9;
	v8 =	vpop (erf);
	v9 =	vand.u32 $0xFFFF0000, v13  }
0xf0: {  	v3 =	vand.u32 $0xFFFF0000, v3;
	[tilespmem:s1+$0x10] =	vst v1;
	v1 =	vand.u32 $0xFFFF0000, v2;
	v2 =	vmul.f32 v9, v8  }
0xf1: {  	s7 =	sadd.s32 $0x80, s19;
	v3 =	vmul.f32 v3, v27  }
0xf2: {  	[tilespmem:s7+$0x0] =	vst v2;
	v2 =	vand.u32 $0xFFFF0000, v5  }
0xf3: {  	[tilespmem:s1+$0xFFFFFFF0] =	vst v3;
	v3 =	vand.u32 $0xFFFF0000, v10;
	v1 =	vmul.f32 v1, v7;
	v7 =	vpop (erf)  }
0xf4: {  	v12 =	vand.u32 $0xFFFF0000, v12;
	v3 =	vmul.f32 v3, v7;
	v5 =	vpop (erf)  }
0xf5: {  	v6 =	vand.u32 $0xFFFF0000, v6;
	v12 =	vmul.f32 v12, v21;
	[tilespmem:s7+$0xFFFFFFD0] =	vst v1;
	v1 =	vmul.f32 v2, v5;
	v2 =	vpop (erf)  }
0xf6: {  	v2 =	vmul.f32 v6, v2  }
0xf7: {  	[tilespmem:s1+$0x20] =	vst v12  }
0xf8: {  	v4 =	vand.u32 $0xFFFF0000, v4;
	[tilespmem:s7+$0xFFFFFFC0] =	vst v3;
	v3 =	vpop (erf)  }
0xf9: {  	v5 =	vand.u32 $0xFFFF0000, v14;
	[tilespmem:s7+$0x30] =	vst v1;
	v3 =	vmul.f32 v4, v3;
	v1 =	vpop (erf)  }
0xfa: {  	v4 =	vand.u32 $0xFFFF0000, v11;
	[tilespmem:s7+$0xFFFFFFE0] =	vst v2;
	v1 =	vmul.f32 v5, v1;
	v2 =	vpop (erf)  }
0xfb: {  	[tilespmem:s7+$0x20] =	vst v3;
	v2 =	vmul.f32 v4, v2  }
0xfc: {  	[tilespmem:s7+$0x10] =	vst v1  }
0xfd: {  	[tilespmem:s7+$0xFFFFFFF0] =	vst v2  }
0xfe: {  	[spmem:s2] =	stream.indirect.scatter.add.f32 [tilespmem:s21], [sflag:$0x5], $0x80, s3, s11, $0xb8;
	[tilespmem:$0x1E0C0] =	vst v63  }
0xff: {  	_ =	swait.ge [sflag:s4], $0x2000  }
0x100: {  	[sflag:s4] =	ssyncset.done $0x0  }
0x101: {  	[sflag:s4] =	ssyncadd.s32 $0xFFFFE000  }
0x102: {  	_ =	swait.ge [sflag:s22], $0x2000  }
0x103: {  	[sflag:s22] =	ssyncset.done $0x0  }
0x104: {  	[sflag:s22] =	ssyncadd.s32 $0xFFFFE000  }
0x105: {  	_ =	swait.ge [sflag:s23], $0x2000  }
0x106: {  	[sflag:s23] =	ssyncset.done $0x0  }
0x107: {  	[sflag:s23] =	ssyncadd.s32 $0xFFFFE000  }
0x108: {  	[tilespmem:s12], [sflag:$0x1] =	stream.indirect.gather [hbm4b:s5+s11], $0x80, s25, s11, $0xb8;
	[tilespmem:$0x1E0C0] =	vst v63  }
0x109: {  	s26 =	simm.s32 $0x500;
	s7 =	simm.s32 $0x6840  }
0x10a: {  	[tilespmem:s13], [sflag:$0x3] =	stream.indirect.gather [hbm4b:s6+s11], $0x80, s26, s11, $0xb8;
	[tilespmem:$0x1E0C0] =	vst v63  }
0x10b: {  	s19 =	simm.s32 $0x2840;
	v8 =	vld [tilespmem:s7+$0xFFFFFFD0]  }
0x10c: {  	v2 =	vld [tilespmem:s19+$0x0]  }
0x10d: {  	v3 =	vld [tilespmem:s19+$0x30]  }
0x10e: {  	v1 =	vld [tilespmem:s19+$0xFFFFFFD0]  }
0x10f: {  	v9 =	vld [tilespmem:s7+$0x30]  }
0x110: {  	v4 =	vld [tilespmem:s19+$0xFFFFFFF0]  }
0x111: {  	v5 =	vld [tilespmem:s19+$0x20]  }
0x112: {  	v7 =	vld [tilespmem:s7+$0x0]  }
0x113: {  	v12 =	vld [tilespmem:s7+$0x20]  }
0x114: {  	v15 =	vld [tilespmem:s7+$0xFFFFFFC0];
	v6 =	vshll.u32 v8, $0x10  }
0x115: {  	v10 =	vshll.u32 v9, $0x10;
	v6 =	vadd.f32 v6, v1;
	v1 =	vld [tilespmem:s7+$0x10]  }
0x116: {  	v3 =	vadd.f32 v10, v3;
	v10 =	vld [tilespmem:s19+$0xFFFFFFC0]  }
0x117: {  	v11 =	vld [tilespmem:s19+$0x10];
	v13 =	vshll.u32 v7, $0x10;
	v6 =	vsub.f32 $0.0e+00, v6  }
0x118: {  	v16 =	vld [tilespmem:s7+$0xFFFFFFE0];
	v2 =	vadd.f32 v13, v2;
	v14 =	vsub.f32 $0.0e+00, v3  }
0x119: {  	s31 =	simm.s32 $0x28C0;
	v3 =	vld [tilespmem:s7+$0xFFFFFFF0];
	v6 =	vmul.f32 $1.442695020e+00, v6  }
0x11a: {  	v19 =	vld [tilespmem:s31+$0x20];
	v17 =	vshll.u32 v15, $0x10;
	v18 =	vsub.f32 $0.0e+00, v2;
	v13 =	vmul.f32 $1.442695020e+00, v14  }
0x11b: {  	s26 =	simm.s32 $0x68C0;
	v14 =	vld [tilespmem:s19+$0xFFFFFFE0];
	v10 =	vadd.f32 v17, v10;
	(erf) = vpow2.f32 v6;
	v6 =	vshll.u32 v1, $0x10  }
0x11c: {  	v2 =	vld [tilespmem:s26+$0xFFFFFFD0];
	v6 =	vadd.f32 v6, v11;
	v11 =	vmul.f32 $1.442695020e+00, v18  }
0x11d: {  	v20 =	vld [tilespmem:s31+$0xFFFFFFD0];
	(erf) = vpow2.f32 v13;
	v13 =	vshll.u32 v12, $0x10;
	v10 =	vsub.f32 $0.0e+00, v10  }
0x11e: {  	v17 =	vld [tilespmem:s31+$0x0];
	v5 =	vadd.f32 v13, v5;
	v13 =	vshll.u32 v3, $0x10;
	(erf) = vpow2.f32 v11  }
0x11f: {  	v18 =	vld [tilespmem:s31+$0x30];
	v6 =	vsub.f32 $0.0e+00, v6;
	v11 =	vshll.u32 v16, $0x10;
	v4 =	vadd.f32 v13, v4  }
0x120: {  	v10 =	vmul.f32 $1.442695020e+00, v10;
	v11 =	vadd.f32 v11, v14;
	v13 =	vsub.f32 $0.0e+00, v5;
	v5 =	vld [tilespmem:s26+$0x30]  }
0x121: {  	v23 =	vshll.u32 v2, $0x10;
	v6 =	vmul.f32 $1.442695020e+00, v6;
	v14 =	vsub.f32 $0.0e+00, v4;
	v4 =	vld [tilespmem:s26+$0x20]  }
0x122: {  	(erf) = vpow2.f32 v10;
	v10 =	vmul.f32 $1.442695020e+00, v13;
	v13 =	vsub.f32 $0.0e+00, v11;
	v11 =	vld [tilespmem:s26+$0xFFFFFFF0]  }
0x123: {  	v20 =	vadd.f32 v23, v20;
	(erf) = vpow2.f32 v6;
	v6 =	vld [tilespmem:s26+$0xFFFFFFE0];
	v14 =	vmul.f32 $1.442695020e+00, v14  }
0x124: {  	v22 =	vmul.f32 $1.442695020e+00, v13;
	(erf) = vpow2.f32 v10;
	v13 =	vld [tilespmem:s26+$0x0]  }
0x125: {  	v20 =	vsub.f32 $0.0e+00, v20;
	v10 =	vld [tilespmem:s26+$0xFFFFFFC0];
	v21 =	vpop (erf);
	(erf) = vpow2.f32 v14  }
0x126: {  	v23 =	vshll.u32 v5, $0x10;
	v14 =	vld [tilespmem:s26+$0x10];
	v24 =	vpop (erf);
	v21 =	vadd.f32 $1.000000000e+00, v21;
	(erf) = vpow2.f32 v22  }
0x127: {  	v25 =	vld [tilespmem:s31+$0x10];
	v32 =	vmul.f32 $1.442695020e+00, v20;
	v22 =	vshll.u32 v4, $0x10;
	v18 =	vadd.f32 v23, v18;
	v26 =	vpop (erf)  }
0x128: {  	v27 =	vld [tilespmem:s31+$0xFFFFFFF0];
	v28 =	vadd.f32 $1.000000000e+00, v24;
	(erf) = vrcp.f32 v21;
	v23 =	vadd.f32 $1.000000000e+00, v26  }
0x129: {  	v19 =	vadd.f32 v22, v19;
	v24 =	vshll.u32 v6, $0x10;
	v21 =	vld [tilespmem:s31+$0xFFFFFFE0];
	v18 =	vsub.f32 $0.0e+00, v18  }
0x12a: {  	v31 =	vld [tilespmem:s31+$0xFFFFFFC0];
	v26 =	vshll.u32 v11, $0x10;
	v22 =	vshll.u32 v13, $0x10;
	(erf) = vrcp.f32 v23  }
0x12b: {  	v30 =	vshll.u32 v10, $0x10;
	v29 =	vpop (erf);
	v17 =	vadd.f32 v22, v17;
	v20 =	vshll.u32 v14, $0x10  }
0x12c: {  	v19 =	vsub.f32 $0.0e+00, v19;
	v20 =	vadd.f32 v20, v25;
	v25 =	vmul.f32 $1.442695020e+00, v18;
	v23 =	vpop (erf)  }
0x12d: {  	v29 =	vadd.f32 $1.000000000e+00, v29;
	v17 =	vsub.f32 $0.0e+00, v17;
	v33 =	vpop (erf);
	(erf) = vpow2.f32 v32  }
0x12e: {  	v22 =	vadd.f32 v24, v21;
	v18 =	vadd.f32 $1.000000000e+00, v23;
	(erf) = vpow2.f32 v25;
	v23 =	vpop (erf)  }
0x12f: {  	v24 =	vadd.f32 v26, v27;
	v21 =	vmul.f32 $1.442695020e+00, v17;
	v25 =	vadd.f32 v30, v31;
	v26 =	vpop (erf)  }
0x130: {  	s1 =	simm.s32 $0x8840;
	v17 =	vmul.f32 $1.442695020e+00, v19;
	(erf) = vrcp.f32 v29;
	v26 =	vadd.f32 $1.000000000e+00, v26  }
0x131: {  	s7 =	simm.s32 $0x6940;
	s19 =	simm.s32 $0x8840;
	s26 =	simm.s32 $0x8;
	v27 =	vadd.f32 $1.000000000e+00, v33;
	v25 =	vsub.f32 $0.0e+00, v25;
	v19 =	vpop (erf);
	(erf) = vrcp.f32 v28  }
.LBB2_7:
0x132: {  	v28 =	vld [tilespmem:s7+$0xFFFFFFD0];
	s26 =	sadd.s32 $0x8, s26;
	v24 =	vsub.f32 $0.0e+00, v24;
	v20 =	vsub.f32 $0.0e+00, v20;
	s31 =	sadd.s32 $0x80, s31;
	s19 =	sadd.s32 $0x80, s19;
	(erf) = vrcp.f32 v26;
	v26 =	vmovc v1;
	v1 =	vmovc v14  }
0x133: {  	v33 =	vsub.f32 $0.0e+00, v22;
	v22 =	vand.u32 $0xFFFF0000, v3;
	v29 =	vld [tilespmem:s31+$0x0];
	p1 =	slt.u32 s26, $0x1F8;
	v30 =	vpop (erf);
	(erf) = vrcp.f32 v27  }
0x134: {  	v23 =	vadd.f32 $1.000000000e+00, v23;
	v3 =	vmovc v11;
	v25 =	vmul.f32 $1.442695020e+00, v25;
	v27 =	vld [tilespmem:s31+$0x30];
	v20 =	vmul.f32 $1.442695020e+00, v20  }
0x135: {  	v11 =	vand.u32 $0xFFFF0000, v7;
	v7 =	vmovc v13;
	v32 =	vmul.f32 $1.442695020e+00, v33;
	v31 =	vld [tilespmem:s31+$0xFFFFFFF0];
	(erf) = vrcp.f32 v18  }
0x136: {  	v33 =	vand.u32 $0xFFFF0000, v8;
	v11 =	vmul.f32 v11, v30;
	v18 =	vld [tilespmem:s31+$0x20];
	v14 =	vpop (erf);
	(erf) = vpow2.f32 v21  }
0x137: {  	v19 =	vmul.f32 v33, v19;
	v13 =	vshll.u32 v28, $0x10;
	v21 =	vld [tilespmem:s31+$0xFFFFFFD0];
	v30 =	vpop (erf);
	(erf) = vrcp.f32 v23  }
0x138: {  	v16 =	vand.u32 $0xFFFF0000, v16;
	v12 =	vand.u32 $0xFFFF0000, v12;
	v8 =	vmovc v2;
	v2 =	vmovc v28;
	v23 =	vld [tilespmem:s7+$0x30];
	(erf) = vpow2.f32 v25;
	[tilespmem:s1+$0x0] =	vst v11  }
0x139: {  	v9 =	vand.u32 $0xFFFF0000, v9;
	v11 =	vand.u32 $0xFFFF0000, v15;
	v25 =	vld [tilespmem:s7+$0x20];
	(erf) = vpow2.f32 v20;
	[tilespmem:s1+$0xFFFFFFD0] =	vst v19;
	v15 =	vpop (erf)  }
0x13a: {  	v28 =	vadd.f32 $1.000000000e+00, v30;
	v19 =	vld [tilespmem:s7+$0xFFFFFFE0];
	(erf) = vpow2.f32 v17;
	v15 =	vmul.f32 v11, v15;
	v17 =	vpop (erf)  }
0x13b: {  	v20 =	vmul.f32 $1.442695020e+00, v24;
	v24 =	vand.u32 $0xFFFF0000, v26;
	v11 =	vld [tilespmem:s7+$0xFFFFFFF0];
	v33 =	vmul.f32 v9, v17;
	v17 =	vpop (erf)  }
0x13c: {  	v26 =	vadd.f32 $1.000000000e+00, v14;
	v21 =	vadd.f32 v13, v21;
	v13 =	vld [tilespmem:s7+$0x0];
	[tilespmem:s1+$0xFFFFFFC0] =	vst v15;
	v34 =	vmul.f32 v16, v17;
	v14 =	vpop (erf)  }
0x13d: {  	v9 =	vmovc v5;
	v30 =	vld [tilespmem:s7+$0xFFFFFFC0];
	v16 =	vshll.u32 v23, $0x10;
	(erf) = vpow2.f32 v20;
	v12 =	vmul.f32 v12, v14;
	[tilespmem:s1+$0x30] =	vst v33;
	v5 =	vmovc v23  }
0x13e: {  	v17 =	vsub.f32 $0.0e+00, v21;
	v14 =	vld [tilespmem:s7+$0x10];
	v20 =	vshll.u32 v25, $0x10;
	(erf) = vpow2.f32 v32;
	[tilespmem:s1+$0xFFFFFFE0] =	vst v34;
	v15 =	vpop (erf)  }
0x13f: {  	v16 =	vadd.f32 v16, v27;
	v21 =	vshll.u32 v19, $0x10;
	v23 =	vld [tilespmem:s31+$0x10];
	v27 =	vpop (erf);
	v15 =	vmul.f32 v24, v15;
	[tilespmem:s1+$0x20] =	vst v12  }
0x140: {  	v24 =	vadd.f32 v20, v18;
	v34 =	vadd.f32 $1.000000000e+00, v27;
	(erf) = vrcp.f32 v26;
	v18 =	vpop (erf)  }
0x141: {  	v27 =	vshll.u32 v11, $0x10;
	v26 =	vld [tilespmem:s31+$0xFFFFFFE0];
	v20 =	vshll.u32 v13, $0x10;
	v32 =	vpop (erf);
	v18 =	vmul.f32 v22, v18;
	[tilespmem:s1+$0x10] =	vst v15  }
0x142: {  	v35 =	vsub.f32 $0.0e+00, v16;
	v15 =	vshll.u32 v30, $0x10;
	v33 =	vld [tilespmem:s31+$0xFFFFFFC0];
	(erf) = vrcp.f32 v34;
	v12 =	vpop (erf)  }
0x143: {  	v17 =	vmul.f32 $1.442695020e+00, v17;
	v22 =	vadd.f32 v20, v29;
	v20 =	vshll.u32 v14, $0x10;
	v29 =	vpop (erf);
	[tilespmem:s1+$0xFFFFFFF0] =	vst v18;
	s1 =	smov.u32 s19  }
0x144: {  	v34 =	vmul.f32 $1.442695020e+00, v35;
	v18 =	vadd.f32 $1.000000000e+00, v12;
	v12 =	vmovc v4;
	v4 =	vmovc v25;
	v20 =	vadd.f32 v20, v23  }
.Ltmp2:
0x145: {  	v32 =	vadd.f32 $1.000000000e+00, v32;
	v16 =	vmovc v6;
	v6 =	vmovc v19;
	v25 =	vsub.f32 $0.0e+00, v22;
	(erf) = vpow2.f32 v17;
	(pc) =	sbr.rel @p1 .LBB2_7-.Ltmp2, $4  }
0x146: {  	v17 =	vsub.f32 $0.0e+00, v24;
	v22 =	vadd.f32 v21, v26;
	(erf) = vpow2.f32 v34;
	v23 =	vpop (erf)  }
0x147: {  	v24 =	vadd.f32 v27, v31;
	v21 =	vmul.f32 $1.442695020e+00, v25;
	v33 =	vadd.f32 v15, v33;
	v15 =	vpop (erf)  }
0x148: {  	v17 =	vmul.f32 $1.442695020e+00, v17;
	v26 =	vadd.f32 $1.000000000e+00, v15;
	(erf) = vrcp.f32 v32;
	v15 =	vmovc v10;
	v10 =	vmovc v30  }
0x149: {  	s7 =	sadd.s32 $0x80, s7;
	v27 =	vadd.f32 $1.000000000e+00, v29;
	v25 =	vsub.f32 $0.0e+00, v33;
	v19 =	vpop (erf);
	(erf) = vrcp.f32 v28  }
0x14a: {  	(erf) = vrcp.f32 v26  }
0x14b: {  	v23 =	vadd.f32 $1.000000000e+00, v23;
	(erf) = vrcp.f32 v27  }
0x14c: {  	v20 =	vsub.f32 $0.0e+00, v20;
	(erf) = vrcp.f32 v18;
	v18 =	vmul.f32 $1.442695020e+00, v25  }
0x14d: {  	v22 =	vsub.f32 $0.0e+00, v22;
	(erf) = vpow2.f32 v21  }
0x14e: {  	v20 =	vmul.f32 $1.442695020e+00, v20;
	v21 =	vsub.f32 $0.0e+00, v24;
	v24 =	vpop (erf);
	(erf) = vrcp.f32 v23  }
0x14f: {  	v23 =	vpop (erf);
	(erf) = vpow2.f32 v18  }
0x150: {  	v18 =	vpop (erf);
	(erf) = vpow2.f32 v20;
	v20 =	vmul.f32 $1.442695020e+00, v21  }
0x151: {  	v21 =	vmul.f32 $1.442695020e+00, v22  }
0x152: {  	v22 =	vpop (erf);
	(erf) = vpow2.f32 v17  }
0x153: {  	v17 =	vpop (erf);
	(erf) = vpow2.f32 v20  }
0x154: {  	v20 =	vpop (erf);
	(erf) = vpow2.f32 v21  }
0x155: {  	v21 =	vpop (erf)  }
0x156: {  	v25 =	vpop (erf)  }
0x157: {  	v23 =	vadd.f32 $1.000000000e+00, v23;
	v26 =	vpop (erf)  }
0x158: {  	v27 =	vpop (erf);
	v26 =	vadd.f32 $1.000000000e+00, v26  }
0x159: {  	v7 =	vand.u32 $0xFFFF0000, v7;
	(erf) = vrcp.f32 v23;
	v28 =	vpop (erf)  }
0x15a: {  	v7 =	vmul.f32 v7, v24;
	v29 =	vpop (erf);
	(erf) = vrcp.f32 v26  }
0x15b: {  	v8 =	vand.u32 $0xFFFF0000, v8;
	v15 =	vand.u32 $0xFFFF0000, v15;
	v23 =	vpop (erf)  }
0x15c: {  	v16 =	vand.u32 $0xFFFF0000, v16;
	[tilespmem:s1+$0x0] =	vst v7;
	v7 =	vmul.f32 v15, v22;
	v24 =	vadd.f32 $1.000000000e+00, v28;
	v26 =	vpop (erf)  }
0x15d: {  	v9 =	vand.u32 $0xFFFF0000, v9;
	v8 =	vmul.f32 v8, v19;
	v18 =	vadd.f32 $1.000000000e+00, v18;
	v19 =	vpop (erf)  }
0x15e: {  	[tilespmem:s1+$0xFFFFFFC0] =	vst v7;
	v7 =	vmul.f32 v16, v20;
	(erf) = vrcp.f32 v24;
	v19 =	vadd.f32 $1.000000000e+00, v19  }
0x15f: {  	[tilespmem:s1+$0xFFFFFFD0] =	vst v8;
	v8 =	vmul.f32 v9, v17;
	v23 =	vadd.f32 $1.000000000e+00, v23;
	(erf) = vrcp.f32 v18  }
0x160: {  	v15 =	vadd.f32 $1.000000000e+00, v29;
	(erf) = vrcp.f32 v19  }
0x161: {  	v1 =	vand.u32 $0xFFFF0000, v1;
	v9 =	vadd.f32 $1.000000000e+00, v26;
	(erf) = vrcp.f32 v23  }
0x162: {  	[tilespmem:s1+$0xFFFFFFE0] =	vst v7;
	v1 =	vmul.f32 v1, v25;
	v7 =	vpop (erf);
	(erf) = vrcp.f32 v15  }
0x163: {  	[tilespmem:s1+$0x30] =	vst v8;
	(erf) = vrcp.f32 v9;
	v8 =	vpop (erf);
	v9 =	vand.u32 $0xFFFF0000, v13  }
0x164: {  	v3 =	vand.u32 $0xFFFF0000, v3;
	[tilespmem:s1+$0x10] =	vst v1;
	v1 =	vand.u32 $0xFFFF0000, v2;
	v2 =	vmul.f32 v9, v8  }
0x165: {  	s7 =	sadd.s32 $0x80, s19;
	v3 =	vmul.f32 v3, v27  }
0x166: {  	[tilespmem:s7+$0x0] =	vst v2;
	v2 =	vand.u32 $0xFFFF0000, v5  }
0x167: {  	[tilespmem:s1+$0xFFFFFFF0] =	vst v3;
	v3 =	vand.u32 $0xFFFF0000, v10;
	v1 =	vmul.f32 v1, v7;
	v7 =	vpop (erf)  }
0x168: {  	v12 =	vand.u32 $0xFFFF0000, v12;
	v3 =	vmul.f32 v3, v7;
	v5 =	vpop (erf)  }
0x169: {  	v6 =	vand.u32 $0xFFFF0000, v6;
	v12 =	vmul.f32 v12, v21;
	[tilespmem:s7+$0xFFFFFFD0] =	vst v1;
	v1 =	vmul.f32 v2, v5;
	v2 =	vpop (erf)  }
0x16a: {  	v2 =	vmul.f32 v6, v2  }
0x16b: {  	[tilespmem:s1+$0x20] =	vst v12  }
0x16c: {  	v4 =	vand.u32 $0xFFFF0000, v4;
	[tilespmem:s7+$0xFFFFFFC0] =	vst v3;
	v3 =	vpop (erf)  }
0x16d: {  	v5 =	vand.u32 $0xFFFF0000, v14;
	[tilespmem:s7+$0x30] =	vst v1;
	v3 =	vmul.f32 v4, v3;
	v1 =	vpop (erf)  }
0x16e: {  	v4 =	vand.u32 $0xFFFF0000, v11;
	[tilespmem:s7+$0xFFFFFFE0] =	vst v2;
	v1 =	vmul.f32 v5, v1;
	v2 =	vpop (erf)  }
0x16f: {  	[tilespmem:s7+$0x20] =	vst v3;
	v2 =	vmul.f32 v4, v2  }
0x170: {  	[tilespmem:s7+$0x10] =	vst v1  }
0x171: {  	[tilespmem:s7+$0xFFFFFFF0] =	vst v2  }
0x172: {  	[spmem:s2] =	stream.indirect.scatter.add.f32 [tilespmem:s21], [sflag:$0x5], $0x80, s16, s11, $0xb8;
	[tilespmem:$0x1E0C0] =	vst v63  }
0x173: {  	_ =	swait.ge [sflag:s4], $0x2000  }
0x174: {  	[sflag:s4] =	ssyncset.done $0x0  }
0x175: {  	[sflag:s4] =	ssyncadd.s32 $0xFFFFE000  }
0x176: {  	_ =	swait.ge [sflag:s14], $0x2000  }
0x177: {  	[sflag:s14] =	ssyncset.done $0x0  }
0x178: {  	[sflag:s14] =	ssyncadd.s32 $0xFFFFE000  }
0x179: {  	_ =	swait.ge [sflag:s15], $0x2000  }
0x17a: {  	[sflag:s15] =	ssyncset.done $0x0  }
0x17b: {  	[sflag:s15] =	ssyncadd.s32 $0xFFFFE000  }
0x17c: {  	[tilespmem:s17], [sflag:$0x2] =	stream.indirect.gather [hbm4b:s5+s11], $0x80, s28, s11, $0xb8;
	[tilespmem:$0x1E0C0] =	vst v63  }
0x17d: {  	s26 =	simm.s32 $0x580;
	s7 =	simm.s32 $0x4840  }
0x17e: {  	[tilespmem:s20], [sflag:$0x4] =	stream.indirect.gather [hbm4b:s6+s11], $0x80, s26, s11, $0xb8;
	[tilespmem:$0x1E0C0] =	vst v63  }
0x17f: {  	s19 =	simm.s32 $0x840;
	v8 =	vld [tilespmem:s7+$0xFFFFFFD0]  }
0x180: {  	v2 =	vld [tilespmem:s19+$0x0]  }
0x181: {  	v3 =	vld [tilespmem:s19+$0x30]  }
0x182: {  	v1 =	vld [tilespmem:s19+$0xFFFFFFD0]  }
0x183: {  	v9 =	vld [tilespmem:s7+$0x30]  }
0x184: {  	v4 =	vld [tilespmem:s19+$0xFFFFFFF0]  }
0x185: {  	v5 =	vld [tilespmem:s19+$0x20]  }
0x186: {  	v7 =	vld [tilespmem:s7+$0x0]  }
0x187: {  	v12 =	vld [tilespmem:s7+$0x20]  }
0x188: {  	v15 =	vld [tilespmem:s7+$0xFFFFFFC0];
	v6 =	vshll.u32 v8, $0x10  }
0x189: {  	v10 =	vshll.u32 v9, $0x10;
	v6 =	vadd.f32 v6, v1;
	v1 =	vld [tilespmem:s7+$0x10]  }
0x18a: {  	v3 =	vadd.f32 v10, v3;
	v10 =	vld [tilespmem:s19+$0xFFFFFFC0]  }
0x18b: {  	v11 =	vld [tilespmem:s19+$0x10];
	v13 =	vshll.u32 v7, $0x10;
	v6 =	vsub.f32 $0.0e+00, v6  }
0x18c: {  	v16 =	vld [tilespmem:s7+$0xFFFFFFE0];
	v2 =	vadd.f32 v13, v2;
	v14 =	vsub.f32 $0.0e+00, v3  }
0x18d: {  	s31 =	simm.s32 $0x8C0;
	v3 =	vld [tilespmem:s7+$0xFFFFFFF0];
	v6 =	vmul.f32 $1.442695020e+00, v6  }
0x18e: {  	v19 =	vld [tilespmem:s31+$0x20];
	v17 =	vshll.u32 v15, $0x10;
	v18 =	vsub.f32 $0.0e+00, v2;
	v13 =	vmul.f32 $1.442695020e+00, v14  }
0x18f: {  	s26 =	simm.s32 $0x48C0;
	v14 =	vld [tilespmem:s19+$0xFFFFFFE0];
	v10 =	vadd.f32 v17, v10;
	(erf) = vpow2.f32 v6;
	v6 =	vshll.u32 v1, $0x10  }
0x190: {  	v2 =	vld [tilespmem:s26+$0xFFFFFFD0];
	v6 =	vadd.f32 v6, v11;
	v11 =	vmul.f32 $1.442695020e+00, v18  }
0x191: {  	v20 =	vld [tilespmem:s31+$0xFFFFFFD0];
	(erf) = vpow2.f32 v13;
	v13 =	vshll.u32 v12, $0x10;
	v10 =	vsub.f32 $0.0e+00, v10  }
0x192: {  	v17 =	vld [tilespmem:s31+$0x0];
	v5 =	vadd.f32 v13, v5;
	v13 =	vshll.u32 v3, $0x10;
	(erf) = vpow2.f32 v11  }
0x193: {  	v18 =	vld [tilespmem:s31+$0x30];
	v6 =	vsub.f32 $0.0e+00, v6;
	v11 =	vshll.u32 v16, $0x10;
	v4 =	vadd.f32 v13, v4  }
0x194: {  	v10 =	vmul.f32 $1.442695020e+00, v10;
	v11 =	vadd.f32 v11, v14;
	v13 =	vsub.f32 $0.0e+00, v5;
	v5 =	vld [tilespmem:s26+$0x30]  }
0x195: {  	v23 =	vshll.u32 v2, $0x10;
	v6 =	vmul.f32 $1.442695020e+00, v6;
	v14 =	vsub.f32 $0.0e+00, v4;
	v4 =	vld [tilespmem:s26+$0x20]  }
0x196: {  	(erf) = vpow2.f32 v10;
	v10 =	vmul.f32 $1.442695020e+00, v13;
	v13 =	vsub.f32 $0.0e+00, v11;
	v11 =	vld [tilespmem:s26+$0xFFFFFFF0]  }
0x197: {  	v20 =	vadd.f32 v23, v20;
	(erf) = vpow2.f32 v6;
	v6 =	vld [tilespmem:s26+$0xFFFFFFE0];
	v14 =	vmul.f32 $1.442695020e+00, v14  }
0x198: {  	v22 =	vmul.f32 $1.442695020e+00, v13;
	(erf) = vpow2.f32 v10;
	v13 =	vld [tilespmem:s26+$0x0]  }
0x199: {  	v20 =	vsub.f32 $0.0e+00, v20;
	v10 =	vld [tilespmem:s26+$0xFFFFFFC0];
	v21 =	vpop (erf);
	(erf) = vpow2.f32 v14  }
0x19a: {  	v23 =	vshll.u32 v5, $0x10;
	v14 =	vld [tilespmem:s26+$0x10];
	v24 =	vpop (erf);
	v21 =	vadd.f32 $1.000000000e+00, v21;
	(erf) = vpow2.f32 v22  }
0x19b: {  	v25 =	vld [tilespmem:s31+$0x10];
	v32 =	vmul.f32 $1.442695020e+00, v20;
	v22 =	vshll.u32 v4, $0x10;
	v18 =	vadd.f32 v23, v18;
	v26 =	vpop (erf)  }
0x19c: {  	v27 =	vld [tilespmem:s31+$0xFFFFFFF0];
	v28 =	vadd.f32 $1.000000000e+00, v24;
	(erf) = vrcp.f32 v21;
	v23 =	vadd.f32 $1.000000000e+00, v26  }
0x19d: {  	v19 =	vadd.f32 v22, v19;
	v24 =	vshll.u32 v6, $0x10;
	v21 =	vld [tilespmem:s31+$0xFFFFFFE0];
	v18 =	vsub.f32 $0.0e+00, v18  }
0x19e: {  	v31 =	vld [tilespmem:s31+$0xFFFFFFC0];
	v26 =	vshll.u32 v11, $0x10;
	v22 =	vshll.u32 v13, $0x10;
	(erf) = vrcp.f32 v23  }
0x19f: {  	v30 =	vshll.u32 v10, $0x10;
	v29 =	vpop (erf);
	v17 =	vadd.f32 v22, v17;
	v20 =	vshll.u32 v14, $0x10  }
0x1a0: {  	v19 =	vsub.f32 $0.0e+00, v19;
	v20 =	vadd.f32 v20, v25;
	v25 =	vmul.f32 $1.442695020e+00, v18;
	v23 =	vpop (erf)  }
0x1a1: {  	v29 =	vadd.f32 $1.000000000e+00, v29;
	v17 =	vsub.f32 $0.0e+00, v17;
	v33 =	vpop (erf);
	(erf) = vpow2.f32 v32  }
0x1a2: {  	v22 =	vadd.f32 v24, v21;
	v18 =	vadd.f32 $1.000000000e+00, v23;
	(erf) = vpow2.f32 v25;
	v23 =	vpop (erf)  }
0x1a3: {  	v24 =	vadd.f32 v26, v27;
	v21 =	vmul.f32 $1.442695020e+00, v17;
	v25 =	vadd.f32 v30, v31;
	v26 =	vpop (erf)  }
0x1a4: {  	s1 =	simm.s32 $0x8840;
	v17 =	vmul.f32 $1.442695020e+00, v19;
	(erf) = vrcp.f32 v29;
	v26 =	vadd.f32 $1.000000000e+00, v26  }
0x1a5: {  	s7 =	simm.s32 $0x4940;
	s19 =	simm.s32 $0x8840;
	s26 =	simm.s32 $0x8;
	v27 =	vadd.f32 $1.000000000e+00, v33;
	v25 =	vsub.f32 $0.0e+00, v25;
	v19 =	vpop (erf);
	(erf) = vrcp.f32 v28  }
.LBB2_9:
0x1a6: {  	v28 =	vld [tilespmem:s7+$0xFFFFFFD0];
	s26 =	sadd.s32 $0x8, s26;
	v24 =	vsub.f32 $0.0e+00, v24;
	v20 =	vsub.f32 $0.0e+00, v20;
	s31 =	sadd.s32 $0x80, s31;
	s19 =	sadd.s32 $0x80, s19;
	(erf) = vrcp.f32 v26;
	v26 =	vmovc v1;
	v1 =	vmovc v14  }
0x1a7: {  	v33 =	vsub.f32 $0.0e+00, v22;
	v22 =	vand.u32 $0xFFFF0000, v3;
	v29 =	vld [tilespmem:s31+$0x0];
	p1 =	slt.u32 s26, $0x1F8;
	v30 =	vpop (erf);
	(erf) = vrcp.f32 v27  }
0x1a8: {  	v23 =	vadd.f32 $1.000000000e+00, v23;
	v3 =	vmovc v11;
	v25 =	vmul.f32 $1.442695020e+00, v25;
	v27 =	vld [tilespmem:s31+$0x30];
	v20 =	vmul.f32 $1.442695020e+00, v20  }
0x1a9: {  	v11 =	vand.u32 $0xFFFF0000, v7;
	v7 =	vmovc v13;
	v32 =	vmul.f32 $1.442695020e+00, v33;
	v31 =	vld [tilespmem:s31+$0xFFFFFFF0];
	(erf) = vrcp.f32 v18  }
0x1aa: {  	v33 =	vand.u32 $0xFFFF0000, v8;
	v11 =	vmul.f32 v11, v30;
	v18 =	vld [tilespmem:s31+$0x20];
	v14 =	vpop (erf);
	(erf) = vpow2.f32 v21  }
0x1ab: {  	v19 =	vmul.f32 v33, v19;
	v13 =	vshll.u32 v28, $0x10;
	v21 =	vld [tilespmem:s31+$0xFFFFFFD0];
	v30 =	vpop (erf);
	(erf) = vrcp.f32 v23  }
0x1ac: {  	v16 =	vand.u32 $0xFFFF0000, v16;
	v12 =	vand.u32 $0xFFFF0000, v12;
	v8 =	vmovc v2;
	v2 =	vmovc v28;
	v23 =	vld [tilespmem:s7+$0x30];
	(erf) = vpow2.f32 v25;
	[tilespmem:s1+$0x0] =	vst v11  }
0x1ad: {  	v9 =	vand.u32 $0xFFFF0000, v9;
	v11 =	vand.u32 $0xFFFF0000, v15;
	v25 =	vld [tilespmem:s7+$0x20];
	(erf) = vpow2.f32 v20;
	[tilespmem:s1+$0xFFFFFFD0] =	vst v19;
	v15 =	vpop (erf)  }
0x1ae: {  	v28 =	vadd.f32 $1.000000000e+00, v30;
	v19 =	vld [tilespmem:s7+$0xFFFFFFE0];
	(erf) = vpow2.f32 v17;
	v15 =	vmul.f32 v11, v15;
	v17 =	vpop (erf)  }
0x1af: {  	v20 =	vmul.f32 $1.442695020e+00, v24;
	v24 =	vand.u32 $0xFFFF0000, v26;
	v11 =	vld [tilespmem:s7+$0xFFFFFFF0];
	v33 =	vmul.f32 v9, v17;
	v17 =	vpop (erf)  }
0x1b0: {  	v26 =	vadd.f32 $1.000000000e+00, v14;
	v21 =	vadd.f32 v13, v21;
	v13 =	vld [tilespmem:s7+$0x0];
	[tilespmem:s1+$0xFFFFFFC0] =	vst v15;
	v34 =	vmul.f32 v16, v17;
	v14 =	vpop (erf)  }
0x1b1: {  	v9 =	vmovc v5;
	v30 =	vld [tilespmem:s7+$0xFFFFFFC0];
	v16 =	vshll.u32 v23, $0x10;
	(erf) = vpow2.f32 v20;
	v12 =	vmul.f32 v12, v14;
	[tilespmem:s1+$0x30] =	vst v33;
	v5 =	vmovc v23  }
0x1b2: {  	v17 =	vsub.f32 $0.0e+00, v21;
	v14 =	vld [tilespmem:s7+$0x10];
	v20 =	vshll.u32 v25, $0x10;
	(erf) = vpow2.f32 v32;
	[tilespmem:s1+$0xFFFFFFE0] =	vst v34;
	v15 =	vpop (erf)  }
0x1b3: {  	v16 =	vadd.f32 v16, v27;
	v21 =	vshll.u32 v19, $0x10;
	v23 =	vld [tilespmem:s31+$0x10];
	v27 =	vpop (erf);
	v15 =	vmul.f32 v24, v15;
	[tilespmem:s1+$0x20] =	vst v12  }
0x1b4: {  	v24 =	vadd.f32 v20, v18;
	v34 =	vadd.f32 $1.000000000e+00, v27;
	(erf) = vrcp.f32 v26;
	v18 =	vpop (erf)  }
0x1b5: {  	v27 =	vshll.u32 v11, $0x10;
	v26 =	vld [tilespmem:s31+$0xFFFFFFE0];
	v20 =	vshll.u32 v13, $0x10;
	v32 =	vpop (erf);
	v18 =	vmul.f32 v22, v18;
	[tilespmem:s1+$0x10] =	vst v15  }
0x1b6: {  	v35 =	vsub.f32 $0.0e+00, v16;
	v15 =	vshll.u32 v30, $0x10;
	v33 =	vld [tilespmem:s31+$0xFFFFFFC0];
	(erf) = vrcp.f32 v34;
	v12 =	vpop (erf)  }
0x1b7: {  	v17 =	vmul.f32 $1.442695020e+00, v17;
	v22 =	vadd.f32 v20, v29;
	v20 =	vshll.u32 v14, $0x10;
	v29 =	vpop (erf);
	[tilespmem:s1+$0xFFFFFFF0] =	vst v18;
	s1 =	smov.u32 s19  }
0x1b8: {  	v34 =	vmul.f32 $1.442695020e+00, v35;
	v18 =	vadd.f32 $1.000000000e+00, v12;
	v12 =	vmovc v4;
	v4 =	vmovc v25;
	v20 =	vadd.f32 v20, v23  }
.Ltmp3:
0x1b9: {  	v32 =	vadd.f32 $1.000000000e+00, v32;
	v16 =	vmovc v6;
	v6 =	vmovc v19;
	v25 =	vsub.f32 $0.0e+00, v22;
	(erf) = vpow2.f32 v17;
	(pc) =	sbr.rel @p1 .LBB2_9-.Ltmp3, $4  }
0x1ba: {  	v17 =	vsub.f32 $0.0e+00, v24;
	v22 =	vadd.f32 v21, v26;
	(erf) = vpow2.f32 v34;
	v23 =	vpop (erf)  }
0x1bb: {  	v24 =	vadd.f32 v27, v31;
	v21 =	vmul.f32 $1.442695020e+00, v25;
	v33 =	vadd.f32 v15, v33;
	v15 =	vpop (erf)  }
0x1bc: {  	v17 =	vmul.f32 $1.442695020e+00, v17;
	v26 =	vadd.f32 $1.000000000e+00, v15;
	(erf) = vrcp.f32 v32;
	v15 =	vmovc v10;
	v10 =	vmovc v30  }
0x1bd: {  	s7 =	sadd.s32 $0x80, s7;
	v27 =	vadd.f32 $1.000000000e+00, v29;
	v25 =	vsub.f32 $0.0e+00, v33;
	v19 =	vpop (erf);
	(erf) = vrcp.f32 v28  }
0x1be: {  	(erf) = vrcp.f32 v26  }
0x1bf: {  	v23 =	vadd.f32 $1.000000000e+00, v23;
	(erf) = vrcp.f32 v27  }
0x1c0: {  	v20 =	vsub.f32 $0.0e+00, v20;
	(erf) = vrcp.f32 v18;
	v18 =	vmul.f32 $1.442695020e+00, v25  }
0x1c1: {  	v22 =	vsub.f32 $0.0e+00, v22;
	(erf) = vpow2.f32 v21  }
0x1c2: {  	v20 =	vmul.f32 $1.442695020e+00, v20;
	v21 =	vsub.f32 $0.0e+00, v24;
	v24 =	vpop (erf);
	(erf) = vrcp.f32 v23  }
0x1c3: {  	v23 =	vpop (erf);
	(erf) = vpow2.f32 v18  }
0x1c4: {  	v18 =	vpop (erf);
	(erf) = vpow2.f32 v20;
	v20 =	vmul.f32 $1.442695020e+00, v21  }
0x1c5: {  	v21 =	vmul.f32 $1.442695020e+00, v22  }
0x1c6: {  	v22 =	vpop (erf);
	(erf) = vpow2.f32 v17  }
0x1c7: {  	v17 =	vpop (erf);
	(erf) = vpow2.f32 v20  }
0x1c8: {  	v20 =	vpop (erf);
	(erf) = vpow2.f32 v21  }
0x1c9: {  	v21 =	vpop (erf)  }
0x1ca: {  	v25 =	vpop (erf)  }
0x1cb: {  	v23 =	vadd.f32 $1.000000000e+00, v23;
	v26 =	vpop (erf)  }
0x1cc: {  	v27 =	vpop (erf);
	v26 =	vadd.f32 $1.000000000e+00, v26  }
0x1cd: {  	v7 =	vand.u32 $0xFFFF0000, v7;
	(erf) = vrcp.f32 v23;
	v28 =	vpop (erf)  }
0x1ce: {  	v7 =	vmul.f32 v7, v24;
	v29 =	vpop (erf);
	(erf) = vrcp.f32 v26  }
0x1cf: {  	v8 =	vand.u32 $0xFFFF0000, v8;
	v15 =	vand.u32 $0xFFFF0000, v15;
	v23 =	vpop (erf)  }
0x1d0: {  	v16 =	vand.u32 $0xFFFF0000, v16;
	[tilespmem:s1+$0x0] =	vst v7;
	v7 =	vmul.f32 v15, v22;
	v24 =	vadd.f32 $1.000000000e+00, v28;
	v26 =	vpop (erf)  }
0x1d1: {  	v9 =	vand.u32 $0xFFFF0000, v9;
	v8 =	vmul.f32 v8, v19;
	v18 =	vadd.f32 $1.000000000e+00, v18;
	v19 =	vpop (erf)  }
0x1d2: {  	[tilespmem:s1+$0xFFFFFFC0] =	vst v7;
	v7 =	vmul.f32 v16, v20;
	(erf) = vrcp.f32 v24;
	v19 =	vadd.f32 $1.000000000e+00, v19  }
0x1d3: {  	[tilespmem:s1+$0xFFFFFFD0] =	vst v8;
	v8 =	vmul.f32 v9, v17;
	v23 =	vadd.f32 $1.000000000e+00, v23;
	(erf) = vrcp.f32 v18  }
0x1d4: {  	v15 =	vadd.f32 $1.000000000e+00, v29;
	(erf) = vrcp.f32 v19  }
0x1d5: {  	v1 =	vand.u32 $0xFFFF0000, v1;
	v9 =	vadd.f32 $1.000000000e+00, v26;
	(erf) = vrcp.f32 v23  }
0x1d6: {  	[tilespmem:s1+$0xFFFFFFE0] =	vst v7;
	v1 =	vmul.f32 v1, v25;
	v7 =	vpop (erf);
	(erf) = vrcp.f32 v15  }
0x1d7: {  	[tilespmem:s1+$0x30] =	vst v8;
	(erf) = vrcp.f32 v9;
	v8 =	vpop (erf);
	v9 =	vand.u32 $0xFFFF0000, v13  }
0x1d8: {  	v3 =	vand.u32 $0xFFFF0000, v3;
	[tilespmem:s1+$0x10] =	vst v1;
	v1 =	vand.u32 $0xFFFF0000, v2;
	v2 =	vmul.f32 v9, v8  }
0x1d9: {  	s7 =	sadd.s32 $0x80, s19;
	v3 =	vmul.f32 v3, v27  }
0x1da: {  	[tilespmem:s7+$0x0] =	vst v2;
	v2 =	vand.u32 $0xFFFF0000, v5  }
0x1db: {  	[tilespmem:s1+$0xFFFFFFF0] =	vst v3;
	v3 =	vand.u32 $0xFFFF0000, v10;
	v1 =	vmul.f32 v1, v7;
	v7 =	vpop (erf)  }
0x1dc: {  	v12 =	vand.u32 $0xFFFF0000, v12;
	v3 =	vmul.f32 v3, v7;
	v5 =	vpop (erf)  }
0x1dd: {  	v6 =	vand.u32 $0xFFFF0000, v6;
	v12 =	vmul.f32 v12, v21;
	[tilespmem:s7+$0xFFFFFFD0] =	vst v1;
	v1 =	vmul.f32 v2, v5;
	v2 =	vpop (erf)  }
0x1de: {  	v2 =	vmul.f32 v6, v2  }
0x1df: {  	[tilespmem:s1+$0x20] =	vst v12  }
0x1e0: {  	v4 =	vand.u32 $0xFFFF0000, v4;
	[tilespmem:s7+$0xFFFFFFC0] =	vst v3;
	v3 =	vpop (erf)  }
0x1e1: {  	v5 =	vand.u32 $0xFFFF0000, v14;
	[tilespmem:s7+$0x30] =	vst v1;
	v3 =	vmul.f32 v4, v3;
	v1 =	vpop (erf)  }
0x1e2: {  	v4 =	vand.u32 $0xFFFF0000, v11;
	[tilespmem:s7+$0xFFFFFFE0] =	vst v2;
	v1 =	vmul.f32 v5, v1;
	v2 =	vpop (erf)  }
0x1e3: {  	[tilespmem:s7+$0x20] =	vst v3;
	v2 =	vmul.f32 v4, v2  }
0x1e4: {  	[tilespmem:s7+$0x10] =	vst v1  }
0x1e5: {  	[tilespmem:s7+$0xFFFFFFF0] =	vst v2  }
0x1e6: {  	[spmem:s2] =	stream.indirect.scatter.add.f32 [tilespmem:s21], [sflag:$0x5], $0x80, s25, s11, $0xb8;
	[tilespmem:$0x1E0C0] =	vst v63  }
0x1e7: {  	_ =	swait.ge [sflag:s4], $0x2000  }
0x1e8: {  	[sflag:s4] =	ssyncset.done $0x0  }
0x1e9: {  	[sflag:s4] =	ssyncadd.s32 $0xFFFFE000  }
0x1ea: {  	_ =	swait.ge [sflag:s22], $0x2000  }
0x1eb: {  	[sflag:s22] =	ssyncset.done $0x0  }
0x1ec: {  	[sflag:s22] =	ssyncadd.s32 $0xFFFFE000  }
0x1ed: {  	_ =	swait.ge [sflag:s23], $0x2000  }
0x1ee: {  	[sflag:s23] =	ssyncset.done $0x0  }
0x1ef: {  	[sflag:s23] =	ssyncadd.s32 $0xFFFFE000  }
0x1f0: {  	[tilespmem:s12], [sflag:$0x1] =	stream.indirect.gather [hbm4b:s5+s11], $0x80, s30, s11, $0xb8;
	[tilespmem:$0x1E0C0] =	vst v63  }
0x1f1: {  	s26 =	simm.s32 $0x600;
	s7 =	simm.s32 $0x6840  }
0x1f2: {  	[tilespmem:s13], [sflag:$0x3] =	stream.indirect.gather [hbm4b:s6+s11], $0x80, s26, s11, $0xb8;
	[tilespmem:$0x1E0C0] =	vst v63  }
0x1f3: {  	s19 =	simm.s32 $0x2840;
	v8 =	vld [tilespmem:s7+$0xFFFFFFD0]  }
0x1f4: {  	v2 =	vld [tilespmem:s19+$0x0]  }
0x1f5: {  	v3 =	vld [tilespmem:s19+$0x30]  }
0x1f6: {  	v1 =	vld [tilespmem:s19+$0xFFFFFFD0]  }
0x1f7: {  	v9 =	vld [tilespmem:s7+$0x30]  }
0x1f8: {  	v4 =	vld [tilespmem:s19+$0xFFFFFFF0]  }
0x1f9: {  	v5 =	vld [tilespmem:s19+$0x20]  }
0x1fa: {  	v7 =	vld [tilespmem:s7+$0x0]  }
0x1fb: {  	v12 =	vld [tilespmem:s7+$0x20]  }
0x1fc: {  	v15 =	vld [tilespmem:s7+$0xFFFFFFC0];
	v6 =	vshll.u32 v8, $0x10  }
0x1fd: {  	v10 =	vshll.u32 v9, $0x10;
	v6 =	vadd.f32 v6, v1;
	v1 =	vld [tilespmem:s7+$0x10]  }
0x1fe: {  	v3 =	vadd.f32 v10, v3;
	v10 =	vld [tilespmem:s19+$0xFFFFFFC0]  }
0x1ff: {  	v11 =	vld [tilespmem:s19+$0x10];
	v13 =	vshll.u32 v7, $0x10;
	v6 =	vsub.f32 $0.0e+00, v6  }
0x200: {  	v16 =	vld [tilespmem:s7+$0xFFFFFFE0];
	v2 =	vadd.f32 v13, v2;
	v14 =	vsub.f32 $0.0e+00, v3  }
0x201: {  	s31 =	simm.s32 $0x28C0;
	v3 =	vld [tilespmem:s7+$0xFFFFFFF0];
	v6 =	vmul.f32 $1.442695020e+00, v6  }
0x202: {  	v19 =	vld [tilespmem:s31+$0x20];
	v17 =	vshll.u32 v15, $0x10;
	v18 =	vsub.f32 $0.0e+00, v2;
	v13 =	vmul.f32 $1.442695020e+00, v14  }
0x203: {  	s26 =	simm.s32 $0x68C0;
	v14 =	vld [tilespmem:s19+$0xFFFFFFE0];
	v10 =	vadd.f32 v17, v10;
	(erf) = vpow2.f32 v6;
	v6 =	vshll.u32 v1, $0x10  }
0x204: {  	v2 =	vld [tilespmem:s26+$0xFFFFFFD0];
	v6 =	vadd.f32 v6, v11;
	v11 =	vmul.f32 $1.442695020e+00, v18  }
0x205: {  	v20 =	vld [tilespmem:s31+$0xFFFFFFD0];
	(erf) = vpow2.f32 v13;
	v13 =	vshll.u32 v12, $0x10;
	v10 =	vsub.f32 $0.0e+00, v10  }
0x206: {  	v17 =	vld [tilespmem:s31+$0x0];
	v5 =	vadd.f32 v13, v5;
	v13 =	vshll.u32 v3, $0x10;
	(erf) = vpow2.f32 v11  }
0x207: {  	v18 =	vld [tilespmem:s31+$0x30];
	v6 =	vsub.f32 $0.0e+00, v6;
	v11 =	vshll.u32 v16, $0x10;
	v4 =	vadd.f32 v13, v4  }
0x208: {  	v10 =	vmul.f32 $1.442695020e+00, v10;
	v11 =	vadd.f32 v11, v14;
	v13 =	vsub.f32 $0.0e+00, v5;
	v5 =	vld [tilespmem:s26+$0x30]  }
0x209: {  	v23 =	vshll.u32 v2, $0x10;
	v6 =	vmul.f32 $1.442695020e+00, v6;
	v14 =	vsub.f32 $0.0e+00, v4;
	v4 =	vld [tilespmem:s26+$0x20]  }
0x20a: {  	(erf) = vpow2.f32 v10;
	v10 =	vmul.f32 $1.442695020e+00, v13;
	v13 =	vsub.f32 $0.0e+00, v11;
	v11 =	vld [tilespmem:s26+$0xFFFFFFF0]  }
0x20b: {  	v20 =	vadd.f32 v23, v20;
	(erf) = vpow2.f32 v6;
	v6 =	vld [tilespmem:s26+$0xFFFFFFE0];
	v14 =	vmul.f32 $1.442695020e+00, v14  }
0x20c: {  	v22 =	vmul.f32 $1.442695020e+00, v13;
	(erf) = vpow2.f32 v10;
	v13 =	vld [tilespmem:s26+$0x0]  }
0x20d: {  	v20 =	vsub.f32 $0.0e+00, v20;
	v10 =	vld [tilespmem:s26+$0xFFFFFFC0];
	v21 =	vpop (erf);
	(erf) = vpow2.f32 v14  }
0x20e: {  	v23 =	vshll.u32 v5, $0x10;
	v14 =	vld [tilespmem:s26+$0x10];
	v24 =	vpop (erf);
	v21 =	vadd.f32 $1.000000000e+00, v21;
	(erf) = vpow2.f32 v22  }
0x20f: {  	v25 =	vld [tilespmem:s31+$0x10];
	v32 =	vmul.f32 $1.442695020e+00, v20;
	v22 =	vshll.u32 v4, $0x10;
	v18 =	vadd.f32 v23, v18;
	v26 =	vpop (erf)  }
0x210: {  	v27 =	vld [tilespmem:s31+$0xFFFFFFF0];
	v28 =	vadd.f32 $1.000000000e+00, v24;
	(erf) = vrcp.f32 v21;
	v23 =	vadd.f32 $1.000000000e+00, v26  }
0x211: {  	v19 =	vadd.f32 v22, v19;
	v24 =	vshll.u32 v6, $0x10;
	v21 =	vld [tilespmem:s31+$0xFFFFFFE0];
	v18 =	vsub.f32 $0.0e+00, v18  }
0x212: {  	v31 =	vld [tilespmem:s31+$0xFFFFFFC0];
	v26 =	vshll.u32 v11, $0x10;
	v22 =	vshll.u32 v13, $0x10;
	(erf) = vrcp.f32 v23  }
0x213: {  	v30 =	vshll.u32 v10, $0x10;
	v29 =	vpop (erf);
	v17 =	vadd.f32 v22, v17;
	v20 =	vshll.u32 v14, $0x10  }
0x214: {  	v19 =	vsub.f32 $0.0e+00, v19;
	v20 =	vadd.f32 v20, v25;
	v25 =	vmul.f32 $1.442695020e+00, v18;
	v23 =	vpop (erf)  }
0x215: {  	v29 =	vadd.f32 $1.000000000e+00, v29;
	v17 =	vsub.f32 $0.0e+00, v17;
	v33 =	vpop (erf);
	(erf) = vpow2.f32 v32  }
0x216: {  	v22 =	vadd.f32 v24, v21;
	v18 =	vadd.f32 $1.000000000e+00, v23;
	(erf) = vpow2.f32 v25;
	v23 =	vpop (erf)  }
0x217: {  	v24 =	vadd.f32 v26, v27;
	v21 =	vmul.f32 $1.442695020e+00, v17;
	v25 =	vadd.f32 v30, v31;
	v26 =	vpop (erf)  }
0x218: {  	s1 =	simm.s32 $0x8840;
	v17 =	vmul.f32 $1.442695020e+00, v19;
	(erf) = vrcp.f32 v29;
	v26 =	vadd.f32 $1.000000000e+00, v26  }
0x219: {  	s7 =	simm.s32 $0x6940;
	s19 =	simm.s32 $0x8840;
	s26 =	simm.s32 $0x8;
	v27 =	vadd.f32 $1.000000000e+00, v33;
	v25 =	vsub.f32 $0.0e+00, v25;
	v19 =	vpop (erf);
	(erf) = vrcp.f32 v28  }
.LBB2_11:
0x21a: {  	v28 =	vld [tilespmem:s7+$0xFFFFFFD0];
	s26 =	sadd.s32 $0x8, s26;
	v24 =	vsub.f32 $0.0e+00, v24;
	v20 =	vsub.f32 $0.0e+00, v20;
	s31 =	sadd.s32 $0x80, s31;
	s19 =	sadd.s32 $0x80, s19;
	(erf) = vrcp.f32 v26;
	v26 =	vmovc v1;
	v1 =	vmovc v14  }
0x21b: {  	v33 =	vsub.f32 $0.0e+00, v22;
	v22 =	vand.u32 $0xFFFF0000, v3;
	v29 =	vld [tilespmem:s31+$0x0];
	p1 =	slt.u32 s26, $0x1F8;
	v30 =	vpop (erf);
	(erf) = vrcp.f32 v27  }
0x21c: {  	v23 =	vadd.f32 $1.000000000e+00, v23;
	v3 =	vmovc v11;
	v25 =	vmul.f32 $1.442695020e+00, v25;
	v27 =	vld [tilespmem:s31+$0x30];
	v20 =	vmul.f32 $1.442695020e+00, v20  }
0x21d: {  	v11 =	vand.u32 $0xFFFF0000, v7;
	v7 =	vmovc v13;
	v32 =	vmul.f32 $1.442695020e+00, v33;
	v31 =	vld [tilespmem:s31+$0xFFFFFFF0];
	(erf) = vrcp.f32 v18  }
0x21e: {  	v33 =	vand.u32 $0xFFFF0000, v8;
	v11 =	vmul.f32 v11, v30;
	v18 =	vld [tilespmem:s31+$0x20];
	v14 =	vpop (erf);
	(erf) = vpow2.f32 v21  }
0x21f: {  	v19 =	vmul.f32 v33, v19;
	v13 =	vshll.u32 v28, $0x10;
	v21 =	vld [tilespmem:s31+$0xFFFFFFD0];
	v30 =	vpop (erf);
	(erf) = vrcp.f32 v23  }
0x220: {  	v16 =	vand.u32 $0xFFFF0000, v16;
	v12 =	vand.u32 $0xFFFF0000, v12;
	v8 =	vmovc v2;
	v2 =	vmovc v28;
	v23 =	vld [tilespmem:s7+$0x30];
	(erf) = vpow2.f32 v25;
	[tilespmem:s1+$0x0] =	vst v11  }
0x221: {  	v9 =	vand.u32 $0xFFFF0000, v9;
	v11 =	vand.u32 $0xFFFF0000, v15;
	v25 =	vld [tilespmem:s7+$0x20];
	(erf) = vpow2.f32 v20;
	[tilespmem:s1+$0xFFFFFFD0] =	vst v19;
	v15 =	vpop (erf)  }
0x222: {  	v28 =	vadd.f32 $1.000000000e+00, v30;
	v19 =	vld [tilespmem:s7+$0xFFFFFFE0];
	(erf) = vpow2.f32 v17;
	v15 =	vmul.f32 v11, v15;
	v17 =	vpop (erf)  }
0x223: {  	v20 =	vmul.f32 $1.442695020e+00, v24;
	v24 =	vand.u32 $0xFFFF0000, v26;
	v11 =	vld [tilespmem:s7+$0xFFFFFFF0];
	v33 =	vmul.f32 v9, v17;
	v17 =	vpop (erf)  }
0x224: {  	v26 =	vadd.f32 $1.000000000e+00, v14;
	v21 =	vadd.f32 v13, v21;
	v13 =	vld [tilespmem:s7+$0x0];
	[tilespmem:s1+$0xFFFFFFC0] =	vst v15;
	v34 =	vmul.f32 v16, v17;
	v14 =	vpop (erf)  }
0x225: {  	v9 =	vmovc v5;
	v30 =	vld [tilespmem:s7+$0xFFFFFFC0];
	v16 =	vshll.u32 v23, $0x10;
	(erf) = vpow2.f32 v20;
	v12 =	vmul.f32 v12, v14;
	[tilespmem:s1+$0x30] =	vst v33;
	v5 =	vmovc v23  }
0x226: {  	v17 =	vsub.f32 $0.0e+00, v21;
	v14 =	vld [tilespmem:s7+$0x10];
	v20 =	vshll.u32 v25, $0x10;
	(erf) = vpow2.f32 v32;
	[tilespmem:s1+$0xFFFFFFE0] =	vst v34;
	v15 =	vpop (erf)  }
0x227: {  	v16 =	vadd.f32 v16, v27;
	v21 =	vshll.u32 v19, $0x10;
	v23 =	vld [tilespmem:s31+$0x10];
	v27 =	vpop (erf);
	v15 =	vmul.f32 v24, v15;
	[tilespmem:s1+$0x20] =	vst v12  }
0x228: {  	v24 =	vadd.f32 v20, v18;
	v34 =	vadd.f32 $1.000000000e+00, v27;
	(erf) = vrcp.f32 v26;
	v18 =	vpop (erf)  }
0x229: {  	v27 =	vshll.u32 v11, $0x10;
	v26 =	vld [tilespmem:s31+$0xFFFFFFE0];
	v20 =	vshll.u32 v13, $0x10;
	v32 =	vpop (erf);
	v18 =	vmul.f32 v22, v18;
	[tilespmem:s1+$0x10] =	vst v15  }
0x22a: {  	v35 =	vsub.f32 $0.0e+00, v16;
	v15 =	vshll.u32 v30, $0x10;
	v33 =	vld [tilespmem:s31+$0xFFFFFFC0];
	(erf) = vrcp.f32 v34;
	v12 =	vpop (erf)  }
0x22b: {  	v17 =	vmul.f32 $1.442695020e+00, v17;
	v22 =	vadd.f32 v20, v29;
	v20 =	vshll.u32 v14, $0x10;
	v29 =	vpop (erf);
	[tilespmem:s1+$0xFFFFFFF0] =	vst v18;
	s1 =	smov.u32 s19  }
0x22c: {  	v34 =	vmul.f32 $1.442695020e+00, v35;
	v18 =	vadd.f32 $1.000000000e+00, v12;
	v12 =	vmovc v4;
	v4 =	vmovc v25;
	v20 =	vadd.f32 v20, v23  }
.Ltmp4:
0x22d: {  	v32 =	vadd.f32 $1.000000000e+00, v32;
	v16 =	vmovc v6;
	v6 =	vmovc v19;
	v25 =	vsub.f32 $0.0e+00, v22;
	(erf) = vpow2.f32 v17;
	(pc) =	sbr.rel @p1 .LBB2_11-.Ltmp4, $4  }
0x22e: {  	v17 =	vsub.f32 $0.0e+00, v24;
	v22 =	vadd.f32 v21, v26;
	(erf) = vpow2.f32 v34;
	v23 =	vpop (erf)  }
0x22f: {  	v24 =	vadd.f32 v27, v31;
	v21 =	vmul.f32 $1.442695020e+00, v25;
	v33 =	vadd.f32 v15, v33;
	v15 =	vpop (erf)  }
0x230: {  	v17 =	vmul.f32 $1.442695020e+00, v17;
	v26 =	vadd.f32 $1.000000000e+00, v15;
	(erf) = vrcp.f32 v32;
	v15 =	vmovc v10;
	v10 =	vmovc v30  }
0x231: {  	s7 =	sadd.s32 $0x80, s7;
	v27 =	vadd.f32 $1.000000000e+00, v29;
	v25 =	vsub.f32 $0.0e+00, v33;
	v19 =	vpop (erf);
	(erf) = vrcp.f32 v28  }
0x232: {  	(erf) = vrcp.f32 v26  }
0x233: {  	v23 =	vadd.f32 $1.000000000e+00, v23;
	(erf) = vrcp.f32 v27  }
0x234: {  	v20 =	vsub.f32 $0.0e+00, v20;
	(erf) = vrcp.f32 v18;
	v18 =	vmul.f32 $1.442695020e+00, v25  }
0x235: {  	v22 =	vsub.f32 $0.0e+00, v22;
	(erf) = vpow2.f32 v21  }
0x236: {  	v20 =	vmul.f32 $1.442695020e+00, v20;
	v21 =	vsub.f32 $0.0e+00, v24;
	v24 =	vpop (erf);
	(erf) = vrcp.f32 v23  }
0x237: {  	v23 =	vpop (erf);
	(erf) = vpow2.f32 v18  }
0x238: {  	v18 =	vpop (erf);
	(erf) = vpow2.f32 v20;
	v20 =	vmul.f32 $1.442695020e+00, v21  }
0x239: {  	v21 =	vmul.f32 $1.442695020e+00, v22  }
0x23a: {  	v22 =	vpop (erf);
	(erf) = vpow2.f32 v17  }
0x23b: {  	v17 =	vpop (erf);
	(erf) = vpow2.f32 v20  }
0x23c: {  	v20 =	vpop (erf);
	(erf) = vpow2.f32 v21  }
0x23d: {  	v21 =	vpop (erf)  }
0x23e: {  	v25 =	vpop (erf)  }
0x23f: {  	v23 =	vadd.f32 $1.000000000e+00, v23;
	v26 =	vpop (erf)  }
0x240: {  	v27 =	vpop (erf);
	v26 =	vadd.f32 $1.000000000e+00, v26  }
0x241: {  	v7 =	vand.u32 $0xFFFF0000, v7;
	(erf) = vrcp.f32 v23;
	v28 =	vpop (erf)  }
0x242: {  	v7 =	vmul.f32 v7, v24;
	v29 =	vpop (erf);
	(erf) = vrcp.f32 v26  }
0x243: {  	v8 =	vand.u32 $0xFFFF0000, v8;
	v15 =	vand.u32 $0xFFFF0000, v15;
	v23 =	vpop (erf)  }
0x244: {  	v16 =	vand.u32 $0xFFFF0000, v16;
	[tilespmem:s1+$0x0] =	vst v7;
	v7 =	vmul.f32 v15, v22;
	v24 =	vadd.f32 $1.000000000e+00, v28;
	v26 =	vpop (erf)  }
0x245: {  	v9 =	vand.u32 $0xFFFF0000, v9;
	v8 =	vmul.f32 v8, v19;
	v18 =	vadd.f32 $1.000000000e+00, v18;
	v19 =	vpop (erf)  }
0x246: {  	[tilespmem:s1+$0xFFFFFFC0] =	vst v7;
	v7 =	vmul.f32 v16, v20;
	(erf) = vrcp.f32 v24;
	v19 =	vadd.f32 $1.000000000e+00, v19  }
0x247: {  	[tilespmem:s1+$0xFFFFFFD0] =	vst v8;
	v8 =	vmul.f32 v9, v17;
	v23 =	vadd.f32 $1.000000000e+00, v23;
	(erf) = vrcp.f32 v18  }
0x248: {  	v15 =	vadd.f32 $1.000000000e+00, v29;
	(erf) = vrcp.f32 v19  }
0x249: {  	v1 =	vand.u32 $0xFFFF0000, v1;
	v9 =	vadd.f32 $1.000000000e+00, v26;
	(erf) = vrcp.f32 v23  }
0x24a: {  	[tilespmem:s1+$0xFFFFFFE0] =	vst v7;
	v1 =	vmul.f32 v1, v25;
	v7 =	vpop (erf);
	(erf) = vrcp.f32 v15  }
0x24b: {  	[tilespmem:s1+$0x30] =	vst v8;
	(erf) = vrcp.f32 v9;
	v8 =	vpop (erf);
	v9 =	vand.u32 $0xFFFF0000, v13  }
0x24c: {  	v3 =	vand.u32 $0xFFFF0000, v3;
	[tilespmem:s1+$0x10] =	vst v1;
	v1 =	vand.u32 $0xFFFF0000, v2;
	v2 =	vmul.f32 v9, v8  }
0x24d: {  	s7 =	sadd.s32 $0x80, s19;
	v3 =	vmul.f32 v3, v27  }
0x24e: {  	[tilespmem:s7+$0x0] =	vst v2;
	v2 =	vand.u32 $0xFFFF0000, v5  }
0x24f: {  	[tilespmem:s1+$0xFFFFFFF0] =	vst v3;
	v3 =	vand.u32 $0xFFFF0000, v10;
	v1 =	vmul.f32 v1, v7;
	v7 =	vpop (erf)  }
0x250: {  	v12 =	vand.u32 $0xFFFF0000, v12;
	v3 =	vmul.f32 v3, v7;
	v5 =	vpop (erf)  }
0x251: {  	v6 =	vand.u32 $0xFFFF0000, v6;
	v12 =	vmul.f32 v12, v21;
	[tilespmem:s7+$0xFFFFFFD0] =	vst v1;
	v1 =	vmul.f32 v2, v5;
	v2 =	vpop (erf)  }
0x252: {  	v2 =	vmul.f32 v6, v2  }
0x253: {  	[tilespmem:s1+$0x20] =	vst v12  }
0x254: {  	v4 =	vand.u32 $0xFFFF0000, v4;
	[tilespmem:s7+$0xFFFFFFC0] =	vst v3;
	v3 =	vpop (erf)  }
0x255: {  	v5 =	vand.u32 $0xFFFF0000, v14;
	[tilespmem:s7+$0x30] =	vst v1;
	v3 =	vmul.f32 v4, v3;
	v1 =	vpop (erf)  }
0x256: {  	v4 =	vand.u32 $0xFFFF0000, v11;
	[tilespmem:s7+$0xFFFFFFE0] =	vst v2;
	v1 =	vmul.f32 v5, v1;
	v2 =	vpop (erf)  }
0x257: {  	[tilespmem:s7+$0x20] =	vst v3;
	v2 =	vmul.f32 v4, v2  }
0x258: {  	[tilespmem:s7+$0x10] =	vst v1  }
0x259: {  	[tilespmem:s7+$0xFFFFFFF0] =	vst v2  }
0x25a: {  	[spmem:s2] =	stream.indirect.scatter.add.f32 [tilespmem:s21], [sflag:$0x5], $0x80, s28, s11, $0xb8;
	[tilespmem:$0x1E0C0] =	vst v63  }
0x25b: {  	_ =	swait.ge [sflag:s4], $0x2000  }
0x25c: {  	[sflag:s4] =	ssyncset.done $0x0  }
0x25d: {  	[sflag:s4] =	ssyncadd.s32 $0xFFFFE000  }
0x25e: {  	_ =	swait.ge [sflag:s14], $0x2000  }
0x25f: {  	[sflag:s14] =	ssyncset.done $0x0  }
0x260: {  	[sflag:s14] =	ssyncadd.s32 $0xFFFFE000  }
0x261: {  	_ =	swait.ge [sflag:s15], $0x2000  }
0x262: {  	[sflag:s15] =	ssyncset.done $0x0  }
0x263: {  	[sflag:s15] =	ssyncadd.s32 $0xFFFFE000  }
0x264: {  	[tilespmem:s17], [sflag:$0x2] =	stream.indirect.gather [hbm4b:s5+s11], $0x80, s0, s11, $0xb8;
	[tilespmem:$0x1E0C0] =	vst v63  }
0x265: {  	s26 =	simm.s32 $0x680;
	s7 =	simm.s32 $0x4840  }
0x266: {  	[tilespmem:s20], [sflag:$0x4] =	stream.indirect.gather [hbm4b:s6+s11], $0x80, s26, s11, $0xb8;
	[tilespmem:$0x1E0C0] =	vst v63  }
0x267: {  	s19 =	simm.s32 $0x840;
	v8 =	vld [tilespmem:s7+$0xFFFFFFD0]  }
0x268: {  	v2 =	vld [tilespmem:s19+$0x0]  }
0x269: {  	v3 =	vld [tilespmem:s19+$0x30]  }
0x26a: {  	v1 =	vld [tilespmem:s19+$0xFFFFFFD0]  }
0x26b: {  	v9 =	vld [tilespmem:s7+$0x30]  }
0x26c: {  	v4 =	vld [tilespmem:s19+$0xFFFFFFF0]  }
0x26d: {  	v5 =	vld [tilespmem:s19+$0x20]  }
0x26e: {  	v7 =	vld [tilespmem:s7+$0x0]  }
0x26f: {  	v12 =	vld [tilespmem:s7+$0x20]  }
0x270: {  	v15 =	vld [tilespmem:s7+$0xFFFFFFC0];
	v6 =	vshll.u32 v8, $0x10  }
0x271: {  	v10 =	vshll.u32 v9, $0x10;
	v6 =	vadd.f32 v6, v1;
	v1 =	vld [tilespmem:s7+$0x10]  }
0x272: {  	v3 =	vadd.f32 v10, v3;
	v10 =	vld [tilespmem:s19+$0xFFFFFFC0]  }
0x273: {  	v11 =	vld [tilespmem:s19+$0x10];
	v13 =	vshll.u32 v7, $0x10;
	v6 =	vsub.f32 $0.0e+00, v6  }
0x274: {  	v16 =	vld [tilespmem:s7+$0xFFFFFFE0];
	v2 =	vadd.f32 v13, v2;
	v14 =	vsub.f32 $0.0e+00, v3  }
0x275: {  	s31 =	simm.s32 $0x8C0;
	v3 =	vld [tilespmem:s7+$0xFFFFFFF0];
	v6 =	vmul.f32 $1.442695020e+00, v6  }
0x276: {  	v19 =	vld [tilespmem:s31+$0x20];
	v17 =	vshll.u32 v15, $0x10;
	v18 =	vsub.f32 $0.0e+00, v2;
	v13 =	vmul.f32 $1.442695020e+00, v14  }
0x277: {  	s26 =	simm.s32 $0x48C0;
	v14 =	vld [tilespmem:s19+$0xFFFFFFE0];
	v10 =	vadd.f32 v17, v10;
	(erf) = vpow2.f32 v6;
	v6 =	vshll.u32 v1, $0x10  }
0x278: {  	v2 =	vld [tilespmem:s26+$0xFFFFFFD0];
	v6 =	vadd.f32 v6, v11;
	v11 =	vmul.f32 $1.442695020e+00, v18  }
0x279: {  	v20 =	vld [tilespmem:s31+$0xFFFFFFD0];
	(erf) = vpow2.f32 v13;
	v13 =	vshll.u32 v12, $0x10;
	v10 =	vsub.f32 $0.0e+00, v10  }
0x27a: {  	v17 =	vld [tilespmem:s31+$0x0];
	v5 =	vadd.f32 v13, v5;
	v13 =	vshll.u32 v3, $0x10;
	(erf) = vpow2.f32 v11  }
0x27b: {  	v18 =	vld [tilespmem:s31+$0x30];
	v6 =	vsub.f32 $0.0e+00, v6;
	v11 =	vshll.u32 v16, $0x10;
	v4 =	vadd.f32 v13, v4  }
0x27c: {  	v10 =	vmul.f32 $1.442695020e+00, v10;
	v11 =	vadd.f32 v11, v14;
	v13 =	vsub.f32 $0.0e+00, v5;
	v5 =	vld [tilespmem:s26+$0x30]  }
0x27d: {  	v23 =	vshll.u32 v2, $0x10;
	v6 =	vmul.f32 $1.442695020e+00, v6;
	v14 =	vsub.f32 $0.0e+00, v4;
	v4 =	vld [tilespmem:s26+$0x20]  }
0x27e: {  	(erf) = vpow2.f32 v10;
	v10 =	vmul.f32 $1.442695020e+00, v13;
	v13 =	vsub.f32 $0.0e+00, v11;
	v11 =	vld [tilespmem:s26+$0xFFFFFFF0]  }
0x27f: {  	v20 =	vadd.f32 v23, v20;
	(erf) = vpow2.f32 v6;
	v6 =	vld [tilespmem:s26+$0xFFFFFFE0];
	v14 =	vmul.f32 $1.442695020e+00, v14  }
0x280: {  	v22 =	vmul.f32 $1.442695020e+00, v13;
	(erf) = vpow2.f32 v10;
	v13 =	vld [tilespmem:s26+$0x0]  }
0x281: {  	v20 =	vsub.f32 $0.0e+00, v20;
	v10 =	vld [tilespmem:s26+$0xFFFFFFC0];
	v21 =	vpop (erf);
	(erf) = vpow2.f32 v14  }
0x282: {  	v23 =	vshll.u32 v5, $0x10;
	v14 =	vld [tilespmem:s26+$0x10];
	v24 =	vpop (erf);
	v21 =	vadd.f32 $1.000000000e+00, v21;
	(erf) = vpow2.f32 v22  }
0x283: {  	v25 =	vld [tilespmem:s31+$0x10];
	v32 =	vmul.f32 $1.442695020e+00, v20;
	v22 =	vshll.u32 v4, $0x10;
	v18 =	vadd.f32 v23, v18;
	v26 =	vpop (erf)  }
0x284: {  	v27 =	vld [tilespmem:s31+$0xFFFFFFF0];
	v28 =	vadd.f32 $1.000000000e+00, v24;
	(erf) = vrcp.f32 v21;
	v23 =	vadd.f32 $1.000000000e+00, v26  }
0x285: {  	v19 =	vadd.f32 v22, v19;
	v24 =	vshll.u32 v6, $0x10;
	v21 =	vld [tilespmem:s31+$0xFFFFFFE0];
	v18 =	vsub.f32 $0.0e+00, v18  }
0x286: {  	v31 =	vld [tilespmem:s31+$0xFFFFFFC0];
	v26 =	vshll.u32 v11, $0x10;
	v22 =	vshll.u32 v13, $0x10;
	(erf) = vrcp.f32 v23  }
0x287: {  	v30 =	vshll.u32 v10, $0x10;
	v29 =	vpop (erf);
	v17 =	vadd.f32 v22, v17;
	v20 =	vshll.u32 v14, $0x10  }
0x288: {  	v19 =	vsub.f32 $0.0e+00, v19;
	v20 =	vadd.f32 v20, v25;
	v25 =	vmul.f32 $1.442695020e+00, v18;
	v23 =	vpop (erf)  }
0x289: {  	v29 =	vadd.f32 $1.000000000e+00, v29;
	v17 =	vsub.f32 $0.0e+00, v17;
	v33 =	vpop (erf);
	(erf) = vpow2.f32 v32  }
0x28a: {  	v22 =	vadd.f32 v24, v21;
	v18 =	vadd.f32 $1.000000000e+00, v23;
	(erf) = vpow2.f32 v25;
	v23 =	vpop (erf)  }
0x28b: {  	v24 =	vadd.f32 v26, v27;
	v21 =	vmul.f32 $1.442695020e+00, v17;
	v25 =	vadd.f32 v30, v31;
	v26 =	vpop (erf)  }
0x28c: {  	s1 =	simm.s32 $0x8840;
	v17 =	vmul.f32 $1.442695020e+00, v19;
	(erf) = vrcp.f32 v29;
	v26 =	vadd.f32 $1.000000000e+00, v26  }
0x28d: {  	s7 =	simm.s32 $0x4940;
	s19 =	simm.s32 $0x8840;
	s26 =	simm.s32 $0x8;
	v27 =	vadd.f32 $1.000000000e+00, v33;
	v25 =	vsub.f32 $0.0e+00, v25;
	v19 =	vpop (erf);
	(erf) = vrcp.f32 v28  }
.LBB2_13:
0x28e: {  	v28 =	vld [tilespmem:s7+$0xFFFFFFD0];
	s26 =	sadd.s32 $0x8, s26;
	v24 =	vsub.f32 $0.0e+00, v24;
	v20 =	vsub.f32 $0.0e+00, v20;
	s31 =	sadd.s32 $0x80, s31;
	s19 =	sadd.s32 $0x80, s19;
	(erf) = vrcp.f32 v26;
	v26 =	vmovc v1;
	v1 =	vmovc v14  }
0x28f: {  	v33 =	vsub.f32 $0.0e+00, v22;
	v22 =	vand.u32 $0xFFFF0000, v3;
	v29 =	vld [tilespmem:s31+$0x0];
	p1 =	slt.u32 s26, $0x1F8;
	v30 =	vpop (erf);
	(erf) = vrcp.f32 v27  }
0x290: {  	v23 =	vadd.f32 $1.000000000e+00, v23;
	v3 =	vmovc v11;
	v25 =	vmul.f32 $1.442695020e+00, v25;
	v27 =	vld [tilespmem:s31+$0x30];
	v20 =	vmul.f32 $1.442695020e+00, v20  }
0x291: {  	v11 =	vand.u32 $0xFFFF0000, v7;
	v7 =	vmovc v13;
	v32 =	vmul.f32 $1.442695020e+00, v33;
	v31 =	vld [tilespmem:s31+$0xFFFFFFF0];
	(erf) = vrcp.f32 v18  }
0x292: {  	v33 =	vand.u32 $0xFFFF0000, v8;
	v11 =	vmul.f32 v11, v30;
	v18 =	vld [tilespmem:s31+$0x20];
	v14 =	vpop (erf);
	(erf) = vpow2.f32 v21  }
0x293: {  	v19 =	vmul.f32 v33, v19;
	v13 =	vshll.u32 v28, $0x10;
	v21 =	vld [tilespmem:s31+$0xFFFFFFD0];
	v30 =	vpop (erf);
	(erf) = vrcp.f32 v23  }
0x294: {  	v16 =	vand.u32 $0xFFFF0000, v16;
	v12 =	vand.u32 $0xFFFF0000, v12;
	v8 =	vmovc v2;
	v2 =	vmovc v28;
	v23 =	vld [tilespmem:s7+$0x30];
	(erf) = vpow2.f32 v25;
	[tilespmem:s1+$0x0] =	vst v11  }
0x295: {  	v9 =	vand.u32 $0xFFFF0000, v9;
	v11 =	vand.u32 $0xFFFF0000, v15;
	v25 =	vld [tilespmem:s7+$0x20];
	(erf) = vpow2.f32 v20;
	[tilespmem:s1+$0xFFFFFFD0] =	vst v19;
	v15 =	vpop (erf)  }
0x296: {  	v28 =	vadd.f32 $1.000000000e+00, v30;
	v19 =	vld [tilespmem:s7+$0xFFFFFFE0];
	(erf) = vpow2.f32 v17;
	v15 =	vmul.f32 v11, v15;
	v17 =	vpop (erf)  }
0x297: {  	v20 =	vmul.f32 $1.442695020e+00, v24;
	v24 =	vand.u32 $0xFFFF0000, v26;
	v11 =	vld [tilespmem:s7+$0xFFFFFFF0];
	v33 =	vmul.f32 v9, v17;
	v17 =	vpop (erf)  }
0x298: {  	v26 =	vadd.f32 $1.000000000e+00, v14;
	v21 =	vadd.f32 v13, v21;
	v13 =	vld [tilespmem:s7+$0x0];
	[tilespmem:s1+$0xFFFFFFC0] =	vst v15;
	v34 =	vmul.f32 v16, v17;
	v14 =	vpop (erf)  }
0x299: {  	v9 =	vmovc v5;
	v30 =	vld [tilespmem:s7+$0xFFFFFFC0];
	v16 =	vshll.u32 v23, $0x10;
	(erf) = vpow2.f32 v20;
	v12 =	vmul.f32 v12, v14;
	[tilespmem:s1+$0x30] =	vst v33;
	v5 =	vmovc v23  }
0x29a: {  	v17 =	vsub.f32 $0.0e+00, v21;
	v14 =	vld [tilespmem:s7+$0x10];
	v20 =	vshll.u32 v25, $0x10;
	(erf) = vpow2.f32 v32;
	[tilespmem:s1+$0xFFFFFFE0] =	vst v34;
	v15 =	vpop (erf)  }
0x29b: {  	v16 =	vadd.f32 v16, v27;
	v21 =	vshll.u32 v19, $0x10;
	v23 =	vld [tilespmem:s31+$0x10];
	v27 =	vpop (erf);
	v15 =	vmul.f32 v24, v15;
	[tilespmem:s1+$0x20] =	vst v12  }
0x29c: {  	v24 =	vadd.f32 v20, v18;
	v34 =	vadd.f32 $1.000000000e+00, v27;
	(erf) = vrcp.f32 v26;
	v18 =	vpop (erf)  }
0x29d: {  	v27 =	vshll.u32 v11, $0x10;
	v26 =	vld [tilespmem:s31+$0xFFFFFFE0];
	v20 =	vshll.u32 v13, $0x10;
	v32 =	vpop (erf);
	v18 =	vmul.f32 v22, v18;
	[tilespmem:s1+$0x10] =	vst v15  }
0x29e: {  	v35 =	vsub.f32 $0.0e+00, v16;
	v15 =	vshll.u32 v30, $0x10;
	v33 =	vld [tilespmem:s31+$0xFFFFFFC0];
	(erf) = vrcp.f32 v34;
	v12 =	vpop (erf)  }
0x29f: {  	v17 =	vmul.f32 $1.442695020e+00, v17;
	v22 =	vadd.f32 v20, v29;
	v20 =	vshll.u32 v14, $0x10;
	v29 =	vpop (erf);
	[tilespmem:s1+$0xFFFFFFF0] =	vst v18;
	s1 =	smov.u32 s19  }
0x2a0: {  	v34 =	vmul.f32 $1.442695020e+00, v35;
	v18 =	vadd.f32 $1.000000000e+00, v12;
	v12 =	vmovc v4;
	v4 =	vmovc v25;
	v20 =	vadd.f32 v20, v23  }
.Ltmp5:
0x2a1: {  	v32 =	vadd.f32 $1.000000000e+00, v32;
	v16 =	vmovc v6;
	v6 =	vmovc v19;
	v25 =	vsub.f32 $0.0e+00, v22;
	(erf) = vpow2.f32 v17;
	(pc) =	sbr.rel @p1 .LBB2_13-.Ltmp5, $4  }
0x2a2: {  	v17 =	vsub.f32 $0.0e+00, v24;
	v22 =	vadd.f32 v21, v26;
	(erf) = vpow2.f32 v34;
	v23 =	vpop (erf)  }
0x2a3: {  	v24 =	vadd.f32 v27, v31;
	v21 =	vmul.f32 $1.442695020e+00, v25;
	v33 =	vadd.f32 v15, v33;
	v15 =	vpop (erf)  }
0x2a4: {  	v17 =	vmul.f32 $1.442695020e+00, v17;
	v26 =	vadd.f32 $1.000000000e+00, v15;
	(erf) = vrcp.f32 v32;
	v15 =	vmovc v10;
	v10 =	vmovc v30  }
0x2a5: {  	s7 =	sadd.s32 $0x80, s7;
	v27 =	vadd.f32 $1.000000000e+00, v29;
	v25 =	vsub.f32 $0.0e+00, v33;
	v19 =	vpop (erf);
	(erf) = vrcp.f32 v28  }
0x2a6: {  	(erf) = vrcp.f32 v26  }
0x2a7: {  	v23 =	vadd.f32 $1.000000000e+00, v23;
	(erf) = vrcp.f32 v27  }
0x2a8: {  	v20 =	vsub.f32 $0.0e+00, v20;
	(erf) = vrcp.f32 v18;
	v18 =	vmul.f32 $1.442695020e+00, v25  }
0x2a9: {  	v22 =	vsub.f32 $0.0e+00, v22;
	(erf) = vpow2.f32 v21  }
0x2aa: {  	v20 =	vmul.f32 $1.442695020e+00, v20;
	v21 =	vsub.f32 $0.0e+00, v24;
	v24 =	vpop (erf);
	(erf) = vrcp.f32 v23  }
0x2ab: {  	v23 =	vpop (erf);
	(erf) = vpow2.f32 v18  }
0x2ac: {  	v18 =	vpop (erf);
	(erf) = vpow2.f32 v20;
	v20 =	vmul.f32 $1.442695020e+00, v21  }
0x2ad: {  	v21 =	vmul.f32 $1.442695020e+00, v22  }
0x2ae: {  	v22 =	vpop (erf);
	(erf) = vpow2.f32 v17  }
0x2af: {  	v17 =	vpop (erf);
	(erf) = vpow2.f32 v20  }
0x2b0: {  	v20 =	vpop (erf);
	(erf) = vpow2.f32 v21  }
0x2b1: {  	v21 =	vpop (erf)  }
0x2b2: {  	v25 =	vpop (erf)  }
0x2b3: {  	v23 =	vadd.f32 $1.000000000e+00, v23;
	v26 =	vpop (erf)  }
0x2b4: {  	v27 =	vpop (erf);
	v26 =	vadd.f32 $1.000000000e+00, v26  }
0x2b5: {  	v7 =	vand.u32 $0xFFFF0000, v7;
	(erf) = vrcp.f32 v23;
	v28 =	vpop (erf)  }
0x2b6: {  	v7 =	vmul.f32 v7, v24;
	v29 =	vpop (erf);
	(erf) = vrcp.f32 v26  }
0x2b7: {  	v8 =	vand.u32 $0xFFFF0000, v8;
	v15 =	vand.u32 $0xFFFF0000, v15;
	v23 =	vpop (erf)  }
0x2b8: {  	v16 =	vand.u32 $0xFFFF0000, v16;
	[tilespmem:s1+$0x0] =	vst v7;
	v7 =	vmul.f32 v15, v22;
	v24 =	vadd.f32 $1.000000000e+00, v28;
	v26 =	vpop (erf)  }
0x2b9: {  	v9 =	vand.u32 $0xFFFF0000, v9;
	v8 =	vmul.f32 v8, v19;
	v18 =	vadd.f32 $1.000000000e+00, v18;
	v19 =	vpop (erf)  }
0x2ba: {  	[tilespmem:s1+$0xFFFFFFC0] =	vst v7;
	v7 =	vmul.f32 v16, v20;
	(erf) = vrcp.f32 v24;
	v19 =	vadd.f32 $1.000000000e+00, v19  }
0x2bb: {  	[tilespmem:s1+$0xFFFFFFD0] =	vst v8;
	v8 =	vmul.f32 v9, v17;
	v23 =	vadd.f32 $1.000000000e+00, v23;
	(erf) = vrcp.f32 v18  }
0x2bc: {  	v15 =	vadd.f32 $1.000000000e+00, v29;
	(erf) = vrcp.f32 v19  }
0x2bd: {  	v1 =	vand.u32 $0xFFFF0000, v1;
	v9 =	vadd.f32 $1.000000000e+00, v26;
	(erf) = vrcp.f32 v23  }
0x2be: {  	[tilespmem:s1+$0xFFFFFFE0] =	vst v7;
	v1 =	vmul.f32 v1, v25;
	v7 =	vpop (erf);
	(erf) = vrcp.f32 v15  }
0x2bf: {  	[tilespmem:s1+$0x30] =	vst v8;
	(erf) = vrcp.f32 v9;
	v8 =	vpop (erf);
	v9 =	vand.u32 $0xFFFF0000, v13  }
0x2c0: {  	v3 =	vand.u32 $0xFFFF0000, v3;
	[tilespmem:s1+$0x10] =	vst v1;
	v1 =	vand.u32 $0xFFFF0000, v2;
	v2 =	vmul.f32 v9, v8  }
0x2c1: {  	s7 =	sadd.s32 $0x80, s19;
	v3 =	vmul.f32 v3, v27  }
0x2c2: {  	[tilespmem:s7+$0x0] =	vst v2;
	v2 =	vand.u32 $0xFFFF0000, v5  }
0x2c3: {  	[tilespmem:s1+$0xFFFFFFF0] =	vst v3;
	v3 =	vand.u32 $0xFFFF0000, v10;
	v1 =	vmul.f32 v1, v7;
	v7 =	vpop (erf)  }
0x2c4: {  	v12 =	vand.u32 $0xFFFF0000, v12;
	v3 =	vmul.f32 v3, v7;
	v5 =	vpop (erf)  }
0x2c5: {  	v6 =	vand.u32 $0xFFFF0000, v6;
	v12 =	vmul.f32 v12, v21;
	[tilespmem:s7+$0xFFFFFFD0] =	vst v1;
	v1 =	vmul.f32 v2, v5;
	v2 =	vpop (erf)  }
0x2c6: {  	v2 =	vmul.f32 v6, v2  }
0x2c7: {  	[tilespmem:s1+$0x20] =	vst v12  }
0x2c8: {  	v4 =	vand.u32 $0xFFFF0000, v4;
	[tilespmem:s7+$0xFFFFFFC0] =	vst v3;
	v3 =	vpop (erf)  }
0x2c9: {  	v5 =	vand.u32 $0xFFFF0000, v14;
	[tilespmem:s7+$0x30] =	vst v1;
	v3 =	vmul.f32 v4, v3;
	v1 =	vpop (erf)  }
0x2ca: {  	v4 =	vand.u32 $0xFFFF0000, v11;
	[tilespmem:s7+$0xFFFFFFE0] =	vst v2;
	v1 =	vmul.f32 v5, v1;
	v2 =	vpop (erf)  }
0x2cb: {  	[tilespmem:s7+$0x20] =	vst v3;
	v2 =	vmul.f32 v4, v2  }
0x2cc: {  	[tilespmem:s7+$0x10] =	vst v1  }
0x2cd: {  	[tilespmem:s7+$0xFFFFFFF0] =	vst v2  }
0x2ce: {  	[spmem:s2] =	stream.indirect.scatter.add.f32 [tilespmem:s21], [sflag:$0x5], $0x80, s30, s11, $0xb8;
	[tilespmem:$0x1E0C0] =	vst v63  }
0x2cf: {  	_ =	swait.ge [sflag:s4], $0x2000  }
0x2d0: {  	[sflag:s4] =	ssyncset.done $0x0  }
0x2d1: {  	[sflag:s4] =	ssyncadd.s32 $0xFFFFE000  }
0x2d2: {  	_ =	swait.ge [sflag:s22], $0x2000  }
0x2d3: {  	[sflag:s22] =	ssyncset.done $0x0  }
0x2d4: {  	[sflag:s22] =	ssyncadd.s32 $0xFFFFE000  }
0x2d5: {  	_ =	swait.ge [sflag:s23], $0x2000  }
0x2d6: {  	[sflag:s23] =	ssyncset.done $0x0  }
0x2d7: {  	[sflag:s23] =	ssyncadd.s32 $0xFFFFE000  }
0x2d8: {  	[tilespmem:s12], [sflag:$0x1] =	stream.indirect.gather [hbm4b:s5+s11], $0x80, s9, s11, $0xb8;
	[tilespmem:$0x1E0C0] =	vst v63  }
0x2d9: {  	s26 =	simm.s32 $0x700;
	s7 =	simm.s32 $0x6840  }
0x2da: {  	[tilespmem:s13], [sflag:$0x3] =	stream.indirect.gather [hbm4b:s6+s11], $0x80, s26, s11, $0xb8;
	[tilespmem:$0x1E0C0] =	vst v63  }
0x2db: {  	s19 =	simm.s32 $0x2840;
	v8 =	vld [tilespmem:s7+$0xFFFFFFD0]  }
0x2dc: {  	v2 =	vld [tilespmem:s19+$0x0]  }
0x2dd: {  	v3 =	vld [tilespmem:s19+$0x30]  }
0x2de: {  	v1 =	vld [tilespmem:s19+$0xFFFFFFD0]  }
0x2df: {  	v9 =	vld [tilespmem:s7+$0x30]  }
0x2e0: {  	v4 =	vld [tilespmem:s19+$0xFFFFFFF0]  }
0x2e1: {  	v5 =	vld [tilespmem:s19+$0x20]  }
0x2e2: {  	v7 =	vld [tilespmem:s7+$0x0]  }
0x2e3: {  	v12 =	vld [tilespmem:s7+$0x20]  }
0x2e4: {  	v15 =	vld [tilespmem:s7+$0xFFFFFFC0];
	v6 =	vshll.u32 v8, $0x10  }
0x2e5: {  	v10 =	vshll.u32 v9, $0x10;
	v6 =	vadd.f32 v6, v1;
	v1 =	vld [tilespmem:s7+$0x10]  }
0x2e6: {  	v3 =	vadd.f32 v10, v3;
	v10 =	vld [tilespmem:s19+$0xFFFFFFC0]  }
0x2e7: {  	v11 =	vld [tilespmem:s19+$0x10];
	v13 =	vshll.u32 v7, $0x10;
	v6 =	vsub.f32 $0.0e+00, v6  }
0x2e8: {  	v16 =	vld [tilespmem:s7+$0xFFFFFFE0];
	v2 =	vadd.f32 v13, v2;
	v14 =	vsub.f32 $0.0e+00, v3  }
0x2e9: {  	s31 =	simm.s32 $0x28C0;
	v3 =	vld [tilespmem:s7+$0xFFFFFFF0];
	v6 =	vmul.f32 $1.442695020e+00, v6  }
0x2ea: {  	v19 =	vld [tilespmem:s31+$0x20];
	v17 =	vshll.u32 v15, $0x10;
	v18 =	vsub.f32 $0.0e+00, v2;
	v13 =	vmul.f32 $1.442695020e+00, v14  }
0x2eb: {  	s26 =	simm.s32 $0x68C0;
	v14 =	vld [tilespmem:s19+$0xFFFFFFE0];
	v10 =	vadd.f32 v17, v10;
	(erf) = vpow2.f32 v6;
	v6 =	vshll.u32 v1, $0x10  }
0x2ec: {  	v2 =	vld [tilespmem:s26+$0xFFFFFFD0];
	v6 =	vadd.f32 v6, v11;
	v11 =	vmul.f32 $1.442695020e+00, v18  }
0x2ed: {  	v20 =	vld [tilespmem:s31+$0xFFFFFFD0];
	(erf) = vpow2.f32 v13;
	v13 =	vshll.u32 v12, $0x10;
	v10 =	vsub.f32 $0.0e+00, v10  }
0x2ee: {  	v17 =	vld [tilespmem:s31+$0x0];
	v5 =	vadd.f32 v13, v5;
	v13 =	vshll.u32 v3, $0x10;
	(erf) = vpow2.f32 v11  }
0x2ef: {  	v18 =	vld [tilespmem:s31+$0x30];
	v6 =	vsub.f32 $0.0e+00, v6;
	v11 =	vshll.u32 v16, $0x10;
	v4 =	vadd.f32 v13, v4  }
0x2f0: {  	v10 =	vmul.f32 $1.442695020e+00, v10;
	v11 =	vadd.f32 v11, v14;
	v13 =	vsub.f32 $0.0e+00, v5;
	v5 =	vld [tilespmem:s26+$0x30]  }
0x2f1: {  	v23 =	vshll.u32 v2, $0x10;
	v6 =	vmul.f32 $1.442695020e+00, v6;
	v14 =	vsub.f32 $0.0e+00, v4;
	v4 =	vld [tilespmem:s26+$0x20]  }
0x2f2: {  	(erf) = vpow2.f32 v10;
	v10 =	vmul.f32 $1.442695020e+00, v13;
	v13 =	vsub.f32 $0.0e+00, v11;
	v11 =	vld [tilespmem:s26+$0xFFFFFFF0]  }
0x2f3: {  	v20 =	vadd.f32 v23, v20;
	(erf) = vpow2.f32 v6;
	v6 =	vld [tilespmem:s26+$0xFFFFFFE0];
	v14 =	vmul.f32 $1.442695020e+00, v14  }
0x2f4: {  	v22 =	vmul.f32 $1.442695020e+00, v13;
	(erf) = vpow2.f32 v10;
	v13 =	vld [tilespmem:s26+$0x0]  }
0x2f5: {  	v20 =	vsub.f32 $0.0e+00, v20;
	v10 =	vld [tilespmem:s26+$0xFFFFFFC0];
	v21 =	vpop (erf);
	(erf) = vpow2.f32 v14  }
0x2f6: {  	v23 =	vshll.u32 v5, $0x10;
	v14 =	vld [tilespmem:s26+$0x10];
	v24 =	vpop (erf);
	v21 =	vadd.f32 $1.000000000e+00, v21;
	(erf) = vpow2.f32 v22  }
0x2f7: {  	v25 =	vld [tilespmem:s31+$0x10];
	v32 =	vmul.f32 $1.442695020e+00, v20;
	v22 =	vshll.u32 v4, $0x10;
	v18 =	vadd.f32 v23, v18;
	v26 =	vpop (erf)  }
0x2f8: {  	v27 =	vld [tilespmem:s31+$0xFFFFFFF0];
	v28 =	vadd.f32 $1.000000000e+00, v24;
	(erf) = vrcp.f32 v21;
	v23 =	vadd.f32 $1.000000000e+00, v26  }
0x2f9: {  	v19 =	vadd.f32 v22, v19;
	v24 =	vshll.u32 v6, $0x10;
	v21 =	vld [tilespmem:s31+$0xFFFFFFE0];
	v18 =	vsub.f32 $0.0e+00, v18  }
0x2fa: {  	v31 =	vld [tilespmem:s31+$0xFFFFFFC0];
	v26 =	vshll.u32 v11, $0x10;
	v22 =	vshll.u32 v13, $0x10;
	(erf) = vrcp.f32 v23  }
0x2fb: {  	v30 =	vshll.u32 v10, $0x10;
	v29 =	vpop (erf);
	v17 =	vadd.f32 v22, v17;
	v20 =	vshll.u32 v14, $0x10  }
0x2fc: {  	v19 =	vsub.f32 $0.0e+00, v19;
	v20 =	vadd.f32 v20, v25;
	v25 =	vmul.f32 $1.442695020e+00, v18;
	v23 =	vpop (erf)  }
0x2fd: {  	v29 =	vadd.f32 $1.000000000e+00, v29;
	v17 =	vsub.f32 $0.0e+00, v17;
	v33 =	vpop (erf);
	(erf) = vpow2.f32 v32  }
0x2fe: {  	v22 =	vadd.f32 v24, v21;
	v18 =	vadd.f32 $1.000000000e+00, v23;
	(erf) = vpow2.f32 v25;
	v23 =	vpop (erf)  }
0x2ff: {  	v24 =	vadd.f32 v26, v27;
	v21 =	vmul.f32 $1.442695020e+00, v17;
	v25 =	vadd.f32 v30, v31;
	v26 =	vpop (erf)  }
0x300: {  	s1 =	simm.s32 $0x8840;
	v17 =	vmul.f32 $1.442695020e+00, v19;
	(erf) = vrcp.f32 v29;
	v26 =	vadd.f32 $1.000000000e+00, v26  }
0x301: {  	s7 =	simm.s32 $0x6940;
	s19 =	simm.s32 $0x8840;
	s26 =	simm.s32 $0x8;
	v27 =	vadd.f32 $1.000000000e+00, v33;
	v25 =	vsub.f32 $0.0e+00, v25;
	v19 =	vpop (erf);
	(erf) = vrcp.f32 v28  }
.LBB2_15:
0x302: {  	v28 =	vld [tilespmem:s7+$0xFFFFFFD0];
	s26 =	sadd.s32 $0x8, s26;
	v24 =	vsub.f32 $0.0e+00, v24;
	v20 =	vsub.f32 $0.0e+00, v20;
	s31 =	sadd.s32 $0x80, s31;
	s19 =	sadd.s32 $0x80, s19;
	(erf) = vrcp.f32 v26;
	v26 =	vmovc v1;
	v1 =	vmovc v14  }
0x303: {  	v33 =	vsub.f32 $0.0e+00, v22;
	v22 =	vand.u32 $0xFFFF0000, v3;
	v29 =	vld [tilespmem:s31+$0x0];
	p1 =	slt.u32 s26, $0x1F8;
	v30 =	vpop (erf);
	(erf) = vrcp.f32 v27  }
0x304: {  	v23 =	vadd.f32 $1.000000000e+00, v23;
	v3 =	vmovc v11;
	v25 =	vmul.f32 $1.442695020e+00, v25;
	v27 =	vld [tilespmem:s31+$0x30];
	v20 =	vmul.f32 $1.442695020e+00, v20  }
0x305: {  	v11 =	vand.u32 $0xFFFF0000, v7;
	v7 =	vmovc v13;
	v32 =	vmul.f32 $1.442695020e+00, v33;
	v31 =	vld [tilespmem:s31+$0xFFFFFFF0];
	(erf) = vrcp.f32 v18  }
0x306: {  	v33 =	vand.u32 $0xFFFF0000, v8;
	v11 =	vmul.f32 v11, v30;
	v18 =	vld [tilespmem:s31+$0x20];
	v14 =	vpop (erf);
	(erf) = vpow2.f32 v21  }
0x307: {  	v19 =	vmul.f32 v33, v19;
	v13 =	vshll.u32 v28, $0x10;
	v21 =	vld [tilespmem:s31+$0xFFFFFFD0];
	v30 =	vpop (erf);
	(erf) = vrcp.f32 v23  }
0x308: {  	v16 =	vand.u32 $0xFFFF0000, v16;
	v12 =	vand.u32 $0xFFFF0000, v12;
	v8 =	vmovc v2;
	v2 =	vmovc v28;
	v23 =	vld [tilespmem:s7+$0x30];
	(erf) = vpow2.f32 v25;
	[tilespmem:s1+$0x0] =	vst v11  }
0x309: {  	v9 =	vand.u32 $0xFFFF0000, v9;
	v11 =	vand.u32 $0xFFFF0000, v15;
	v25 =	vld [tilespmem:s7+$0x20];
	(erf) = vpow2.f32 v20;
	[tilespmem:s1+$0xFFFFFFD0] =	vst v19;
	v15 =	vpop (erf)  }
0x30a: {  	v28 =	vadd.f32 $1.000000000e+00, v30;
	v19 =	vld [tilespmem:s7+$0xFFFFFFE0];
	(erf) = vpow2.f32 v17;
	v15 =	vmul.f32 v11, v15;
	v17 =	vpop (erf)  }
0x30b: {  	v20 =	vmul.f32 $1.442695020e+00, v24;
	v24 =	vand.u32 $0xFFFF0000, v26;
	v11 =	vld [tilespmem:s7+$0xFFFFFFF0];
	v33 =	vmul.f32 v9, v17;
	v17 =	vpop (erf)  }
0x30c: {  	v26 =	vadd.f32 $1.000000000e+00, v14;
	v21 =	vadd.f32 v13, v21;
	v13 =	vld [tilespmem:s7+$0x0];
	[tilespmem:s1+$0xFFFFFFC0] =	vst v15;
	v34 =	vmul.f32 v16, v17;
	v14 =	vpop (erf)  }
0x30d: {  	v9 =	vmovc v5;
	v30 =	vld [tilespmem:s7+$0xFFFFFFC0];
	v16 =	vshll.u32 v23, $0x10;
	(erf) = vpow2.f32 v20;
	v12 =	vmul.f32 v12, v14;
	[tilespmem:s1+$0x30] =	vst v33;
	v5 =	vmovc v23  }
0x30e: {  	v17 =	vsub.f32 $0.0e+00, v21;
	v14 =	vld [tilespmem:s7+$0x10];
	v20 =	vshll.u32 v25, $0x10;
	(erf) = vpow2.f32 v32;
	[tilespmem:s1+$0xFFFFFFE0] =	vst v34;
	v15 =	vpop (erf)  }
0x30f: {  	v16 =	vadd.f32 v16, v27;
	v21 =	vshll.u32 v19, $0x10;
	v23 =	vld [tilespmem:s31+$0x10];
	v27 =	vpop (erf);
	v15 =	vmul.f32 v24, v15;
	[tilespmem:s1+$0x20] =	vst v12  }
0x310: {  	v24 =	vadd.f32 v20, v18;
	v34 =	vadd.f32 $1.000000000e+00, v27;
	(erf) = vrcp.f32 v26;
	v18 =	vpop (erf)  }
0x311: {  	v27 =	vshll.u32 v11, $0x10;
	v26 =	vld [tilespmem:s31+$0xFFFFFFE0];
	v20 =	vshll.u32 v13, $0x10;
	v32 =	vpop (erf);
	v18 =	vmul.f32 v22, v18;
	[tilespmem:s1+$0x10] =	vst v15  }
0x312: {  	v35 =	vsub.f32 $0.0e+00, v16;
	v15 =	vshll.u32 v30, $0x10;
	v33 =	vld [tilespmem:s31+$0xFFFFFFC0];
	(erf) = vrcp.f32 v34;
	v12 =	vpop (erf)  }
0x313: {  	v17 =	vmul.f32 $1.442695020e+00, v17;
	v22 =	vadd.f32 v20, v29;
	v20 =	vshll.u32 v14, $0x10;
	v29 =	vpop (erf);
	[tilespmem:s1+$0xFFFFFFF0] =	vst v18;
	s1 =	smov.u32 s19  }
0x314: {  	v34 =	vmul.f32 $1.442695020e+00, v35;
	v18 =	vadd.f32 $1.000000000e+00, v12;
	v12 =	vmovc v4;
	v4 =	vmovc v25;
	v20 =	vadd.f32 v20, v23  }
.Ltmp6:
0x315: {  	v32 =	vadd.f32 $1.000000000e+00, v32;
	v16 =	vmovc v6;
	v6 =	vmovc v19;
	v25 =	vsub.f32 $0.0e+00, v22;
	(erf) = vpow2.f32 v17;
	(pc) =	sbr.rel @p1 .LBB2_15-.Ltmp6, $4  }
0x316: {  	v17 =	vsub.f32 $0.0e+00, v24;
	v22 =	vadd.f32 v21, v26;
	(erf) = vpow2.f32 v34;
	v23 =	vpop (erf)  }
0x317: {  	v24 =	vadd.f32 v27, v31;
	v21 =	vmul.f32 $1.442695020e+00, v25;
	v33 =	vadd.f32 v15, v33;
	v15 =	vpop (erf)  }
0x318: {  	v17 =	vmul.f32 $1.442695020e+00, v17;
	v26 =	vadd.f32 $1.000000000e+00, v15;
	(erf) = vrcp.f32 v32;
	v15 =	vmovc v10;
	v10 =	vmovc v30  }
0x319: {  	s7 =	sadd.s32 $0x80, s7;
	v27 =	vadd.f32 $1.000000000e+00, v29;
	v25 =	vsub.f32 $0.0e+00, v33;
	v19 =	vpop (erf);
	(erf) = vrcp.f32 v28  }
0x31a: {  	(erf) = vrcp.f32 v26  }
0x31b: {  	v23 =	vadd.f32 $1.000000000e+00, v23;
	(erf) = vrcp.f32 v27  }
0x31c: {  	v20 =	vsub.f32 $0.0e+00, v20;
	(erf) = vrcp.f32 v18;
	v18 =	vmul.f32 $1.442695020e+00, v25  }
0x31d: {  	v22 =	vsub.f32 $0.0e+00, v22;
	(erf) = vpow2.f32 v21  }
0x31e: {  	v20 =	vmul.f32 $1.442695020e+00, v20;
	v21 =	vsub.f32 $0.0e+00, v24;
	v24 =	vpop (erf);
	(erf) = vrcp.f32 v23  }
0x31f: {  	v23 =	vpop (erf);
	(erf) = vpow2.f32 v18  }
0x320: {  	v18 =	vpop (erf);
	(erf) = vpow2.f32 v20;
	v20 =	vmul.f32 $1.442695020e+00, v21  }
0x321: {  	v21 =	vmul.f32 $1.442695020e+00, v22  }
0x322: {  	v22 =	vpop (erf);
	(erf) = vpow2.f32 v17  }
0x323: {  	v17 =	vpop (erf);
	(erf) = vpow2.f32 v20  }
0x324: {  	v20 =	vpop (erf);
	(erf) = vpow2.f32 v21  }
0x325: {  	v21 =	vpop (erf)  }
0x326: {  	v25 =	vpop (erf)  }
0x327: {  	v23 =	vadd.f32 $1.000000000e+00, v23;
	v26 =	vpop (erf)  }
0x328: {  	v27 =	vpop (erf);
	v26 =	vadd.f32 $1.000000000e+00, v26  }
0x329: {  	v7 =	vand.u32 $0xFFFF0000, v7;
	(erf) = vrcp.f32 v23;
	v28 =	vpop (erf)  }
0x32a: {  	v7 =	vmul.f32 v7, v24;
	v29 =	vpop (erf);
	(erf) = vrcp.f32 v26  }
0x32b: {  	v8 =	vand.u32 $0xFFFF0000, v8;
	v15 =	vand.u32 $0xFFFF0000, v15;
	v23 =	vpop (erf)  }
0x32c: {  	v16 =	vand.u32 $0xFFFF0000, v16;
	[tilespmem:s1+$0x0] =	vst v7;
	v7 =	vmul.f32 v15, v22;
	v24 =	vadd.f32 $1.000000000e+00, v28;
	v26 =	vpop (erf)  }
0x32d: {  	v9 =	vand.u32 $0xFFFF0000, v9;
	v8 =	vmul.f32 v8, v19;
	v18 =	vadd.f32 $1.000000000e+00, v18;
	v19 =	vpop (erf)  }
0x32e: {  	[tilespmem:s1+$0xFFFFFFC0] =	vst v7;
	v7 =	vmul.f32 v16, v20;
	(erf) = vrcp.f32 v24;
	v19 =	vadd.f32 $1.000000000e+00, v19  }
0x32f: {  	[tilespmem:s1+$0xFFFFFFD0] =	vst v8;
	v8 =	vmul.f32 v9, v17;
	v23 =	vadd.f32 $1.000000000e+00, v23;
	(erf) = vrcp.f32 v18  }
0x330: {  	v15 =	vadd.f32 $1.000000000e+00, v29;
	(erf) = vrcp.f32 v19  }
0x331: {  	v1 =	vand.u32 $0xFFFF0000, v1;
	v9 =	vadd.f32 $1.000000000e+00, v26;
	(erf) = vrcp.f32 v23  }
0x332: {  	[tilespmem:s1+$0xFFFFFFE0] =	vst v7;
	v1 =	vmul.f32 v1, v25;
	v7 =	vpop (erf);
	(erf) = vrcp.f32 v15  }
0x333: {  	[tilespmem:s1+$0x30] =	vst v8;
	(erf) = vrcp.f32 v9;
	v8 =	vpop (erf);
	v9 =	vand.u32 $0xFFFF0000, v13  }
0x334: {  	v3 =	vand.u32 $0xFFFF0000, v3;
	[tilespmem:s1+$0x10] =	vst v1;
	v1 =	vand.u32 $0xFFFF0000, v2;
	v2 =	vmul.f32 v9, v8  }
0x335: {  	s7 =	sadd.s32 $0x80, s19;
	v3 =	vmul.f32 v3, v27  }
0x336: {  	[tilespmem:s7+$0x0] =	vst v2;
	v2 =	vand.u32 $0xFFFF0000, v5  }
0x337: {  	[tilespmem:s1+$0xFFFFFFF0] =	vst v3;
	v3 =	vand.u32 $0xFFFF0000, v10;
	v1 =	vmul.f32 v1, v7;
	v7 =	vpop (erf)  }
0x338: {  	v12 =	vand.u32 $0xFFFF0000, v12;
	v3 =	vmul.f32 v3, v7;
	v5 =	vpop (erf)  }
0x339: {  	v6 =	vand.u32 $0xFFFF0000, v6;
	v12 =	vmul.f32 v12, v21;
	[tilespmem:s7+$0xFFFFFFD0] =	vst v1;
	v1 =	vmul.f32 v2, v5;
	v2 =	vpop (erf)  }
0x33a: {  	v2 =	vmul.f32 v6, v2  }
0x33b: {  	[tilespmem:s1+$0x20] =	vst v12  }
0x33c: {  	v4 =	vand.u32 $0xFFFF0000, v4;
	[tilespmem:s7+$0xFFFFFFC0] =	vst v3;
	v3 =	vpop (erf)  }
0x33d: {  	v5 =	vand.u32 $0xFFFF0000, v14;
	[tilespmem:s7+$0x30] =	vst v1;
	v3 =	vmul.f32 v4, v3;
	v1 =	vpop (erf)  }
0x33e: {  	v4 =	vand.u32 $0xFFFF0000, v11;
	[tilespmem:s7+$0xFFFFFFE0] =	vst v2;
	v1 =	vmul.f32 v5, v1;
	v2 =	vpop (erf)  }
0x33f: {  	[tilespmem:s7+$0x20] =	vst v3;
	v2 =	vmul.f32 v4, v2  }
0x340: {  	[tilespmem:s7+$0x10] =	vst v1  }
0x341: {  	[tilespmem:s7+$0xFFFFFFF0] =	vst v2  }
0x342: {  	[spmem:s2] =	stream.indirect.scatter.add.f32 [tilespmem:s21], [sflag:$0x5], $0x80, s0, s11, $0xb8;
	[tilespmem:$0x1E0C0] =	vst v63  }
0x343: {  	_ =	swait.ge [sflag:s4], $0x2000  }
0x344: {  	[sflag:s4] =	ssyncset.done $0x0  }
0x345: {  	[sflag:s4] =	ssyncadd.s32 $0xFFFFE000  }
0x346: {  	_ =	swait.ge [sflag:s14], $0x2000  }
0x347: {  	[sflag:s14] =	ssyncset.done $0x0  }
0x348: {  	[sflag:s14] =	ssyncadd.s32 $0xFFFFE000  }
0x349: {  	_ =	swait.ge [sflag:s15], $0x2000  }
0x34a: {  	[sflag:s15] =	ssyncset.done $0x0  }
0x34b: {  	[sflag:s15] =	ssyncadd.s32 $0xFFFFE000  }
0x34c: {  	[tilespmem:s17], [sflag:$0x2] =	stream.indirect.gather [hbm4b:s5+s11], $0x80, s18, s11, $0xb8;
	[tilespmem:$0x1E0C0] =	vst v63  }
0x34d: {  	s26 =	simm.s32 $0x780;
	s7 =	simm.s32 $0x4840  }
0x34e: {  	[tilespmem:s20], [sflag:$0x4] =	stream.indirect.gather [hbm4b:s6+s11], $0x80, s26, s11, $0xb8;
	[tilespmem:$0x1E0C0] =	vst v63  }
0x34f: {  	s19 =	simm.s32 $0x840;
	v8 =	vld [tilespmem:s7+$0xFFFFFFD0]  }
0x350: {  	v2 =	vld [tilespmem:s19+$0x0]  }
0x351: {  	v3 =	vld [tilespmem:s19+$0x30]  }
0x352: {  	v1 =	vld [tilespmem:s19+$0xFFFFFFD0]  }
0x353: {  	v9 =	vld [tilespmem:s7+$0x30]  }
0x354: {  	v4 =	vld [tilespmem:s19+$0xFFFFFFF0]  }
0x355: {  	v5 =	vld [tilespmem:s19+$0x20]  }
0x356: {  	v7 =	vld [tilespmem:s7+$0x0]  }
0x357: {  	v12 =	vld [tilespmem:s7+$0x20]  }
0x358: {  	v15 =	vld [tilespmem:s7+$0xFFFFFFC0];
	v6 =	vshll.u32 v8, $0x10  }
0x359: {  	v10 =	vshll.u32 v9, $0x10;
	v6 =	vadd.f32 v6, v1;
	v1 =	vld [tilespmem:s7+$0x10]  }
0x35a: {  	v3 =	vadd.f32 v10, v3;
	v10 =	vld [tilespmem:s19+$0xFFFFFFC0]  }
0x35b: {  	v11 =	vld [tilespmem:s19+$0x10];
	v13 =	vshll.u32 v7, $0x10;
	v6 =	vsub.f32 $0.0e+00, v6  }
0x35c: {  	v16 =	vld [tilespmem:s7+$0xFFFFFFE0];
	v2 =	vadd.f32 v13, v2;
	v14 =	vsub.f32 $0.0e+00, v3  }
0x35d: {  	s31 =	simm.s32 $0x8C0;
	v3 =	vld [tilespmem:s7+$0xFFFFFFF0];
	v6 =	vmul.f32 $1.442695020e+00, v6  }
0x35e: {  	v19 =	vld [tilespmem:s31+$0x20];
	v17 =	vshll.u32 v15, $0x10;
	v18 =	vsub.f32 $0.0e+00, v2;
	v13 =	vmul.f32 $1.442695020e+00, v14  }
0x35f: {  	s26 =	simm.s32 $0x48C0;
	v14 =	vld [tilespmem:s19+$0xFFFFFFE0];
	v10 =	vadd.f32 v17, v10;
	(erf) = vpow2.f32 v6;
	v6 =	vshll.u32 v1, $0x10  }
0x360: {  	v2 =	vld [tilespmem:s26+$0xFFFFFFD0];
	v6 =	vadd.f32 v6, v11;
	v11 =	vmul.f32 $1.442695020e+00, v18  }
0x361: {  	v20 =	vld [tilespmem:s31+$0xFFFFFFD0];
	(erf) = vpow2.f32 v13;
	v13 =	vshll.u32 v12, $0x10;
	v10 =	vsub.f32 $0.0e+00, v10  }
0x362: {  	v17 =	vld [tilespmem:s31+$0x0];
	v5 =	vadd.f32 v13, v5;
	v13 =	vshll.u32 v3, $0x10;
	(erf) = vpow2.f32 v11  }
0x363: {  	v18 =	vld [tilespmem:s31+$0x30];
	v6 =	vsub.f32 $0.0e+00, v6;
	v11 =	vshll.u32 v16, $0x10;
	v4 =	vadd.f32 v13, v4  }
0x364: {  	v10 =	vmul.f32 $1.442695020e+00, v10;
	v11 =	vadd.f32 v11, v14;
	v13 =	vsub.f32 $0.0e+00, v5;
	v5 =	vld [tilespmem:s26+$0x30]  }
0x365: {  	v23 =	vshll.u32 v2, $0x10;
	v6 =	vmul.f32 $1.442695020e+00, v6;
	v14 =	vsub.f32 $0.0e+00, v4;
	v4 =	vld [tilespmem:s26+$0x20]  }
0x366: {  	(erf) = vpow2.f32 v10;
	v10 =	vmul.f32 $1.442695020e+00, v13;
	v13 =	vsub.f32 $0.0e+00, v11;
	v11 =	vld [tilespmem:s26+$0xFFFFFFF0]  }
0x367: {  	v20 =	vadd.f32 v23, v20;
	(erf) = vpow2.f32 v6;
	v6 =	vld [tilespmem:s26+$0xFFFFFFE0];
	v14 =	vmul.f32 $1.442695020e+00, v14  }
0x368: {  	v22 =	vmul.f32 $1.442695020e+00, v13;
	(erf) = vpow2.f32 v10;
	v13 =	vld [tilespmem:s26+$0x0]  }
0x369: {  	v20 =	vsub.f32 $0.0e+00, v20;
	v10 =	vld [tilespmem:s26+$0xFFFFFFC0];
	v21 =	vpop (erf);
	(erf) = vpow2.f32 v14  }
0x36a: {  	v23 =	vshll.u32 v5, $0x10;
	v14 =	vld [tilespmem:s26+$0x10];
	v24 =	vpop (erf);
	v21 =	vadd.f32 $1.000000000e+00, v21;
	(erf) = vpow2.f32 v22  }
0x36b: {  	v25 =	vld [tilespmem:s31+$0x10];
	v32 =	vmul.f32 $1.442695020e+00, v20;
	v22 =	vshll.u32 v4, $0x10;
	v18 =	vadd.f32 v23, v18;
	v26 =	vpop (erf)  }
0x36c: {  	v27 =	vld [tilespmem:s31+$0xFFFFFFF0];
	v28 =	vadd.f32 $1.000000000e+00, v24;
	(erf) = vrcp.f32 v21;
	v23 =	vadd.f32 $1.000000000e+00, v26  }
0x36d: {  	v19 =	vadd.f32 v22, v19;
	v24 =	vshll.u32 v6, $0x10;
	v21 =	vld [tilespmem:s31+$0xFFFFFFE0];
	v18 =	vsub.f32 $0.0e+00, v18  }
0x36e: {  	v31 =	vld [tilespmem:s31+$0xFFFFFFC0];
	v26 =	vshll.u32 v11, $0x10;
	v22 =	vshll.u32 v13, $0x10;
	(erf) = vrcp.f32 v23  }
0x36f: {  	v30 =	vshll.u32 v10, $0x10;
	v29 =	vpop (erf);
	v17 =	vadd.f32 v22, v17;
	v20 =	vshll.u32 v14, $0x10  }
0x370: {  	v19 =	vsub.f32 $0.0e+00, v19;
	v20 =	vadd.f32 v20, v25;
	v25 =	vmul.f32 $1.442695020e+00, v18;
	v23 =	vpop (erf)  }
0x371: {  	v29 =	vadd.f32 $1.000000000e+00, v29;
	v17 =	vsub.f32 $0.0e+00, v17;
	v33 =	vpop (erf);
	(erf) = vpow2.f32 v32  }
0x372: {  	v22 =	vadd.f32 v24, v21;
	v18 =	vadd.f32 $1.000000000e+00, v23;
	(erf) = vpow2.f32 v25;
	v23 =	vpop (erf)  }
0x373: {  	v24 =	vadd.f32 v26, v27;
	v21 =	vmul.f32 $1.442695020e+00, v17;
	v25 =	vadd.f32 v30, v31;
	v26 =	vpop (erf)  }
0x374: {  	s1 =	simm.s32 $0x8840;
	v17 =	vmul.f32 $1.442695020e+00, v19;
	(erf) = vrcp.f32 v29;
	v26 =	vadd.f32 $1.000000000e+00, v26  }
0x375: {  	s7 =	simm.s32 $0x4940;
	s19 =	simm.s32 $0x8840;
	s26 =	simm.s32 $0x8;
	v27 =	vadd.f32 $1.000000000e+00, v33;
	v25 =	vsub.f32 $0.0e+00, v25;
	v19 =	vpop (erf);
	(erf) = vrcp.f32 v28  }
.LBB2_17:
0x376: {  	v28 =	vld [tilespmem:s7+$0xFFFFFFD0];
	s26 =	sadd.s32 $0x8, s26;
	v24 =	vsub.f32 $0.0e+00, v24;
	v20 =	vsub.f32 $0.0e+00, v20;
	s31 =	sadd.s32 $0x80, s31;
	s19 =	sadd.s32 $0x80, s19;
	(erf) = vrcp.f32 v26;
	v26 =	vmovc v1;
	v1 =	vmovc v14  }
0x377: {  	v33 =	vsub.f32 $0.0e+00, v22;
	v22 =	vand.u32 $0xFFFF0000, v3;
	v29 =	vld [tilespmem:s31+$0x0];
	p1 =	slt.u32 s26, $0x1F8;
	v30 =	vpop (erf);
	(erf) = vrcp.f32 v27  }
0x378: {  	v23 =	vadd.f32 $1.000000000e+00, v23;
	v3 =	vmovc v11;
	v25 =	vmul.f32 $1.442695020e+00, v25;
	v27 =	vld [tilespmem:s31+$0x30];
	v20 =	vmul.f32 $1.442695020e+00, v20  }
0x379: {  	v11 =	vand.u32 $0xFFFF0000, v7;
	v7 =	vmovc v13;
	v32 =	vmul.f32 $1.442695020e+00, v33;
	v31 =	vld [tilespmem:s31+$0xFFFFFFF0];
	(erf) = vrcp.f32 v18  }
0x37a: {  	v33 =	vand.u32 $0xFFFF0000, v8;
	v11 =	vmul.f32 v11, v30;
	v18 =	vld [tilespmem:s31+$0x20];
	v14 =	vpop (erf);
	(erf) = vpow2.f32 v21  }
0x37b: {  	v19 =	vmul.f32 v33, v19;
	v13 =	vshll.u32 v28, $0x10;
	v21 =	vld [tilespmem:s31+$0xFFFFFFD0];
	v30 =	vpop (erf);
	(erf) = vrcp.f32 v23  }
0x37c: {  	v16 =	vand.u32 $0xFFFF0000, v16;
	v12 =	vand.u32 $0xFFFF0000, v12;
	v8 =	vmovc v2;
	v2 =	vmovc v28;
	v23 =	vld [tilespmem:s7+$0x30];
	(erf) = vpow2.f32 v25;
	[tilespmem:s1+$0x0] =	vst v11  }
0x37d: {  	v9 =	vand.u32 $0xFFFF0000, v9;
	v11 =	vand.u32 $0xFFFF0000, v15;
	v25 =	vld [tilespmem:s7+$0x20];
	(erf) = vpow2.f32 v20;
	[tilespmem:s1+$0xFFFFFFD0] =	vst v19;
	v15 =	vpop (erf)  }
0x37e: {  	v28 =	vadd.f32 $1.000000000e+00, v30;
	v19 =	vld [tilespmem:s7+$0xFFFFFFE0];
	(erf) = vpow2.f32 v17;
	v15 =	vmul.f32 v11, v15;
	v17 =	vpop (erf)  }
0x37f: {  	v20 =	vmul.f32 $1.442695020e+00, v24;
	v24 =	vand.u32 $0xFFFF0000, v26;
	v11 =	vld [tilespmem:s7+$0xFFFFFFF0];
	v33 =	vmul.f32 v9, v17;
	v17 =	vpop (erf)  }
0x380: {  	v26 =	vadd.f32 $1.000000000e+00, v14;
	v21 =	vadd.f32 v13, v21;
	v13 =	vld [tilespmem:s7+$0x0];
	[tilespmem:s1+$0xFFFFFFC0] =	vst v15;
	v34 =	vmul.f32 v16, v17;
	v14 =	vpop (erf)  }
0x381: {  	v9 =	vmovc v5;
	v30 =	vld [tilespmem:s7+$0xFFFFFFC0];
	v16 =	vshll.u32 v23, $0x10;
	(erf) = vpow2.f32 v20;
	v12 =	vmul.f32 v12, v14;
	[tilespmem:s1+$0x30] =	vst v33;
	v5 =	vmovc v23  }
0x382: {  	v17 =	vsub.f32 $0.0e+00, v21;
	v14 =	vld [tilespmem:s7+$0x10];
	v20 =	vshll.u32 v25, $0x10;
	(erf) = vpow2.f32 v32;
	[tilespmem:s1+$0xFFFFFFE0] =	vst v34;
	v15 =	vpop (erf)  }
0x383: {  	v16 =	vadd.f32 v16, v27;
	v21 =	vshll.u32 v19, $0x10;
	v23 =	vld [tilespmem:s31+$0x10];
	v27 =	vpop (erf);
	v15 =	vmul.f32 v24, v15;
	[tilespmem:s1+$0x20] =	vst v12  }
0x384: {  	v24 =	vadd.f32 v20, v18;
	v34 =	vadd.f32 $1.000000000e+00, v27;
	(erf) = vrcp.f32 v26;
	v18 =	vpop (erf)  }
0x385: {  	v27 =	vshll.u32 v11, $0x10;
	v26 =	vld [tilespmem:s31+$0xFFFFFFE0];
	v20 =	vshll.u32 v13, $0x10;
	v32 =	vpop (erf);
	v18 =	vmul.f32 v22, v18;
	[tilespmem:s1+$0x10] =	vst v15  }
0x386: {  	v35 =	vsub.f32 $0.0e+00, v16;
	v15 =	vshll.u32 v30, $0x10;
	v33 =	vld [tilespmem:s31+$0xFFFFFFC0];
	(erf) = vrcp.f32 v34;
	v12 =	vpop (erf)  }
0x387: {  	v17 =	vmul.f32 $1.442695020e+00, v17;
	v22 =	vadd.f32 v20, v29;
	v20 =	vshll.u32 v14, $0x10;
	v29 =	vpop (erf);
	[tilespmem:s1+$0xFFFFFFF0] =	vst v18;
	s1 =	smov.u32 s19  }
0x388: {  	v34 =	vmul.f32 $1.442695020e+00, v35;
	v18 =	vadd.f32 $1.000000000e+00, v12;
	v12 =	vmovc v4;
	v4 =	vmovc v25;
	v20 =	vadd.f32 v20, v23  }
.Ltmp7:
0x389: {  	v32 =	vadd.f32 $1.000000000e+00, v32;
	v16 =	vmovc v6;
	v6 =	vmovc v19;
	v25 =	vsub.f32 $0.0e+00, v22;
	(erf) = vpow2.f32 v17;
	(pc) =	sbr.rel @p1 .LBB2_17-.Ltmp7, $4  }
0x38a: {  	v17 =	vsub.f32 $0.0e+00, v24;
	v22 =	vadd.f32 v21, v26;
	(erf) = vpow2.f32 v34;
	v23 =	vpop (erf)  }
0x38b: {  	v24 =	vadd.f32 v27, v31;
	v21 =	vmul.f32 $1.442695020e+00, v25;
	v33 =	vadd.f32 v15, v33;
	v15 =	vpop (erf)  }
0x38c: {  	v17 =	vmul.f32 $1.442695020e+00, v17;
	v26 =	vadd.f32 $1.000000000e+00, v15;
	(erf) = vrcp.f32 v32;
	v15 =	vmovc v10;
	v10 =	vmovc v30  }
0x38d: {  	s7 =	sadd.s32 $0x80, s7;
	v27 =	vadd.f32 $1.000000000e+00, v29;
	v25 =	vsub.f32 $0.0e+00, v33;
	v19 =	vpop (erf);
	(erf) = vrcp.f32 v28  }
0x38e: {  	(erf) = vrcp.f32 v26  }
0x38f: {  	v23 =	vadd.f32 $1.000000000e+00, v23;
	(erf) = vrcp.f32 v27  }
0x390: {  	v20 =	vsub.f32 $0.0e+00, v20;
	(erf) = vrcp.f32 v18;
	v18 =	vmul.f32 $1.442695020e+00, v25  }
0x391: {  	v22 =	vsub.f32 $0.0e+00, v22;
	(erf) = vpow2.f32 v21  }
0x392: {  	v20 =	vmul.f32 $1.442695020e+00, v20;
	v21 =	vsub.f32 $0.0e+00, v24;
	v24 =	vpop (erf);
	(erf) = vrcp.f32 v23  }
0x393: {  	v23 =	vpop (erf);
	(erf) = vpow2.f32 v18  }
0x394: {  	v18 =	vpop (erf);
	(erf) = vpow2.f32 v20;
	v20 =	vmul.f32 $1.442695020e+00, v21  }
0x395: {  	v21 =	vmul.f32 $1.442695020e+00, v22  }
0x396: {  	v22 =	vpop (erf);
	(erf) = vpow2.f32 v17  }
0x397: {  	v17 =	vpop (erf);
	(erf) = vpow2.f32 v20  }
0x398: {  	v20 =	vpop (erf);
	(erf) = vpow2.f32 v21  }
0x399: {  	v21 =	vpop (erf)  }
0x39a: {  	v25 =	vpop (erf)  }
0x39b: {  	v23 =	vadd.f32 $1.000000000e+00, v23;
	v26 =	vpop (erf)  }
0x39c: {  	v27 =	vpop (erf);
	v26 =	vadd.f32 $1.000000000e+00, v26  }
0x39d: {  	v7 =	vand.u32 $0xFFFF0000, v7;
	(erf) = vrcp.f32 v23;
	v28 =	vpop (erf)  }
0x39e: {  	v7 =	vmul.f32 v7, v24;
	v29 =	vpop (erf);
	(erf) = vrcp.f32 v26  }
0x39f: {  	v8 =	vand.u32 $0xFFFF0000, v8;
	v15 =	vand.u32 $0xFFFF0000, v15;
	v23 =	vpop (erf)  }
0x3a0: {  	v16 =	vand.u32 $0xFFFF0000, v16;
	[tilespmem:s1+$0x0] =	vst v7;
	v7 =	vmul.f32 v15, v22;
	v24 =	vadd.f32 $1.000000000e+00, v28;
	v26 =	vpop (erf)  }
0x3a1: {  	v9 =	vand.u32 $0xFFFF0000, v9;
	v8 =	vmul.f32 v8, v19;
	v18 =	vadd.f32 $1.000000000e+00, v18;
	v19 =	vpop (erf)  }
0x3a2: {  	[tilespmem:s1+$0xFFFFFFC0] =	vst v7;
	v7 =	vmul.f32 v16, v20;
	(erf) = vrcp.f32 v24;
	v19 =	vadd.f32 $1.000000000e+00, v19  }
0x3a3: {  	[tilespmem:s1+$0xFFFFFFD0] =	vst v8;
	v8 =	vmul.f32 v9, v17;
	v23 =	vadd.f32 $1.000000000e+00, v23;
	(erf) = vrcp.f32 v18  }
0x3a4: {  	v15 =	vadd.f32 $1.000000000e+00, v29;
	(erf) = vrcp.f32 v19  }
0x3a5: {  	v1 =	vand.u32 $0xFFFF0000, v1;
	v9 =	vadd.f32 $1.000000000e+00, v26;
	(erf) = vrcp.f32 v23  }
0x3a6: {  	[tilespmem:s1+$0xFFFFFFE0] =	vst v7;
	v1 =	vmul.f32 v1, v25;
	v7 =	vpop (erf);
	(erf) = vrcp.f32 v15  }
0x3a7: {  	[tilespmem:s1+$0x30] =	vst v8;
	(erf) = vrcp.f32 v9;
	v8 =	vpop (erf);
	v9 =	vand.u32 $0xFFFF0000, v13  }
0x3a8: {  	v3 =	vand.u32 $0xFFFF0000, v3;
	[tilespmem:s1+$0x10] =	vst v1;
	v1 =	vand.u32 $0xFFFF0000, v2;
	v2 =	vmul.f32 v9, v8  }
0x3a9: {  	s7 =	sadd.s32 $0x80, s19;
	v3 =	vmul.f32 v3, v27  }
0x3aa: {  	[tilespmem:s7+$0x0] =	vst v2;
	v2 =	vand.u32 $0xFFFF0000, v5  }
0x3ab: {  	[tilespmem:s1+$0xFFFFFFF0] =	vst v3;
	v3 =	vand.u32 $0xFFFF0000, v10;
	v1 =	vmul.f32 v1, v7;
	v7 =	vpop (erf)  }
0x3ac: {  	v12 =	vand.u32 $0xFFFF0000, v12;
	v3 =	vmul.f32 v3, v7;
	v5 =	vpop (erf)  }
0x3ad: {  	v6 =	vand.u32 $0xFFFF0000, v6;
	v12 =	vmul.f32 v12, v21;
	[tilespmem:s7+$0xFFFFFFD0] =	vst v1;
	v1 =	vmul.f32 v2, v5;
	v2 =	vpop (erf)  }
0x3ae: {  	v2 =	vmul.f32 v6, v2  }
0x3af: {  	[tilespmem:s1+$0x20] =	vst v12  }
0x3b0: {  	v4 =	vand.u32 $0xFFFF0000, v4;
	[tilespmem:s7+$0xFFFFFFC0] =	vst v3;
	v3 =	vpop (erf)  }
0x3b1: {  	v5 =	vand.u32 $0xFFFF0000, v14;
	[tilespmem:s7+$0x30] =	vst v1;
	v3 =	vmul.f32 v4, v3;
	v1 =	vpop (erf)  }
0x3b2: {  	v4 =	vand.u32 $0xFFFF0000, v11;
	[tilespmem:s7+$0xFFFFFFE0] =	vst v2;
	v1 =	vmul.f32 v5, v1;
	v2 =	vpop (erf)  }
0x3b3: {  	[tilespmem:s7+$0x20] =	vst v3;
	v2 =	vmul.f32 v4, v2  }
0x3b4: {  	[tilespmem:s7+$0x10] =	vst v1  }
0x3b5: {  	[tilespmem:s7+$0xFFFFFFF0] =	vst v2  }
0x3b6: {  	[spmem:s2] =	stream.indirect.scatter.add.f32 [tilespmem:s21], [sflag:$0x5], $0x80, s9, s11, $0xb8;
	[tilespmem:$0x1E0C0] =	vst v63  }
0x3b7: {  	_ =	swait.ge [sflag:s4], $0x2000  }
0x3b8: {  	[sflag:s4] =	ssyncset.done $0x0  }
0x3b9: {  	[sflag:s4] =	ssyncadd.s32 $0xFFFFE000  }
0x3ba: {  	_ =	swait.ge [sflag:s22], $0x2000  }
0x3bb: {  	[sflag:s22] =	ssyncset.done $0x0  }
0x3bc: {  	[sflag:s22] =	ssyncadd.s32 $0xFFFFE000  }
0x3bd: {  	_ =	swait.ge [sflag:s23], $0x2000  }
0x3be: {  	[sflag:s23] =	ssyncset.done $0x0  }
0x3bf: {  	s7 =	simm.s32 $0x6840;
	[sflag:s23] =	ssyncadd.s32 $0xFFFFE000  }
0x3c0: {  	s19 =	simm.s32 $0x2840;
	v8 =	vld [tilespmem:s7+$0xFFFFFFD0]  }
0x3c1: {  	v2 =	vld [tilespmem:s19+$0x0]  }
0x3c2: {  	v3 =	vld [tilespmem:s19+$0x30]  }
0x3c3: {  	v1 =	vld [tilespmem:s19+$0xFFFFFFD0]  }
0x3c4: {  	v9 =	vld [tilespmem:s7+$0x30]  }
0x3c5: {  	v4 =	vld [tilespmem:s19+$0xFFFFFFF0]  }
0x3c6: {  	v5 =	vld [tilespmem:s19+$0x20]  }
0x3c7: {  	v7 =	vld [tilespmem:s7+$0x0]  }
0x3c8: {  	v12 =	vld [tilespmem:s7+$0x20]  }
0x3c9: {  	v15 =	vld [tilespmem:s7+$0xFFFFFFC0];
	v6 =	vshll.u32 v8, $0x10  }
0x3ca: {  	v10 =	vshll.u32 v9, $0x10;
	v6 =	vadd.f32 v6, v1;
	v1 =	vld [tilespmem:s7+$0x10]  }
0x3cb: {  	v3 =	vadd.f32 v10, v3;
	v10 =	vld [tilespmem:s19+$0xFFFFFFC0]  }
0x3cc: {  	v11 =	vld [tilespmem:s19+$0x10];
	v13 =	vshll.u32 v7, $0x10;
	v6 =	vsub.f32 $0.0e+00, v6  }
0x3cd: {  	v16 =	vld [tilespmem:s7+$0xFFFFFFE0];
	v2 =	vadd.f32 v13, v2;
	v14 =	vsub.f32 $0.0e+00, v3  }
0x3ce: {  	s31 =	simm.s32 $0x28C0;
	v3 =	vld [tilespmem:s7+$0xFFFFFFF0];
	v6 =	vmul.f32 $1.442695020e+00, v6  }
0x3cf: {  	v19 =	vld [tilespmem:s31+$0x20];
	v17 =	vshll.u32 v15, $0x10;
	v18 =	vsub.f32 $0.0e+00, v2;
	v13 =	vmul.f32 $1.442695020e+00, v14  }
0x3d0: {  	s26 =	simm.s32 $0x68C0;
	v14 =	vld [tilespmem:s19+$0xFFFFFFE0];
	v10 =	vadd.f32 v17, v10;
	(erf) = vpow2.f32 v6;
	v6 =	vshll.u32 v1, $0x10  }
0x3d1: {  	v2 =	vld [tilespmem:s26+$0xFFFFFFD0];
	v6 =	vadd.f32 v6, v11;
	v11 =	vmul.f32 $1.442695020e+00, v18  }
0x3d2: {  	v20 =	vld [tilespmem:s31+$0xFFFFFFD0];
	(erf) = vpow2.f32 v13;
	v13 =	vshll.u32 v12, $0x10;
	v10 =	vsub.f32 $0.0e+00, v10  }
0x3d3: {  	v17 =	vld [tilespmem:s31+$0x0];
	v5 =	vadd.f32 v13, v5;
	v13 =	vshll.u32 v3, $0x10;
	(erf) = vpow2.f32 v11  }
0x3d4: {  	v18 =	vld [tilespmem:s31+$0x30];
	v6 =	vsub.f32 $0.0e+00, v6;
	v11 =	vshll.u32 v16, $0x10;
	v4 =	vadd.f32 v13, v4  }
0x3d5: {  	v10 =	vmul.f32 $1.442695020e+00, v10;
	v11 =	vadd.f32 v11, v14;
	v13 =	vsub.f32 $0.0e+00, v5;
	v5 =	vld [tilespmem:s26+$0x30]  }
0x3d6: {  	v23 =	vshll.u32 v2, $0x10;
	v6 =	vmul.f32 $1.442695020e+00, v6;
	v14 =	vsub.f32 $0.0e+00, v4;
	v4 =	vld [tilespmem:s26+$0x20]  }
0x3d7: {  	(erf) = vpow2.f32 v10;
	v10 =	vmul.f32 $1.442695020e+00, v13;
	v13 =	vsub.f32 $0.0e+00, v11;
	v11 =	vld [tilespmem:s26+$0xFFFFFFF0]  }
0x3d8: {  	v20 =	vadd.f32 v23, v20;
	(erf) = vpow2.f32 v6;
	v6 =	vld [tilespmem:s26+$0xFFFFFFE0];
	v14 =	vmul.f32 $1.442695020e+00, v14  }
0x3d9: {  	v22 =	vmul.f32 $1.442695020e+00, v13;
	(erf) = vpow2.f32 v10;
	v13 =	vld [tilespmem:s26+$0x0]  }
0x3da: {  	v20 =	vsub.f32 $0.0e+00, v20;
	v10 =	vld [tilespmem:s26+$0xFFFFFFC0];
	v21 =	vpop (erf);
	(erf) = vpow2.f32 v14  }
0x3db: {  	v23 =	vshll.u32 v5, $0x10;
	v14 =	vld [tilespmem:s26+$0x10];
	v24 =	vpop (erf);
	v21 =	vadd.f32 $1.000000000e+00, v21;
	(erf) = vpow2.f32 v22  }
0x3dc: {  	v25 =	vld [tilespmem:s31+$0x10];
	v32 =	vmul.f32 $1.442695020e+00, v20;
	v22 =	vshll.u32 v4, $0x10;
	v18 =	vadd.f32 v23, v18;
	v26 =	vpop (erf)  }
0x3dd: {  	v27 =	vld [tilespmem:s31+$0xFFFFFFF0];
	v28 =	vadd.f32 $1.000000000e+00, v24;
	(erf) = vrcp.f32 v21;
	v23 =	vadd.f32 $1.000000000e+00, v26  }
0x3de: {  	v19 =	vadd.f32 v22, v19;
	v24 =	vshll.u32 v6, $0x10;
	v21 =	vld [tilespmem:s31+$0xFFFFFFE0];
	v18 =	vsub.f32 $0.0e+00, v18  }
0x3df: {  	v31 =	vld [tilespmem:s31+$0xFFFFFFC0];
	v26 =	vshll.u32 v11, $0x10;
	v22 =	vshll.u32 v13, $0x10;
	(erf) = vrcp.f32 v23  }
0x3e0: {  	v30 =	vshll.u32 v10, $0x10;
	v29 =	vpop (erf);
	v17 =	vadd.f32 v22, v17;
	v20 =	vshll.u32 v14, $0x10  }
0x3e1: {  	v19 =	vsub.f32 $0.0e+00, v19;
	v20 =	vadd.f32 v20, v25;
	v25 =	vmul.f32 $1.442695020e+00, v18;
	v23 =	vpop (erf)  }
0x3e2: {  	v29 =	vadd.f32 $1.000000000e+00, v29;
	v17 =	vsub.f32 $0.0e+00, v17;
	v33 =	vpop (erf);
	(erf) = vpow2.f32 v32  }
0x3e3: {  	v22 =	vadd.f32 v24, v21;
	v18 =	vadd.f32 $1.000000000e+00, v23;
	(erf) = vpow2.f32 v25;
	v23 =	vpop (erf)  }
0x3e4: {  	v24 =	vadd.f32 v26, v27;
	v21 =	vmul.f32 $1.442695020e+00, v17;
	v25 =	vadd.f32 v30, v31;
	v26 =	vpop (erf)  }
0x3e5: {  	s1 =	simm.s32 $0x8840;
	v17 =	vmul.f32 $1.442695020e+00, v19;
	(erf) = vrcp.f32 v29;
	v26 =	vadd.f32 $1.000000000e+00, v26  }
0x3e6: {  	s7 =	simm.s32 $0x6940;
	s19 =	simm.s32 $0x8840;
	s26 =	simm.s32 $0x8;
	v27 =	vadd.f32 $1.000000000e+00, v33;
	v25 =	vsub.f32 $0.0e+00, v25;
	v19 =	vpop (erf);
	(erf) = vrcp.f32 v28  }
.LBB2_19:
0x3e7: {  	v28 =	vld [tilespmem:s7+$0xFFFFFFD0];
	s26 =	sadd.s32 $0x8, s26;
	v24 =	vsub.f32 $0.0e+00, v24;
	v20 =	vsub.f32 $0.0e+00, v20;
	s31 =	sadd.s32 $0x80, s31;
	s19 =	sadd.s32 $0x80, s19;
	(erf) = vrcp.f32 v26;
	v26 =	vmovc v1;
	v1 =	vmovc v14  }
0x3e8: {  	v33 =	vsub.f32 $0.0e+00, v22;
	v22 =	vand.u32 $0xFFFF0000, v3;
	v29 =	vld [tilespmem:s31+$0x0];
	p1 =	slt.u32 s26, $0x1F8;
	v30 =	vpop (erf);
	(erf) = vrcp.f32 v27  }
0x3e9: {  	v23 =	vadd.f32 $1.000000000e+00, v23;
	v3 =	vmovc v11;
	v25 =	vmul.f32 $1.442695020e+00, v25;
	v27 =	vld [tilespmem:s31+$0x30];
	v20 =	vmul.f32 $1.442695020e+00, v20  }
0x3ea: {  	v11 =	vand.u32 $0xFFFF0000, v7;
	v7 =	vmovc v13;
	v32 =	vmul.f32 $1.442695020e+00, v33;
	v31 =	vld [tilespmem:s31+$0xFFFFFFF0];
	(erf) = vrcp.f32 v18  }
0x3eb: {  	v33 =	vand.u32 $0xFFFF0000, v8;
	v11 =	vmul.f32 v11, v30;
	v18 =	vld [tilespmem:s31+$0x20];
	v14 =	vpop (erf);
	(erf) = vpow2.f32 v21  }
0x3ec: {  	v19 =	vmul.f32 v33, v19;
	v13 =	vshll.u32 v28, $0x10;
	v21 =	vld [tilespmem:s31+$0xFFFFFFD0];
	v30 =	vpop (erf);
	(erf) = vrcp.f32 v23  }
0x3ed: {  	v16 =	vand.u32 $0xFFFF0000, v16;
	v12 =	vand.u32 $0xFFFF0000, v12;
	v8 =	vmovc v2;
	v2 =	vmovc v28;
	v23 =	vld [tilespmem:s7+$0x30];
	(erf) = vpow2.f32 v25;
	[tilespmem:s1+$0x0] =	vst v11  }
0x3ee: {  	v9 =	vand.u32 $0xFFFF0000, v9;
	v11 =	vand.u32 $0xFFFF0000, v15;
	v25 =	vld [tilespmem:s7+$0x20];
	(erf) = vpow2.f32 v20;
	[tilespmem:s1+$0xFFFFFFD0] =	vst v19;
	v15 =	vpop (erf)  }
0x3ef: {  	v28 =	vadd.f32 $1.000000000e+00, v30;
	v19 =	vld [tilespmem:s7+$0xFFFFFFE0];
	(erf) = vpow2.f32 v17;
	v15 =	vmul.f32 v11, v15;
	v17 =	vpop (erf)  }
0x3f0: {  	v20 =	vmul.f32 $1.442695020e+00, v24;
	v24 =	vand.u32 $0xFFFF0000, v26;
	v11 =	vld [tilespmem:s7+$0xFFFFFFF0];
	v33 =	vmul.f32 v9, v17;
	v17 =	vpop (erf)  }
0x3f1: {  	v26 =	vadd.f32 $1.000000000e+00, v14;
	v21 =	vadd.f32 v13, v21;
	v13 =	vld [tilespmem:s7+$0x0];
	[tilespmem:s1+$0xFFFFFFC0] =	vst v15;
	v34 =	vmul.f32 v16, v17;
	v14 =	vpop (erf)  }
0x3f2: {  	v9 =	vmovc v5;
	v30 =	vld [tilespmem:s7+$0xFFFFFFC0];
	v16 =	vshll.u32 v23, $0x10;
	(erf) = vpow2.f32 v20;
	v12 =	vmul.f32 v12, v14;
	[tilespmem:s1+$0x30] =	vst v33;
	v5 =	vmovc v23  }
0x3f3: {  	v17 =	vsub.f32 $0.0e+00, v21;
	v14 =	vld [tilespmem:s7+$0x10];
	v20 =	vshll.u32 v25, $0x10;
	(erf) = vpow2.f32 v32;
	[tilespmem:s1+$0xFFFFFFE0] =	vst v34;
	v15 =	vpop (erf)  }
0x3f4: {  	v16 =	vadd.f32 v16, v27;
	v21 =	vshll.u32 v19, $0x10;
	v23 =	vld [tilespmem:s31+$0x10];
	v27 =	vpop (erf);
	v15 =	vmul.f32 v24, v15;
	[tilespmem:s1+$0x20] =	vst v12  }
0x3f5: {  	v24 =	vadd.f32 v20, v18;
	v34 =	vadd.f32 $1.000000000e+00, v27;
	(erf) = vrcp.f32 v26;
	v18 =	vpop (erf)  }
0x3f6: {  	v27 =	vshll.u32 v11, $0x10;
	v26 =	vld [tilespmem:s31+$0xFFFFFFE0];
	v20 =	vshll.u32 v13, $0x10;
	v32 =	vpop (erf);
	v18 =	vmul.f32 v22, v18;
	[tilespmem:s1+$0x10] =	vst v15  }
0x3f7: {  	v35 =	vsub.f32 $0.0e+00, v16;
	v15 =	vshll.u32 v30, $0x10;
	v33 =	vld [tilespmem:s31+$0xFFFFFFC0];
	(erf) = vrcp.f32 v34;
	v12 =	vpop (erf)  }
0x3f8: {  	v17 =	vmul.f32 $1.442695020e+00, v17;
	v22 =	vadd.f32 v20, v29;
	v20 =	vshll.u32 v14, $0x10;
	v29 =	vpop (erf);
	[tilespmem:s1+$0xFFFFFFF0] =	vst v18;
	s1 =	smov.u32 s19  }
0x3f9: {  	v34 =	vmul.f32 $1.442695020e+00, v35;
	v18 =	vadd.f32 $1.000000000e+00, v12;
	v12 =	vmovc v4;
	v4 =	vmovc v25;
	v20 =	vadd.f32 v20, v23  }
.Ltmp8:
0x3fa: {  	v32 =	vadd.f32 $1.000000000e+00, v32;
	v16 =	vmovc v6;
	v6 =	vmovc v19;
	v25 =	vsub.f32 $0.0e+00, v22;
	(erf) = vpow2.f32 v17;
	(pc) =	sbr.rel @p1 .LBB2_19-.Ltmp8, $4  }
0x3fb: {  	v17 =	vsub.f32 $0.0e+00, v24;
	v22 =	vadd.f32 v21, v26;
	(erf) = vpow2.f32 v34;
	v23 =	vpop (erf)  }
0x3fc: {  	v24 =	vadd.f32 v27, v31;
	v21 =	vmul.f32 $1.442695020e+00, v25;
	v33 =	vadd.f32 v15, v33;
	v15 =	vpop (erf)  }
0x3fd: {  	v17 =	vmul.f32 $1.442695020e+00, v17;
	v26 =	vadd.f32 $1.000000000e+00, v15;
	(erf) = vrcp.f32 v32;
	v15 =	vmovc v10;
	v10 =	vmovc v30  }
0x3fe: {  	s7 =	sadd.s32 $0x80, s7;
	v27 =	vadd.f32 $1.000000000e+00, v29;
	v25 =	vsub.f32 $0.0e+00, v33;
	v19 =	vpop (erf);
	(erf) = vrcp.f32 v28  }
0x3ff: {  	(erf) = vrcp.f32 v26  }
0x400: {  	(erf) = vrcp.f32 v27  }
0x401: {  	v20 =	vsub.f32 $0.0e+00, v20;
	v23 =	vadd.f32 $1.000000000e+00, v23;
	(erf) = vrcp.f32 v18  }
0x402: {  	v35 =	vmul.f32 $1.442695020e+00, v25;
	(erf) = vpow2.f32 v21  }
0x403: {  	v36 =	vsub.f32 $0.0e+00, v24;
	v37 =	vpop (erf);
	v20 =	vmul.f32 $1.442695020e+00, v20;
	(erf) = vrcp.f32 v23  }
0x404: {  	v22 =	vsub.f32 $0.0e+00, v22;
	v38 =	vpop (erf);
	(erf) = vpow2.f32 v35  }
0x405: {  	v40 =	vmul.f32 $1.442695020e+00, v36;
	v39 =	vpop (erf);
	(erf) = vpow2.f32 v20  }
0x406: {  	v41 =	vmul.f32 $1.442695020e+00, v22;
	v42 =	vpop (erf);
	(erf) = vpow2.f32 v17  }
0x407: {  	v43 =	vpop (erf);
	(erf) = vpow2.f32 v40  }
0x408: {  	v44 =	vpop (erf);
	(erf) = vpow2.f32 v41  }
0x409: {  	v45 =	vpop (erf)  }
0x40a: {  	v46 =	vpop (erf)  }
0x40b: {  	v23 =	vadd.f32 $1.000000000e+00, v38;
	v47 =	vpop (erf)  }
0x40c: {  	v48 =	vpop (erf);
	v26 =	vadd.f32 $1.000000000e+00, v47  }
0x40d: {  	(erf) = vrcp.f32 v23;
	v28 =	vpop (erf)  }
0x40e: {  	v29 =	vpop (erf);
	(erf) = vrcp.f32 v26  }
0x40f: {  	v49 =	vpop (erf)  }
0x410: {  	v28 =	vadd.f32 $1.000000000e+00, v28;
	v50 =	vpop (erf)  }
0x411: {  	v8 =	vand.u32 $0xFFFF0000, v8;
	v18 =	vadd.f32 $1.000000000e+00, v39;
	v51 =	vpop (erf)  }
0x412: {  	v8 =	vmul.f32 v8, v19;
	(erf) = vrcp.f32 v28;
	v19 =	vadd.f32 $1.000000000e+00, v51  }
0x413: {  	v7 =	vand.u32 $0xFFFF0000, v7;
	(erf) = vrcp.f32 v18  }
0x414: {  	v15 =	vand.u32 $0xFFFF0000, v15;
	v1 =	vand.u32 $0xFFFF0000, v1;
	(erf) = vrcp.f32 v19  }
0x415: {  	v3 =	vand.u32 $0xFFFF0000, v3;
	v7 =	vmul.f32 v7, v37;
	v23 =	vadd.f32 $1.000000000e+00, v49  }
0x416: {  	v59 =	vand.u32 $0xFFFF0000, v13;
	[tilespmem:s1+$0xFFFFFFD0] =	vst v8;
	v1 =	vmul.f32 v1, v46;
	v53 =	vadd.f32 $1.000000000e+00, v29;
	v57 =	vpop (erf)  }
0x417: {  	[tilespmem:s1+$0x0] =	vst v7;
	v52 =	vmul.f32 v15, v42;
	v55 =	vadd.f32 $1.000000000e+00, v50;
	(erf) = vrcp.f32 v23;
	v58 =	vpop (erf)  }
0x418: {  	[tilespmem:s1+$0x10] =	vst v1;
	v1 =	vand.u32 $0xFFFF0000, v2;
	(erf) = vrcp.f32 v53;
	v2 =	vmul.f32 v59, v58  }
0x419: {  	v9 =	vand.u32 $0xFFFF0000, v9;
	s7 =	sadd.s32 $0x80, s19;
	[tilespmem:s1+$0xFFFFFFC0] =	vst v52;
	v3 =	vmul.f32 v3, v48;
	(erf) = vrcp.f32 v55  }
0x41a: {  	v54 =	vmul.f32 v9, v43;
	[tilespmem:s7+$0x0] =	vst v2;
	v2 =	vand.u32 $0xFFFF0000, v5  }
0x41b: {  	v16 =	vand.u32 $0xFFFF0000, v16;
	[tilespmem:s1+$0xFFFFFFF0] =	vst v3;
	v3 =	vand.u32 $0xFFFF0000, v10;
	v1 =	vmul.f32 v1, v57;
	v60 =	vpop (erf)  }
0x41c: {  	v12 =	vand.u32 $0xFFFF0000, v12;
	v56 =	vmul.f32 v16, v44;
	[tilespmem:s1+$0x30] =	vst v54;
	v3 =	vmul.f32 v3, v60;
	v61 =	vpop (erf)  }
0x41d: {  	v6 =	vand.u32 $0xFFFF0000, v6;
	v12 =	vmul.f32 v12, v45;
	[tilespmem:s7+$0xFFFFFFD0] =	vst v1;
	v1 =	vmul.f32 v2, v61;
	v2 =	vpop (erf)  }
0x41e: {  	[tilespmem:s1+$0xFFFFFFE0] =	vst v56;
	v2 =	vmul.f32 v6, v2  }
0x41f: {  	[tilespmem:s1+$0x20] =	vst v12  }
0x420: {  	v4 =	vand.u32 $0xFFFF0000, v4;
	[tilespmem:s7+$0xFFFFFFC0] =	vst v3;
	v3 =	vpop (erf)  }
0x421: {  	v62 =	vand.u32 $0xFFFF0000, v14;
	[tilespmem:s7+$0x30] =	vst v1;
	v3 =	vmul.f32 v4, v3;
	v1 =	vpop (erf)  }
0x422: {  	v63 =	vand.u32 $0xFFFF0000, v11;
	[tilespmem:s7+$0xFFFFFFE0] =	vst v2;
	v1 =	vmul.f32 v62, v1;
	v2 =	vpop (erf)  }
0x423: {  	s29 =	sadd.s32 $0x1, s29;
	[tilespmem:s7+$0x20] =	vst v3;
	v2 =	vmul.f32 v63, v2  }
0x424: {  	p1 =	sne.s32 s29, s24;
	[tilespmem:s7+$0x10] =	vst v1  }
.Ltmp9:
0x425: {  	[tilespmem:s7+$0xFFFFFFF0] =	vst v2;
	(pc) =	sbr.rel @p1 .LBB2_4-.Ltmp9, $4  }
0x426: {  	[spmem:s2] =	stream.indirect.scatter.add.f32 [tilespmem:s21], [sflag:$0x5], $0x80, s18, s11, $0xb8;
	[tilespmem:$0x1E0C0] =	vst v63  }
0x427: {  	_ =	swait.ge [sflag:s4], $0x2000  }
0x428: {  	[sflag:s4] =	ssyncset.done $0x0  }
0x429: {  	[sflag:s4] =	ssyncadd.s32 $0xFFFFE000  }
0x42a: {  	[bflag:$0x0] =	sbarrier.arrive $0xFFFF  }
0x42b: {  	s26 =	rddreg [dreg:$0xf]  }
0x42c: {  	s7 =	simm.s32 @p0 $0x1FC5;
	s19 =	rddreg [dreg:$0x13];
	s1 =	sshrl.u32 @p0 s26, $0x3  }
0x42d: {  	[hbm:s19], [sflag:s7] =	dma.local @p0 [spmem:s1], $0x2100  }
0x42e: {  	s1 =	simm.s32 @p0 $0x5  }
0x42f: {  	_ =	swait.ge @p0 [sflag:s1], $0x2100  }
0x430: {  	s7 =	stileid.u32;
	s19 =	rddreg [dreg:$0x5]  }
0x431: {  	s7 =	sshll.u32 @!p0 s7, $0x6;
	[sflag:s1] =	ssyncset.done @p0 $0x0;
	s29 =	rddreg [dreg:$0x12]  }
0x432: {  	[sflag:s1] =	ssyncadd.s32 @p0 $0xFFFFDF00;
	s1 =	sor.u32 @!p0 $0x1C05, s7;
	s7 =	sshrl.u32 @!p0 s19, $0x3  }
0x433: {  	[hbm:s29], [sflag:s1] =	dma.local @!p0 [spmem:s7], $0x2780  }
0x434: {  	s1 =	simm.s32 @!p0 $0x5  }
0x435: {  	_ =	swait.ge @!p0 [sflag:s1], $0x2780  }
0x436: {  	s29 =	rddreg [dreg:$0x1b]  }
0x437: {  	s31 =	rddreg [dreg:$0x18];
	s29 =	sadd.s32 $0x1, s29  }
0x438: {  	p1 =	sne.s32 s29, s31  }
.Ltmp10:
0x439: {  	_ = 	snop;
	(pc) =	sbr.rel @p1 .LBB2_1-.Ltmp10, $3  }
0x43a: {  	_ =	sdelay $0x1  }
0x43b: {  	[sflag:s1] =	ssyncset.done @!p0 $0x0  }
0x43c: {  	[sflag:s1] =	ssyncadd.s32 @!p0 $0xFFFFD880  }
0x43d: {  	_ =	sfence.sel $0x180000  }
0x43e: {  	[bflag:$0x0] =	sbarrier.arrive $0xFFFF  }
0x43f: {  	_ =	strace $0x90000047  }
0x440: {  	s0 =	stileid.u32;
	[bflag:$0x2] =	sbarrier.arrive $0xFFFF  }
0x441: {  	p0 =	sne.s32 s0, $0x0;
	s0 =	rddreg [dreg:$0x3]  }
0x442: {  	s0 =	sadd.s32 @!p0 $0x100000, s0  }
0x443: {  	[sflag:s0] =	ssyncadd.tile.s32 @!p0 $0x1;
	_ =	shalt  }
.Lfunc_end2:
_tile_overlayer_lowered:
.L_overlay_start_2:
0x444: {  	(tag) =	ssettag $0x2  }
0x445: {  	s0 =	rddreg [dreg:$0x0];
	s2 =	stileid.u32  }
0x446: {  	s1 =	rddreg [dreg:$0x1];
	p0 =	sne.s32 s2, $0x0  }
0x447: {  	s3 =	rddreg [dreg:$0x2];
	[bflag:$0x3] =	sbarrier.arrive $0xFFFF;
	s2 =	simm.s32 @!p0 $0x1C05  }
0x448: {  	[timem:s3], [sflag:s2] =	dma.local @!p0 [hbm:s0], s1  }
0x449: {  	s0 =	simm.s32 @!p0 $0x5  }
0x44a: {  	_ =	swait.ge @!p0 [sflag:s0], s1  }
0x44b: {  	s1 =	ssub.s32 @!p0 $0x0, s1;
	[sflag:s0] =	ssyncset.done @!p0 $0x0  }
0x44c: {  	[sflag:s0] =	ssyncadd.s32 @!p0 s1  }
0x44d: {  	[bflag:$0x3] =	sbarrier.arrive $0xFFFF  }
0x44e: {  	_ =	shalt  }

</sc_bundles>
